<compile_context>
chip_gen: v7x
topology: tpu7x:2x2x1
jax: 0.10.2.dev20260603
libtpu: 0.0.44.dev20260713+nightly
codegen_flags: <defaults>
</compile_context>

<pallas_src>
import functools

import jax
import jax.numpy as jnp
from jax import lax
from jax.experimental import pallas as pl
from jax.experimental.pallas import tpu as pltpu
from jax.experimental.pallas import tpu_sc as plsc

D = 64
L = 16
NC, NS = 2, 16
NW = NC * NS
BLK = 128
K = 2
UNROLL = 4
NEWTON = 1
EPS = 1e-5


def _ln_impl(idx, table, gamma, beta):
  nblk = idx.shape[0]
  blk_per_w = nblk // NW
  nchunk = blk_per_w // K
  npair = nchunk // 2

  mesh = plsc.VectorSubcoreMesh(
      core_axis_name="c", subcore_axis_name="s", num_cores=NC, num_subcores=NS
  )

  @functools.partial(
      pl.kernel,
      out_type=jax.ShapeDtypeStruct((nblk, BLK, D), jnp.float32),
      mesh=mesh,
      compiler_params=pltpu.CompilerParams(use_tc_tiling_on_sc=False),
      scratch_types=[
          pltpu.VMEM((K, BLK), jnp.int32),
          pltpu.VMEM((K, BLK), jnp.int32),
          pltpu.VMEM((K, BLK, D), jnp.float32),
          pltpu.VMEM((K, BLK, D), jnp.float32),
          pltpu.VMEM((K, BLK, D), jnp.float32),
          pltpu.VMEM((K, BLK, D), jnp.float32),
          pltpu.VMEM((D,), jnp.float32),
          pltpu.VMEM((D,), jnp.float32),
          pltpu.SemaphoreType.DMA,
          pltpu.SemaphoreType.DMA,
          pltpu.SemaphoreType.DMA,
          pltpu.SemaphoreType.DMA,
      ],
  )
  def k(idx_hbm, table_hbm, gamma_hbm, beta_hbm, out_hbm, idxv0, idxv1,
        ibuf0, ibuf1, obuf0, obuf1, gamma_v, beta_v, gsem0, gsem1, osem0,
        osem1):
    wid = lax.axis_index("s") * NC + lax.axis_index("c")
    wbase = wid * blk_per_w

    pltpu.sync_copy(gamma_hbm, gamma_v)
    pltpu.sync_copy(beta_hbm, beta_v)
    gvec = [gamma_v[pl.ds(L * t, L)] for t in range(D // L)]
    bvec = [beta_v[pl.ds(L * t, L)] for t in range(D // L)]
    lane = lax.iota(jnp.int32, L)
    perms = [(lane + sh) & (L - 1) for sh in (8, 4, 2, 1)]

    def fire_gathers(blk0, idxv, ibuf, gsem):
      pltpu.sync_copy(idx_hbm.at[pl.ds(blk0, K)], idxv)
      for j in range(K):
        pltpu.async_copy(table_hbm.at[idxv.at[j]], ibuf.at[j], gsem)

    def wait_gathers(ibuf, gsem):
      for j in range(K):
        pltpu.make_async_copy(table_hbm.at[idxv0.at[j]], ibuf.at[j],
                              gsem).wait()

    def row4(ibuf, obuf, j, rr):
      for u in range(UNROLL):
        r = rr * UNROLL + u
        x = [ibuf[j, r, pl.ds(L * t, L)] for t in range(D // L)]
        s = (x[0] + x[1]) + (x[2] + x[3])
        sq = (x[0] * x[0] + x[1] * x[1]) + (x[2] * x[2] + x[3] * x[3])
        for p in perms:
          s = s + s.at[p].get(mode="promise_in_bounds")
          sq = sq + sq.at[p].get(mode="promise_in_bounds")
        mean_v = s * (1.0 / D)
        ex2 = sq * (1.0 / D)
        tv = ex2 - mean_v * mean_v + EPS
        seed = lax.bitcast_convert_type(tv, jnp.int32)
        seed = 0x5F3759DF - lax.shift_right_logical(seed, 1)
        g = lax.bitcast_convert_type(seed, jnp.float32)
        htv = 0.5 * tv
        for _ in range(NEWTON):
          g = g * (1.5 - htv * g * g)
        for t in range(D // L):
          obuf[j, r, pl.ds(L * t, L)] = (x[t] - mean_v) * g * gvec[t] + bvec[t]

    def compute(ibuf, obuf):
      for j in range(K):

        def blk_body(rr, carry, j=j):
          row4(ibuf, obuf, j, rr)
          return carry

        lax.fori_loop(0, BLK // UNROLL, blk_body, 0)

    def fire_out(blk0, obuf, osem):
      pltpu.async_copy(obuf, out_hbm.at[pl.ds(blk0, K)], osem)

    def wait_out(obuf, osem):
      pltpu.make_async_copy(obuf, out_hbm.at[pl.ds(0, K)], osem).wait()

    fire_gathers(wbase, idxv0, ibuf0, gsem0)

    def pair_body(i, carry):
      blk_a = wbase + (2 * i) * K
      blk_b = blk_a + K
      fire_gathers(blk_b, idxv1, ibuf1, gsem1)
      wait_gathers(ibuf0, gsem0)

      @pl.when(i > 0)
      def _():
        wait_out(obuf0, osem0)

      compute(ibuf0, obuf0)
      fire_out(blk_a, obuf0, osem0)

      @pl.when(i < npair - 1)
      def _():
        fire_gathers(blk_b + K, idxv0, ibuf0, gsem0)

      wait_gathers(ibuf1, gsem1)

      @pl.when(i > 0)
      def _():
        wait_out(obuf1, osem1)

      compute(ibuf1, obuf1)
      fire_out(blk_b, obuf1, osem1)
      return carry

    lax.fori_loop(0, npair, pair_body, 0)
    wait_out(obuf0, osem0)
    wait_out(obuf1, osem1)

  return k(idx, table, gamma, beta)


def kernel(job_id, table, gamma, beta):
  b, h = job_id.shape
  n = b * h
  assert n % (NW * BLK * K * 2) == 0
  idx = job_id.reshape(n // BLK, BLK).astype(jnp.int32)
  out = _ln_impl(idx, table, gamma, beta)
  return out.reshape(b, h, D)

# --- scband reference (transcript-rebuilt; emitter-appended) ---
"""Pipeline reference for scband-job-embedding-22720376995919 (READ-ONLY COPY).

The authoritative reference and input builder live on the scoring server;
editing this copy changes nothing except your own understanding.
"""

import jax, jax.numpy as jnp
import numpy as np

NITEM = 1000000
D_MODEL = 64
BATCH = 4096
HIST = 200
EPS = 1e-5


def setup_inputs(seed: int = 0) -> dict:
    key = jax.random.key(seed)
    k1, k2 = jax.random.split(key)
    job_id = jax.random.randint(k1, (BATCH, HIST), 0, NITEM, dtype=jnp.int32).astype(jnp.int64) if False else jax.random.randint(k1, (BATCH, HIST), 0, NITEM)
    # embedding table, N(0, 0.02), padding row 0 zeroed
    table = jax.random.normal(k2, (NITEM, D_MODEL), dtype=jnp.float32) * 0.02
    table = table.at[0].set(0.0)
    gamma = jnp.ones((D_MODEL,), dtype=jnp.float32)
    beta = jnp.zeros((D_MODEL,), dtype=jnp.float32)
    return {"job_id": job_id, "table": table, "gamma": gamma, "beta": beta}


def reference(job_id, table, gamma, beta):
    # job_id embedding lookup (JobFeatureEmbeddings features all disabled -> tuple of Nones)
    emb = jnp.take(table, job_id, axis=0)
    # LayerNorm over last dim
    mean = jnp.mean(emb, axis=-1, keepdims=True)
    var = jnp.var(emb, axis=-1, keepdims=True)
    normed = (emb - mean) / jnp.sqrt(var + EPS)
    out = normed * gamma + beta
    # dropout is identity in eval mode
    return out

if __name__ == "__main__":
    import jax
    _d = setup_inputs()
    print(jax.jit(kernel)(*tuple(_d.values())))

</pallas_src>

<mosaic_0001>
#map = affine_map<(d0, d1) -> (0, 0)>
#map1 = affine_map<(d0, d1) -> (0)>
#map2 = affine_map<(d0, d1) -> (0, 0, 0)>
module attributes {stable_mosaic.version = 14 : i64} {
  func.func @k(%arg0: i32, %arg1: i32, %arg2: memref<6400x128xi32, #tpu.memory_space<hbm>>, %arg3: memref<1000000x64xf32, #tpu.memory_space<hbm>>, %arg4: memref<64xf32, #tpu.memory_space<hbm>>, %arg5: memref<64xf32, #tpu.memory_space<hbm>>, %arg6: memref<6400x128x64xf32, #tpu.memory_space<hbm>>, %arg7: memref<2x128xi32, #tpu.memory_space<vmem>>, %arg8: memref<2x128xi32, #tpu.memory_space<vmem>>, %arg9: memref<2x128x64xf32, #tpu.memory_space<vmem>>, %arg10: memref<2x128x64xf32, #tpu.memory_space<vmem>>, %arg11: memref<2x128x64xf32, #tpu.memory_space<vmem>>, %arg12: memref<2x128x64xf32, #tpu.memory_space<vmem>>, %arg13: memref<64xf32, #tpu.memory_space<vmem>>, %arg14: memref<64xf32, #tpu.memory_space<vmem>>, %arg15: memref<!tpu.dma_semaphore, #tpu.memory_space<semaphore_mem>>, %arg16: memref<!tpu.dma_semaphore, #tpu.memory_space<semaphore_mem>>, %arg17: memref<!tpu.dma_semaphore, #tpu.memory_space<semaphore_mem>>, %arg18: memref<!tpu.dma_semaphore, #tpu.memory_space<semaphore_mem>>) attributes {dimension_semantics = [#tpu.dimension_semantics<core_parallel>, #tpu.dimension_semantics<subcore_parallel>], iteration_bounds = array<i64: 2, 16>, scalar_prefetch = 0 : i64, scratch_operands = 12 : i64, tpu.core_type = #tpu.core_type<sc_vector_subcore>, window_params = [{transform_indices = #map}, {transform_indices = #map}, {transform_indices = #map1}, {transform_indices = #map1}, {transform_indices = #map2}]} {
    %mul3A = arith.constant 2 : i32
    %mul3A_0 = arith.muli %arg1, %mul3A : i32
    %add3A = arith.addi %mul3A_0, %arg0 : i32
    %mul3A_1 = arith.constant 200 : i32
    %mul3A_2 = arith.muli %add3A, %mul3A_1 : i32
    "tpu.region"() ({
      %run_scoped3A = tpu.sem_alloc : memref<!tpu.dma_semaphore, #tpu.memory_space<semaphore_mem>>
      tpu.enqueue_dma source(%arg4 : memref<64xf32, #tpu.memory_space<hbm>>) target(%arg13 : memref<64xf32, #tpu.memory_space<vmem>>) target_semaphore(%run_scoped3A : memref<!tpu.dma_semaphore, #tpu.memory_space<semaphore_mem>>)
      tpu.wait_dma2 semaphore(%run_scoped3A : memref<!tpu.dma_semaphore, #tpu.memory_space<semaphore_mem>>) src(%arg4 : memref<64xf32, #tpu.memory_space<hbm>>) dst(%arg13 : memref<64xf32, #tpu.memory_space<vmem>>)
      tpu.yield
    }) : () -> ()
    "tpu.region"() ({
      %run_scoped3A = tpu.sem_alloc : memref<!tpu.dma_semaphore, #tpu.memory_space<semaphore_mem>>
      tpu.enqueue_dma source(%arg5 : memref<64xf32, #tpu.memory_space<hbm>>) target(%arg14 : memref<64xf32, #tpu.memory_space<vmem>>) target_semaphore(%run_scoped3A : memref<!tpu.dma_semaphore, #tpu.memory_space<semaphore_mem>>)
      tpu.wait_dma2 semaphore(%run_scoped3A : memref<!tpu.dma_semaphore, #tpu.memory_space<semaphore_mem>>) src(%arg5 : memref<64xf32, #tpu.memory_space<hbm>>) dst(%arg14 : memref<64xf32, #tpu.memory_space<vmem>>)
      tpu.yield
    }) : () -> ()
    %get3A = arith.constant 0 : index
    %get3A_3 = tpu.vector_load %arg13[%get3A] {strides = array<i32>} : memref<64xf32, #tpu.memory_space<vmem>>, vector<16xf32>,
    %get3A_4 = vector.shape_cast %get3A_3 : vector<16xf32> to vector<16xf32>
    %get3A_5 = arith.constant 16 : index
    %get3A_6 = tpu.vector_load %arg13[%get3A_5] {strides = array<i32>} : memref<64xf32, #tpu.memory_space<vmem>>, vector<16xf32>,
    %get3A_7 = vector.shape_cast %get3A_6 : vector<16xf32> to vector<16xf32>
    %get3A_8 = arith.constant 32 : index
    %get3A_9 = tpu.vector_load %arg13[%get3A_8] {strides = array<i32>} : memref<64xf32, #tpu.memory_space<vmem>>, vector<16xf32>,
    %get3A_10 = vector.shape_cast %get3A_9 : vector<16xf32> to vector<16xf32>
    %get3A_11 = arith.constant 48 : index
    %get3A_12 = tpu.vector_load %arg13[%get3A_11] {strides = array<i32>} : memref<64xf32, #tpu.memory_space<vmem>>, vector<16xf32>,
    %get3A_13 = vector.shape_cast %get3A_12 : vector<16xf32> to vector<16xf32>
    %get3A_14 = arith.constant 0 : index
    %get3A_15 = tpu.vector_load %arg14[%get3A_14] {strides = array<i32>} : memref<64xf32, #tpu.memory_space<vmem>>, vector<16xf32>,
    %get3A_16 = vector.shape_cast %get3A_15 : vector<16xf32> to vector<16xf32>
    %get3A_17 = arith.constant 16 : index
    %get3A_18 = tpu.vector_load %arg14[%get3A_17] {strides = array<i32>} : memref<64xf32, #tpu.memory_space<vmem>>, vector<16xf32>,
    %get3A_19 = vector.shape_cast %get3A_18 : vector<16xf32> to vector<16xf32>
    %get3A_20 = arith.constant 32 : index
    %get3A_21 = tpu.vector_load %arg14[%get3A_20] {strides = array<i32>} : memref<64xf32, #tpu.memory_space<vmem>>, vector<16xf32>,
    %get3A_22 = vector.shape_cast %get3A_21 : vector<16xf32> to vector<16xf32>
    %get3A_23 = arith.constant 48 : index
    %get3A_24 = tpu.vector_load %arg14[%get3A_23] {strides = array<i32>} : memref<64xf32, #tpu.memory_space<vmem>>, vector<16xf32>,
    %get3A_25 = vector.shape_cast %get3A_24 : vector<16xf32> to vector<16xf32>
    %iota3A = tpu.iota {dimensions = array<i32: 0>} : vector<16xi32>
    %add3A_26 = arith.constant 8 : i32
    %add3A_27 = vector.broadcast %add3A_26 : i32 to vector<16xi32>
    %add3A_28 = arith.addi %iota3A, %add3A_27 : vector<16xi32>
    %and3A = arith.constant 15 : i32
    %and3A_29 = vector.broadcast %and3A : i32 to vector<16xi32>
    %and3A_30 = arith.andi %add3A_28, %and3A_29 : vector<16xi32>
    %add3A_31 = arith.constant 4 : i32
    %add3A_32 = vector.broadcast %add3A_31 : i32 to vector<16xi32>
    %add3A_33 = arith.addi %iota3A, %add3A_32 : vector<16xi32>
    %and3A_34 = arith.constant 15 : i32
    %and3A_35 = vector.broadcast %and3A_34 : i32 to vector<16xi32>
    %and3A_36 = arith.andi %add3A_33, %and3A_35 : vector<16xi32>
    %add3A_37 = arith.constant 2 : i32
    %add3A_38 = vector.broadcast %add3A_37 : i32 to vector<16xi32>
    %add3A_39 = arith.addi %iota3A, %add3A_38 : vector<16xi32>
    %and3A_40 = arith.constant 15 : i32
    %and3A_41 = vector.broadcast %and3A_40 : i32 to vector<16xi32>
    %and3A_42 = arith.andi %add3A_39, %and3A_41 : vector<16xi32>
    %add3A_43 = arith.constant 1 : i32
    %add3A_44 = vector.broadcast %add3A_43 : i32 to vector<16xi32>
    %add3A_45 = arith.addi %iota3A, %add3A_44 : vector<16xi32>
    %and3A_46 = arith.constant 15 : i32
    %and3A_47 = vector.broadcast %and3A_46 : i32 to vector<16xi32>
    %and3A_48 = arith.andi %add3A_45, %and3A_47 : vector<16xi32>
    "tpu.region"() ({
      %run_scoped3A = tpu.sem_alloc : memref<!tpu.dma_semaphore, #tpu.memory_space<semaphore_mem>>
      %dma_start3A_92 = arith.constant 0 : i32
      %dma_start3A_93 = tpu.memref_slice %arg2[%mul3A_2, %dma_start3A_92] : memref<6400x128xi32, #tpu.memory_space<hbm>> -> memref<2x128xi32, #tpu.memory_space<hbm>>
      %dma_start3A_94 = arith.constant 0 : i32
      %dma_start3A_95 = tpu.memref_slice %arg2[%mul3A_2, %dma_start3A_94] : memref<6400x128xi32, #tpu.memory_space<hbm>> -> memref<2x128xi32, #tpu.memory_space<hbm>>
      tpu.enqueue_dma source(%dma_start3A_95 : memref<2x128xi32, #tpu.memory_space<hbm>>) target(%arg7 : memref<2x128xi32, #tpu.memory_space<vmem>>) target_semaphore(%run_scoped3A : memref<!tpu.dma_semaphore, #tpu.memory_space<semaphore_mem>>)
      %dma_wait3A_96 = arith.constant 0 : i32
      %dma_wait3A_97 = tpu.memref_slice %arg2[%mul3A_2, %dma_wait3A_96] : memref<6400x128xi32, #tpu.memory_space<hbm>> -> memref<2x128xi32, #tpu.memory_space<hbm>>
      %dma_wait3A_98 = arith.constant 0 : i32
      %dma_wait3A_99 = tpu.memref_slice %arg2[%mul3A_2, %dma_wait3A_98] : memref<6400x128xi32, #tpu.memory_space<hbm>> -> memref<2x128xi32, #tpu.memory_space<hbm>>
      tpu.wait_dma2 semaphore(%run_scoped3A : memref<!tpu.dma_semaphore, #tpu.memory_space<semaphore_mem>>) src(%dma_wait3A_99 : memref<2x128xi32, #tpu.memory_space<hbm>>) dst(%arg7 : memref<2x128xi32, #tpu.memory_space<vmem>>)
      tpu.yield
    }) : () -> ()
    %dma_start3A = arith.constant 0 : i32
    %dma_start3A_49 = arith.constant 0 : i32
    %dma_start3A_50 = arith.constant 0 : i32
    %dma_start3A_51 = arith.constant 0 : i32
    %dma_start3A_52 = tpu.memref_slice %arg9[%dma_start3A_49, %dma_start3A_50, %dma_start3A_51] : memref<2x128x64xf32, #tpu.memory_space<vmem>> -> memref<1x128x64xf32, #tpu.memory_space<vmem>>
    %dma_start3A_53 = tpu.memref_squeeze %dma_start3A_52 : memref<1x128x64xf32, #tpu.memory_space<vmem>> -> memref<128x64xf32, #tpu.memory_space<vmem>>
    %dma_start3A_54 = arith.constant 0 : i32
    %dma_start3A_55 = tpu.memref_slice %arg7[%dma_start3A, %dma_start3A_54] : memref<2x128xi32, #tpu.memory_space<vmem>> -> memref<1x128xi32, #tpu.memory_space<vmem>>
    %dma_start3A_56 = tpu.memref_squeeze %dma_start3A_55 : memref<1x128xi32, #tpu.memory_space<vmem>> -> memref<128xi32, #tpu.memory_space<vmem>>
    %dma_start3A_57 = arith.constant 0 : i32
    %dma_start3A_58 = arith.constant 0 : i32
    %dma_start3A_59 = tpu.memref_slice %arg3[%dma_start3A_57, %dma_start3A_58] : memref<1000000x64xf32, #tpu.memory_space<hbm>> -> memref<1000000x64xf32, #tpu.memory_space<hbm>>
    tpu.enqueue_indirect_dma source(%dma_start3A_59 : memref<1000000x64xf32, #tpu.memory_space<hbm>>) target(%dma_start3A_53 : memref<128x64xf32, #tpu.memory_space<vmem>>) offsets(%dma_start3A_56 : memref<128xi32, #tpu.memory_space<vmem>>) semaphore(%arg15 : memref<!tpu.dma_semaphore, #tpu.memory_space<semaphore_mem>>)
    %dma_start3A_60 = arith.constant 1 : i32
    %dma_start3A_61 = arith.constant 1 : i32
    %dma_start3A_62 = arith.constant 0 : i32
    %dma_start3A_63 = arith.constant 0 : i32
    %dma_start3A_64 = tpu.memref_slice %arg9[%dma_start3A_61, %dma_start3A_62, %dma_start3A_63] : memref<2x128x64xf32, #tpu.memory_space<vmem>> -> memref<1x128x64xf32, #tpu.memory_space<vmem>>
    %dma_start3A_65 = tpu.memref_squeeze %dma_start3A_64 : memref<1x128x64xf32, #tpu.memory_space<vmem>> -> memref<128x64xf32, #tpu.memory_space<vmem>>
    %dma_start3A_66 = arith.constant 0 : i32
    %dma_start3A_67 = tpu.memref_slice %arg7[%dma_start3A_60, %dma_start3A_66] : memref<2x128xi32, #tpu.memory_space<vmem>> -> memref<1x128xi32, #tpu.memory_space<vmem>>
    %dma_start3A_68 = tpu.memref_squeeze %dma_start3A_67 : memref<1x128xi32, #tpu.memory_space<vmem>> -> memref<128xi32, #tpu.memory_space<vmem>>
    %dma_start3A_69 = arith.constant 0 : i32
    %dma_start3A_70 = arith.constant 0 : i32
    %dma_start3A_71 = tpu.memref_slice %arg3[%dma_start3A_69, %dma_start3A_70] : memref<1000000x64xf32, #tpu.memory_space<hbm>> -> memref<1000000x64xf32, #tpu.memory_space<hbm>>
    tpu.enqueue_indirect_dma source(%dma_start3A_71 : memref<1000000x64xf32, #tpu.memory_space<hbm>>) target(%dma_start3A_65 : memref<128x64xf32, #tpu.memory_space<vmem>>) offsets(%dma_start3A_68 : memref<128xi32, #tpu.memory_space<vmem>>) semaphore(%arg15 : memref<!tpu.dma_semaphore, #tpu.memory_space<semaphore_mem>>)
    %scan3A = arith.constant 0 : i32
    %scan3A_72 = arith.constant 0 : i32
    %scan3A_73 = arith.constant 50 : i32
    %scan3A_74 = arith.addi %scan3A_72, %scan3A_73 : i32
    %scan3A_75 = arith.constant 1 : i32
    scf.for %scan3A_92 = %scan3A_72 to %scan3A_74 step %scan3A_75  : i32 {
      %mul3A_93 = arith.constant 2 : i32
      %mul3A_94 = arith.muli %mul3A_93, %scan3A_92 : i32
      %mul3A_95 = arith.constant 2 : i32
      %mul3A_96 = arith.muli %mul3A_94, %mul3A_95 : i32
      %add3A_97 = arith.addi %mul3A_2, %mul3A_96 : i32
      %add3A_98 = arith.constant 2 : i32
      %add3A_99 = arith.addi %add3A_97, %add3A_98 : i32
      "tpu.region"() ({
        %run_scoped3A = tpu.sem_alloc : memref<!tpu.dma_semaphore, #tpu.memory_space<semaphore_mem>>
        %dma_start3A_219 = arith.constant 0 : i32
        %dma_start3A_220 = tpu.memref_slice %arg2[%add3A_99, %dma_start3A_219] : memref<6400x128xi32, #tpu.memory_space<hbm>> -> memref<2x128xi32, #tpu.memory_space<hbm>>
        %dma_start3A_221 = arith.constant 0 : i32
        %dma_start3A_222 = tpu.memref_slice %arg2[%add3A_99, %dma_start3A_221] : memref<6400x128xi32, #tpu.memory_space<hbm>> -> memref<2x128xi32, #tpu.memory_space<hbm>>
        tpu.enqueue_dma source(%dma_start3A_222 : memref<2x128xi32, #tpu.memory_space<hbm>>) target(%arg8 : memref<2x128xi32, #tpu.memory_space<vmem>>) target_semaphore(%run_scoped3A : memref<!tpu.dma_semaphore, #tpu.memory_space<semaphore_mem>>)
        %dma_wait3A_223 = arith.constant 0 : i32
        %dma_wait3A_224 = tpu.memref_slice %arg2[%add3A_99, %dma_wait3A_223] : memref<6400x128xi32, #tpu.memory_space<hbm>> -> memref<2x128xi32, #tpu.memory_space<hbm>>
        %dma_wait3A_225 = arith.constant 0 : i32
        %dma_wait3A_226 = tpu.memref_slice %arg2[%add3A_99, %dma_wait3A_225] : memref<6400x128xi32, #tpu.memory_space<hbm>> -> memref<2x128xi32, #tpu.memory_space<hbm>>
        tpu.wait_dma2 semaphore(%run_scoped3A : memref<!tpu.dma_semaphore, #tpu.memory_space<semaphore_mem>>) src(%dma_wait3A_226 : memref<2x128xi32, #tpu.memory_space<hbm>>) dst(%arg8 : memref<2x128xi32, #tpu.memory_space<vmem>>)
        tpu.yield
      }) : () -> ()
      %dma_start3A_100 = arith.constant 0 : i32
      %dma_start3A_101 = arith.constant 0 : i32
      %dma_start3A_102 = arith.constant 0 : i32
      %dma_start3A_103 = arith.constant 0 : i32
      %dma_start3A_104 = tpu.memref_slice %arg10[%dma_start3A_101, %dma_start3A_102, %dma_start3A_103] : memref<2x128x64xf32, #tpu.memory_space<vmem>> -> memref<1x128x64xf32, #tpu.memory_space<vmem>>
      %dma_start3A_105 = tpu.memref_squeeze %dma_start3A_104 : memref<1x128x64xf32, #tpu.memory_space<vmem>> -> memref<128x64xf32, #tpu.memory_space<vmem>>
      %dma_start3A_106 = arith.constant 0 : i32
      %dma_start3A_107 = tpu.memref_slice %arg8[%dma_start3A_100, %dma_start3A_106] : memref<2x128xi32, #tpu.memory_space<vmem>> -> memref<1x128xi32, #tpu.memory_space<vmem>>
      %dma_start3A_108 = tpu.memref_squeeze %dma_start3A_107 : memref<1x128xi32, #tpu.memory_space<vmem>> -> memref<128xi32, #tpu.memory_space<vmem>>
      %dma_start3A_109 = arith.constant 0 : i32
      %dma_start3A_110 = arith.constant 0 : i32
      %dma_start3A_111 = tpu.memref_slice %arg3[%dma_start3A_109, %dma_start3A_110] : memref<1000000x64xf32, #tpu.memory_space<hbm>> -> memref<1000000x64xf32, #tpu.memory_space<hbm>>
      tpu.enqueue_indirect_dma source(%dma_start3A_111 : memref<1000000x64xf32, #tpu.memory_space<hbm>>) target(%dma_start3A_105 : memref<128x64xf32, #tpu.memory_space<vmem>>) offsets(%dma_start3A_108 : memref<128xi32, #tpu.memory_space<vmem>>) semaphore(%arg16 : memref<!tpu.dma_semaphore, #tpu.memory_space<semaphore_mem>>)
      %dma_start3A_112 = arith.constant 1 : i32
      %dma_start3A_113 = arith.constant 1 : i32
      %dma_start3A_114 = arith.constant 0 : i32
      %dma_start3A_115 = arith.constant 0 : i32
      %dma_start3A_116 = tpu.memref_slice %arg10[%dma_start3A_113, %dma_start3A_114, %dma_start3A_115] : memref<2x128x64xf32, #tpu.memory_space<vmem>> -> memref<1x128x64xf32, #tpu.memory_space<vmem>>
      %dma_start3A_117 = tpu.memref_squeeze %dma_start3A_116 : memref<1x128x64xf32, #tpu.memory_space<vmem>> -> memref<128x64xf32, #tpu.memory_space<vmem>>
      %dma_start3A_118 = arith.constant 0 : i32
      %dma_start3A_119 = tpu.memref_slice %arg8[%dma_start3A_112, %dma_start3A_118] : memref<2x128xi32, #tpu.memory_space<vmem>> -> memref<1x128xi32, #tpu.memory_space<vmem>>
      %dma_start3A_120 = tpu.memref_squeeze %dma_start3A_119 : memref<1x128xi32, #tpu.memory_space<vmem>> -> memref<128xi32, #tpu.memory_space<vmem>>
      %dma_start3A_121 = arith.constant 0 : i32
      %dma_start3A_122 = arith.constant 0 : i32
      %dma_start3A_123 = tpu.memref_slice %arg3[%dma_start3A_121, %dma_start3A_122] : memref<1000000x64xf32, #tpu.memory_space<hbm>> -> memref<1000000x64xf32, #tpu.memory_space<hbm>>
      tpu.enqueue_indirect_dma source(%dma_start3A_123 : memref<1000000x64xf32, #tpu.memory_space<hbm>>) target(%dma_start3A_117 : memref<128x64xf32, #tpu.memory_space<vmem>>) offsets(%dma_start3A_120 : memref<128xi32, #tpu.memory_space<vmem>>) semaphore(%arg16 : memref<!tpu.dma_semaphore, #tpu.memory_space<semaphore_mem>>)
      %dma_wait3A_124 = arith.constant 0 : i32
      %dma_wait3A_125 = arith.constant 0 : i32
      %dma_wait3A_126 = arith.constant 0 : i32
      %dma_wait3A_127 = arith.constant 0 : i32
      %dma_wait3A_128 = tpu.memref_slice %arg9[%dma_wait3A_125, %dma_wait3A_126, %dma_wait3A_127] : memref<2x128x64xf32, #tpu.memory_space<vmem>> -> memref<1x128x64xf32, #tpu.memory_space<vmem>>
      %dma_wait3A_129 = tpu.memref_squeeze %dma_wait3A_128 : memref<1x128x64xf32, #tpu.memory_space<vmem>> -> memref<128x64xf32, #tpu.memory_space<vmem>>
      %dma_wait3A_130 = arith.constant 0 : i32
      %dma_wait3A_131 = tpu.memref_slice %arg7[%dma_wait3A_124, %dma_wait3A_130] : memref<2x128xi32, #tpu.memory_space<vmem>> -> memref<1x128xi32, #tpu.memory_space<vmem>>
      %dma_wait3A_132 = tpu.memref_squeeze %dma_wait3A_131 : memref<1x128xi32, #tpu.memory_space<vmem>> -> memref<128xi32, #tpu.memory_space<vmem>>
      %dma_wait3A_133 = arith.constant 0 : i32
      %dma_wait3A_134 = arith.constant 0 : i32
      %dma_wait3A_135 = tpu.memref_slice %arg3[%dma_wait3A_133, %dma_wait3A_134] : memref<1000000x64xf32, #tpu.memory_space<hbm>> -> memref<1000000x64xf32, #tpu.memory_space<hbm>>
      tpu.wait_indirect_dma semaphore(%arg15 : memref<!tpu.dma_semaphore, #tpu.memory_space<semaphore_mem>>) src(%dma_wait3A_135 : memref<1000000x64xf32, #tpu.memory_space<hbm>>) dst(%dma_wait3A_129 : memref<128x64xf32, #tpu.memory_space<vmem>>)
      %dma_wait3A_136 = arith.constant 1 : i32
      %dma_wait3A_137 = arith.constant 1 : i32
      %dma_wait3A_138 = arith.constant 0 : i32
      %dma_wait3A_139 = arith.constant 0 : i32
      %dma_wait3A_140 = tpu.memref_slice %arg9[%dma_wait3A_137, %dma_wait3A_138, %dma_wait3A_139] : memref<2x128x64xf32, #tpu.memory_space<vmem>> -> memref<1x128x64xf32, #tpu.memory_space<vmem>>
      %dma_wait3A_141 = tpu.memref_squeeze %dma_wait3A_140 : memref<1x128x64xf32, #tpu.memory_space<vmem>> -> memref<128x64xf32, #tpu.memory_space<vmem>>
      %dma_wait3A_142 = arith.constant 0 : i32
      %dma_wait3A_143 = tpu.memref_slice %arg7[%dma_wait3A_136, %dma_wait3A_142] : memref<2x128xi32, #tpu.memory_space<vmem>> -> memref<1x128xi32, #tpu.memory_space<vmem>>
      %dma_wait3A_144 = tpu.memref_squeeze %dma_wait3A_143 : memref<1x128xi32, #tpu.memory_space<vmem>> -> memref<128xi32, #tpu.memory_space<vmem>>
      %dma_wait3A_145 = arith.constant 0 : i32
      %dma_wait3A_146 = arith.constant 0 : i32
      %dma_wait3A_147 = tpu.memref_slice %arg3[%dma_wait3A_145, %dma_wait3A_146] : memref<1000000x64xf32, #tpu.memory_space<hbm>> -> memref<1000000x64xf32, #tpu.memory_space<hbm>>
      tpu.wait_indirect_dma semaphore(%arg15 : memref<!tpu.dma_semaphore, #tpu.memory_space<semaphore_mem>>) src(%dma_wait3A_147 : memref<1000000x64xf32, #tpu.memory_space<hbm>>) dst(%dma_wait3A_141 : memref<128x64xf32, #tpu.memory_space<vmem>>)
      %gt3A = arith.constant 0 : i32
      %gt3A_148 = arith.cmpi sgt, %scan3A_92, %gt3A : i32
      %convert_element_type3A = arith.extui %gt3A_148 : i1 to i32
      %cond3A = arith.constant 0 : i32
      %cond3A_149 = arith.cmpi ne, %convert_element_type3A, %cond3A : i32
      scf.if %cond3A_149 {
        %dma_wait3A_219 = arith.constant 0 : i32
        %dma_wait3A_220 = arith.constant 0 : i32
        %dma_wait3A_221 = arith.constant 0 : i32
        %dma_wait3A_222 = tpu.memref_slice %arg6[%dma_wait3A_219, %dma_wait3A_220, %dma_wait3A_221] : memref<6400x128x64xf32, #tpu.memory_space<hbm>> -> memref<2x128x64xf32, #tpu.memory_space<hbm>>
        %dma_wait3A_223 = arith.constant 0 : i32
        %dma_wait3A_224 = arith.constant 0 : i32
        %dma_wait3A_225 = arith.constant 0 : i32
        %dma_wait3A_226 = tpu.memref_slice %arg6[%dma_wait3A_223, %dma_wait3A_224, %dma_wait3A_225] : memref<6400x128x64xf32, #tpu.memory_space<hbm>> -> memref<2x128x64xf32, #tpu.memory_space<hbm>>
        tpu.wait_dma2 semaphore(%arg17 : memref<!tpu.dma_semaphore, #tpu.memory_space<semaphore_mem>>) src(%arg11 : memref<2x128x64xf32, #tpu.memory_space<vmem>>) dst(%dma_wait3A_226 : memref<2x128x64xf32, #tpu.memory_space<hbm>>)
      } else {
      }
      %scan3A_150 = arith.constant 0 : i32
      %scan3A_151 = arith.constant 0 : i32
      %scan3A_152 = arith.constant 32 : i32
      %scan3A_153 = arith.addi %scan3A_151, %scan3A_152 : i32
      %scan3A_154 = arith.constant 1 : i32
      scf.for %scan3A_219 = %scan3A_151 to %scan3A_153 step %scan3A_154  : i32 {
        %mul3A_220 = arith.constant 4 : i32
        %mul3A_221 = arith.muli %scan3A_219, %mul3A_220 : i32
        %add3A_222 = arith.constant 0 : i32
        %add3A_223 = arith.addi %mul3A_221, %add3A_222 : i32
        %get3A_224 = arith.constant 0 : i32
        %get3A_225 = arith.index_cast %get3A_224 : i32 to index
        %get3A_226 = arith.index_cast %add3A_223 : i32 to index
        %get3A_227 = arith.constant 0 : index
        %get3A_228 = tpu.vector_load %arg9[%get3A_225, %get3A_226, %get3A_227] {strides = array<i32>} : memref<2x128x64xf32, #tpu.memory_space<vmem>>, vector<1x1x16xf32>,
        %get3A_229 = vector.shape_cast %get3A_228 : vector<1x1x16xf32> to vector<16xf32>
        %get3A_230 = arith.constant 0 : i32
        %get3A_231 = arith.index_cast %get3A_230 : i32 to index
        %get3A_232 = arith.index_cast %add3A_223 : i32 to index
        %get3A_233 = arith.constant 16 : index
        %get3A_234 = tpu.vector_load %arg9[%get3A_231, %get3A_232, %get3A_233] {strides = array<i32>} : memref<2x128x64xf32, #tpu.memory_space<vmem>>, vector<1x1x16xf32>,
        %get3A_235 = vector.shape_cast %get3A_234 : vector<1x1x16xf32> to vector<16xf32>
        %get3A_236 = arith.constant 0 : i32
        %get3A_237 = arith.index_cast %get3A_236 : i32 to index
        %get3A_238 = arith.index_cast %add3A_223 : i32 to index
        %get3A_239 = arith.constant 32 : index
        %get3A_240 = tpu.vector_load %arg9[%get3A_237, %get3A_238, %get3A_239] {strides = array<i32>} : memref<2x128x64xf32, #tpu.memory_space<vmem>>, vector<1x1x16xf32>,
        %get3A_241 = vector.shape_cast %get3A_240 : vector<1x1x16xf32> to vector<16xf32>
        %get3A_242 = arith.constant 0 : i32
        %get3A_243 = arith.index_cast %get3A_242 : i32 to index
        %get3A_244 = arith.index_cast %add3A_223 : i32 to index
        %get3A_245 = arith.constant 48 : index
        %get3A_246 = tpu.vector_load %arg9[%get3A_243, %get3A_244, %get3A_245] {strides = array<i32>} : memref<2x128x64xf32, #tpu.memory_space<vmem>>, vector<1x1x16xf32>,
        %get3A_247 = vector.shape_cast %get3A_246 : vector<1x1x16xf32> to vector<16xf32>
        %add3A_248 = arith.addf %get3A_229, %get3A_235 : vector<16xf32>
        %add3A_249 = arith.addf %get3A_241, %get3A_247 : vector<16xf32>
        %add3A_250 = arith.addf %add3A_248, %add3A_249 : vector<16xf32>
        %mul3A_251 = arith.mulf %get3A_229, %get3A_229 : vector<16xf32>
        %mul3A_252 = arith.mulf %get3A_235, %get3A_235 : vector<16xf32>
        %add3A_253 = arith.addf %mul3A_251, %mul3A_252 : vector<16xf32>
        %mul3A_254 = arith.mulf %get3A_241, %get3A_241 : vector<16xf32>
        %mul3A_255 = arith.mulf %get3A_247, %get3A_247 : vector<16xf32>
        %add3A_256 = arith.addf %mul3A_254, %mul3A_255 : vector<16xf32>
        %add3A_257 = arith.addf %add3A_253, %add3A_256 : vector<16xf32>
        %lt3A_258 = arith.constant 0 : i32
        %lt3A_259 = vector.broadcast %lt3A_258 : i32 to vector<16xi32>
        %lt3A_260 = arith.cmpi slt, %and3A_30, %lt3A_259 : vector<16xi32>
        %add3A_261 = arith.constant 16 : i32
        %add3A_262 = vector.broadcast %add3A_261 : i32 to vector<16xi32>
        %add3A_263 = arith.addi %and3A_30, %add3A_262 : vector<16xi32>
        %select_n3A = arith.select %lt3A_260, %add3A_263, %and3A_30 : vector<16xi1>, vector<16xi32>
        %broadcast_in_dim3A = vector.shape_cast %select_n3A : vector<16xi32> to vector<16x1xi32>
        %gather3A = vector.shape_cast %broadcast_in_dim3A : vector<16x1xi32> to vector<16xi32>
        %gather3A_264 = tpu.dynamic_gather %add3A_250[%gather3A] in [0] : vector<16xf32>, vector<16xi32> -> vector<16xf32>
        %add3A_265 = arith.addf %add3A_250, %gather3A_264 : vector<16xf32>
        %lt3A_266 = arith.constant 0 : i32
        %lt3A_267 = vector.broadcast %lt3A_266 : i32 to vector<16xi32>
        %lt3A_268 = arith.cmpi slt, %and3A_30, %lt3A_267 : vector<16xi32>
        %add3A_269 = arith.constant 16 : i32
        %add3A_270 = vector.broadcast %add3A_269 : i32 to vector<16xi32>
        %add3A_271 = arith.addi %and3A_30, %add3A_270 : vector<16xi32>
        %select_n3A_272 = arith.select %lt3A_268, %add3A_271, %and3A_30 : vector<16xi1>, vector<16xi32>
        %broadcast_in_dim3A_273 = vector.shape_cast %select_n3A_272 : vector<16xi32> to vector<16x1xi32>
        %gather3A_274 = vector.shape_cast %broadcast_in_dim3A_273 : vector<16x1xi32> to vector<16xi32>
        %gather3A_275 = tpu.dynamic_gather %add3A_257[%gather3A_274] in [0] : vector<16xf32>, vector<16xi32> -> vector<16xf32>
        %add3A_276 = arith.addf %add3A_257, %gather3A_275 : vector<16xf32>
        %lt3A_277 = arith.constant 0 : i32
        %lt3A_278 = vector.broadcast %lt3A_277 : i32 to vector<16xi32>
        %lt3A_279 = arith.cmpi slt, %and3A_36, %lt3A_278 : vector<16xi32>
        %add3A_280 = arith.constant 16 : i32
        %add3A_281 = vector.broadcast %add3A_280 : i32 to vector<16xi32>
        %add3A_282 = arith.addi %and3A_36, %add3A_281 : vector<16xi32>
        %select_n3A_283 = arith.select %lt3A_279, %add3A_282, %and3A_36 : vector<16xi1>, vector<16xi32>
        %broadcast_in_dim3A_284 = vector.shape_cast %select_n3A_283 : vector<16xi32> to vector<16x1xi32>
        %gather3A_285 = vector.shape_cast %broadcast_in_dim3A_284 : vector<16x1xi32> to vector<16xi32>
        %gather3A_286 = tpu.dynamic_gather %add3A_265[%gather3A_285] in [0] : vector<16xf32>, vector<16xi32> -> vector<16xf32>
        %add3A_287 = arith.addf %add3A_265, %gather3A_286 : vector<16xf32>
        %lt3A_288 = arith.constant 0 : i32
        %lt3A_289 = vector.broadcast %lt3A_288 : i32 to vector<16xi32>
        %lt3A_290 = arith.cmpi slt, %and3A_36, %lt3A_289 : vector<16xi32>
        %add3A_291 = arith.constant 16 : i32
        %add3A_292 = vector.broadcast %add3A_291 : i32 to vector<16xi32>
        %add3A_293 = arith.addi %and3A_36, %add3A_292 : vector<16xi32>
        %select_n3A_294 = arith.select %lt3A_290, %add3A_293, %and3A_36 : vector<16xi1>, vector<16xi32>
        %broadcast_in_dim3A_295 = vector.shape_cast %select_n3A_294 : vector<16xi32> to vector<16x1xi32>
        %gather3A_296 = vector.shape_cast %broadcast_in_dim3A_295 : vector<16x1xi32> to vector<16xi32>
        %gather3A_297 = tpu.dynamic_gather %add3A_276[%gather3A_296] in [0] : vector<16xf32>, vector<16xi32> -> vector<16xf32>
        %add3A_298 = arith.addf %add3A_276, %gather3A_297 : vector<16xf32>
        %lt3A_299 = arith.constant 0 : i32
        %lt3A_300 = vector.broadcast %lt3A_299 : i32 to vector<16xi32>
        %lt3A_301 = arith.cmpi slt, %and3A_42, %lt3A_300 : vector<16xi32>
        %add3A_302 = arith.constant 16 : i32
        %add3A_303 = vector.broadcast %add3A_302 : i32 to vector<16xi32>
        %add3A_304 = arith.addi %and3A_42, %add3A_303 : vector<16xi32>
        %select_n3A_305 = arith.select %lt3A_301, %add3A_304, %and3A_42 : vector<16xi1>, vector<16xi32>
        %broadcast_in_dim3A_306 = vector.shape_cast %select_n3A_305 : vector<16xi32> to vector<16x1xi32>
        %gather3A_307 = vector.shape_cast %broadcast_in_dim3A_306 : vector<16x1xi32> to vector<16xi32>
        %gather3A_308 = tpu.dynamic_gather %add3A_287[%gather3A_307] in [0] : vector<16xf32>, vector<16xi32> -> vector<16xf32>
        %add3A_309 = arith.addf %add3A_287, %gather3A_308 : vector<16xf32>
        %lt3A_310 = arith.constant 0 : i32
        %lt3A_311 = vector.broadcast %lt3A_310 : i32 to vector<16xi32>
        %lt3A_312 = arith.cmpi slt, %and3A_42, %lt3A_311 : vector<16xi32>
        %add3A_313 = arith.constant 16 : i32
        %add3A_314 = vector.broadcast %add3A_313 : i32 to vector<16xi32>
        %add3A_315 = arith.addi %and3A_42, %add3A_314 : vector<16xi32>
        %select_n3A_316 = arith.select %lt3A_312, %add3A_315, %and3A_42 : vector<16xi1>, vector<16xi32>
        %broadcast_in_dim3A_317 = vector.shape_cast %select_n3A_316 : vector<16xi32> to vector<16x1xi32>
        %gather3A_318 = vector.shape_cast %broadcast_in_dim3A_317 : vector<16x1xi32> to vector<16xi32>
        %gather3A_319 = tpu.dynamic_gather %add3A_298[%gather3A_318] in [0] : vector<16xf32>, vector<16xi32> -> vector<16xf32>
        %add3A_320 = arith.addf %add3A_298, %gather3A_319 : vector<16xf32>
        %lt3A_321 = arith.constant 0 : i32
        %lt3A_322 = vector.broadcast %lt3A_321 : i32 to vector<16xi32>
        %lt3A_323 = arith.cmpi slt, %and3A_48, %lt3A_322 : vector<16xi32>
        %add3A_324 = arith.constant 16 : i32
        %add3A_325 = vector.broadcast %add3A_324 : i32 to vector<16xi32>
        %add3A_326 = arith.addi %and3A_48, %add3A_325 : vector<16xi32>
        %select_n3A_327 = arith.select %lt3A_323, %add3A_326, %and3A_48 : vector<16xi1>, vector<16xi32>
        %broadcast_in_dim3A_328 = vector.shape_cast %select_n3A_327 : vector<16xi32> to vector<16x1xi32>
        %gather3A_329 = vector.shape_cast %broadcast_in_dim3A_328 : vector<16x1xi32> to vector<16xi32>
        %gather3A_330 = tpu.dynamic_gather %add3A_309[%gather3A_329] in [0] : vector<16xf32>, vector<16xi32> -> vector<16xf32>
        %add3A_331 = arith.addf %add3A_309, %gather3A_330 : vector<16xf32>
        %lt3A_332 = arith.constant 0 : i32
        %lt3A_333 = vector.broadcast %lt3A_332 : i32 to vector<16xi32>
        %lt3A_334 = arith.cmpi slt, %and3A_48, %lt3A_333 : vector<16xi32>
        %add3A_335 = arith.constant 16 : i32
        %add3A_336 = vector.broadcast %add3A_335 : i32 to vector<16xi32>
        %add3A_337 = arith.addi %and3A_48, %add3A_336 : vector<16xi32>
        %select_n3A_338 = arith.select %lt3A_334, %add3A_337, %and3A_48 : vector<16xi1>, vector<16xi32>
        %broadcast_in_dim3A_339 = vector.shape_cast %select_n3A_338 : vector<16xi32> to vector<16x1xi32>
        %gather3A_340 = vector.shape_cast %broadcast_in_dim3A_339 : vector<16x1xi32> to vector<16xi32>
        %gather3A_341 = tpu.dynamic_gather %add3A_320[%gather3A_340] in [0] : vector<16xf32>, vector<16xi32> -> vector<16xf32>
        %add3A_342 = arith.addf %add3A_320, %gather3A_341 : vector<16xf32>
        %mul3A_343 = arith.constant 1.562500e-02 : f32
        %mul3A_344 = vector.broadcast %mul3A_343 : f32 to vector<16xf32>
        %mul3A_345 = arith.mulf %add3A_331, %mul3A_344 : vector<16xf32>
        %mul3A_346 = arith.constant 1.562500e-02 : f32
        %mul3A_347 = vector.broadcast %mul3A_346 : f32 to vector<16xf32>
        %mul3A_348 = arith.mulf %add3A_342, %mul3A_347 : vector<16xf32>
        %mul3A_349 = arith.mulf %mul3A_345, %mul3A_345 : vector<16xf32>
        %sub3A = arith.subf %mul3A_348, %mul3A_349 : vector<16xf32>
        %add3A_350 = arith.constant 9.99999974E-6 : f32
        %add3A_351 = vector.broadcast %add3A_350 : f32 to vector<16xf32>
        %add3A_352 = arith.addf %sub3A, %add3A_351 : vector<16xf32>
        %bitcast_convert_type3A = tpu.bitcast %add3A_352 : vector<16xf32> -> vector<16xi32>
        %shift_right_logical3A = arith.constant 1 : i32
        %shift_right_logical3A_353 = vector.broadcast %shift_right_logical3A : i32 to vector<16xi32>
        %shift_right_logical3A_354 = arith.shrui %bitcast_convert_type3A, %shift_right_logical3A_353 : vector<16xi32>
        %sub3A_355 = arith.constant 1597463007 : i32
        %sub3A_356 = vector.broadcast %sub3A_355 : i32 to vector<16xi32>
        %sub3A_357 = arith.subi %sub3A_356, %shift_right_logical3A_354 : vector<16xi32>
        %bitcast_convert_type3A_358 = tpu.bitcast %sub3A_357 : vector<16xi32> -> vector<16xf32>
        %mul3A_359 = arith.constant 5.000000e-01 : f32
        %mul3A_360 = vector.broadcast %mul3A_359 : f32 to vector<16xf32>
        %mul3A_361 = arith.mulf %mul3A_360, %add3A_352 : vector<16xf32>
        %mul3A_362 = arith.mulf %mul3A_361, %bitcast_convert_type3A_358 : vector<16xf32>
        %mul3A_363 = arith.mulf %mul3A_362, %bitcast_convert_type3A_358 : vector<16xf32>
        %sub3A_364 = arith.constant 1.500000e+00 : f32
        %sub3A_365 = vector.broadcast %sub3A_364 : f32 to vector<16xf32>
        %sub3A_366 = arith.subf %sub3A_365, %mul3A_363 : vector<16xf32>
        %mul3A_367 = arith.mulf %bitcast_convert_type3A_358, %sub3A_366 : vector<16xf32>
        %sub3A_368 = arith.subf %get3A_229, %mul3A_345 : vector<16xf32>
        %mul3A_369 = arith.mulf %sub3A_368, %mul3A_367 : vector<16xf32>
        %mul3A_370 = arith.mulf %mul3A_369, %get3A_4 : vector<16xf32>
        %add3A_371 = arith.addf %mul3A_370, %get3A_16 : vector<16xf32>
        %swap3A = arith.constant 0 : i32
        %swap3A_372 = arith.index_cast %swap3A : i32 to index
        %swap3A_373 = arith.index_cast %add3A_223 : i32 to index
        %swap3A_374 = arith.constant 0 : index
        %swap3A_375 = tpu.vector_load %arg11[%swap3A_372, %swap3A_373, %swap3A_374] {strides = array<i32>} : memref<2x128x64xf32, #tpu.memory_space<vmem>>, vector<1x1x16xf32>,
        %swap3A_376 = vector.shape_cast %swap3A_375 : vector<1x1x16xf32> to vector<16xf32>
        %swap3A_377 = vector.shape_cast %add3A_371 : vector<16xf32> to vector<1x1x16xf32>
        tpu.vector_store %arg11[%swap3A_372, %swap3A_373, %swap3A_374], %swap3A_377 {strides = array<i32>} : memref<2x128x64xf32, #tpu.memory_space<vmem>>, vector<1x1x16xf32>,
        %sub3A_378 = arith.subf %get3A_235, %mul3A_345 : vector<16xf32>
        %mul3A_379 = arith.mulf %sub3A_378, %mul3A_367 : vector<16xf32>
        %mul3A_380 = arith.mulf %mul3A_379, %get3A_7 : vector<16xf32>
        %add3A_381 = arith.addf %mul3A_380, %get3A_19 : vector<16xf32>
        %swap3A_382 = arith.constant 0 : i32
        %swap3A_383 = arith.index_cast %swap3A_382 : i32 to index
        %swap3A_384 = arith.index_cast %add3A_223 : i32 to index
        %swap3A_385 = arith.constant 16 : index
        %swap3A_386 = tpu.vector_load %arg11[%swap3A_383, %swap3A_384, %swap3A_385] {strides = array<i32>} : memref<2x128x64xf32, #tpu.memory_space<vmem>>, vector<1x1x16xf32>,
        %swap3A_387 = vector.shape_cast %swap3A_386 : vector<1x1x16xf32> to vector<16xf32>
        %swap3A_388 = vector.shape_cast %add3A_381 : vector<16xf32> to vector<1x1x16xf32>
        tpu.vector_store %arg11[%swap3A_383, %swap3A_384, %swap3A_385], %swap3A_388 {strides = array<i32>} : memref<2x128x64xf32, #tpu.memory_space<vmem>>, vector<1x1x16xf32>,
        %sub3A_389 = arith.subf %get3A_241, %mul3A_345 : vector<16xf32>
        %mul3A_390 = arith.mulf %sub3A_389, %mul3A_367 : vector<16xf32>
        %mul3A_391 = arith.mulf %mul3A_390, %get3A_10 : vector<16xf32>
        %add3A_392 = arith.addf %mul3A_391, %get3A_22 : vector<16xf32>
        %swap3A_393 = arith.constant 0 : i32
        %swap3A_394 = arith.index_cast %swap3A_393 : i32 to index
        %swap3A_395 = arith.index_cast %add3A_223 : i32 to index
        %swap3A_396 = arith.constant 32 : index
        %swap3A_397 = tpu.vector_load %arg11[%swap3A_394, %swap3A_395, %swap3A_396] {strides = array<i32>} : memref<2x128x64xf32, #tpu.memory_space<vmem>>, vector<1x1x16xf32>,
        %swap3A_398 = vector.shape_cast %swap3A_397 : vector<1x1x16xf32> to vector<16xf32>
        %swap3A_399 = vector.shape_cast %add3A_392 : vector<16xf32> to vector<1x1x16xf32>
        tpu.vector_store %arg11[%swap3A_394, %swap3A_395, %swap3A_396], %swap3A_399 {strides = array<i32>} : memref<2x128x64xf32, #tpu.memory_space<vmem>>, vector<1x1x16xf32>,
        %sub3A_400 = arith.subf %get3A_247, %mul3A_345 : vector<16xf32>
        %mul3A_401 = arith.mulf %sub3A_400, %mul3A_367 : vector<16xf32>
        %mul3A_402 = arith.mulf %mul3A_401, %get3A_13 : vector<16xf32>
        %add3A_403 = arith.addf %mul3A_402, %get3A_25 : vector<16xf32>
        %swap3A_404 = arith.constant 0 : i32
        %swap3A_405 = arith.index_cast %swap3A_404 : i32 to index
        %swap3A_406 = arith.index_cast %add3A_223 : i32 to index
        %swap3A_407 = arith.constant 48 : index
        %swap3A_408 = tpu.vector_load %arg11[%swap3A_405, %swap3A_406, %swap3A_407] {strides = array<i32>} : memref<2x128x64xf32, #tpu.memory_space<vmem>>, vector<1x1x16xf32>,
        %swap3A_409 = vector.shape_cast %swap3A_408 : vector<1x1x16xf32> to vector<16xf32>
        %swap3A_410 = vector.shape_cast %add3A_403 : vector<16xf32> to vector<1x1x16xf32>
        tpu.vector_store %arg11[%swap3A_405, %swap3A_406, %swap3A_407], %swap3A_410 {strides = array<i32>} : memref<2x128x64xf32, #tpu.memory_space<vmem>>, vector<1x1x16xf32>,
        %mul3A_411 = arith.constant 4 : i32
        %mul3A_412 = arith.muli %scan3A_219, %mul3A_411 : i32
        %add3A_413 = arith.constant 1 : i32
        %add3A_414 = arith.addi %mul3A_412, %add3A_413 : i32
        %get3A_415 = arith.constant 0 : i32
        %get3A_416 = arith.index_cast %get3A_415 : i32 to index
        %get3A_417 = arith.index_cast %add3A_414 : i32 to index
        %get3A_418 = arith.constant 0 : index
        %get3A_419 = tpu.vector_load %arg9[%get3A_416, %get3A_417, %get3A_418] {strides = array<i32>} : memref<2x128x64xf32, #tpu.memory_space<vmem>>, vector<1x1x16xf32>,
        %get3A_420 = vector.shape_cast %get3A_419 : vector<1x1x16xf32> to vector<16xf32>
        %get3A_421 = arith.constant 0 : i32
        %get3A_422 = arith.index_cast %get3A_421 : i32 to index
        %get3A_423 = arith.index_cast %add3A_414 : i32 to index
        %get3A_424 = arith.constant 16 : index
        %get3A_425 = tpu.vector_load %arg9[%get3A_422, %get3A_423, %get3A_424] {strides = array<i32>} : memref<2x128x64xf32, #tpu.memory_space<vmem>>, vector<1x1x16xf32>,
        %get3A_426 = vector.shape_cast %get3A_425 : vector<1x1x16xf32> to vector<16xf32>
        %get3A_427 = arith.constant 0 : i32
        %get3A_428 = arith.index_cast %get3A_427 : i32 to index
        %get3A_429 = arith.index_cast %add3A_414 : i32 to index
        %get3A_430 = arith.constant 32 : index
        %get3A_431 = tpu.vector_load %arg9[%get3A_428, %get3A_429, %get3A_430] {strides = array<i32>} : memref<2x128x64xf32, #tpu.memory_space<vmem>>, vector<1x1x16xf32>,
        %get3A_432 = vector.shape_cast %get3A_431 : vector<1x1x16xf32> to vector<16xf32>
        %get3A_433 = arith.constant 0 : i32
        %get3A_434 = arith.index_cast %get3A_433 : i32 to index
        %get3A_435 = arith.index_cast %add3A_414 : i32 to index
        %get3A_436 = arith.constant 48 : index
        %get3A_437 = tpu.vector_load %arg9[%get3A_434, %get3A_435, %get3A_436] {strides = array<i32>} : memref<2x128x64xf32, #tpu.memory_space<vmem>>, vector<1x1x16xf32>,
        %get3A_438 = vector.shape_cast %get3A_437 : vector<1x1x16xf32> to vector<16xf32>
        %add3A_439 = arith.addf %get3A_420, %get3A_426 : vector<16xf32>
        %add3A_440 = arith.addf %get3A_432, %get3A_438 : vector<16xf32>
        %add3A_441 = arith.addf %add3A_439, %add3A_440 : vector<16xf32>
        %mul3A_442 = arith.mulf %get3A_420, %get3A_420 : vector<16xf32>
        %mul3A_443 = arith.mulf %get3A_426, %get3A_426 : vector<16xf32>
        %add3A_444 = arith.addf %mul3A_442, %mul3A_443 : vector<16xf32>
        %mul3A_445 = arith.mulf %get3A_432, %get3A_432 : vector<16xf32>
        %mul3A_446 = arith.mulf %get3A_438, %get3A_438 : vector<16xf32>
        %add3A_447 = arith.addf %mul3A_445, %mul3A_446 : vector<16xf32>
        %add3A_448 = arith.addf %add3A_444, %add3A_447 : vector<16xf32>
        %lt3A_449 = arith.constant 0 : i32
        %lt3A_450 = vector.broadcast %lt3A_449 : i32 to vector<16xi32>
        %lt3A_451 = arith.cmpi slt, %and3A_30, %lt3A_450 : vector<16xi32>
        %add3A_452 = arith.constant 16 : i32
        %add3A_453 = vector.broadcast %add3A_452 : i32 to vector<16xi32>
        %add3A_454 = arith.addi %and3A_30, %add3A_453 : vector<16xi32>
        %select_n3A_455 = arith.select %lt3A_451, %add3A_454, %and3A_30 : vector<16xi1>, vector<16xi32>
        %broadcast_in_dim3A_456 = vector.shape_cast %select_n3A_455 : vector<16xi32> to vector<16x1xi32>
        %gather3A_457 = vector.shape_cast %broadcast_in_dim3A_456 : vector<16x1xi32> to vector<16xi32>
        %gather3A_458 = tpu.dynamic_gather %add3A_441[%gather3A_457] in [0] : vector<16xf32>, vector<16xi32> -> vector<16xf32>
        %add3A_459 = arith.addf %add3A_441, %gather3A_458 : vector<16xf32>
        %lt3A_460 = arith.constant 0 : i32
        %lt3A_461 = vector.broadcast %lt3A_460 : i32 to vector<16xi32>
        %lt3A_462 = arith.cmpi slt, %and3A_30, %lt3A_461 : vector<16xi32>
        %add3A_463 = arith.constant 16 : i32
        %add3A_464 = vector.broadcast %add3A_463 : i32 to vector<16xi32>
        %add3A_465 = arith.addi %and3A_30, %add3A_464 : vector<16xi32>
        %select_n3A_466 = arith.select %lt3A_462, %add3A_465, %and3A_30 : vector<16xi1>, vector<16xi32>
        %broadcast_in_dim3A_467 = vector.shape_cast %select_n3A_466 : vector<16xi32> to vector<16x1xi32>
        %gather3A_468 = vector.shape_cast %broadcast_in_dim3A_467 : vector<16x1xi32> to vector<16xi32>
        %gather3A_469 = tpu.dynamic_gather %add3A_448[%gather3A_468] in [0] : vector<16xf32>, vector<16xi32> -> vector<16xf32>
        %add3A_470 = arith.addf %add3A_448, %gather3A_469 : vector<16xf32>
        %lt3A_471 = arith.constant 0 : i32
        %lt3A_472 = vector.broadcast %lt3A_471 : i32 to vector<16xi32>
        %lt3A_473 = arith.cmpi slt, %and3A_36, %lt3A_472 : vector<16xi32>
        %add3A_474 = arith.constant 16 : i32
        %add3A_475 = vector.broadcast %add3A_474 : i32 to vector<16xi32>
        %add3A_476 = arith.addi %and3A_36, %add3A_475 : vector<16xi32>
        %select_n3A_477 = arith.select %lt3A_473, %add3A_476, %and3A_36 : vector<16xi1>, vector<16xi32>
        %broadcast_in_dim3A_478 = vector.shape_cast %select_n3A_477 : vector<16xi32> to vector<16x1xi32>
        %gather3A_479 = vector.shape_cast %broadcast_in_dim3A_478 : vector<16x1xi32> to vector<16xi32>
        %gather3A_480 = tpu.dynamic_gather %add3A_459[%gather3A_479] in [0] : vector<16xf32>, vector<16xi32> -> vector<16xf32>
        %add3A_481 = arith.addf %add3A_459, %gather3A_480 : vector<16xf32>
        %lt3A_482 = arith.constant 0 : i32
        %lt3A_483 = vector.broadcast %lt3A_482 : i32 to vector<16xi32>
        %lt3A_484 = arith.cmpi slt, %and3A_36, %lt3A_483 : vector<16xi32>
        %add3A_485 = arith.constant 16 : i32
        %add3A_486 = vector.broadcast %add3A_485 : i32 to vector<16xi32>
        %add3A_487 = arith.addi %and3A_36, %add3A_486 : vector<16xi32>
        %select_n3A_488 = arith.select %lt3A_484, %add3A_487, %and3A_36 : vector<16xi1>, vector<16xi32>
        %broadcast_in_dim3A_489 = vector.shape_cast %select_n3A_488 : vector<16xi32> to vector<16x1xi32>
        %gather3A_490 = vector.shape_cast %broadcast_in_dim3A_489 : vector<16x1xi32> to vector<16xi32>
        %gather3A_491 = tpu.dynamic_gather %add3A_470[%gather3A_490] in [0] : vector<16xf32>, vector<16xi32> -> vector<16xf32>
        %add3A_492 = arith.addf %add3A_470, %gather3A_491 : vector<16xf32>
        %lt3A_493 = arith.constant 0 : i32
        %lt3A_494 = vector.broadcast %lt3A_493 : i32 to vector<16xi32>
        %lt3A_495 = arith.cmpi slt, %and3A_42, %lt3A_494 : vector<16xi32>
        %add3A_496 = arith.constant 16 : i32
        %add3A_497 = vector.broadcast %add3A_496 : i32 to vector<16xi32>
        %add3A_498 = arith.addi %and3A_42, %add3A_497 : vector<16xi32>
        %select_n3A_499 = arith.select %lt3A_495, %add3A_498, %and3A_42 : vector<16xi1>, vector<16xi32>
        %broadcast_in_dim3A_500 = vector.shape_cast %select_n3A_499 : vector<16xi32> to vector<16x1xi32>
        %gather3A_501 = vector.shape_cast %broadcast_in_dim3A_500 : vector<16x1xi32> to vector<16xi32>
        %gather3A_502 = tpu.dynamic_gather %add3A_481[%gather3A_501] in [0] : vector<16xf32>, vector<16xi32> -> vector<16xf32>
        %add3A_503 = arith.addf %add3A_481, %gather3A_502 : vector<16xf32>
        %lt3A_504 = arith.constant 0 : i32
        %lt3A_505 = vector.broadcast %lt3A_504 : i32 to vector<16xi32>
        %lt3A_506 = arith.cmpi slt, %and3A_42, %lt3A_505 : vector<16xi32>
        %add3A_507 = arith.constant 16 : i32
        %add3A_508 = vector.broadcast %add3A_507 : i32 to vector<16xi32>
        %add3A_509 = arith.addi %and3A_42, %add3A_508 : vector<16xi32>
        %select_n3A_510 = arith.select %lt3A_506, %add3A_509, %and3A_42 : vector<16xi1>, vector<16xi32>
        %broadcast_in_dim3A_511 = vector.shape_cast %select_n3A_510 : vector<16xi32> to vector<16x1xi32>
        %gather3A_512 = vector.shape_cast %broadcast_in_dim3A_511 : vector<16x1xi32> to vector<16xi32>
        %gather3A_513 = tpu.dynamic_gather %add3A_492[%gather3A_512] in [0] : vector<16xf32>, vector<16xi32> -> vector<16xf32>
        %add3A_514 = arith.addf %add3A_492, %gather3A_513 : vector<16xf32>
        %lt3A_515 = arith.constant 0 : i32
        %lt3A_516 = vector.broadcast %lt3A_515 : i32 to vector<16xi32>
        %lt3A_517 = arith.cmpi slt, %and3A_48, %lt3A_516 : vector<16xi32>
        %add3A_518 = arith.constant 16 : i32
        %add3A_519 = vector.broadcast %add3A_518 : i32 to vector<16xi32>
        %add3A_520 = arith.addi %and3A_48, %add3A_519 : vector<16xi32>
        %select_n3A_521 = arith.select %lt3A_517, %add3A_520, %and3A_48 : vector<16xi1>, vector<16xi32>
        %broadcast_in_dim3A_522 = vector.shape_cast %select_n3A_521 : vector<16xi32> to vector<16x1xi32>
        %gather3A_523 = vector.shape_cast %broadcast_in_dim3A_522 : vector<16x1xi32> to vector<16xi32>
        %gather3A_524 = tpu.dynamic_gather %add3A_503[%gather3A_523] in [0] : vector<16xf32>, vector<16xi32> -> vector<16xf32>
        %add3A_525 = arith.addf %add3A_503, %gather3A_524 : vector<16xf32>
        %lt3A_526 = arith.constant 0 : i32
        %lt3A_527 = vector.broadcast %lt3A_526 : i32 to vector<16xi32>
        %lt3A_528 = arith.cmpi slt, %and3A_48, %lt3A_527 : vector<16xi32>
        %add3A_529 = arith.constant 16 : i32
        %add3A_530 = vector.broadcast %add3A_529 : i32 to vector<16xi32>
        %add3A_531 = arith.addi %and3A_48, %add3A_530 : vector<16xi32>
        %select_n3A_532 = arith.select %lt3A_528, %add3A_531, %and3A_48 : vector<16xi1>, vector<16xi32>
        %broadcast_in_dim3A_533 = vector.shape_cast %select_n3A_532 : vector<16xi32> to vector<16x1xi32>
        %gather3A_534 = vector.shape_cast %broadcast_in_dim3A_533 : vector<16x1xi32> to vector<16xi32>
        %gather3A_535 = tpu.dynamic_gather %add3A_514[%gather3A_534] in [0] : vector<16xf32>, vector<16xi32> -> vector<16xf32>
        %add3A_536 = arith.addf %add3A_514, %gather3A_535 : vector<16xf32>
        %mul3A_537 = arith.constant 1.562500e-02 : f32
        %mul3A_538 = vector.broadcast %mul3A_537 : f32 to vector<16xf32>
        %mul3A_539 = arith.mulf %add3A_525, %mul3A_538 : vector<16xf32>
        %mul3A_540 = arith.constant 1.562500e-02 : f32
        %mul3A_541 = vector.broadcast %mul3A_540 : f32 to vector<16xf32>
        %mul3A_542 = arith.mulf %add3A_536, %mul3A_541 : vector<16xf32>
        %mul3A_543 = arith.mulf %mul3A_539, %mul3A_539 : vector<16xf32>
        %sub3A_544 = arith.subf %mul3A_542, %mul3A_543 : vector<16xf32>
        %add3A_545 = arith.constant 9.99999974E-6 : f32
        %add3A_546 = vector.broadcast %add3A_545 : f32 to vector<16xf32>
        %add3A_547 = arith.addf %sub3A_544, %add3A_546 : vector<16xf32>
        %bitcast_convert_type3A_548 = tpu.bitcast %add3A_547 : vector<16xf32> -> vector<16xi32>
        %shift_right_logical3A_549 = arith.constant 1 : i32
        %shift_right_logical3A_550 = vector.broadcast %shift_right_logical3A_549 : i32 to vector<16xi32>
        %shift_right_logical3A_551 = arith.shrui %bitcast_convert_type3A_548, %shift_right_logical3A_550 : vector<16xi32>
        %sub3A_552 = arith.constant 1597463007 : i32
        %sub3A_553 = vector.broadcast %sub3A_552 : i32 to vector<16xi32>
        %sub3A_554 = arith.subi %sub3A_553, %shift_right_logical3A_551 : vector<16xi32>
        %bitcast_convert_type3A_555 = tpu.bitcast %sub3A_554 : vector<16xi32> -> vector<16xf32>
        %mul3A_556 = arith.constant 5.000000e-01 : f32
        %mul3A_557 = vector.broadcast %mul3A_556 : f32 to vector<16xf32>
        %mul3A_558 = arith.mulf %mul3A_557, %add3A_547 : vector<16xf32>
        %mul3A_559 = arith.mulf %mul3A_558, %bitcast_convert_type3A_555 : vector<16xf32>
        %mul3A_560 = arith.mulf %mul3A_559, %bitcast_convert_type3A_555 : vector<16xf32>
        %sub3A_561 = arith.constant 1.500000e+00 : f32
        %sub3A_562 = vector.broadcast %sub3A_561 : f32 to vector<16xf32>
        %sub3A_563 = arith.subf %sub3A_562, %mul3A_560 : vector<16xf32>
        %mul3A_564 = arith.mulf %bitcast_convert_type3A_555, %sub3A_563 : vector<16xf32>
        %sub3A_565 = arith.subf %get3A_420, %mul3A_539 : vector<16xf32>
        %mul3A_566 = arith.mulf %sub3A_565, %mul3A_564 : vector<16xf32>
        %mul3A_567 = arith.mulf %mul3A_566, %get3A_4 : vector<16xf32>
        %add3A_568 = arith.addf %mul3A_567, %get3A_16 : vector<16xf32>
        %swap3A_569 = arith.constant 0 : i32
        %swap3A_570 = arith.index_cast %swap3A_569 : i32 to index
        %swap3A_571 = arith.index_cast %add3A_414 : i32 to index
        %swap3A_572 = arith.constant 0 : index
        %swap3A_573 = tpu.vector_load %arg11[%swap3A_570, %swap3A_571, %swap3A_572] {strides = array<i32>} : memref<2x128x64xf32, #tpu.memory_space<vmem>>, vector<1x1x16xf32>,
        %swap3A_574 = vector.shape_cast %swap3A_573 : vector<1x1x16xf32> to vector<16xf32>
        %swap3A_575 = vector.shape_cast %add3A_568 : vector<16xf32> to vector<1x1x16xf32>
        tpu.vector_store %arg11[%swap3A_570, %swap3A_571, %swap3A_572], %swap3A_575 {strides = array<i32>} : memref<2x128x64xf32, #tpu.memory_space<vmem>>, vector<1x1x16xf32>,
        %sub3A_576 = arith.subf %get3A_426, %mul3A_539 : vector<16xf32>
        %mul3A_577 = arith.mulf %sub3A_576, %mul3A_564 : vector<16xf32>
        %mul3A_578 = arith.mulf %mul3A_577, %get3A_7 : vector<16xf32>
        %add3A_579 = arith.addf %mul3A_578, %get3A_19 : vector<16xf32>
        %swap3A_580 = arith.constant 0 : i32
        %swap3A_581 = arith.index_cast %swap3A_580 : i32 to index
        %swap3A_582 = arith.index_cast %add3A_414 : i32 to index
        %swap3A_583 = arith.constant 16 : index
        %swap3A_584 = tpu.vector_load %arg11[%swap3A_581, %swap3A_582, %swap3A_583] {strides = array<i32>} : memref<2x128x64xf32, #tpu.memory_space<vmem>>, vector<1x1x16xf32>,
        %swap3A_585 = vector.shape_cast %swap3A_584 : vector<1x1x16xf32> to vector<16xf32>
        %swap3A_586 = vector.shape_cast %add3A_579 : vector<16xf32> to vector<1x1x16xf32>
        tpu.vector_store %arg11[%swap3A_581, %swap3A_582, %swap3A_583], %swap3A_586 {strides = array<i32>} : memref<2x128x64xf32, #tpu.memory_space<vmem>>, vector<1x1x16xf32>,
        %sub3A_587 = arith.subf %get3A_432, %mul3A_539 : vector<16xf32>
        %mul3A_588 = arith.mulf %sub3A_587, %mul3A_564 : vector<16xf32>
        %mul3A_589 = arith.mulf %mul3A_588, %get3A_10 : vector<16xf32>
        %add3A_590 = arith.addf %mul3A_589, %get3A_22 : vector<16xf32>
        %swap3A_591 = arith.constant 0 : i32
        %swap3A_592 = arith.index_cast %swap3A_591 : i32 to index
        %swap3A_593 = arith.index_cast %add3A_414 : i32 to index
        %swap3A_594 = arith.constant 32 : index
        %swap3A_595 = tpu.vector_load %arg11[%swap3A_592, %swap3A_593, %swap3A_594] {strides = array<i32>} : memref<2x128x64xf32, #tpu.memory_space<vmem>>, vector<1x1x16xf32>,
        %swap3A_596 = vector.shape_cast %swap3A_595 : vector<1x1x16xf32> to vector<16xf32>
        %swap3A_597 = vector.shape_cast %add3A_590 : vector<16xf32> to vector<1x1x16xf32>
        tpu.vector_store %arg11[%swap3A_592, %swap3A_593, %swap3A_594], %swap3A_597 {strides = array<i32>} : memref<2x128x64xf32, #tpu.memory_space<vmem>>, vector<1x1x16xf32>,
        %sub3A_598 = arith.subf %get3A_438, %mul3A_539 : vector<16xf32>
        %mul3A_599 = arith.mulf %sub3A_598, %mul3A_564 : vector<16xf32>
        %mul3A_600 = arith.mulf %mul3A_599, %get3A_13 : vector<16xf32>
        %add3A_601 = arith.addf %mul3A_600, %get3A_25 : vector<16xf32>
        %swap3A_602 = arith.constant 0 : i32
        %swap3A_603 = arith.index_cast %swap3A_602 : i32 to index
        %swap3A_604 = arith.index_cast %add3A_414 : i32 to index
        %swap3A_605 = arith.constant 48 : index
        %swap3A_606 = tpu.vector_load %arg11[%swap3A_603, %swap3A_604, %swap3A_605] {strides = array<i32>} : memref<2x128x64xf32, #tpu.memory_space<vmem>>, vector<1x1x16xf32>,
        %swap3A_607 = vector.shape_cast %swap3A_606 : vector<1x1x16xf32> to vector<16xf32>
        %swap3A_608 = vector.shape_cast %add3A_601 : vector<16xf32> to vector<1x1x16xf32>
        tpu.vector_store %arg11[%swap3A_603, %swap3A_604, %swap3A_605], %swap3A_608 {strides = array<i32>} : memref<2x128x64xf32, #tpu.memory_space<vmem>>, vector<1x1x16xf32>,
        %mul3A_609 = arith.constant 4 : i32
        %mul3A_610 = arith.muli %scan3A_219, %mul3A_609 : i32
        %add3A_611 = arith.constant 2 : i32
        %add3A_612 = arith.addi %mul3A_610, %add3A_611 : i32
        %get3A_613 = arith.constant 0 : i32
        %get3A_614 = arith.index_cast %get3A_613 : i32 to index
        %get3A_615 = arith.index_cast %add3A_612 : i32 to index
        %get3A_616 = arith.constant 0 : index
        %get3A_617 = tpu.vector_load %arg9[%get3A_614, %get3A_615, %get3A_616] {strides = array<i32>} : memref<2x128x64xf32, #tpu.memory_space<vmem>>, vector<1x1x16xf32>,
        %get3A_618 = vector.shape_cast %get3A_617 : vector<1x1x16xf32> to vector<16xf32>
        %get3A_619 = arith.constant 0 : i32
        %get3A_620 = arith.index_cast %get3A_619 : i32 to index
        %get3A_621 = arith.index_cast %add3A_612 : i32 to index
        %get3A_622 = arith.constant 16 : index
        %get3A_623 = tpu.vector_load %arg9[%get3A_620, %get3A_621, %get3A_622] {strides = array<i32>} : memref<2x128x64xf32, #tpu.memory_space<vmem>>, vector<1x1x16xf32>,
        %get3A_624 = vector.shape_cast %get3A_623 : vector<1x1x16xf32> to vector<16xf32>
        %get3A_625 = arith.constant 0 : i32
        %get3A_626 = arith.index_cast %get3A_625 : i32 to index
        %get3A_627 = arith.index_cast %add3A_612 : i32 to index
        %get3A_628 = arith.constant 32 : index
        %get3A_629 = tpu.vector_load %arg9[%get3A_626, %get3A_627, %get3A_628] {strides = array<i32>} : memref<2x128x64xf32, #tpu.memory_space<vmem>>, vector<1x1x16xf32>,
        %get3A_630 = vector.shape_cast %get3A_629 : vector<1x1x16xf32> to vector<16xf32>
        %get3A_631 = arith.constant 0 : i32
        %get3A_632 = arith.index_cast %get3A_631 : i32 to index
        %get3A_633 = arith.index_cast %add3A_612 : i32 to index
        %get3A_634 = arith.constant 48 : index
        %get3A_635 = tpu.vector_load %arg9[%get3A_632, %get3A_633, %get3A_634] {strides = array<i32>} : memref<2x128x64xf32, #tpu.memory_space<vmem>>, vector<1x1x16xf32>,
        %get3A_636 = vector.shape_cast %get3A_635 : vector<1x1x16xf32> to vector<16xf32>
        %add3A_637 = arith.addf %get3A_618, %get3A_624 : vector<16xf32>
        %add3A_638 = arith.addf %get3A_630, %get3A_636 : vector<16xf32>
        %add3A_639 = arith.addf %add3A_637, %add3A_638 : vector<16xf32>
        %mul3A_640 = arith.mulf %get3A_618, %get3A_618 : vector<16xf32>
        %mul3A_641 = arith.mulf %get3A_624, %get3A_624 : vector<16xf32>
        %add3A_642 = arith.addf %mul3A_640, %mul3A_641 : vector<16xf32>
        %mul3A_643 = arith.mulf %get3A_630, %get3A_630 : vector<16xf32>
        %mul3A_644 = arith.mulf %get3A_636, %get3A_636 : vector<16xf32>
        %add3A_645 = arith.addf %mul3A_643, %mul3A_644 : vector<16xf32>
        %add3A_646 = arith.addf %add3A_642, %add3A_645 : vector<16xf32>
        %lt3A_647 = arith.constant 0 : i32
        %lt3A_648 = vector.broadcast %lt3A_647 : i32 to vector<16xi32>
        %lt3A_649 = arith.cmpi slt, %and3A_30, %lt3A_648 : vector<16xi32>
        %add3A_650 = arith.constant 16 : i32
        %add3A_651 = vector.broadcast %add3A_650 : i32 to vector<16xi32>
        %add3A_652 = arith.addi %and3A_30, %add3A_651 : vector<16xi32>
        %select_n3A_653 = arith.select %lt3A_649, %add3A_652, %and3A_30 : vector<16xi1>, vector<16xi32>
        %broadcast_in_dim3A_654 = vector.shape_cast %select_n3A_653 : vector<16xi32> to vector<16x1xi32>
        %gather3A_655 = vector.shape_cast %broadcast_in_dim3A_654 : vector<16x1xi32> to vector<16xi32>
        %gather3A_656 = tpu.dynamic_gather %add3A_639[%gather3A_655] in [0] : vector<16xf32>, vector<16xi32> -> vector<16xf32>
        %add3A_657 = arith.addf %add3A_639, %gather3A_656 : vector<16xf32>
        %lt3A_658 = arith.constant 0 : i32
        %lt3A_659 = vector.broadcast %lt3A_658 : i32 to vector<16xi32>
        %lt3A_660 = arith.cmpi slt, %and3A_30, %lt3A_659 : vector<16xi32>
        %add3A_661 = arith.constant 16 : i32
        %add3A_662 = vector.broadcast %add3A_661 : i32 to vector<16xi32>
        %add3A_663 = arith.addi %and3A_30, %add3A_662 : vector<16xi32>
        %select_n3A_664 = arith.select %lt3A_660, %add3A_663, %and3A_30 : vector<16xi1>, vector<16xi32>
        %broadcast_in_dim3A_665 = vector.shape_cast %select_n3A_664 : vector<16xi32> to vector<16x1xi32>
        %gather3A_666 = vector.shape_cast %broadcast_in_dim3A_665 : vector<16x1xi32> to vector<16xi32>
        %gather3A_667 = tpu.dynamic_gather %add3A_646[%gather3A_666] in [0] : vector<16xf32>, vector<16xi32> -> vector<16xf32>
        %add3A_668 = arith.addf %add3A_646, %gather3A_667 : vector<16xf32>
        %lt3A_669 = arith.constant 0 : i32
        %lt3A_670 = vector.broadcast %lt3A_669 : i32 to vector<16xi32>
        %lt3A_671 = arith.cmpi slt, %and3A_36, %lt3A_670 : vector<16xi32>
        %add3A_672 = arith.constant 16 : i32
        %add3A_673 = vector.broadcast %add3A_672 : i32 to vector<16xi32>
        %add3A_674 = arith.addi %and3A_36, %add3A_673 : vector<16xi32>
        %select_n3A_675 = arith.select %lt3A_671, %add3A_674, %and3A_36 : vector<16xi1>, vector<16xi32>
        %broadcast_in_dim3A_676 = vector.shape_cast %select_n3A_675 : vector<16xi32> to vector<16x1xi32>
        %gather3A_677 = vector.shape_cast %broadcast_in_dim3A_676 : vector<16x1xi32> to vector<16xi32>
        %gather3A_678 = tpu.dynamic_gather %add3A_657[%gather3A_677] in [0] : vector<16xf32>, vector<16xi32> -> vector<16xf32>
        %add3A_679 = arith.addf %add3A_657, %gather3A_678 : vector<16xf32>
        %lt3A_680 = arith.constant 0 : i32
        %lt3A_681 = vector.broadcast %lt3A_680 : i32 to vector<16xi32>
        %lt3A_682 = arith.cmpi slt, %and3A_36, %lt3A_681 : vector<16xi32>
        %add3A_683 = arith.constant 16 : i32
        %add3A_684 = vector.broadcast %add3A_683 : i32 to vector<16xi32>
        %add3A_685 = arith.addi %and3A_36, %add3A_684 : vector<16xi32>
        %select_n3A_686 = arith.select %lt3A_682, %add3A_685, %and3A_36 : vector<16xi1>, vector<16xi32>
        %broadcast_in_dim3A_687 = vector.shape_cast %select_n3A_686 : vector<16xi32> to vector<16x1xi32>
        %gather3A_688 = vector.shape_cast %broadcast_in_dim3A_687 : vector<16x1xi32> to vector<16xi32>
        %gather3A_689 = tpu.dynamic_gather %add3A_668[%gather3A_688] in [0] : vector<16xf32>, vector<16xi32> -> vector<16xf32>
        %add3A_690 = arith.addf %add3A_668, %gather3A_689 : vector<16xf32>
        %lt3A_691 = arith.constant 0 : i32
        %lt3A_692 = vector.broadcast %lt3A_691 : i32 to vector<16xi32>
        %lt3A_693 = arith.cmpi slt, %and3A_42, %lt3A_692 : vector<16xi32>
        %add3A_694 = arith.constant 16 : i32
        %add3A_695 = vector.broadcast %add3A_694 : i32 to vector<16xi32>
        %add3A_696 = arith.addi %and3A_42, %add3A_695 : vector<16xi32>
        %select_n3A_697 = arith.select %lt3A_693, %add3A_696, %and3A_42 : vector<16xi1>, vector<16xi32>
        %broadcast_in_dim3A_698 = vector.shape_cast %select_n3A_697 : vector<16xi32> to vector<16x1xi32>
        %gather3A_699 = vector.shape_cast %broadcast_in_dim3A_698 : vector<16x1xi32> to vector<16xi32>
        %gather3A_700 = tpu.dynamic_gather %add3A_679[%gather3A_699] in [0] : vector<16xf32>, vector<16xi32> -> vector<16xf32>
        %add3A_701 = arith.addf %add3A_679, %gather3A_700 : vector<16xf32>
        %lt3A_702 = arith.constant 0 : i32
        %lt3A_703 = vector.broadcast %lt3A_702 : i32 to vector<16xi32>
        %lt3A_704 = arith.cmpi slt, %and3A_42, %lt3A_703 : vector<16xi32>
        %add3A_705 = arith.constant 16 : i32
        %add3A_706 = vector.broadcast %add3A_705 : i32 to vector<16xi32>
        %add3A_707 = arith.addi %and3A_42, %add3A_706 : vector<16xi32>
        %select_n3A_708 = arith.select %lt3A_704, %add3A_707, %and3A_42 : vector<16xi1>, vector<16xi32>
        %broadcast_in_dim3A_709 = vector.shape_cast %select_n3A_708 : vector<16xi32> to vector<16x1xi32>
        %gather3A_710 = vector.shape_cast %broadcast_in_dim3A_709 : vector<16x1xi32> to vector<16xi32>
        %gather3A_711 = tpu.dynamic_gather %add3A_690[%gather3A_710] in [0] : vector<16xf32>, vector<16xi32> -> vector<16xf32>
        %add3A_712 = arith.addf %add3A_690, %gather3A_711 : vector<16xf32>
        %lt3A_713 = arith.constant 0 : i32
        %lt3A_714 = vector.broadcast %lt3A_713 : i32 to vector<16xi32>
        %lt3A_715 = arith.cmpi slt, %and3A_48, %lt3A_714 : vector<16xi32>
        %add3A_716 = arith.constant 16 : i32
        %add3A_717 = vector.broadcast %add3A_716 : i32 to vector<16xi32>
        %add3A_718 = arith.addi %and3A_48, %add3A_717 : vector<16xi32>
        %select_n3A_719 = arith.select %lt3A_715, %add3A_718, %and3A_48 : vector<16xi1>, vector<16xi32>
        %broadcast_in_dim3A_720 = vector.shape_cast %select_n3A_719 : vector<16xi32> to vector<16x1xi32>
        %gather3A_721 = vector.shape_cast %broadcast_in_dim3A_720 : vector<16x1xi32> to vector<16xi32>
        %gather3A_722 = tpu.dynamic_gather %add3A_701[%gather3A_721] in [0] : vector<16xf32>, vector<16xi32> -> vector<16xf32>
        %add3A_723 = arith.addf %add3A_701, %gather3A_722 : vector<16xf32>
        %lt3A_724 = arith.constant 0 : i32
        %lt3A_725 = vector.broadcast %lt3A_724 : i32 to vector<16xi32>
        %lt3A_726 = arith.cmpi slt, %and3A_48, %lt3A_725 : vector<16xi32>
        %add3A_727 = arith.constant 16 : i32
        %add3A_728 = vector.broadcast %add3A_727 : i32 to vector<16xi32>
        %add3A_729 = arith.addi %and3A_48, %add3A_728 : vector<16xi32>
        %select_n3A_730 = arith.select %lt3A_726, %add3A_729, %and3A_48 : vector<16xi1>, vector<16xi32>
        %broadcast_in_dim3A_731 = vector.shape_cast %select_n3A_730 : vector<16xi32> to vector<16x1xi32>
        %gather3A_732 = vector.shape_cast %broadcast_in_dim3A_731 : vector<16x1xi32> to vector<16xi32>
        %gather3A_733 = tpu.dynamic_gather %add3A_712[%gather3A_732] in [0] : vector<16xf32>, vector<16xi32> -> vector<16xf32>
        %add3A_734 = arith.addf %add3A_712, %gather3A_733 : vector<16xf32>
        %mul3A_735 = arith.constant 1.562500e-02 : f32
        %mul3A_736 = vector.broadcast %mul3A_735 : f32 to vector<16xf32>
        %mul3A_737 = arith.mulf %add3A_723, %mul3A_736 : vector<16xf32>
        %mul3A_738 = arith.constant 1.562500e-02 : f32
        %mul3A_739 = vector.broadcast %mul3A_738 : f32 to vector<16xf32>
        %mul3A_740 = arith.mulf %add3A_734, %mul3A_739 : vector<16xf32>
        %mul3A_741 = arith.mulf %mul3A_737, %mul3A_737 : vector<16xf32>
        %sub3A_742 = arith.subf %mul3A_740, %mul3A_741 : vector<16xf32>
        %add3A_743 = arith.constant 9.99999974E-6 : f32
        %add3A_744 = vector.broadcast %add3A_743 : f32 to vector<16xf32>
        %add3A_745 = arith.addf %sub3A_742, %add3A_744 : vector<16xf32>
        %bitcast_convert_type3A_746 = tpu.bitcast %add3A_745 : vector<16xf32> -> vector<16xi32>
        %shift_right_logical3A_747 = arith.constant 1 : i32
        %shift_right_logical3A_748 = vector.broadcast %shift_right_logical3A_747 : i32 to vector<16xi32>
        %shift_right_logical3A_749 = arith.shrui %bitcast_convert_type3A_746, %shift_right_logical3A_748 : vector<16xi32>
        %sub3A_750 = arith.constant 1597463007 : i32
        %sub3A_751 = vector.broadcast %sub3A_750 : i32 to vector<16xi32>
        %sub3A_752 = arith.subi %sub3A_751, %shift_right_logical3A_749 : vector<16xi32>
        %bitcast_convert_type3A_753 = tpu.bitcast %sub3A_752 : vector<16xi32> -> vector<16xf32>
        %mul3A_754 = arith.constant 5.000000e-01 : f32
        %mul3A_755 = vector.broadcast %mul3A_754 : f32 to vector<16xf32>
        %mul3A_756 = arith.mulf %mul3A_755, %add3A_745 : vector<16xf32>
        %mul3A_757 = arith.mulf %mul3A_756, %bitcast_convert_type3A_753 : vector<16xf32>
        %mul3A_758 = arith.mulf %mul3A_757, %bitcast_convert_type3A_753 : vector<16xf32>
        %sub3A_759 = arith.constant 1.500000e+00 : f32
        %sub3A_760 = vector.broadcast %sub3A_759 : f32 to vector<16xf32>
        %sub3A_761 = arith.subf %sub3A_760, %mul3A_758 : vector<16xf32>
        %mul3A_762 = arith.mulf %bitcast_convert_type3A_753, %sub3A_761 : vector<16xf32>
        %sub3A_763 = arith.subf %get3A_618, %mul3A_737 : vector<16xf32>
        %mul3A_764 = arith.mulf %sub3A_763, %mul3A_762 : vector<16xf32>
        %mul3A_765 = arith.mulf %mul3A_764, %get3A_4 : vector<16xf32>
        %add3A_766 = arith.addf %mul3A_765, %get3A_16 : vector<16xf32>
        %swap3A_767 = arith.constant 0 : i32
        %swap3A_768 = arith.index_cast %swap3A_767 : i32 to index
        %swap3A_769 = arith.index_cast %add3A_612 : i32 to index
        %swap3A_770 = arith.constant 0 : index
        %swap3A_771 = tpu.vector_load %arg11[%swap3A_768, %swap3A_769, %swap3A_770] {strides = array<i32>} : memref<2x128x64xf32, #tpu.memory_space<vmem>>, vector<1x1x16xf32>,
        %swap3A_772 = vector.shape_cast %swap3A_771 : vector<1x1x16xf32> to vector<16xf32>
        %swap3A_773 = vector.shape_cast %add3A_766 : vector<16xf32> to vector<1x1x16xf32>
        tpu.vector_store %arg11[%swap3A_768, %swap3A_769, %swap3A_770], %swap3A_773 {strides = array<i32>} : memref<2x128x64xf32, #tpu.memory_space<vmem>>, vector<1x1x16xf32>,
        %sub3A_774 = arith.subf %get3A_624, %mul3A_737 : vector<16xf32>
        %mul3A_775 = arith.mulf %sub3A_774, %mul3A_762 : vector<16xf32>
        %mul3A_776 = arith.mulf %mul3A_775, %get3A_7 : vector<16xf32>
        %add3A_777 = arith.addf %mul3A_776, %get3A_19 : vector<16xf32>
        %swap3A_778 = arith.constant 0 : i32
        %swap3A_779 = arith.index_cast %swap3A_778 : i32 to index
        %swap3A_780 = arith.index_cast %add3A_612 : i32 to index
        %swap3A_781 = arith.constant 16 : index
        %swap3A_782 = tpu.vector_load %arg11[%swap3A_779, %swap3A_780, %swap3A_781] {strides = array<i32>} : memref<2x128x64xf32, #tpu.memory_space<vmem>>, vector<1x1x16xf32>,
        %swap3A_783 = vector.shape_cast %swap3A_782 : vector<1x1x16xf32> to vector<16xf32>
        %swap3A_784 = vector.shape_cast %add3A_777 : vector<16xf32> to vector<1x1x16xf32>
        tpu.vector_store %arg11[%swap3A_779, %swap3A_780, %swap3A_781], %swap3A_784 {strides = array<i32>} : memref<2x128x64xf32, #tpu.memory_space<vmem>>, vector<1x1x16xf32>,
        %sub3A_785 = arith.subf %get3A_630, %mul3A_737 : vector<16xf32>
        %mul3A_786 = arith.mulf %sub3A_785, %mul3A_762 : vector<16xf32>
        %mul3A_787 = arith.mulf %mul3A_786, %get3A_10 : vector<16xf32>
        %add3A_788 = arith.addf %mul3A_787, %get3A_22 : vector<16xf32>
        %swap3A_789 = arith.constant 0 : i32
        %swap3A_790 = arith.index_cast %swap3A_789 : i32 to index
        %swap3A_791 = arith.index_cast %add3A_612 : i32 to index
        %swap3A_792 = arith.constant 32 : index
        %swap3A_793 = tpu.vector_load %arg11[%swap3A_790, %swap3A_791, %swap3A_792] {strides = array<i32>} : memref<2x128x64xf32, #tpu.memory_space<vmem>>, vector<1x1x16xf32>,
        %swap3A_794 = vector.shape_cast %swap3A_793 : vector<1x1x16xf32> to vector<16xf32>
        %swap3A_795 = vector.shape_cast %add3A_788 : vector<16xf32> to vector<1x1x16xf32>
        tpu.vector_store %arg11[%swap3A_790, %swap3A_791, %swap3A_792], %swap3A_795 {strides = array<i32>} : memref<2x128x64xf32, #tpu.memory_space<vmem>>, vector<1x1x16xf32>,
        %sub3A_796 = arith.subf %get3A_636, %mul3A_737 : vector<16xf32>
        %mul3A_797 = arith.mulf %sub3A_796, %mul3A_762 : vector<16xf32>
        %mul3A_798 = arith.mulf %mul3A_797, %get3A_13 : vector<16xf32>
        %add3A_799 = arith.addf %mul3A_798, %get3A_25 : vector<16xf32>
        %swap3A_800 = arith.constant 0 : i32
        %swap3A_801 = arith.index_cast %swap3A_800 : i32 to index
        %swap3A_802 = arith.index_cast %add3A_612 : i32 to index
        %swap3A_803 = arith.constant 48 : index
        %swap3A_804 = tpu.vector_load %arg11[%swap3A_801, %swap3A_802, %swap3A_803] {strides = array<i32>} : memref<2x128x64xf32, #tpu.memory_space<vmem>>, vector<1x1x16xf32>,
        %swap3A_805 = vector.shape_cast %swap3A_804 : vector<1x1x16xf32> to vector<16xf32>
        %swap3A_806 = vector.shape_cast %add3A_799 : vector<16xf32> to vector<1x1x16xf32>
        tpu.vector_store %arg11[%swap3A_801, %swap3A_802, %swap3A_803], %swap3A_806 {strides = array<i32>} : memref<2x128x64xf32, #tpu.memory_space<vmem>>, vector<1x1x16xf32>,
        %mul3A_807 = arith.constant 4 : i32
        %mul3A_808 = arith.muli %scan3A_219, %mul3A_807 : i32
        %add3A_809 = arith.constant 3 : i32
        %add3A_810 = arith.addi %mul3A_808, %add3A_809 : i32
        %get3A_811 = arith.constant 0 : i32
        %get3A_812 = arith.index_cast %get3A_811 : i32 to index
        %get3A_813 = arith.index_cast %add3A_810 : i32 to index
        %get3A_814 = arith.constant 0 : index
        %get3A_815 = tpu.vector_load %arg9[%get3A_812, %get3A_813, %get3A_814] {strides = array<i32>} : memref<2x128x64xf32, #tpu.memory_space<vmem>>, vector<1x1x16xf32>,
        %get3A_816 = vector.shape_cast %get3A_815 : vector<1x1x16xf32> to vector<16xf32>
        %get3A_817 = arith.constant 0 : i32
        %get3A_818 = arith.index_cast %get3A_817 : i32 to index
        %get3A_819 = arith.index_cast %add3A_810 : i32 to index
        %get3A_820 = arith.constant 16 : index
        %get3A_821 = tpu.vector_load %arg9[%get3A_818, %get3A_819, %get3A_820] {strides = array<i32>} : memref<2x128x64xf32, #tpu.memory_space<vmem>>, vector<1x1x16xf32>,
        %get3A_822 = vector.shape_cast %get3A_821 : vector<1x1x16xf32> to vector<16xf32>
        %get3A_823 = arith.constant 0 : i32
        %get3A_824 = arith.index_cast %get3A_823 : i32 to index
        %get3A_825 = arith.index_cast %add3A_810 : i32 to index
        %get3A_826 = arith.constant 32 : index
        %get3A_827 = tpu.vector_load %arg9[%get3A_824, %get3A_825, %get3A_826] {strides = array<i32>} : memref<2x128x64xf32, #tpu.memory_space<vmem>>, vector<1x1x16xf32>,
        %get3A_828 = vector.shape_cast %get3A_827 : vector<1x1x16xf32> to vector<16xf32>
        %get3A_829 = arith.constant 0 : i32
        %get3A_830 = arith.index_cast %get3A_829 : i32 to index
        %get3A_831 = arith.index_cast %add3A_810 : i32 to index
        %get3A_832 = arith.constant 48 : index
        %get3A_833 = tpu.vector_load %arg9[%get3A_830, %get3A_831, %get3A_832] {strides = array<i32>} : memref<2x128x64xf32, #tpu.memory_space<vmem>>, vector<1x1x16xf32>,
        %get3A_834 = vector.shape_cast %get3A_833 : vector<1x1x16xf32> to vector<16xf32>
        %add3A_835 = arith.addf %get3A_816, %get3A_822 : vector<16xf32>
        %add3A_836 = arith.addf %get3A_828, %get3A_834 : vector<16xf32>
        %add3A_837 = arith.addf %add3A_835, %add3A_836 : vector<16xf32>
        %mul3A_838 = arith.mulf %get3A_816, %get3A_816 : vector<16xf32>
        %mul3A_839 = arith.mulf %get3A_822, %get3A_822 : vector<16xf32>
        %add3A_840 = arith.addf %mul3A_838, %mul3A_839 : vector<16xf32>
        %mul3A_841 = arith.mulf %get3A_828, %get3A_828 : vector<16xf32>
        %mul3A_842 = arith.mulf %get3A_834, %get3A_834 : vector<16xf32>
        %add3A_843 = arith.addf %mul3A_841, %mul3A_842 : vector<16xf32>
        %add3A_844 = arith.addf %add3A_840, %add3A_843 : vector<16xf32>
        %lt3A_845 = arith.constant 0 : i32
        %lt3A_846 = vector.broadcast %lt3A_845 : i32 to vector<16xi32>
        %lt3A_847 = arith.cmpi slt, %and3A_30, %lt3A_846 : vector<16xi32>
        %add3A_848 = arith.constant 16 : i32
        %add3A_849 = vector.broadcast %add3A_848 : i32 to vector<16xi32>
        %add3A_850 = arith.addi %and3A_30, %add3A_849 : vector<16xi32>
        %select_n3A_851 = arith.select %lt3A_847, %add3A_850, %and3A_30 : vector<16xi1>, vector<16xi32>
        %broadcast_in_dim3A_852 = vector.shape_cast %select_n3A_851 : vector<16xi32> to vector<16x1xi32>
        %gather3A_853 = vector.shape_cast %broadcast_in_dim3A_852 : vector<16x1xi32> to vector<16xi32>
        %gather3A_854 = tpu.dynamic_gather %add3A_837[%gather3A_853] in [0] : vector<16xf32>, vector<16xi32> -> vector<16xf32>
        %add3A_855 = arith.addf %add3A_837, %gather3A_854 : vector<16xf32>
        %lt3A_856 = arith.constant 0 : i32
        %lt3A_857 = vector.broadcast %lt3A_856 : i32 to vector<16xi32>
        %lt3A_858 = arith.cmpi slt, %and3A_30, %lt3A_857 : vector<16xi32>
        %add3A_859 = arith.constant 16 : i32
        %add3A_860 = vector.broadcast %add3A_859 : i32 to vector<16xi32>
        %add3A_861 = arith.addi %and3A_30, %add3A_860 : vector<16xi32>
        %select_n3A_862 = arith.select %lt3A_858, %add3A_861, %and3A_30 : vector<16xi1>, vector<16xi32>
        %broadcast_in_dim3A_863 = vector.shape_cast %select_n3A_862 : vector<16xi32> to vector<16x1xi32>
        %gather3A_864 = vector.shape_cast %broadcast_in_dim3A_863 : vector<16x1xi32> to vector<16xi32>
        %gather3A_865 = tpu.dynamic_gather %add3A_844[%gather3A_864] in [0] : vector<16xf32>, vector<16xi32> -> vector<16xf32>
        %add3A_866 = arith.addf %add3A_844, %gather3A_865 : vector<16xf32>
        %lt3A_867 = arith.constant 0 : i32
        %lt3A_868 = vector.broadcast %lt3A_867 : i32 to vector<16xi32>
        %lt3A_869 = arith.cmpi slt, %and3A_36, %lt3A_868 : vector<16xi32>
        %add3A_870 = arith.constant 16 : i32
        %add3A_871 = vector.broadcast %add3A_870 : i32 to vector<16xi32>
        %add3A_872 = arith.addi %and3A_36, %add3A_871 : vector<16xi32>
        %select_n3A_873 = arith.select %lt3A_869, %add3A_872, %and3A_36 : vector<16xi1>, vector<16xi32>
        %broadcast_in_dim3A_874 = vector.shape_cast %select_n3A_873 : vector<16xi32> to vector<16x1xi32>
        %gather3A_875 = vector.shape_cast %broadcast_in_dim3A_874 : vector<16x1xi32> to vector<16xi32>
        %gather3A_876 = tpu.dynamic_gather %add3A_855[%gather3A_875] in [0] : vector<16xf32>, vector<16xi32> -> vector<16xf32>
        %add3A_877 = arith.addf %add3A_855, %gather3A_876 : vector<16xf32>
        %lt3A_878 = arith.constant 0 : i32
        %lt3A_879 = vector.broadcast %lt3A_878 : i32 to vector<16xi32>
        %lt3A_880 = arith.cmpi slt, %and3A_36, %lt3A_879 : vector<16xi32>
        %add3A_881 = arith.constant 16 : i32
        %add3A_882 = vector.broadcast %add3A_881 : i32 to vector<16xi32>
        %add3A_883 = arith.addi %and3A_36, %add3A_882 : vector<16xi32>
        %select_n3A_884 = arith.select %lt3A_880, %add3A_883, %and3A_36 : vector<16xi1>, vector<16xi32>
        %broadcast_in_dim3A_885 = vector.shape_cast %select_n3A_884 : vector<16xi32> to vector<16x1xi32>
        %gather3A_886 = vector.shape_cast %broadcast_in_dim3A_885 : vector<16x1xi32> to vector<16xi32>
        %gather3A_887 = tpu.dynamic_gather %add3A_866[%gather3A_886] in [0] : vector<16xf32>, vector<16xi32> -> vector<16xf32>
        %add3A_888 = arith.addf %add3A_866, %gather3A_887 : vector<16xf32>
        %lt3A_889 = arith.constant 0 : i32
        %lt3A_890 = vector.broadcast %lt3A_889 : i32 to vector<16xi32>
        %lt3A_891 = arith.cmpi slt, %and3A_42, %lt3A_890 : vector<16xi32>
        %add3A_892 = arith.constant 16 : i32
        %add3A_893 = vector.broadcast %add3A_892 : i32 to vector<16xi32>
        %add3A_894 = arith.addi %and3A_42, %add3A_893 : vector<16xi32>
        %select_n3A_895 = arith.select %lt3A_891, %add3A_894, %and3A_42 : vector<16xi1>, vector<16xi32>
        %broadcast_in_dim3A_896 = vector.shape_cast %select_n3A_895 : vector<16xi32> to vector<16x1xi32>
        %gather3A_897 = vector.shape_cast %broadcast_in_dim3A_896 : vector<16x1xi32> to vector<16xi32>
        %gather3A_898 = tpu.dynamic_gather %add3A_877[%gather3A_897] in [0] : vector<16xf32>, vector<16xi32> -> vector<16xf32>
        %add3A_899 = arith.addf %add3A_877, %gather3A_898 : vector<16xf32>
        %lt3A_900 = arith.constant 0 : i32
        %lt3A_901 = vector.broadcast %lt3A_900 : i32 to vector<16xi32>
        %lt3A_902 = arith.cmpi slt, %and3A_42, %lt3A_901 : vector<16xi32>
        %add3A_903 = arith.constant 16 : i32
        %add3A_904 = vector.broadcast %add3A_903 : i32 to vector<16xi32>
        %add3A_905 = arith.addi %and3A_42, %add3A_904 : vector<16xi32>
        %select_n3A_906 = arith.select %lt3A_902, %add3A_905, %and3A_42 : vector<16xi1>, vector<16xi32>
        %broadcast_in_dim3A_907 = vector.shape_cast %select_n3A_906 : vector<16xi32> to vector<16x1xi32>
        %gather3A_908 = vector.shape_cast %broadcast_in_dim3A_907 : vector<16x1xi32> to vector<16xi32>
        %gather3A_909 = tpu.dynamic_gather %add3A_888[%gather3A_908] in [0] : vector<16xf32>, vector<16xi32> -> vector<16xf32>
        %add3A_910 = arith.addf %add3A_888, %gather3A_909 : vector<16xf32>
        %lt3A_911 = arith.constant 0 : i32
        %lt3A_912 = vector.broadcast %lt3A_911 : i32 to vector<16xi32>
        %lt3A_913 = arith.cmpi slt, %and3A_48, %lt3A_912 : vector<16xi32>
        %add3A_914 = arith.constant 16 : i32
        %add3A_915 = vector.broadcast %add3A_914 : i32 to vector<16xi32>
        %add3A_916 = arith.addi %and3A_48, %add3A_915 : vector<16xi32>
        %select_n3A_917 = arith.select %lt3A_913, %add3A_916, %and3A_48 : vector<16xi1>, vector<16xi32>
        %broadcast_in_dim3A_918 = vector.shape_cast %select_n3A_917 : vector<16xi32> to vector<16x1xi32>
        %gather3A_919 = vector.shape_cast %broadcast_in_dim3A_918 : vector<16x1xi32> to vector<16xi32>
        %gather3A_920 = tpu.dynamic_gather %add3A_899[%gather3A_919] in [0] : vector<16xf32>, vector<16xi32> -> vector<16xf32>
        %add3A_921 = arith.addf %add3A_899, %gather3A_920 : vector<16xf32>
        %lt3A_922 = arith.constant 0 : i32
        %lt3A_923 = vector.broadcast %lt3A_922 : i32 to vector<16xi32>
        %lt3A_924 = arith.cmpi slt, %and3A_48, %lt3A_923 : vector<16xi32>
        %add3A_925 = arith.constant 16 : i32
        %add3A_926 = vector.broadcast %add3A_925 : i32 to vector<16xi32>
        %add3A_927 = arith.addi %and3A_48, %add3A_926 : vector<16xi32>
        %select_n3A_928 = arith.select %lt3A_924, %add3A_927, %and3A_48 : vector<16xi1>, vector<16xi32>
        %broadcast_in_dim3A_929 = vector.shape_cast %select_n3A_928 : vector<16xi32> to vector<16x1xi32>
        %gather3A_930 = vector.shape_cast %broadcast_in_dim3A_929 : vector<16x1xi32> to vector<16xi32>
        %gather3A_931 = tpu.dynamic_gather %add3A_910[%gather3A_930] in [0] : vector<16xf32>, vector<16xi32> -> vector<16xf32>
        %add3A_932 = arith.addf %add3A_910, %gather3A_931 : vector<16xf32>
        %mul3A_933 = arith.constant 1.562500e-02 : f32
        %mul3A_934 = vector.broadcast %mul3A_933 : f32 to vector<16xf32>
        %mul3A_935 = arith.mulf %add3A_921, %mul3A_934 : vector<16xf32>
        %mul3A_936 = arith.constant 1.562500e-02 : f32
        %mul3A_937 = vector.broadcast %mul3A_936 : f32 to vector<16xf32>
        %mul3A_938 = arith.mulf %add3A_932, %mul3A_937 : vector<16xf32>
        %mul3A_939 = arith.mulf %mul3A_935, %mul3A_935 : vector<16xf32>
        %sub3A_940 = arith.subf %mul3A_938, %mul3A_939 : vector<16xf32>
        %add3A_941 = arith.constant 9.99999974E-6 : f32
        %add3A_942 = vector.broadcast %add3A_941 : f32 to vector<16xf32>
        %add3A_943 = arith.addf %sub3A_940, %add3A_942 : vector<16xf32>
        %bitcast_convert_type3A_944 = tpu.bitcast %add3A_943 : vector<16xf32> -> vector<16xi32>
        %shift_right_logical3A_945 = arith.constant 1 : i32
        %shift_right_logical3A_946 = vector.broadcast %shift_right_logical3A_945 : i32 to vector<16xi32>
        %shift_right_logical3A_947 = arith.shrui %bitcast_convert_type3A_944, %shift_right_logical3A_946 : vector<16xi32>
        %sub3A_948 = arith.constant 1597463007 : i32
        %sub3A_949 = vector.broadcast %sub3A_948 : i32 to vector<16xi32>
        %sub3A_950 = arith.subi %sub3A_949, %shift_right_logical3A_947 : vector<16xi32>
        %bitcast_convert_type3A_951 = tpu.bitcast %sub3A_950 : vector<16xi32> -> vector<16xf32>
        %mul3A_952 = arith.constant 5.000000e-01 : f32
        %mul3A_953 = vector.broadcast %mul3A_952 : f32 to vector<16xf32>
        %mul3A_954 = arith.mulf %mul3A_953, %add3A_943 : vector<16xf32>
        %mul3A_955 = arith.mulf %mul3A_954, %bitcast_convert_type3A_951 : vector<16xf32>
        %mul3A_956 = arith.mulf %mul3A_955, %bitcast_convert_type3A_951 : vector<16xf32>
        %sub3A_957 = arith.constant 1.500000e+00 : f32
        %sub3A_958 = vector.broadcast %sub3A_957 : f32 to vector<16xf32>
        %sub3A_959 = arith.subf %sub3A_958, %mul3A_956 : vector<16xf32>
        %mul3A_960 = arith.mulf %bitcast_convert_type3A_951, %sub3A_959 : vector<16xf32>
        %sub3A_961 = arith.subf %get3A_816, %mul3A_935 : vector<16xf32>
        %mul3A_962 = arith.mulf %sub3A_961, %mul3A_960 : vector<16xf32>
        %mul3A_963 = arith.mulf %mul3A_962, %get3A_4 : vector<16xf32>
        %add3A_964 = arith.addf %mul3A_963, %get3A_16 : vector<16xf32>
        %swap3A_965 = arith.constant 0 : i32
        %swap3A_966 = arith.index_cast %swap3A_965 : i32 to index
        %swap3A_967 = arith.index_cast %add3A_810 : i32 to index
        %swap3A_968 = arith.constant 0 : index
        %swap3A_969 = tpu.vector_load %arg11[%swap3A_966, %swap3A_967, %swap3A_968] {strides = array<i32>} : memref<2x128x64xf32, #tpu.memory_space<vmem>>, vector<1x1x16xf32>,
        %swap3A_970 = vector.shape_cast %swap3A_969 : vector<1x1x16xf32> to vector<16xf32>
        %swap3A_971 = vector.shape_cast %add3A_964 : vector<16xf32> to vector<1x1x16xf32>
        tpu.vector_store %arg11[%swap3A_966, %swap3A_967, %swap3A_968], %swap3A_971 {strides = array<i32>} : memref<2x128x64xf32, #tpu.memory_space<vmem>>, vector<1x1x16xf32>,
        %sub3A_972 = arith.subf %get3A_822, %mul3A_935 : vector<16xf32>
        %mul3A_973 = arith.mulf %sub3A_972, %mul3A_960 : vector<16xf32>
        %mul3A_974 = arith.mulf %mul3A_973, %get3A_7 : vector<16xf32>
        %add3A_975 = arith.addf %mul3A_974, %get3A_19 : vector<16xf32>
        %swap3A_976 = arith.constant 0 : i32
        %swap3A_977 = arith.index_cast %swap3A_976 : i32 to index
        %swap3A_978 = arith.index_cast %add3A_810 : i32 to index
        %swap3A_979 = arith.constant 16 : index
        %swap3A_980 = tpu.vector_load %arg11[%swap3A_977, %swap3A_978, %swap3A_979] {strides = array<i32>} : memref<2x128x64xf32, #tpu.memory_space<vmem>>, vector<1x1x16xf32>,
        %swap3A_981 = vector.shape_cast %swap3A_980 : vector<1x1x16xf32> to vector<16xf32>
        %swap3A_982 = vector.shape_cast %add3A_975 : vector<16xf32> to vector<1x1x16xf32>
        tpu.vector_store %arg11[%swap3A_977, %swap3A_978, %swap3A_979], %swap3A_982 {strides = array<i32>} : memref<2x128x64xf32, #tpu.memory_space<vmem>>, vector<1x1x16xf32>,
        %sub3A_983 = arith.subf %get3A_828, %mul3A_935 : vector<16xf32>
        %mul3A_984 = arith.mulf %sub3A_983, %mul3A_960 : vector<16xf32>
        %mul3A_985 = arith.mulf %mul3A_984, %get3A_10 : vector<16xf32>
        %add3A_986 = arith.addf %mul3A_985, %get3A_22 : vector<16xf32>
        %swap3A_987 = arith.constant 0 : i32
        %swap3A_988 = arith.index_cast %swap3A_987 : i32 to index
        %swap3A_989 = arith.index_cast %add3A_810 : i32 to index
        %swap3A_990 = arith.constant 32 : index
        %swap3A_991 = tpu.vector_load %arg11[%swap3A_988, %swap3A_989, %swap3A_990] {strides = array<i32>} : memref<2x128x64xf32, #tpu.memory_space<vmem>>, vector<1x1x16xf32>,
        %swap3A_992 = vector.shape_cast %swap3A_991 : vector<1x1x16xf32> to vector<16xf32>
        %swap3A_993 = vector.shape_cast %add3A_986 : vector<16xf32> to vector<1x1x16xf32>
        tpu.vector_store %arg11[%swap3A_988, %swap3A_989, %swap3A_990], %swap3A_993 {strides = array<i32>} : memref<2x128x64xf32, #tpu.memory_space<vmem>>, vector<1x1x16xf32>,
        %sub3A_994 = arith.subf %get3A_834, %mul3A_935 : vector<16xf32>
        %mul3A_995 = arith.mulf %sub3A_994, %mul3A_960 : vector<16xf32>
        %mul3A_996 = arith.mulf %mul3A_995, %get3A_13 : vector<16xf32>
        %add3A_997 = arith.addf %mul3A_996, %get3A_25 : vector<16xf32>
        %swap3A_998 = arith.constant 0 : i32
        %swap3A_999 = arith.index_cast %swap3A_998 : i32 to index
        %swap3A_1000 = arith.index_cast %add3A_810 : i32 to index
        %swap3A_1001 = arith.constant 48 : index
        %swap3A_1002 = tpu.vector_load %arg11[%swap3A_999, %swap3A_1000, %swap3A_1001] {strides = array<i32>} : memref<2x128x64xf32, #tpu.memory_space<vmem>>, vector<1x1x16xf32>,
        %swap3A_1003 = vector.shape_cast %swap3A_1002 : vector<1x1x16xf32> to vector<16xf32>
        %swap3A_1004 = vector.shape_cast %add3A_997 : vector<16xf32> to vector<1x1x16xf32>
        tpu.vector_store %arg11[%swap3A_999, %swap3A_1000, %swap3A_1001], %swap3A_1004 {strides = array<i32>} : memref<2x128x64xf32, #tpu.memory_space<vmem>>, vector<1x1x16xf32>,
      }
      %scan3A_155 = arith.constant 32 : i32
      %scan3A_156 = arith.constant 0 : i32
      %scan3A_157 = arith.constant 0 : i32
      %scan3A_158 = arith.constant 32 : i32
      %scan3A_159 = arith.addi %scan3A_157, %scan3A_158 : i32
      %scan3A_160 = arith.constant 1 : i32
      scf.for %scan3A_219 = %scan3A_157 to %scan3A_159 step %scan3A_160  : i32 {
        %mul3A_220 = arith.constant 4 : i32
        %mul3A_221 = arith.muli %scan3A_219, %mul3A_220 : i32
        %add3A_222 = arith.constant 0 : i32
        %add3A_223 = arith.addi %mul3A_221, %add3A_222 : i32
        %get3A_224 = arith.constant 1 : i32
        %get3A_225 = arith.index_cast %get3A_224 : i32 to index
        %get3A_226 = arith.index_cast %add3A_223 : i32 to index
        %get3A_227 = arith.constant 0 : index
        %get3A_228 = tpu.vector_load %arg9[%get3A_225, %get3A_226, %get3A_227] {strides = array<i32>} : memref<2x128x64xf32, #tpu.memory_space<vmem>>, vector<1x1x16xf32>,
        %get3A_229 = vector.shape_cast %get3A_228 : vector<1x1x16xf32> to vector<16xf32>
        %get3A_230 = arith.constant 1 : i32
        %get3A_231 = arith.index_cast %get3A_230 : i32 to index
        %get3A_232 = arith.index_cast %add3A_223 : i32 to index
        %get3A_233 = arith.constant 16 : index
        %get3A_234 = tpu.vector_load %arg9[%get3A_231, %get3A_232, %get3A_233] {strides = array<i32>} : memref<2x128x64xf32, #tpu.memory_space<vmem>>, vector<1x1x16xf32>,
        %get3A_235 = vector.shape_cast %get3A_234 : vector<1x1x16xf32> to vector<16xf32>
        %get3A_236 = arith.constant 1 : i32
        %get3A_237 = arith.index_cast %get3A_236 : i32 to index
        %get3A_238 = arith.index_cast %add3A_223 : i32 to index
        %get3A_239 = arith.constant 32 : index
        %get3A_240 = tpu.vector_load %arg9[%get3A_237, %get3A_238, %get3A_239] {strides = array<i32>} : memref<2x128x64xf32, #tpu.memory_space<vmem>>, vector<1x1x16xf32>,
        %get3A_241 = vector.shape_cast %get3A_240 : vector<1x1x16xf32> to vector<16xf32>
        %get3A_242 = arith.constant 1 : i32
        %get3A_243 = arith.index_cast %get3A_242 : i32 to index
        %get3A_244 = arith.index_cast %add3A_223 : i32 to index
        %get3A_245 = arith.constant 48 : index
        %get3A_246 = tpu.vector_load %arg9[%get3A_243, %get3A_244, %get3A_245] {strides = array<i32>} : memref<2x128x64xf32, #tpu.memory_space<vmem>>, vector<1x1x16xf32>,
        %get3A_247 = vector.shape_cast %get3A_246 : vector<1x1x16xf32> to vector<16xf32>
        %add3A_248 = arith.addf %get3A_229, %get3A_235 : vector<16xf32>
        %add3A_249 = arith.addf %get3A_241, %get3A_247 : vector<16xf32>
        %add3A_250 = arith.addf %add3A_248, %add3A_249 : vector<16xf32>
        %mul3A_251 = arith.mulf %get3A_229, %get3A_229 : vector<16xf32>
        %mul3A_252 = arith.mulf %get3A_235, %get3A_235 : vector<16xf32>
        %add3A_253 = arith.addf %mul3A_251, %mul3A_252 : vector<16xf32>
        %mul3A_254 = arith.mulf %get3A_241, %get3A_241 : vector<16xf32>
        %mul3A_255 = arith.mulf %get3A_247, %get3A_247 : vector<16xf32>
        %add3A_256 = arith.addf %mul3A_254, %mul3A_255 : vector<16xf32>
        %add3A_257 = arith.addf %add3A_253, %add3A_256 : vector<16xf32>
        %lt3A_258 = arith.constant 0 : i32
        %lt3A_259 = vector.broadcast %lt3A_258 : i32 to vector<16xi32>
        %lt3A_260 = arith.cmpi slt, %and3A_30, %lt3A_259 : vector<16xi32>
        %add3A_261 = arith.constant 16 : i32
        %add3A_262 = vector.broadcast %add3A_261 : i32 to vector<16xi32>
        %add3A_263 = arith.addi %and3A_30, %add3A_262 : vector<16xi32>
        %select_n3A = arith.select %lt3A_260, %add3A_263, %and3A_30 : vector<16xi1>, vector<16xi32>
        %broadcast_in_dim3A = vector.shape_cast %select_n3A : vector<16xi32> to vector<16x1xi32>
        %gather3A = vector.shape_cast %broadcast_in_dim3A : vector<16x1xi32> to vector<16xi32>
        %gather3A_264 = tpu.dynamic_gather %add3A_250[%gather3A] in [0] : vector<16xf32>, vector<16xi32> -> vector<16xf32>
        %add3A_265 = arith.addf %add3A_250, %gather3A_264 : vector<16xf32>
        %lt3A_266 = arith.constant 0 : i32
        %lt3A_267 = vector.broadcast %lt3A_266 : i32 to vector<16xi32>
        %lt3A_268 = arith.cmpi slt, %and3A_30, %lt3A_267 : vector<16xi32>
        %add3A_269 = arith.constant 16 : i32
        %add3A_270 = vector.broadcast %add3A_269 : i32 to vector<16xi32>
        %add3A_271 = arith.addi %and3A_30, %add3A_270 : vector<16xi32>
        %select_n3A_272 = arith.select %lt3A_268, %add3A_271, %and3A_30 : vector<16xi1>, vector<16xi32>
        %broadcast_in_dim3A_273 = vector.shape_cast %select_n3A_272 : vector<16xi32> to vector<16x1xi32>
        %gather3A_274 = vector.shape_cast %broadcast_in_dim3A_273 : vector<16x1xi32> to vector<16xi32>
        %gather3A_275 = tpu.dynamic_gather %add3A_257[%gather3A_274] in [0] : vector<16xf32>, vector<16xi32> -> vector<16xf32>
        %add3A_276 = arith.addf %add3A_257, %gather3A_275 : vector<16xf32>
        %lt3A_277 = arith.constant 0 : i32
        %lt3A_278 = vector.broadcast %lt3A_277 : i32 to vector<16xi32>
        %lt3A_279 = arith.cmpi slt, %and3A_36, %lt3A_278 : vector<16xi32>
        %add3A_280 = arith.constant 16 : i32
        %add3A_281 = vector.broadcast %add3A_280 : i32 to vector<16xi32>
        %add3A_282 = arith.addi %and3A_36, %add3A_281 : vector<16xi32>
        %select_n3A_283 = arith.select %lt3A_279, %add3A_282, %and3A_36 : vector<16xi1>, vector<16xi32>
        %broadcast_in_dim3A_284 = vector.shape_cast %select_n3A_283 : vector<16xi32> to vector<16x1xi32>
        %gather3A_285 = vector.shape_cast %broadcast_in_dim3A_284 : vector<16x1xi32> to vector<16xi32>
        %gather3A_286 = tpu.dynamic_gather %add3A_265[%gather3A_285] in [0] : vector<16xf32>, vector<16xi32> -> vector<16xf32>
        %add3A_287 = arith.addf %add3A_265, %gather3A_286 : vector<16xf32>
        %lt3A_288 = arith.constant 0 : i32
        %lt3A_289 = vector.broadcast %lt3A_288 : i32 to vector<16xi32>
        %lt3A_290 = arith.cmpi slt, %and3A_36, %lt3A_289 : vector<16xi32>
        %add3A_291 = arith.constant 16 : i32
        %add3A_292 = vector.broadcast %add3A_291 : i32 to vector<16xi32>
        %add3A_293 = arith.addi %and3A_36, %add3A_292 : vector<16xi32>
        %select_n3A_294 = arith.select %lt3A_290, %add3A_293, %and3A_36 : vector<16xi1>, vector<16xi32>
        %broadcast_in_dim3A_295 = vector.shape_cast %select_n3A_294 : vector<16xi32> to vector<16x1xi32>
        %gather3A_296 = vector.shape_cast %broadcast_in_dim3A_295 : vector<16x1xi32> to vector<16xi32>
        %gather3A_297 = tpu.dynamic_gather %add3A_276[%gather3A_296] in [0] : vector<16xf32>, vector<16xi32> -> vector<16xf32>
        %add3A_298 = arith.addf %add3A_276, %gather3A_297 : vector<16xf32>
        %lt3A_299 = arith.constant 0 : i32
        %lt3A_300 = vector.broadcast %lt3A_299 : i32 to vector<16xi32>
        %lt3A_301 = arith.cmpi slt, %and3A_42, %lt3A_300 : vector<16xi32>
        %add3A_302 = arith.constant 16 : i32
        %add3A_303 = vector.broadcast %add3A_302 : i32 to vector<16xi32>
        %add3A_304 = arith.addi %and3A_42, %add3A_303 : vector<16xi32>
        %select_n3A_305 = arith.select %lt3A_301, %add3A_304, %and3A_42 : vector<16xi1>, vector<16xi32>
        %broadcast_in_dim3A_306 = vector.shape_cast %select_n3A_305 : vector<16xi32> to vector<16x1xi32>
        %gather3A_307 = vector.shape_cast %broadcast_in_dim3A_306 : vector<16x1xi32> to vector<16xi32>
        %gather3A_308 = tpu.dynamic_gather %add3A_287[%gather3A_307] in [0] : vector<16xf32>, vector<16xi32> -> vector<16xf32>
        %add3A_309 = arith.addf %add3A_287, %gather3A_308 : vector<16xf32>
        %lt3A_310 = arith.constant 0 : i32
        %lt3A_311 = vector.broadcast %lt3A_310 : i32 to vector<16xi32>
        %lt3A_312 = arith.cmpi slt, %and3A_42, %lt3A_311 : vector<16xi32>
        %add3A_313 = arith.constant 16 : i32
        %add3A_314 = vector.broadcast %add3A_313 : i32 to vector<16xi32>
        %add3A_315 = arith.addi %and3A_42, %add3A_314 : vector<16xi32>
        %select_n3A_316 = arith.select %lt3A_312, %add3A_315, %and3A_42 : vector<16xi1>, vector<16xi32>
        %broadcast_in_dim3A_317 = vector.shape_cast %select_n3A_316 : vector<16xi32> to vector<16x1xi32>
        %gather3A_318 = vector.shape_cast %broadcast_in_dim3A_317 : vector<16x1xi32> to vector<16xi32>
        %gather3A_319 = tpu.dynamic_gather %add3A_298[%gather3A_318] in [0] : vector<16xf32>, vector<16xi32> -> vector<16xf32>
        %add3A_320 = arith.addf %add3A_298, %gather3A_319 : vector<16xf32>
        %lt3A_321 = arith.constant 0 : i32
        %lt3A_322 = vector.broadcast %lt3A_321 : i32 to vector<16xi32>
        %lt3A_323 = arith.cmpi slt, %and3A_48, %lt3A_322 : vector<16xi32>
        %add3A_324 = arith.constant 16 : i32
        %add3A_325 = vector.broadcast %add3A_324 : i32 to vector<16xi32>
        %add3A_326 = arith.addi %and3A_48, %add3A_325 : vector<16xi32>
        %select_n3A_327 = arith.select %lt3A_323, %add3A_326, %and3A_48 : vector<16xi1>, vector<16xi32>
        %broadcast_in_dim3A_328 = vector.shape_cast %select_n3A_327 : vector<16xi32> to vector<16x1xi32>
        %gather3A_329 = vector.shape_cast %broadcast_in_dim3A_328 : vector<16x1xi32> to vector<16xi32>
        %gather3A_330 = tpu.dynamic_gather %add3A_309[%gather3A_329] in [0] : vector<16xf32>, vector<16xi32> -> vector<16xf32>
        %add3A_331 = arith.addf %add3A_309, %gather3A_330 : vector<16xf32>
        %lt3A_332 = arith.constant 0 : i32
        %lt3A_333 = vector.broadcast %lt3A_332 : i32 to vector<16xi32>
        %lt3A_334 = arith.cmpi slt, %and3A_48, %lt3A_333 : vector<16xi32>
        %add3A_335 = arith.constant 16 : i32
        %add3A_336 = vector.broadcast %add3A_335 : i32 to vector<16xi32>
        %add3A_337 = arith.addi %and3A_48, %add3A_336 : vector<16xi32>
        %select_n3A_338 = arith.select %lt3A_334, %add3A_337, %and3A_48 : vector<16xi1>, vector<16xi32>
        %broadcast_in_dim3A_339 = vector.shape_cast %select_n3A_338 : vector<16xi32> to vector<16x1xi32>
        %gather3A_340 = vector.shape_cast %broadcast_in_dim3A_339 : vector<16x1xi32> to vector<16xi32>
        %gather3A_341 = tpu.dynamic_gather %add3A_320[%gather3A_340] in [0] : vector<16xf32>, vector<16xi32> -> vector<16xf32>
        %add3A_342 = arith.addf %add3A_320, %gather3A_341 : vector<16xf32>
        %mul3A_343 = arith.constant 1.562500e-02 : f32
        %mul3A_344 = vector.broadcast %mul3A_343 : f32 to vector<16xf32>
        %mul3A_345 = arith.mulf %add3A_331, %mul3A_344 : vector<16xf32>
        %mul3A_346 = arith.constant 1.562500e-02 : f32
        %mul3A_347 = vector.broadcast %mul3A_346 : f32 to vector<16xf32>
        %mul3A_348 = arith.mulf %add3A_342, %mul3A_347 : vector<16xf32>
        %mul3A_349 = arith.mulf %mul3A_345, %mul3A_345 : vector<16xf32>
        %sub3A = arith.subf %mul3A_348, %mul3A_349 : vector<16xf32>
        %add3A_350 = arith.constant 9.99999974E-6 : f32
        %add3A_351 = vector.broadcast %add3A_350 : f32 to vector<16xf32>
        %add3A_352 = arith.addf %sub3A, %add3A_351 : vector<16xf32>
        %bitcast_convert_type3A = tpu.bitcast %add3A_352 : vector<16xf32> -> vector<16xi32>
        %shift_right_logical3A = arith.constant 1 : i32
        %shift_right_logical3A_353 = vector.broadcast %shift_right_logical3A : i32 to vector<16xi32>
        %shift_right_logical3A_354 = arith.shrui %bitcast_convert_type3A, %shift_right_logical3A_353 : vector<16xi32>
        %sub3A_355 = arith.constant 1597463007 : i32
        %sub3A_356 = vector.broadcast %sub3A_355 : i32 to vector<16xi32>
        %sub3A_357 = arith.subi %sub3A_356, %shift_right_logical3A_354 : vector<16xi32>
        %bitcast_convert_type3A_358 = tpu.bitcast %sub3A_357 : vector<16xi32> -> vector<16xf32>
        %mul3A_359 = arith.constant 5.000000e-01 : f32
        %mul3A_360 = vector.broadcast %mul3A_359 : f32 to vector<16xf32>
        %mul3A_361 = arith.mulf %mul3A_360, %add3A_352 : vector<16xf32>
        %mul3A_362 = arith.mulf %mul3A_361, %bitcast_convert_type3A_358 : vector<16xf32>
        %mul3A_363 = arith.mulf %mul3A_362, %bitcast_convert_type3A_358 : vector<16xf32>
        %sub3A_364 = arith.constant 1.500000e+00 : f32
        %sub3A_365 = vector.broadcast %sub3A_364 : f32 to vector<16xf32>
        %sub3A_366 = arith.subf %sub3A_365, %mul3A_363 : vector<16xf32>
        %mul3A_367 = arith.mulf %bitcast_convert_type3A_358, %sub3A_366 : vector<16xf32>
        %sub3A_368 = arith.subf %get3A_229, %mul3A_345 : vector<16xf32>
        %mul3A_369 = arith.mulf %sub3A_368, %mul3A_367 : vector<16xf32>
        %mul3A_370 = arith.mulf %mul3A_369, %get3A_4 : vector<16xf32>
        %add3A_371 = arith.addf %mul3A_370, %get3A_16 : vector<16xf32>
        %swap3A = arith.constant 1 : i32
        %swap3A_372 = arith.index_cast %swap3A : i32 to index
        %swap3A_373 = arith.index_cast %add3A_223 : i32 to index
        %swap3A_374 = arith.constant 0 : index
        %swap3A_375 = tpu.vector_load %arg11[%swap3A_372, %swap3A_373, %swap3A_374] {strides = array<i32>} : memref<2x128x64xf32, #tpu.memory_space<vmem>>, vector<1x1x16xf32>,
        %swap3A_376 = vector.shape_cast %swap3A_375 : vector<1x1x16xf32> to vector<16xf32>
        %swap3A_377 = vector.shape_cast %add3A_371 : vector<16xf32> to vector<1x1x16xf32>
        tpu.vector_store %arg11[%swap3A_372, %swap3A_373, %swap3A_374], %swap3A_377 {strides = array<i32>} : memref<2x128x64xf32, #tpu.memory_space<vmem>>, vector<1x1x16xf32>,
        %sub3A_378 = arith.subf %get3A_235, %mul3A_345 : vector<16xf32>
        %mul3A_379 = arith.mulf %sub3A_378, %mul3A_367 : vector<16xf32>
        %mul3A_380 = arith.mulf %mul3A_379, %get3A_7 : vector<16xf32>
        %add3A_381 = arith.addf %mul3A_380, %get3A_19 : vector<16xf32>
        %swap3A_382 = arith.constant 1 : i32
        %swap3A_383 = arith.index_cast %swap3A_382 : i32 to index
        %swap3A_384 = arith.index_cast %add3A_223 : i32 to index
        %swap3A_385 = arith.constant 16 : index
        %swap3A_386 = tpu.vector_load %arg11[%swap3A_383, %swap3A_384, %swap3A_385] {strides = array<i32>} : memref<2x128x64xf32, #tpu.memory_space<vmem>>, vector<1x1x16xf32>,
        %swap3A_387 = vector.shape_cast %swap3A_386 : vector<1x1x16xf32> to vector<16xf32>
        %swap3A_388 = vector.shape_cast %add3A_381 : vector<16xf32> to vector<1x1x16xf32>
        tpu.vector_store %arg11[%swap3A_383, %swap3A_384, %swap3A_385], %swap3A_388 {strides = array<i32>} : memref<2x128x64xf32, #tpu.memory_space<vmem>>, vector<1x1x16xf32>,
        %sub3A_389 = arith.subf %get3A_241, %mul3A_345 : vector<16xf32>
        %mul3A_390 = arith.mulf %sub3A_389, %mul3A_367 : vector<16xf32>
        %mul3A_391 = arith.mulf %mul3A_390, %get3A_10 : vector<16xf32>
        %add3A_392 = arith.addf %mul3A_391, %get3A_22 : vector<16xf32>
        %swap3A_393 = arith.constant 1 : i32
        %swap3A_394 = arith.index_cast %swap3A_393 : i32 to index
        %swap3A_395 = arith.index_cast %add3A_223 : i32 to index
        %swap3A_396 = arith.constant 32 : index
        %swap3A_397 = tpu.vector_load %arg11[%swap3A_394, %swap3A_395, %swap3A_396] {strides = array<i32>} : memref<2x128x64xf32, #tpu.memory_space<vmem>>, vector<1x1x16xf32>,
        %swap3A_398 = vector.shape_cast %swap3A_397 : vector<1x1x16xf32> to vector<16xf32>
        %swap3A_399 = vector.shape_cast %add3A_392 : vector<16xf32> to vector<1x1x16xf32>
        tpu.vector_store %arg11[%swap3A_394, %swap3A_395, %swap3A_396], %swap3A_399 {strides = array<i32>} : memref<2x128x64xf32, #tpu.memory_space<vmem>>, vector<1x1x16xf32>,
        %sub3A_400 = arith.subf %get3A_247, %mul3A_345 : vector<16xf32>
        %mul3A_401 = arith.mulf %sub3A_400, %mul3A_367 : vector<16xf32>
        %mul3A_402 = arith.mulf %mul3A_401, %get3A_13 : vector<16xf32>
        %add3A_403 = arith.addf %mul3A_402, %get3A_25 : vector<16xf32>
        %swap3A_404 = arith.constant 1 : i32
        %swap3A_405 = arith.index_cast %swap3A_404 : i32 to index
        %swap3A_406 = arith.index_cast %add3A_223 : i32 to index
        %swap3A_407 = arith.constant 48 : index
        %swap3A_408 = tpu.vector_load %arg11[%swap3A_405, %swap3A_406, %swap3A_407] {strides = array<i32>} : memref<2x128x64xf32, #tpu.memory_space<vmem>>, vector<1x1x16xf32>,
        %swap3A_409 = vector.shape_cast %swap3A_408 : vector<1x1x16xf32> to vector<16xf32>
        %swap3A_410 = vector.shape_cast %add3A_403 : vector<16xf32> to vector<1x1x16xf32>
        tpu.vector_store %arg11[%swap3A_405, %swap3A_406, %swap3A_407], %swap3A_410 {strides = array<i32>} : memref<2x128x64xf32, #tpu.memory_space<vmem>>, vector<1x1x16xf32>,
        %mul3A_411 = arith.constant 4 : i32
        %mul3A_412 = arith.muli %scan3A_219, %mul3A_411 : i32
        %add3A_413 = arith.constant 1 : i32
        %add3A_414 = arith.addi %mul3A_412, %add3A_413 : i32
        %get3A_415 = arith.constant 1 : i32
        %get3A_416 = arith.index_cast %get3A_415 : i32 to index
        %get3A_417 = arith.index_cast %add3A_414 : i32 to index
        %get3A_418 = arith.constant 0 : index
        %get3A_419 = tpu.vector_load %arg9[%get3A_416, %get3A_417, %get3A_418] {strides = array<i32>} : memref<2x128x64xf32, #tpu.memory_space<vmem>>, vector<1x1x16xf32>,
        %get3A_420 = vector.shape_cast %get3A_419 : vector<1x1x16xf32> to vector<16xf32>
        %get3A_421 = arith.constant 1 : i32
        %get3A_422 = arith.index_cast %get3A_421 : i32 to index
        %get3A_423 = arith.index_cast %add3A_414 : i32 to index
        %get3A_424 = arith.constant 16 : index
        %get3A_425 = tpu.vector_load %arg9[%get3A_422, %get3A_423, %get3A_424] {strides = array<i32>} : memref<2x128x64xf32, #tpu.memory_space<vmem>>, vector<1x1x16xf32>,
        %get3A_426 = vector.shape_cast %get3A_425 : vector<1x1x16xf32> to vector<16xf32>
        %get3A_427 = arith.constant 1 : i32
        %get3A_428 = arith.index_cast %get3A_427 : i32 to index
        %get3A_429 = arith.index_cast %add3A_414 : i32 to index
        %get3A_430 = arith.constant 32 : index
        %get3A_431 = tpu.vector_load %arg9[%get3A_428, %get3A_429, %get3A_430] {strides = array<i32>} : memref<2x128x64xf32, #tpu.memory_space<vmem>>, vector<1x1x16xf32>,
        %get3A_432 = vector.shape_cast %get3A_431 : vector<1x1x16xf32> to vector<16xf32>
        %get3A_433 = arith.constant 1 : i32
        %get3A_434 = arith.index_cast %get3A_433 : i32 to index
        %get3A_435 = arith.index_cast %add3A_414 : i32 to index
        %get3A_436 = arith.constant 48 : index
        %get3A_437 = tpu.vector_load %arg9[%get3A_434, %get3A_435, %get3A_436] {strides = array<i32>} : memref<2x128x64xf32, #tpu.memory_space<vmem>>, vector<1x1x16xf32>,
        %get3A_438 = vector.shape_cast %get3A_437 : vector<1x1x16xf32> to vector<16xf32>
        %add3A_439 = arith.addf %get3A_420, %get3A_426 : vector<16xf32>
        %add3A_440 = arith.addf %get3A_432, %get3A_438 : vector<16xf32>
        %add3A_441 = arith.addf %add3A_439, %add3A_440 : vector<16xf32>
        %mul3A_442 = arith.mulf %get3A_420, %get3A_420 : vector<16xf32>
        %mul3A_443 = arith.mulf %get3A_426, %get3A_426 : vector<16xf32>
        %add3A_444 = arith.addf %mul3A_442, %mul3A_443 : vector<16xf32>
        %mul3A_445 = arith.mulf %get3A_432, %get3A_432 : vector<16xf32>
        %mul3A_446 = arith.mulf %get3A_438, %get3A_438 : vector<16xf32>
        %add3A_447 = arith.addf %mul3A_445, %mul3A_446 : vector<16xf32>
        %add3A_448 = arith.addf %add3A_444, %add3A_447 : vector<16xf32>
        %lt3A_449 = arith.constant 0 : i32
        %lt3A_450 = vector.broadcast %lt3A_449 : i32 to vector<16xi32>
        %lt3A_451 = arith.cmpi slt, %and3A_30, %lt3A_450 : vector<16xi32>
        %add3A_452 = arith.constant 16 : i32
        %add3A_453 = vector.broadcast %add3A_452 : i32 to vector<16xi32>
        %add3A_454 = arith.addi %and3A_30, %add3A_453 : vector<16xi32>
        %select_n3A_455 = arith.select %lt3A_451, %add3A_454, %and3A_30 : vector<16xi1>, vector<16xi32>
        %broadcast_in_dim3A_456 = vector.shape_cast %select_n3A_455 : vector<16xi32> to vector<16x1xi32>
        %gather3A_457 = vector.shape_cast %broadcast_in_dim3A_456 : vector<16x1xi32> to vector<16xi32>
        %gather3A_458 = tpu.dynamic_gather %add3A_441[%gather3A_457] in [0] : vector<16xf32>, vector<16xi32> -> vector<16xf32>
        %add3A_459 = arith.addf %add3A_441, %gather3A_458 : vector<16xf32>
        %lt3A_460 = arith.constant 0 : i32
        %lt3A_461 = vector.broadcast %lt3A_460 : i32 to vector<16xi32>
        %lt3A_462 = arith.cmpi slt, %and3A_30, %lt3A_461 : vector<16xi32>
        %add3A_463 = arith.constant 16 : i32
        %add3A_464 = vector.broadcast %add3A_463 : i32 to vector<16xi32>
        %add3A_465 = arith.addi %and3A_30, %add3A_464 : vector<16xi32>
        %select_n3A_466 = arith.select %lt3A_462, %add3A_465, %and3A_30 : vector<16xi1>, vector<16xi32>
        %broadcast_in_dim3A_467 = vector.shape_cast %select_n3A_466 : vector<16xi32> to vector<16x1xi32>
        %gather3A_468 = vector.shape_cast %broadcast_in_dim3A_467 : vector<16x1xi32> to vector<16xi32>
        %gather3A_469 = tpu.dynamic_gather %add3A_448[%gather3A_468] in [0] : vector<16xf32>, vector<16xi32> -> vector<16xf32>
        %add3A_470 = arith.addf %add3A_448, %gather3A_469 : vector<16xf32>
        %lt3A_471 = arith.constant 0 : i32
        %lt3A_472 = vector.broadcast %lt3A_471 : i32 to vector<16xi32>
        %lt3A_473 = arith.cmpi slt, %and3A_36, %lt3A_472 : vector<16xi32>
        %add3A_474 = arith.constant 16 : i32
        %add3A_475 = vector.broadcast %add3A_474 : i32 to vector<16xi32>
        %add3A_476 = arith.addi %and3A_36, %add3A_475 : vector<16xi32>
        %select_n3A_477 = arith.select %lt3A_473, %add3A_476, %and3A_36 : vector<16xi1>, vector<16xi32>
        %broadcast_in_dim3A_478 = vector.shape_cast %select_n3A_477 : vector<16xi32> to vector<16x1xi32>
        %gather3A_479 = vector.shape_cast %broadcast_in_dim3A_478 : vector<16x1xi32> to vector<16xi32>
        %gather3A_480 = tpu.dynamic_gather %add3A_459[%gather3A_479] in [0] : vector<16xf32>, vector<16xi32> -> vector<16xf32>
        %add3A_481 = arith.addf %add3A_459, %gather3A_480 : vector<16xf32>
        %lt3A_482 = arith.constant 0 : i32
        %lt3A_483 = vector.broadcast %lt3A_482 : i32 to vector<16xi32>
        %lt3A_484 = arith.cmpi slt, %and3A_36, %lt3A_483 : vector<16xi32>
        %add3A_485 = arith.constant 16 : i32
        %add3A_486 = vector.broadcast %add3A_485 : i32 to vector<16xi32>
        %add3A_487 = arith.addi %and3A_36, %add3A_486 : vector<16xi32>
        %select_n3A_488 = arith.select %lt3A_484, %add3A_487, %and3A_36 : vector<16xi1>, vector<16xi32>
        %broadcast_in_dim3A_489 = vector.shape_cast %select_n3A_488 : vector<16xi32> to vector<16x1xi32>
        %gather3A_490 = vector.shape_cast %broadcast_in_dim3A_489 : vector<16x1xi32> to vector<16xi32>
        %gather3A_491 = tpu.dynamic_gather %add3A_470[%gather3A_490] in [0] : vector<16xf32>, vector<16xi32> -> vector<16xf32>
        %add3A_492 = arith.addf %add3A_470, %gather3A_491 : vector<16xf32>
        %lt3A_493 = arith.constant 0 : i32
        %lt3A_494 = vector.broadcast %lt3A_493 : i32 to vector<16xi32>
        %lt3A_495 = arith.cmpi slt, %and3A_42, %lt3A_494 : vector<16xi32>
        %add3A_496 = arith.constant 16 : i32
        %add3A_497 = vector.broadcast %add3A_496 : i32 to vector<16xi32>
        %add3A_498 = arith.addi %and3A_42, %add3A_497 : vector<16xi32>
        %select_n3A_499 = arith.select %lt3A_495, %add3A_498, %and3A_42 : vector<16xi1>, vector<16xi32>
        %broadcast_in_dim3A_500 = vector.shape_cast %select_n3A_499 : vector<16xi32> to vector<16x1xi32>
        %gather3A_501 = vector.shape_cast %broadcast_in_dim3A_500 : vector<16x1xi32> to vector<16xi32>
        %gather3A_502 = tpu.dynamic_gather %add3A_481[%gather3A_501] in [0] : vector<16xf32>, vector<16xi32> -> vector<16xf32>
        %add3A_503 = arith.addf %add3A_481, %gather3A_502 : vector<16xf32>
        %lt3A_504 = arith.constant 0 : i32
        %lt3A_505 = vector.broadcast %lt3A_504 : i32 to vector<16xi32>
        %lt3A_506 = arith.cmpi slt, %and3A_42, %lt3A_505 : vector<16xi32>
        %add3A_507 = arith.constant 16 : i32
        %add3A_508 = vector.broadcast %add3A_507 : i32 to vector<16xi32>
        %add3A_509 = arith.addi %and3A_42, %add3A_508 : vector<16xi32>
        %select_n3A_510 = arith.select %lt3A_506, %add3A_509, %and3A_42 : vector<16xi1>, vector<16xi32>
        %broadcast_in_dim3A_511 = vector.shape_cast %select_n3A_510 : vector<16xi32> to vector<16x1xi32>
        %gather3A_512 = vector.shape_cast %broadcast_in_dim3A_511 : vector<16x1xi32> to vector<16xi32>
        %gather3A_513 = tpu.dynamic_gather %add3A_492[%gather3A_512] in [0] : vector<16xf32>, vector<16xi32> -> vector<16xf32>
        %add3A_514 = arith.addf %add3A_492, %gather3A_513 : vector<16xf32>
        %lt3A_515 = arith.constant 0 : i32
        %lt3A_516 = vector.broadcast %lt3A_515 : i32 to vector<16xi32>
        %lt3A_517 = arith.cmpi slt, %and3A_48, %lt3A_516 : vector<16xi32>
        %add3A_518 = arith.constant 16 : i32
        %add3A_519 = vector.broadcast %add3A_518 : i32 to vector<16xi32>
        %add3A_520 = arith.addi %and3A_48, %add3A_519 : vector<16xi32>
        %select_n3A_521 = arith.select %lt3A_517, %add3A_520, %and3A_48 : vector<16xi1>, vector<16xi32>
        %broadcast_in_dim3A_522 = vector.shape_cast %select_n3A_521 : vector<16xi32> to vector<16x1xi32>
        %gather3A_523 = vector.shape_cast %broadcast_in_dim3A_522 : vector<16x1xi32> to vector<16xi32>
        %gather3A_524 = tpu.dynamic_gather %add3A_503[%gather3A_523] in [0] : vector<16xf32>, vector<16xi32> -> vector<16xf32>
        %add3A_525 = arith.addf %add3A_503, %gather3A_524 : vector<16xf32>
        %lt3A_526 = arith.constant 0 : i32
        %lt3A_527 = vector.broadcast %lt3A_526 : i32 to vector<16xi32>
        %lt3A_528 = arith.cmpi slt, %and3A_48, %lt3A_527 : vector<16xi32>
        %add3A_529 = arith.constant 16 : i32
        %add3A_530 = vector.broadcast %add3A_529 : i32 to vector<16xi32>
        %add3A_531 = arith.addi %and3A_48, %add3A_530 : vector<16xi32>
        %select_n3A_532 = arith.select %lt3A_528, %add3A_531, %and3A_48 : vector<16xi1>, vector<16xi32>
        %broadcast_in_dim3A_533 = vector.shape_cast %select_n3A_532 : vector<16xi32> to vector<16x1xi32>
        %gather3A_534 = vector.shape_cast %broadcast_in_dim3A_533 : vector<16x1xi32> to vector<16xi32>
        %gather3A_535 = tpu.dynamic_gather %add3A_514[%gather3A_534] in [0] : vector<16xf32>, vector<16xi32> -> vector<16xf32>
        %add3A_536 = arith.addf %add3A_514, %gather3A_535 : vector<16xf32>
        %mul3A_537 = arith.constant 1.562500e-02 : f32
        %mul3A_538 = vector.broadcast %mul3A_537 : f32 to vector<16xf32>
        %mul3A_539 = arith.mulf %add3A_525, %mul3A_538 : vector<16xf32>
        %mul3A_540 = arith.constant 1.562500e-02 : f32
        %mul3A_541 = vector.broadcast %mul3A_540 : f32 to vector<16xf32>
        %mul3A_542 = arith.mulf %add3A_536, %mul3A_541 : vector<16xf32>
        %mul3A_543 = arith.mulf %mul3A_539, %mul3A_539 : vector<16xf32>
        %sub3A_544 = arith.subf %mul3A_542, %mul3A_543 : vector<16xf32>
        %add3A_545 = arith.constant 9.99999974E-6 : f32
        %add3A_546 = vector.broadcast %add3A_545 : f32 to vector<16xf32>
        %add3A_547 = arith.addf %sub3A_544, %add3A_546 : vector<16xf32>
        %bitcast_convert_type3A_548 = tpu.bitcast %add3A_547 : vector<16xf32> -> vector<16xi32>
        %shift_right_logical3A_549 = arith.constant 1 : i32
        %shift_right_logical3A_550 = vector.broadcast %shift_right_logical3A_549 : i32 to vector<16xi32>
        %shift_right_logical3A_551 = arith.shrui %bitcast_convert_type3A_548, %shift_right_logical3A_550 : vector<16xi32>
        %sub3A_552 = arith.constant 1597463007 : i32
        %sub3A_553 = vector.broadcast %sub3A_552 : i32 to vector<16xi32>
        %sub3A_554 = arith.subi %sub3A_553, %shift_right_logical3A_551 : vector<16xi32>
        %bitcast_convert_type3A_555 = tpu.bitcast %sub3A_554 : vector<16xi32> -> vector<16xf32>
        %mul3A_556 = arith.constant 5.000000e-01 : f32
        %mul3A_557 = vector.broadcast %mul3A_556 : f32 to vector<16xf32>
        %mul3A_558 = arith.mulf %mul3A_557, %add3A_547 : vector<16xf32>
        %mul3A_559 = arith.mulf %mul3A_558, %bitcast_convert_type3A_555 : vector<16xf32>
        %mul3A_560 = arith.mulf %mul3A_559, %bitcast_convert_type3A_555 : vector<16xf32>
        %sub3A_561 = arith.constant 1.500000e+00 : f32
        %sub3A_562 = vector.broadcast %sub3A_561 : f32 to vector<16xf32>
        %sub3A_563 = arith.subf %sub3A_562, %mul3A_560 : vector<16xf32>
        %mul3A_564 = arith.mulf %bitcast_convert_type3A_555, %sub3A_563 : vector<16xf32>
        %sub3A_565 = arith.subf %get3A_420, %mul3A_539 : vector<16xf32>
        %mul3A_566 = arith.mulf %sub3A_565, %mul3A_564 : vector<16xf32>
        %mul3A_567 = arith.mulf %mul3A_566, %get3A_4 : vector<16xf32>
        %add3A_568 = arith.addf %mul3A_567, %get3A_16 : vector<16xf32>
        %swap3A_569 = arith.constant 1 : i32
        %swap3A_570 = arith.index_cast %swap3A_569 : i32 to index
        %swap3A_571 = arith.index_cast %add3A_414 : i32 to index
        %swap3A_572 = arith.constant 0 : index
        %swap3A_573 = tpu.vector_load %arg11[%swap3A_570, %swap3A_571, %swap3A_572] {strides = array<i32>} : memref<2x128x64xf32, #tpu.memory_space<vmem>>, vector<1x1x16xf32>,
        %swap3A_574 = vector.shape_cast %swap3A_573 : vector<1x1x16xf32> to vector<16xf32>
        %swap3A_575 = vector.shape_cast %add3A_568 : vector<16xf32> to vector<1x1x16xf32>
        tpu.vector_store %arg11[%swap3A_570, %swap3A_571, %swap3A_572], %swap3A_575 {strides = array<i32>} : memref<2x128x64xf32, #tpu.memory_space<vmem>>, vector<1x1x16xf32>,
        %sub3A_576 = arith.subf %get3A_426, %mul3A_539 : vector<16xf32>
        %mul3A_577 = arith.mulf %sub3A_576, %mul3A_564 : vector<16xf32>
        %mul3A_578 = arith.mulf %mul3A_577, %get3A_7 : vector<16xf32>
        %add3A_579 = arith.addf %mul3A_578, %get3A_19 : vector<16xf32>
        %swap3A_580 = arith.constant 1 : i32
        %swap3A_581 = arith.index_cast %swap3A_580 : i32 to index
        %swap3A_582 = arith.index_cast %add3A_414 : i32 to index
        %swap3A_583 = arith.constant 16 : index
        %swap3A_584 = tpu.vector_load %arg11[%swap3A_581, %swap3A_582, %swap3A_583] {strides = array<i32>} : memref<2x128x64xf32, #tpu.memory_space<vmem>>, vector<1x1x16xf32>,
        %swap3A_585 = vector.shape_cast %swap3A_584 : vector<1x1x16xf32> to vector<16xf32>
        %swap3A_586 = vector.shape_cast %add3A_579 : vector<16xf32> to vector<1x1x16xf32>
        tpu.vector_store %arg11[%swap3A_581, %swap3A_582, %swap3A_583], %swap3A_586 {strides = array<i32>} : memref<2x128x64xf32, #tpu.memory_space<vmem>>, vector<1x1x16xf32>,
        %sub3A_587 = arith.subf %get3A_432, %mul3A_539 : vector<16xf32>
        %mul3A_588 = arith.mulf %sub3A_587, %mul3A_564 : vector<16xf32>
        %mul3A_589 = arith.mulf %mul3A_588, %get3A_10 : vector<16xf32>
        %add3A_590 = arith.addf %mul3A_589, %get3A_22 : vector<16xf32>
        %swap3A_591 = arith.constant 1 : i32
        %swap3A_592 = arith.index_cast %swap3A_591 : i32 to index
        %swap3A_593 = arith.index_cast %add3A_414 : i32 to index
        %swap3A_594 = arith.constant 32 : index
        %swap3A_595 = tpu.vector_load %arg11[%swap3A_592, %swap3A_593, %swap3A_594] {strides = array<i32>} : memref<2x128x64xf32, #tpu.memory_space<vmem>>, vector<1x1x16xf32>,
        %swap3A_596 = vector.shape_cast %swap3A_595 : vector<1x1x16xf32> to vector<16xf32>
        %swap3A_597 = vector.shape_cast %add3A_590 : vector<16xf32> to vector<1x1x16xf32>
        tpu.vector_store %arg11[%swap3A_592, %swap3A_593, %swap3A_594], %swap3A_597 {strides = array<i32>} : memref<2x128x64xf32, #tpu.memory_space<vmem>>, vector<1x1x16xf32>,
        %sub3A_598 = arith.subf %get3A_438, %mul3A_539 : vector<16xf32>
        %mul3A_599 = arith.mulf %sub3A_598, %mul3A_564 : vector<16xf32>
        %mul3A_600 = arith.mulf %mul3A_599, %get3A_13 : vector<16xf32>
        %add3A_601 = arith.addf %mul3A_600, %get3A_25 : vector<16xf32>
        %swap3A_602 = arith.constant 1 : i32
        %swap3A_603 = arith.index_cast %swap3A_602 : i32 to index
        %swap3A_604 = arith.index_cast %add3A_414 : i32 to index
        %swap3A_605 = arith.constant 48 : index
        %swap3A_606 = tpu.vector_load %arg11[%swap3A_603, %swap3A_604, %swap3A_605] {strides = array<i32>} : memref<2x128x64xf32, #tpu.memory_space<vmem>>, vector<1x1x16xf32>,
        %swap3A_607 = vector.shape_cast %swap3A_606 : vector<1x1x16xf32> to vector<16xf32>
        %swap3A_608 = vector.shape_cast %add3A_601 : vector<16xf32> to vector<1x1x16xf32>
        tpu.vector_store %arg11[%swap3A_603, %swap3A_604, %swap3A_605], %swap3A_608 {strides = array<i32>} : memref<2x128x64xf32, #tpu.memory_space<vmem>>, vector<1x1x16xf32>,
        %mul3A_609 = arith.constant 4 : i32
        %mul3A_610 = arith.muli %scan3A_219, %mul3A_609 : i32
        %add3A_611 = arith.constant 2 : i32
        %add3A_612 = arith.addi %mul3A_610, %add3A_611 : i32
        %get3A_613 = arith.constant 1 : i32
        %get3A_614 = arith.index_cast %get3A_613 : i32 to index
        %get3A_615 = arith.index_cast %add3A_612 : i32 to index
        %get3A_616 = arith.constant 0 : index
        %get3A_617 = tpu.vector_load %arg9[%get3A_614, %get3A_615, %get3A_616] {strides = array<i32>} : memref<2x128x64xf32, #tpu.memory_space<vmem>>, vector<1x1x16xf32>,
        %get3A_618 = vector.shape_cast %get3A_617 : vector<1x1x16xf32> to vector<16xf32>
        %get3A_619 = arith.constant 1 : i32
        %get3A_620 = arith.index_cast %get3A_619 : i32 to index
        %get3A_621 = arith.index_cast %add3A_612 : i32 to index
        %get3A_622 = arith.constant 16 : index
        %get3A_623 = tpu.vector_load %arg9[%get3A_620, %get3A_621, %get3A_622] {strides = array<i32>} : memref<2x128x64xf32, #tpu.memory_space<vmem>>, vector<1x1x16xf32>,
        %get3A_624 = vector.shape_cast %get3A_623 : vector<1x1x16xf32> to vector<16xf32>
        %get3A_625 = arith.constant 1 : i32
        %get3A_626 = arith.index_cast %get3A_625 : i32 to index
        %get3A_627 = arith.index_cast %add3A_612 : i32 to index
        %get3A_628 = arith.constant 32 : index
        %get3A_629 = tpu.vector_load %arg9[%get3A_626, %get3A_627, %get3A_628] {strides = array<i32>} : memref<2x128x64xf32, #tpu.memory_space<vmem>>, vector<1x1x16xf32>,
        %get3A_630 = vector.shape_cast %get3A_629 : vector<1x1x16xf32> to vector<16xf32>
        %get3A_631 = arith.constant 1 : i32
        %get3A_632 = arith.index_cast %get3A_631 : i32 to index
        %get3A_633 = arith.index_cast %add3A_612 : i32 to index
        %get3A_634 = arith.constant 48 : index
        %get3A_635 = tpu.vector_load %arg9[%get3A_632, %get3A_633, %get3A_634] {strides = array<i32>} : memref<2x128x64xf32, #tpu.memory_space<vmem>>, vector<1x1x16xf32>,
        %get3A_636 = vector.shape_cast %get3A_635 : vector<1x1x16xf32> to vector<16xf32>
        %add3A_637 = arith.addf %get3A_618, %get3A_624 : vector<16xf32>
        %add3A_638 = arith.addf %get3A_630, %get3A_636 : vector<16xf32>
        %add3A_639 = arith.addf %add3A_637, %add3A_638 : vector<16xf32>
        %mul3A_640 = arith.mulf %get3A_618, %get3A_618 : vector<16xf32>
        %mul3A_641 = arith.mulf %get3A_624, %get3A_624 : vector<16xf32>
        %add3A_642 = arith.addf %mul3A_640, %mul3A_641 : vector<16xf32>
        %mul3A_643 = arith.mulf %get3A_630, %get3A_630 : vector<16xf32>
        %mul3A_644 = arith.mulf %get3A_636, %get3A_636 : vector<16xf32>
        %add3A_645 = arith.addf %mul3A_643, %mul3A_644 : vector<16xf32>
        %add3A_646 = arith.addf %add3A_642, %add3A_645 : vector<16xf32>
        %lt3A_647 = arith.constant 0 : i32
        %lt3A_648 = vector.broadcast %lt3A_647 : i32 to vector<16xi32>
        %lt3A_649 = arith.cmpi slt, %and3A_30, %lt3A_648 : vector<16xi32>
        %add3A_650 = arith.constant 16 : i32
        %add3A_651 = vector.broadcast %add3A_650 : i32 to vector<16xi32>
        %add3A_652 = arith.addi %and3A_30, %add3A_651 : vector<16xi32>
        %select_n3A_653 = arith.select %lt3A_649, %add3A_652, %and3A_30 : vector<16xi1>, vector<16xi32>
        %broadcast_in_dim3A_654 = vector.shape_cast %select_n3A_653 : vector<16xi32> to vector<16x1xi32>
        %gather3A_655 = vector.shape_cast %broadcast_in_dim3A_654 : vector<16x1xi32> to vector<16xi32>
        %gather3A_656 = tpu.dynamic_gather %add3A_639[%gather3A_655] in [0] : vector<16xf32>, vector<16xi32> -> vector<16xf32>
        %add3A_657 = arith.addf %add3A_639, %gather3A_656 : vector<16xf32>
        %lt3A_658 = arith.constant 0 : i32
        %lt3A_659 = vector.broadcast %lt3A_658 : i32 to vector<16xi32>
        %lt3A_660 = arith.cmpi slt, %and3A_30, %lt3A_659 : vector<16xi32>
        %add3A_661 = arith.constant 16 : i32
        %add3A_662 = vector.broadcast %add3A_661 : i32 to vector<16xi32>
        %add3A_663 = arith.addi %and3A_30, %add3A_662 : vector<16xi32>
        %select_n3A_664 = arith.select %lt3A_660, %add3A_663, %and3A_30 : vector<16xi1>, vector<16xi32>
        %broadcast_in_dim3A_665 = vector.shape_cast %select_n3A_664 : vector<16xi32> to vector<16x1xi32>
        %gather3A_666 = vector.shape_cast %broadcast_in_dim3A_665 : vector<16x1xi32> to vector<16xi32>
        %gather3A_667 = tpu.dynamic_gather %add3A_646[%gather3A_666] in [0] : vector<16xf32>, vector<16xi32> -> vector<16xf32>
        %add3A_668 = arith.addf %add3A_646, %gather3A_667 : vector<16xf32>
        %lt3A_669 = arith.constant 0 : i32
        %lt3A_670 = vector.broadcast %lt3A_669 : i32 to vector<16xi32>
        %lt3A_671 = arith.cmpi slt, %and3A_36, %lt3A_670 : vector<16xi32>
        %add3A_672 = arith.constant 16 : i32
        %add3A_673 = vector.broadcast %add3A_672 : i32 to vector<16xi32>
        %add3A_674 = arith.addi %and3A_36, %add3A_673 : vector<16xi32>
        %select_n3A_675 = arith.select %lt3A_671, %add3A_674, %and3A_36 : vector<16xi1>, vector<16xi32>
        %broadcast_in_dim3A_676 = vector.shape_cast %select_n3A_675 : vector<16xi32> to vector<16x1xi32>
        %gather3A_677 = vector.shape_cast %broadcast_in_dim3A_676 : vector<16x1xi32> to vector<16xi32>
        %gather3A_678 = tpu.dynamic_gather %add3A_657[%gather3A_677] in [0] : vector<16xf32>, vector<16xi32> -> vector<16xf32>
        %add3A_679 = arith.addf %add3A_657, %gather3A_678 : vector<16xf32>
        %lt3A_680 = arith.constant 0 : i32
        %lt3A_681 = vector.broadcast %lt3A_680 : i32 to vector<16xi32>
        %lt3A_682 = arith.cmpi slt, %and3A_36, %lt3A_681 : vector<16xi32>
        %add3A_683 = arith.constant 16 : i32
        %add3A_684 = vector.broadcast %add3A_683 : i32 to vector<16xi32>
        %add3A_685 = arith.addi %and3A_36, %add3A_684 : vector<16xi32>
        %select_n3A_686 = arith.select %lt3A_682, %add3A_685, %and3A_36 : vector<16xi1>, vector<16xi32>
        %broadcast_in_dim3A_687 = vector.shape_cast %select_n3A_686 : vector<16xi32> to vector<16x1xi32>
        %gather3A_688 = vector.shape_cast %broadcast_in_dim3A_687 : vector<16x1xi32> to vector<16xi32>
        %gather3A_689 = tpu.dynamic_gather %add3A_668[%gather3A_688] in [0] : vector<16xf32>, vector<16xi32> -> vector<16xf32>
        %add3A_690 = arith.addf %add3A_668, %gather3A_689 : vector<16xf32>
        %lt3A_691 = arith.constant 0 : i32
        %lt3A_692 = vector.broadcast %lt3A_691 : i32 to vector<16xi32>
        %lt3A_693 = arith.cmpi slt, %and3A_42, %lt3A_692 : vector<16xi32>
        %add3A_694 = arith.constant 16 : i32
        %add3A_695 = vector.broadcast %add3A_694 : i32 to vector<16xi32>
        %add3A_696 = arith.addi %and3A_42, %add3A_695 : vector<16xi32>
        %select_n3A_697 = arith.select %lt3A_693, %add3A_696, %and3A_42 : vector<16xi1>, vector<16xi32>
        %broadcast_in_dim3A_698 = vector.shape_cast %select_n3A_697 : vector<16xi32> to vector<16x1xi32>
        %gather3A_699 = vector.shape_cast %broadcast_in_dim3A_698 : vector<16x1xi32> to vector<16xi32>
        %gather3A_700 = tpu.dynamic_gather %add3A_679[%gather3A_699] in [0] : vector<16xf32>, vector<16xi32> -> vector<16xf32>
        %add3A_701 = arith.addf %add3A_679, %gather3A_700 : vector<16xf32>
        %lt3A_702 = arith.constant 0 : i32
        %lt3A_703 = vector.broadcast %lt3A_702 : i32 to vector<16xi32>
        %lt3A_704 = arith.cmpi slt, %and3A_42, %lt3A_703 : vector<16xi32>
        %add3A_705 = arith.constant 16 : i32
        %add3A_706 = vector.broadcast %add3A_705 : i32 to vector<16xi32>
        %add3A_707 = arith.addi %and3A_42, %add3A_706 : vector<16xi32>
        %select_n3A_708 = arith.select %lt3A_704, %add3A_707, %and3A_42 : vector<16xi1>, vector<16xi32>
        %broadcast_in_dim3A_709 = vector.shape_cast %select_n3A_708 : vector<16xi32> to vector<16x1xi32>
        %gather3A_710 = vector.shape_cast %broadcast_in_dim3A_709 : vector<16x1xi32> to vector<16xi32>
        %gather3A_711 = tpu.dynamic_gather %add3A_690[%gather3A_710] in [0] : vector<16xf32>, vector<16xi32> -> vector<16xf32>
        %add3A_712 = arith.addf %add3A_690, %gather3A_711 : vector<16xf32>
        %lt3A_713 = arith.constant 0 : i32
        %lt3A_714 = vector.broadcast %lt3A_713 : i32 to vector<16xi32>
        %lt3A_715 = arith.cmpi slt, %and3A_48, %lt3A_714 : vector<16xi32>
        %add3A_716 = arith.constant 16 : i32
        %add3A_717 = vector.broadcast %add3A_716 : i32 to vector<16xi32>
        %add3A_718 = arith.addi %and3A_48, %add3A_717 : vector<16xi32>
        %select_n3A_719 = arith.select %lt3A_715, %add3A_718, %and3A_48 : vector<16xi1>, vector<16xi32>
        %broadcast_in_dim3A_720 = vector.shape_cast %select_n3A_719 : vector<16xi32> to vector<16x1xi32>
        %gather3A_721 = vector.shape_cast %broadcast_in_dim3A_720 : vector<16x1xi32> to vector<16xi32>
        %gather3A_722 = tpu.dynamic_gather %add3A_701[%gather3A_721] in [0] : vector<16xf32>, vector<16xi32> -> vector<16xf32>
        %add3A_723 = arith.addf %add3A_701, %gather3A_722 : vector<16xf32>
        %lt3A_724 = arith.constant 0 : i32
        %lt3A_725 = vector.broadcast %lt3A_724 : i32 to vector<16xi32>
        %lt3A_726 = arith.cmpi slt, %and3A_48, %lt3A_725 : vector<16xi32>
        %add3A_727 = arith.constant 16 : i32
        %add3A_728 = vector.broadcast %add3A_727 : i32 to vector<16xi32>
        %add3A_729 = arith.addi %and3A_48, %add3A_728 : vector<16xi32>
        %select_n3A_730 = arith.select %lt3A_726, %add3A_729, %and3A_48 : vector<16xi1>, vector<16xi32>
        %broadcast_in_dim3A_731 = vector.shape_cast %select_n3A_730 : vector<16xi32> to vector<16x1xi32>
        %gather3A_732 = vector.shape_cast %broadcast_in_dim3A_731 : vector<16x1xi32> to vector<16xi32>
        %gather3A_733 = tpu.dynamic_gather %add3A_712[%gather3A_732] in [0] : vector<16xf32>, vector<16xi32> -> vector<16xf32>
        %add3A_734 = arith.addf %add3A_712, %gather3A_733 : vector<16xf32>
        %mul3A_735 = arith.constant 1.562500e-02 : f32
        %mul3A_736 = vector.broadcast %mul3A_735 : f32 to vector<16xf32>
        %mul3A_737 = arith.mulf %add3A_723, %mul3A_736 : vector<16xf32>
        %mul3A_738 = arith.constant 1.562500e-02 : f32
        %mul3A_739 = vector.broadcast %mul3A_738 : f32 to vector<16xf32>
        %mul3A_740 = arith.mulf %add3A_734, %mul3A_739 : vector<16xf32>
        %mul3A_741 = arith.mulf %mul3A_737, %mul3A_737 : vector<16xf32>
        %sub3A_742 = arith.subf %mul3A_740, %mul3A_741 : vector<16xf32>
        %add3A_743 = arith.constant 9.99999974E-6 : f32
        %add3A_744 = vector.broadcast %add3A_743 : f32 to vector<16xf32>
        %add3A_745 = arith.addf %sub3A_742, %add3A_744 : vector<16xf32>
        %bitcast_convert_type3A_746 = tpu.bitcast %add3A_745 : vector<16xf32> -> vector<16xi32>
        %shift_right_logical3A_747 = arith.constant 1 : i32
        %shift_right_logical3A_748 = vector.broadcast %shift_right_logical3A_747 : i32 to vector<16xi32>
        %shift_right_logical3A_749 = arith.shrui %bitcast_convert_type3A_746, %shift_right_logical3A_748 : vector<16xi32>
        %sub3A_750 = arith.constant 1597463007 : i32
        %sub3A_751 = vector.broadcast %sub3A_750 : i32 to vector<16xi32>
        %sub3A_752 = arith.subi %sub3A_751, %shift_right_logical3A_749 : vector<16xi32>
        %bitcast_convert_type3A_753 = tpu.bitcast %sub3A_752 : vector<16xi32> -> vector<16xf32>
        %mul3A_754 = arith.constant 5.000000e-01 : f32
        %mul3A_755 = vector.broadcast %mul3A_754 : f32 to vector<16xf32>
        %mul3A_756 = arith.mulf %mul3A_755, %add3A_745 : vector<16xf32>
        %mul3A_757 = arith.mulf %mul3A_756, %bitcast_convert_type3A_753 : vector<16xf32>
        %mul3A_758 = arith.mulf %mul3A_757, %bitcast_convert_type3A_753 : vector<16xf32>
        %sub3A_759 = arith.constant 1.500000e+00 : f32
        %sub3A_760 = vector.broadcast %sub3A_759 : f32 to vector<16xf32>
        %sub3A_761 = arith.subf %sub3A_760, %mul3A_758 : vector<16xf32>
        %mul3A_762 = arith.mulf %bitcast_convert_type3A_753, %sub3A_761 : vector<16xf32>
        %sub3A_763 = arith.subf %get3A_618, %mul3A_737 : vector<16xf32>
        %mul3A_764 = arith.mulf %sub3A_763, %mul3A_762 : vector<16xf32>
        %mul3A_765 = arith.mulf %mul3A_764, %get3A_4 : vector<16xf32>
        %add3A_766 = arith.addf %mul3A_765, %get3A_16 : vector<16xf32>
        %swap3A_767 = arith.constant 1 : i32
        %swap3A_768 = arith.index_cast %swap3A_767 : i32 to index
        %swap3A_769 = arith.index_cast %add3A_612 : i32 to index
        %swap3A_770 = arith.constant 0 : index
        %swap3A_771 = tpu.vector_load %arg11[%swap3A_768, %swap3A_769, %swap3A_770] {strides = array<i32>} : memref<2x128x64xf32, #tpu.memory_space<vmem>>, vector<1x1x16xf32>,
        %swap3A_772 = vector.shape_cast %swap3A_771 : vector<1x1x16xf32> to vector<16xf32>
        %swap3A_773 = vector.shape_cast %add3A_766 : vector<16xf32> to vector<1x1x16xf32>
        tpu.vector_store %arg11[%swap3A_768, %swap3A_769, %swap3A_770], %swap3A_773 {strides = array<i32>} : memref<2x128x64xf32, #tpu.memory_space<vmem>>, vector<1x1x16xf32>,
        %sub3A_774 = arith.subf %get3A_624, %mul3A_737 : vector<16xf32>
        %mul3A_775 = arith.mulf %sub3A_774, %mul3A_762 : vector<16xf32>
        %mul3A_776 = arith.mulf %mul3A_775, %get3A_7 : vector<16xf32>
        %add3A_777 = arith.addf %mul3A_776, %get3A_19 : vector<16xf32>
        %swap3A_778 = arith.constant 1 : i32
        %swap3A_779 = arith.index_cast %swap3A_778 : i32 to index
        %swap3A_780 = arith.index_cast %add3A_612 : i32 to index
        %swap3A_781 = arith.constant 16 : index
        %swap3A_782 = tpu.vector_load %arg11[%swap3A_779, %swap3A_780, %swap3A_781] {strides = array<i32>} : memref<2x128x64xf32, #tpu.memory_space<vmem>>, vector<1x1x16xf32>,
        %swap3A_783 = vector.shape_cast %swap3A_782 : vector<1x1x16xf32> to vector<16xf32>
        %swap3A_784 = vector.shape_cast %add3A_777 : vector<16xf32> to vector<1x1x16xf32>
        tpu.vector_store %arg11[%swap3A_779, %swap3A_780, %swap3A_781], %swap3A_784 {strides = array<i32>} : memref<2x128x64xf32, #tpu.memory_space<vmem>>, vector<1x1x16xf32>,
        %sub3A_785 = arith.subf %get3A_630, %mul3A_737 : vector<16xf32>
        %mul3A_786 = arith.mulf %sub3A_785, %mul3A_762 : vector<16xf32>
        %mul3A_787 = arith.mulf %mul3A_786, %get3A_10 : vector<16xf32>
        %add3A_788 = arith.addf %mul3A_787, %get3A_22 : vector<16xf32>
        %swap3A_789 = arith.constant 1 : i32
        %swap3A_790 = arith.index_cast %swap3A_789 : i32 to index
        %swap3A_791 = arith.index_cast %add3A_612 : i32 to index
        %swap3A_792 = arith.constant 32 : index
        %swap3A_793 = tpu.vector_load %arg11[%swap3A_790, %swap3A_791, %swap3A_792] {strides = array<i32>} : memref<2x128x64xf32, #tpu.memory_space<vmem>>, vector<1x1x16xf32>,
        %swap3A_794 = vector.shape_cast %swap3A_793 : vector<1x1x16xf32> to vector<16xf32>
        %swap3A_795 = vector.shape_cast %add3A_788 : vector<16xf32> to vector<1x1x16xf32>
        tpu.vector_store %arg11[%swap3A_790, %swap3A_791, %swap3A_792], %swap3A_795 {strides = array<i32>} : memref<2x128x64xf32, #tpu.memory_space<vmem>>, vector<1x1x16xf32>,
        %sub3A_796 = arith.subf %get3A_636, %mul3A_737 : vector<16xf32>
        %mul3A_797 = arith.mulf %sub3A_796, %mul3A_762 : vector<16xf32>
        %mul3A_798 = arith.mulf %mul3A_797, %get3A_13 : vector<16xf32>
        %add3A_799 = arith.addf %mul3A_798, %get3A_25 : vector<16xf32>
        %swap3A_800 = arith.constant 1 : i32
        %swap3A_801 = arith.index_cast %swap3A_800 : i32 to index
        %swap3A_802 = arith.index_cast %add3A_612 : i32 to index
        %swap3A_803 = arith.constant 48 : index
        %swap3A_804 = tpu.vector_load %arg11[%swap3A_801, %swap3A_802, %swap3A_803] {strides = array<i32>} : memref<2x128x64xf32, #tpu.memory_space<vmem>>, vector<1x1x16xf32>,
        %swap3A_805 = vector.shape_cast %swap3A_804 : vector<1x1x16xf32> to vector<16xf32>
        %swap3A_806 = vector.shape_cast %add3A_799 : vector<16xf32> to vector<1x1x16xf32>
        tpu.vector_store %arg11[%swap3A_801, %swap3A_802, %swap3A_803], %swap3A_806 {strides = array<i32>} : memref<2x128x64xf32, #tpu.memory_space<vmem>>, vector<1x1x16xf32>,
        %mul3A_807 = arith.constant 4 : i32
        %mul3A_808 = arith.muli %scan3A_219, %mul3A_807 : i32
        %add3A_809 = arith.constant 3 : i32
        %add3A_810 = arith.addi %mul3A_808, %add3A_809 : i32
        %get3A_811 = arith.constant 1 : i32
        %get3A_812 = arith.index_cast %get3A_811 : i32 to index
        %get3A_813 = arith.index_cast %add3A_810 : i32 to index
        %get3A_814 = arith.constant 0 : index
        %get3A_815 = tpu.vector_load %arg9[%get3A_812, %get3A_813, %get3A_814] {strides = array<i32>} : memref<2x128x64xf32, #tpu.memory_space<vmem>>, vector<1x1x16xf32>,
        %get3A_816 = vector.shape_cast %get3A_815 : vector<1x1x16xf32> to vector<16xf32>
        %get3A_817 = arith.constant 1 : i32
        %get3A_818 = arith.index_cast %get3A_817 : i32 to index
        %get3A_819 = arith.index_cast %add3A_810 : i32 to index
        %get3A_820 = arith.constant 16 : index
        %get3A_821 = tpu.vector_load %arg9[%get3A_818, %get3A_819, %get3A_820] {strides = array<i32>} : memref<2x128x64xf32, #tpu.memory_space<vmem>>, vector<1x1x16xf32>,
        %get3A_822 = vector.shape_cast %get3A_821 : vector<1x1x16xf32> to vector<16xf32>
        %get3A_823 = arith.constant 1 : i32
        %get3A_824 = arith.index_cast %get3A_823 : i32 to index
        %get3A_825 = arith.index_cast %add3A_810 : i32 to index
        %get3A_826 = arith.constant 32 : index
        %get3A_827 = tpu.vector_load %arg9[%get3A_824, %get3A_825, %get3A_826] {strides = array<i32>} : memref<2x128x64xf32, #tpu.memory_space<vmem>>, vector<1x1x16xf32>,
        %get3A_828 = vector.shape_cast %get3A_827 : vector<1x1x16xf32> to vector<16xf32>
        %get3A_829 = arith.constant 1 : i32
        %get3A_830 = arith.index_cast %get3A_829 : i32 to index
        %get3A_831 = arith.index_cast %add3A_810 : i32 to index
        %get3A_832 = arith.constant 48 : index
        %get3A_833 = tpu.vector_load %arg9[%get3A_830, %get3A_831, %get3A_832] {strides = array<i32>} : memref<2x128x64xf32, #tpu.memory_space<vmem>>, vector<1x1x16xf32>,
        %get3A_834 = vector.shape_cast %get3A_833 : vector<1x1x16xf32> to vector<16xf32>
        %add3A_835 = arith.addf %get3A_816, %get3A_822 : vector<16xf32>
        %add3A_836 = arith.addf %get3A_828, %get3A_834 : vector<16xf32>
        %add3A_837 = arith.addf %add3A_835, %add3A_836 : vector<16xf32>
        %mul3A_838 = arith.mulf %get3A_816, %get3A_816 : vector<16xf32>
        %mul3A_839 = arith.mulf %get3A_822, %get3A_822 : vector<16xf32>
        %add3A_840 = arith.addf %mul3A_838, %mul3A_839 : vector<16xf32>
        %mul3A_841 = arith.mulf %get3A_828, %get3A_828 : vector<16xf32>
        %mul3A_842 = arith.mulf %get3A_834, %get3A_834 : vector<16xf32>
        %add3A_843 = arith.addf %mul3A_841, %mul3A_842 : vector<16xf32>
        %add3A_844 = arith.addf %add3A_840, %add3A_843 : vector<16xf32>
        %lt3A_845 = arith.constant 0 : i32
        %lt3A_846 = vector.broadcast %lt3A_845 : i32 to vector<16xi32>
        %lt3A_847 = arith.cmpi slt, %and3A_30, %lt3A_846 : vector<16xi32>
        %add3A_848 = arith.constant 16 : i32
        %add3A_849 = vector.broadcast %add3A_848 : i32 to vector<16xi32>
        %add3A_850 = arith.addi %and3A_30, %add3A_849 : vector<16xi32>
        %select_n3A_851 = arith.select %lt3A_847, %add3A_850, %and3A_30 : vector<16xi1>, vector<16xi32>
        %broadcast_in_dim3A_852 = vector.shape_cast %select_n3A_851 : vector<16xi32> to vector<16x1xi32>
        %gather3A_853 = vector.shape_cast %broadcast_in_dim3A_852 : vector<16x1xi32> to vector<16xi32>
        %gather3A_854 = tpu.dynamic_gather %add3A_837[%gather3A_853] in [0] : vector<16xf32>, vector<16xi32> -> vector<16xf32>
        %add3A_855 = arith.addf %add3A_837, %gather3A_854 : vector<16xf32>
        %lt3A_856 = arith.constant 0 : i32
        %lt3A_857 = vector.broadcast %lt3A_856 : i32 to vector<16xi32>
        %lt3A_858 = arith.cmpi slt, %and3A_30, %lt3A_857 : vector<16xi32>
        %add3A_859 = arith.constant 16 : i32
        %add3A_860 = vector.broadcast %add3A_859 : i32 to vector<16xi32>
        %add3A_861 = arith.addi %and3A_30, %add3A_860 : vector<16xi32>
        %select_n3A_862 = arith.select %lt3A_858, %add3A_861, %and3A_30 : vector<16xi1>, vector<16xi32>
        %broadcast_in_dim3A_863 = vector.shape_cast %select_n3A_862 : vector<16xi32> to vector<16x1xi32>
        %gather3A_864 = vector.shape_cast %broadcast_in_dim3A_863 : vector<16x1xi32> to vector<16xi32>
        %gather3A_865 = tpu.dynamic_gather %add3A_844[%gather3A_864] in [0] : vector<16xf32>, vector<16xi32> -> vector<16xf32>
        %add3A_866 = arith.addf %add3A_844, %gather3A_865 : vector<16xf32>
        %lt3A_867 = arith.constant 0 : i32
        %lt3A_868 = vector.broadcast %lt3A_867 : i32 to vector<16xi32>
        %lt3A_869 = arith.cmpi slt, %and3A_36, %lt3A_868 : vector<16xi32>
        %add3A_870 = arith.constant 16 : i32
        %add3A_871 = vector.broadcast %add3A_870 : i32 to vector<16xi32>
        %add3A_872 = arith.addi %and3A_36, %add3A_871 : vector<16xi32>
        %select_n3A_873 = arith.select %lt3A_869, %add3A_872, %and3A_36 : vector<16xi1>, vector<16xi32>
        %broadcast_in_dim3A_874 = vector.shape_cast %select_n3A_873 : vector<16xi32> to vector<16x1xi32>
        %gather3A_875 = vector.shape_cast %broadcast_in_dim3A_874 : vector<16x1xi32> to vector<16xi32>
        %gather3A_876 = tpu.dynamic_gather %add3A_855[%gather3A_875] in [0] : vector<16xf32>, vector<16xi32> -> vector<16xf32>
        %add3A_877 = arith.addf %add3A_855, %gather3A_876 : vector<16xf32>
        %lt3A_878 = arith.constant 0 : i32
        %lt3A_879 = vector.broadcast %lt3A_878 : i32 to vector<16xi32>
        %lt3A_880 = arith.cmpi slt, %and3A_36, %lt3A_879 : vector<16xi32>
        %add3A_881 = arith.constant 16 : i32
        %add3A_882 = vector.broadcast %add3A_881 : i32 to vector<16xi32>
        %add3A_883 = arith.addi %and3A_36, %add3A_882 : vector<16xi32>
        %select_n3A_884 = arith.select %lt3A_880, %add3A_883, %and3A_36 : vector<16xi1>, vector<16xi32>
        %broadcast_in_dim3A_885 = vector.shape_cast %select_n3A_884 : vector<16xi32> to vector<16x1xi32>
        %gather3A_886 = vector.shape_cast %broadcast_in_dim3A_885 : vector<16x1xi32> to vector<16xi32>
        %gather3A_887 = tpu.dynamic_gather %add3A_866[%gather3A_886] in [0] : vector<16xf32>, vector<16xi32> -> vector<16xf32>
        %add3A_888 = arith.addf %add3A_866, %gather3A_887 : vector<16xf32>
        %lt3A_889 = arith.constant 0 : i32
        %lt3A_890 = vector.broadcast %lt3A_889 : i32 to vector<16xi32>
        %lt3A_891 = arith.cmpi slt, %and3A_42, %lt3A_890 : vector<16xi32>
        %add3A_892 = arith.constant 16 : i32
        %add3A_893 = vector.broadcast %add3A_892 : i32 to vector<16xi32>
        %add3A_894 = arith.addi %and3A_42, %add3A_893 : vector<16xi32>
        %select_n3A_895 = arith.select %lt3A_891, %add3A_894, %and3A_42 : vector<16xi1>, vector<16xi32>
        %broadcast_in_dim3A_896 = vector.shape_cast %select_n3A_895 : vector<16xi32> to vector<16x1xi32>
        %gather3A_897 = vector.shape_cast %broadcast_in_dim3A_896 : vector<16x1xi32> to vector<16xi32>
        %gather3A_898 = tpu.dynamic_gather %add3A_877[%gather3A_897] in [0] : vector<16xf32>, vector<16xi32> -> vector<16xf32>
        %add3A_899 = arith.addf %add3A_877, %gather3A_898 : vector<16xf32>
        %lt3A_900 = arith.constant 0 : i32
        %lt3A_901 = vector.broadcast %lt3A_900 : i32 to vector<16xi32>
        %lt3A_902 = arith.cmpi slt, %and3A_42, %lt3A_901 : vector<16xi32>
        %add3A_903 = arith.constant 16 : i32
        %add3A_904 = vector.broadcast %add3A_903 : i32 to vector<16xi32>
        %add3A_905 = arith.addi %and3A_42, %add3A_904 : vector<16xi32>
        %select_n3A_906 = arith.select %lt3A_902, %add3A_905, %and3A_42 : vector<16xi1>, vector<16xi32>
        %broadcast_in_dim3A_907 = vector.shape_cast %select_n3A_906 : vector<16xi32> to vector<16x1xi32>
        %gather3A_908 = vector.shape_cast %broadcast_in_dim3A_907 : vector<16x1xi32> to vector<16xi32>
        %gather3A_909 = tpu.dynamic_gather %add3A_888[%gather3A_908] in [0] : vector<16xf32>, vector<16xi32> -> vector<16xf32>
        %add3A_910 = arith.addf %add3A_888, %gather3A_909 : vector<16xf32>
        %lt3A_911 = arith.constant 0 : i32
        %lt3A_912 = vector.broadcast %lt3A_911 : i32 to vector<16xi32>
        %lt3A_913 = arith.cmpi slt, %and3A_48, %lt3A_912 : vector<16xi32>
        %add3A_914 = arith.constant 16 : i32
        %add3A_915 = vector.broadcast %add3A_914 : i32 to vector<16xi32>
        %add3A_916 = arith.addi %and3A_48, %add3A_915 : vector<16xi32>
        %select_n3A_917 = arith.select %lt3A_913, %add3A_916, %and3A_48 : vector<16xi1>, vector<16xi32>
        %broadcast_in_dim3A_918 = vector.shape_cast %select_n3A_917 : vector<16xi32> to vector<16x1xi32>
        %gather3A_919 = vector.shape_cast %broadcast_in_dim3A_918 : vector<16x1xi32> to vector<16xi32>
        %gather3A_920 = tpu.dynamic_gather %add3A_899[%gather3A_919] in [0] : vector<16xf32>, vector<16xi32> -> vector<16xf32>
        %add3A_921 = arith.addf %add3A_899, %gather3A_920 : vector<16xf32>
        %lt3A_922 = arith.constant 0 : i32
        %lt3A_923 = vector.broadcast %lt3A_922 : i32 to vector<16xi32>
        %lt3A_924 = arith.cmpi slt, %and3A_48, %lt3A_923 : vector<16xi32>
        %add3A_925 = arith.constant 16 : i32
        %add3A_926 = vector.broadcast %add3A_925 : i32 to vector<16xi32>
        %add3A_927 = arith.addi %and3A_48, %add3A_926 : vector<16xi32>
        %select_n3A_928 = arith.select %lt3A_924, %add3A_927, %and3A_48 : vector<16xi1>, vector<16xi32>
        %broadcast_in_dim3A_929 = vector.shape_cast %select_n3A_928 : vector<16xi32> to vector<16x1xi32>
        %gather3A_930 = vector.shape_cast %broadcast_in_dim3A_929 : vector<16x1xi32> to vector<16xi32>
        %gather3A_931 = tpu.dynamic_gather %add3A_910[%gather3A_930] in [0] : vector<16xf32>, vector<16xi32> -> vector<16xf32>
        %add3A_932 = arith.addf %add3A_910, %gather3A_931 : vector<16xf32>
        %mul3A_933 = arith.constant 1.562500e-02 : f32
        %mul3A_934 = vector.broadcast %mul3A_933 : f32 to vector<16xf32>
        %mul3A_935 = arith.mulf %add3A_921, %mul3A_934 : vector<16xf32>
        %mul3A_936 = arith.constant 1.562500e-02 : f32
        %mul3A_937 = vector.broadcast %mul3A_936 : f32 to vector<16xf32>
        %mul3A_938 = arith.mulf %add3A_932, %mul3A_937 : vector<16xf32>
        %mul3A_939 = arith.mulf %mul3A_935, %mul3A_935 : vector<16xf32>
        %sub3A_940 = arith.subf %mul3A_938, %mul3A_939 : vector<16xf32>
        %add3A_941 = arith.constant 9.99999974E-6 : f32
        %add3A_942 = vector.broadcast %add3A_941 : f32 to vector<16xf32>
        %add3A_943 = arith.addf %sub3A_940, %add3A_942 : vector<16xf32>
        %bitcast_convert_type3A_944 = tpu.bitcast %add3A_943 : vector<16xf32> -> vector<16xi32>
        %shift_right_logical3A_945 = arith.constant 1 : i32
        %shift_right_logical3A_946 = vector.broadcast %shift_right_logical3A_945 : i32 to vector<16xi32>
        %shift_right_logical3A_947 = arith.shrui %bitcast_convert_type3A_944, %shift_right_logical3A_946 : vector<16xi32>
        %sub3A_948 = arith.constant 1597463007 : i32
        %sub3A_949 = vector.broadcast %sub3A_948 : i32 to vector<16xi32>
        %sub3A_950 = arith.subi %sub3A_949, %shift_right_logical3A_947 : vector<16xi32>
        %bitcast_convert_type3A_951 = tpu.bitcast %sub3A_950 : vector<16xi32> -> vector<16xf32>
        %mul3A_952 = arith.constant 5.000000e-01 : f32
        %mul3A_953 = vector.broadcast %mul3A_952 : f32 to vector<16xf32>
        %mul3A_954 = arith.mulf %mul3A_953, %add3A_943 : vector<16xf32>
        %mul3A_955 = arith.mulf %mul3A_954, %bitcast_convert_type3A_951 : vector<16xf32>
        %mul3A_956 = arith.mulf %mul3A_955, %bitcast_convert_type3A_951 : vector<16xf32>
        %sub3A_957 = arith.constant 1.500000e+00 : f32
        %sub3A_958 = vector.broadcast %sub3A_957 : f32 to vector<16xf32>
        %sub3A_959 = arith.subf %sub3A_958, %mul3A_956 : vector<16xf32>
        %mul3A_960 = arith.mulf %bitcast_convert_type3A_951, %sub3A_959 : vector<16xf32>
        %sub3A_961 = arith.subf %get3A_816, %mul3A_935 : vector<16xf32>
        %mul3A_962 = arith.mulf %sub3A_961, %mul3A_960 : vector<16xf32>
        %mul3A_963 = arith.mulf %mul3A_962, %get3A_4 : vector<16xf32>
        %add3A_964 = arith.addf %mul3A_963, %get3A_16 : vector<16xf32>
        %swap3A_965 = arith.constant 1 : i32
        %swap3A_966 = arith.index_cast %swap3A_965 : i32 to index
        %swap3A_967 = arith.index_cast %add3A_810 : i32 to index
        %swap3A_968 = arith.constant 0 : index
        %swap3A_969 = tpu.vector_load %arg11[%swap3A_966, %swap3A_967, %swap3A_968] {strides = array<i32>} : memref<2x128x64xf32, #tpu.memory_space<vmem>>, vector<1x1x16xf32>,
        %swap3A_970 = vector.shape_cast %swap3A_969 : vector<1x1x16xf32> to vector<16xf32>
        %swap3A_971 = vector.shape_cast %add3A_964 : vector<16xf32> to vector<1x1x16xf32>
        tpu.vector_store %arg11[%swap3A_966, %swap3A_967, %swap3A_968], %swap3A_971 {strides = array<i32>} : memref<2x128x64xf32, #tpu.memory_space<vmem>>, vector<1x1x16xf32>,
        %sub3A_972 = arith.subf %get3A_822, %mul3A_935 : vector<16xf32>
        %mul3A_973 = arith.mulf %sub3A_972, %mul3A_960 : vector<16xf32>
        %mul3A_974 = arith.mulf %mul3A_973, %get3A_7 : vector<16xf32>
        %add3A_975 = arith.addf %mul3A_974, %get3A_19 : vector<16xf32>
        %swap3A_976 = arith.constant 1 : i32
        %swap3A_977 = arith.index_cast %swap3A_976 : i32 to index
        %swap3A_978 = arith.index_cast %add3A_810 : i32 to index
        %swap3A_979 = arith.constant 16 : index
        %swap3A_980 = tpu.vector_load %arg11[%swap3A_977, %swap3A_978, %swap3A_979] {strides = array<i32>} : memref<2x128x64xf32, #tpu.memory_space<vmem>>, vector<1x1x16xf32>,
        %swap3A_981 = vector.shape_cast %swap3A_980 : vector<1x1x16xf32> to vector<16xf32>
        %swap3A_982 = vector.shape_cast %add3A_975 : vector<16xf32> to vector<1x1x16xf32>
        tpu.vector_store %arg11[%swap3A_977, %swap3A_978, %swap3A_979], %swap3A_982 {strides = array<i32>} : memref<2x128x64xf32, #tpu.memory_space<vmem>>, vector<1x1x16xf32>,
        %sub3A_983 = arith.subf %get3A_828, %mul3A_935 : vector<16xf32>
        %mul3A_984 = arith.mulf %sub3A_983, %mul3A_960 : vector<16xf32>
        %mul3A_985 = arith.mulf %mul3A_984, %get3A_10 : vector<16xf32>
        %add3A_986 = arith.addf %mul3A_985, %get3A_22 : vector<16xf32>
        %swap3A_987 = arith.constant 1 : i32
        %swap3A_988 = arith.index_cast %swap3A_987 : i32 to index
        %swap3A_989 = arith.index_cast %add3A_810 : i32 to index
        %swap3A_990 = arith.constant 32 : index
        %swap3A_991 = tpu.vector_load %arg11[%swap3A_988, %swap3A_989, %swap3A_990] {strides = array<i32>} : memref<2x128x64xf32, #tpu.memory_space<vmem>>, vector<1x1x16xf32>,
        %swap3A_992 = vector.shape_cast %swap3A_991 : vector<1x1x16xf32> to vector<16xf32>
        %swap3A_993 = vector.shape_cast %add3A_986 : vector<16xf32> to vector<1x1x16xf32>
        tpu.vector_store %arg11[%swap3A_988, %swap3A_989, %swap3A_990], %swap3A_993 {strides = array<i32>} : memref<2x128x64xf32, #tpu.memory_space<vmem>>, vector<1x1x16xf32>,
        %sub3A_994 = arith.subf %get3A_834, %mul3A_935 : vector<16xf32>
        %mul3A_995 = arith.mulf %sub3A_994, %mul3A_960 : vector<16xf32>
        %mul3A_996 = arith.mulf %mul3A_995, %get3A_13 : vector<16xf32>
        %add3A_997 = arith.addf %mul3A_996, %get3A_25 : vector<16xf32>
        %swap3A_998 = arith.constant 1 : i32
        %swap3A_999 = arith.index_cast %swap3A_998 : i32 to index
        %swap3A_1000 = arith.index_cast %add3A_810 : i32 to index
        %swap3A_1001 = arith.constant 48 : index
        %swap3A_1002 = tpu.vector_load %arg11[%swap3A_999, %swap3A_1000, %swap3A_1001] {strides = array<i32>} : memref<2x128x64xf32, #tpu.memory_space<vmem>>, vector<1x1x16xf32>,
        %swap3A_1003 = vector.shape_cast %swap3A_1002 : vector<1x1x16xf32> to vector<16xf32>
        %swap3A_1004 = vector.shape_cast %add3A_997 : vector<16xf32> to vector<1x1x16xf32>
        tpu.vector_store %arg11[%swap3A_999, %swap3A_1000, %swap3A_1001], %swap3A_1004 {strides = array<i32>} : memref<2x128x64xf32, #tpu.memory_space<vmem>>, vector<1x1x16xf32>,
      }
      %scan3A_161 = arith.constant 32 : i32
      %dma_start3A_162 = arith.constant 0 : i32
      %dma_start3A_163 = arith.constant 0 : i32
      %dma_start3A_164 = tpu.memref_slice %arg6[%add3A_97, %dma_start3A_162, %dma_start3A_163] : memref<6400x128x64xf32, #tpu.memory_space<hbm>> -> memref<2x128x64xf32, #tpu.memory_space<hbm>>
      %dma_start3A_165 = arith.constant 0 : i32
      %dma_start3A_166 = arith.constant 0 : i32
      %dma_start3A_167 = tpu.memref_slice %arg6[%add3A_97, %dma_start3A_165, %dma_start3A_166] : memref<6400x128x64xf32, #tpu.memory_space<hbm>> -> memref<2x128x64xf32, #tpu.memory_space<hbm>>
      tpu.enqueue_dma source(%arg11 : memref<2x128x64xf32, #tpu.memory_space<vmem>>) target(%dma_start3A_167 : memref<2x128x64xf32, #tpu.memory_space<hbm>>) target_semaphore(%arg17 : memref<!tpu.dma_semaphore, #tpu.memory_space<semaphore_mem>>)
      %lt3A = arith.constant 49 : i32
      %lt3A_168 = arith.cmpi slt, %scan3A_92, %lt3A : i32
      %convert_element_type3A_169 = arith.extui %lt3A_168 : i1 to i32
      %cond3A_170 = arith.constant 0 : i32
      %cond3A_171 = arith.cmpi ne, %convert_element_type3A_169, %cond3A_170 : i32
      scf.if %cond3A_171 {
        %add3A_219 = arith.constant 2 : i32
        %add3A_220 = arith.addi %add3A_99, %add3A_219 : i32
        "tpu.region"() ({
          %run_scoped3A = tpu.sem_alloc : memref<!tpu.dma_semaphore, #tpu.memory_space<semaphore_mem>>
          %dma_start3A_245 = arith.constant 0 : i32
          %dma_start3A_246 = tpu.memref_slice %arg2[%add3A_220, %dma_start3A_245] : memref<6400x128xi32, #tpu.memory_space<hbm>> -> memref<2x128xi32, #tpu.memory_space<hbm>>
          %dma_start3A_247 = arith.constant 0 : i32
          %dma_start3A_248 = tpu.memref_slice %arg2[%add3A_220, %dma_start3A_247] : memref<6400x128xi32, #tpu.memory_space<hbm>> -> memref<2x128xi32, #tpu.memory_space<hbm>>
          tpu.enqueue_dma source(%dma_start3A_248 : memref<2x128xi32, #tpu.memory_space<hbm>>) target(%arg7 : memref<2x128xi32, #tpu.memory_space<vmem>>) target_semaphore(%run_scoped3A : memref<!tpu.dma_semaphore, #tpu.memory_space<semaphore_mem>>)
          %dma_wait3A_249 = arith.constant 0 : i32
          %dma_wait3A_250 = tpu.memref_slice %arg2[%add3A_220, %dma_wait3A_249] : memref<6400x128xi32, #tpu.memory_space<hbm>> -> memref<2x128xi32, #tpu.memory_space<hbm>>
          %dma_wait3A_251 = arith.constant 0 : i32
          %dma_wait3A_252 = tpu.memref_slice %arg2[%add3A_220, %dma_wait3A_251] : memref<6400x128xi32, #tpu.memory_space<hbm>> -> memref<2x128xi32, #tpu.memory_space<hbm>>
          tpu.wait_dma2 semaphore(%run_scoped3A : memref<!tpu.dma_semaphore, #tpu.memory_space<semaphore_mem>>) src(%dma_wait3A_252 : memref<2x128xi32, #tpu.memory_space<hbm>>) dst(%arg7 : memref<2x128xi32, #tpu.memory_space<vmem>>)
          tpu.yield
        }) : () -> ()
        %dma_start3A_221 = arith.constant 0 : i32
        %dma_start3A_222 = arith.constant 0 : i32
        %dma_start3A_223 = arith.constant 0 : i32
        %dma_start3A_224 = arith.constant 0 : i32
        %dma_start3A_225 = tpu.memref_slice %arg9[%dma_start3A_222, %dma_start3A_223, %dma_start3A_224] : memref<2x128x64xf32, #tpu.memory_space<vmem>> -> memref<1x128x64xf32, #tpu.memory_space<vmem>>
        %dma_start3A_226 = tpu.memref_squeeze %dma_start3A_225 : memref<1x128x64xf32, #tpu.memory_space<vmem>> -> memref<128x64xf32, #tpu.memory_space<vmem>>
        %dma_start3A_227 = arith.constant 0 : i32
        %dma_start3A_228 = tpu.memref_slice %arg7[%dma_start3A_221, %dma_start3A_227] : memref<2x128xi32, #tpu.memory_space<vmem>> -> memref<1x128xi32, #tpu.memory_space<vmem>>
        %dma_start3A_229 = tpu.memref_squeeze %dma_start3A_228 : memref<1x128xi32, #tpu.memory_space<vmem>> -> memref<128xi32, #tpu.memory_space<vmem>>
        %dma_start3A_230 = arith.constant 0 : i32
        %dma_start3A_231 = arith.constant 0 : i32
        %dma_start3A_232 = tpu.memref_slice %arg3[%dma_start3A_230, %dma_start3A_231] : memref<1000000x64xf32, #tpu.memory_space<hbm>> -> memref<1000000x64xf32, #tpu.memory_space<hbm>>
        tpu.enqueue_indirect_dma source(%dma_start3A_232 : memref<1000000x64xf32, #tpu.memory_space<hbm>>) target(%dma_start3A_226 : memref<128x64xf32, #tpu.memory_space<vmem>>) offsets(%dma_start3A_229 : memref<128xi32, #tpu.memory_space<vmem>>) semaphore(%arg15 : memref<!tpu.dma_semaphore, #tpu.memory_space<semaphore_mem>>)
        %dma_start3A_233 = arith.constant 1 : i32
        %dma_start3A_234 = arith.constant 1 : i32
        %dma_start3A_235 = arith.constant 0 : i32
        %dma_start3A_236 = arith.constant 0 : i32
        %dma_start3A_237 = tpu.memref_slice %arg9[%dma_start3A_234, %dma_start3A_235, %dma_start3A_236] : memref<2x128x64xf32, #tpu.memory_space<vmem>> -> memref<1x128x64xf32, #tpu.memory_space<vmem>>
        %dma_start3A_238 = tpu.memref_squeeze %dma_start3A_237 : memref<1x128x64xf32, #tpu.memory_space<vmem>> -> memref<128x64xf32, #tpu.memory_space<vmem>>
        %dma_start3A_239 = arith.constant 0 : i32
        %dma_start3A_240 = tpu.memref_slice %arg7[%dma_start3A_233, %dma_start3A_239] : memref<2x128xi32, #tpu.memory_space<vmem>> -> memref<1x128xi32, #tpu.memory_space<vmem>>
        %dma_start3A_241 = tpu.memref_squeeze %dma_start3A_240 : memref<1x128xi32, #tpu.memory_space<vmem>> -> memref<128xi32, #tpu.memory_space<vmem>>
        %dma_start3A_242 = arith.constant 0 : i32
        %dma_start3A_243 = arith.constant 0 : i32
        %dma_start3A_244 = tpu.memref_slice %arg3[%dma_start3A_242, %dma_start3A_243] : memref<1000000x64xf32, #tpu.memory_space<hbm>> -> memref<1000000x64xf32, #tpu.memory_space<hbm>>
        tpu.enqueue_indirect_dma source(%dma_start3A_244 : memref<1000000x64xf32, #tpu.memory_space<hbm>>) target(%dma_start3A_238 : memref<128x64xf32, #tpu.memory_space<vmem>>) offsets(%dma_start3A_241 : memref<128xi32, #tpu.memory_space<vmem>>) semaphore(%arg15 : memref<!tpu.dma_semaphore, #tpu.memory_space<semaphore_mem>>)
      } else {
      }
      %dma_wait3A_172 = arith.constant 0 : i32
      %dma_wait3A_173 = arith.constant 0 : i32
      %dma_wait3A_174 = arith.constant 0 : i32
      %dma_wait3A_175 = arith.constant 0 : i32
      %dma_wait3A_176 = tpu.memref_slice %arg10[%dma_wait3A_173, %dma_wait3A_174, %dma_wait3A_175] : memref<2x128x64xf32, #tpu.memory_space<vmem>> -> memref<1x128x64xf32, #tpu.memory_space<vmem>>
      %dma_wait3A_177 = tpu.memref_squeeze %dma_wait3A_176 : memref<1x128x64xf32, #tpu.memory_space<vmem>> -> memref<128x64xf32, #tpu.memory_space<vmem>>
      %dma_wait3A_178 = arith.constant 0 : i32
      %dma_wait3A_179 = tpu.memref_slice %arg7[%dma_wait3A_172, %dma_wait3A_178] : memref<2x128xi32, #tpu.memory_space<vmem>> -> memref<1x128xi32, #tpu.memory_space<vmem>>
      %dma_wait3A_180 = tpu.memref_squeeze %dma_wait3A_179 : memref<1x128xi32, #tpu.memory_space<vmem>> -> memref<128xi32, #tpu.memory_space<vmem>>
      %dma_wait3A_181 = arith.constant 0 : i32
      %dma_wait3A_182 = arith.constant 0 : i32
      %dma_wait3A_183 = tpu.memref_slice %arg3[%dma_wait3A_181, %dma_wait3A_182] : memref<1000000x64xf32, #tpu.memory_space<hbm>> -> memref<1000000x64xf32, #tpu.memory_space<hbm>>
      tpu.wait_indirect_dma semaphore(%arg16 : memref<!tpu.dma_semaphore, #tpu.memory_space<semaphore_mem>>) src(%dma_wait3A_183 : memref<1000000x64xf32, #tpu.memory_space<hbm>>) dst(%dma_wait3A_177 : memref<128x64xf32, #tpu.memory_space<vmem>>)
      %dma_wait3A_184 = arith.constant 1 : i32
      %dma_wait3A_185 = arith.constant 1 : i32
      %dma_wait3A_186 = arith.constant 0 : i32
      %dma_wait3A_187 = arith.constant 0 : i32
      %dma_wait3A_188 = tpu.memref_slice %arg10[%dma_wait3A_185, %dma_wait3A_186, %dma_wait3A_187] : memref<2x128x64xf32, #tpu.memory_space<vmem>> -> memref<1x128x64xf32, #tpu.memory_space<vmem>>
      %dma_wait3A_189 = tpu.memref_squeeze %dma_wait3A_188 : memref<1x128x64xf32, #tpu.memory_space<vmem>> -> memref<128x64xf32, #tpu.memory_space<vmem>>
      %dma_wait3A_190 = arith.constant 0 : i32
      %dma_wait3A_191 = tpu.memref_slice %arg7[%dma_wait3A_184, %dma_wait3A_190] : memref<2x128xi32, #tpu.memory_space<vmem>> -> memref<1x128xi32, #tpu.memory_space<vmem>>
      %dma_wait3A_192 = tpu.memref_squeeze %dma_wait3A_191 : memref<1x128xi32, #tpu.memory_space<vmem>> -> memref<128xi32, #tpu.memory_space<vmem>>
      %dma_wait3A_193 = arith.constant 0 : i32
      %dma_wait3A_194 = arith.constant 0 : i32
      %dma_wait3A_195 = tpu.memref_slice %arg3[%dma_wait3A_193, %dma_wait3A_194] : memref<1000000x64xf32, #tpu.memory_space<hbm>> -> memref<1000000x64xf32, #tpu.memory_space<hbm>>
      tpu.wait_indirect_dma semaphore(%arg16 : memref<!tpu.dma_semaphore, #tpu.memory_space<semaphore_mem>>) src(%dma_wait3A_195 : memref<1000000x64xf32, #tpu.memory_space<hbm>>) dst(%dma_wait3A_189 : memref<128x64xf32, #tpu.memory_space<vmem>>)
      %gt3A_196 = arith.constant 0 : i32
      %gt3A_197 = arith.cmpi sgt, %scan3A_92, %gt3A_196 : i32
      %convert_element_type3A_198 = arith.extui %gt3A_197 : i1 to i32
      %cond3A_199 = arith.constant 0 : i32
      %cond3A_200 = arith.cmpi ne, %convert_element_type3A_198, %cond3A_199 : i32
      scf.if %cond3A_200 {
        %dma_wait3A_219 = arith.constant 0 : i32
        %dma_wait3A_220 = arith.constant 0 : i32
        %dma_wait3A_221 = arith.constant 0 : i32
        %dma_wait3A_222 = tpu.memref_slice %arg6[%dma_wait3A_219, %dma_wait3A_220, %dma_wait3A_221] : memref<6400x128x64xf32, #tpu.memory_space<hbm>> -> memref<2x128x64xf32, #tpu.memory_space<hbm>>
        %dma_wait3A_223 = arith.constant 0 : i32
        %dma_wait3A_224 = arith.constant 0 : i32
        %dma_wait3A_225 = arith.constant 0 : i32
        %dma_wait3A_226 = tpu.memref_slice %arg6[%dma_wait3A_223, %dma_wait3A_224, %dma_wait3A_225] : memref<6400x128x64xf32, #tpu.memory_space<hbm>> -> memref<2x128x64xf32, #tpu.memory_space<hbm>>
        tpu.wait_dma2 semaphore(%arg18 : memref<!tpu.dma_semaphore, #tpu.memory_space<semaphore_mem>>) src(%arg12 : memref<2x128x64xf32, #tpu.memory_space<vmem>>) dst(%dma_wait3A_226 : memref<2x128x64xf32, #tpu.memory_space<hbm>>)
      } else {
      }
      %scan3A_201 = arith.constant 0 : i32
      %scan3A_202 = arith.constant 0 : i32
      %scan3A_203 = arith.constant 32 : i32
      %scan3A_204 = arith.addi %scan3A_202, %scan3A_203 : i32
      %scan3A_205 = arith.constant 1 : i32
      scf.for %scan3A_219 = %scan3A_202 to %scan3A_204 step %scan3A_205  : i32 {
        %mul3A_220 = arith.constant 4 : i32
        %mul3A_221 = arith.muli %scan3A_219, %mul3A_220 : i32
        %add3A_222 = arith.constant 0 : i32
        %add3A_223 = arith.addi %mul3A_221, %add3A_222 : i32
        %get3A_224 = arith.constant 0 : i32
        %get3A_225 = arith.index_cast %get3A_224 : i32 to index
        %get3A_226 = arith.index_cast %add3A_223 : i32 to index
        %get3A_227 = arith.constant 0 : index
        %get3A_228 = tpu.vector_load %arg10[%get3A_225, %get3A_226, %get3A_227] {strides = array<i32>} : memref<2x128x64xf32, #tpu.memory_space<vmem>>, vector<1x1x16xf32>,
        %get3A_229 = vector.shape_cast %get3A_228 : vector<1x1x16xf32> to vector<16xf32>
        %get3A_230 = arith.constant 0 : i32
        %get3A_231 = arith.index_cast %get3A_230 : i32 to index
        %get3A_232 = arith.index_cast %add3A_223 : i32 to index
        %get3A_233 = arith.constant 16 : index
        %get3A_234 = tpu.vector_load %arg10[%get3A_231, %get3A_232, %get3A_233] {strides = array<i32>} : memref<2x128x64xf32, #tpu.memory_space<vmem>>, vector<1x1x16xf32>,
        %get3A_235 = vector.shape_cast %get3A_234 : vector<1x1x16xf32> to vector<16xf32>
        %get3A_236 = arith.constant 0 : i32
        %get3A_237 = arith.index_cast %get3A_236 : i32 to index
        %get3A_238 = arith.index_cast %add3A_223 : i32 to index
        %get3A_239 = arith.constant 32 : index
        %get3A_240 = tpu.vector_load %arg10[%get3A_237, %get3A_238, %get3A_239] {strides = array<i32>} : memref<2x128x64xf32, #tpu.memory_space<vmem>>, vector<1x1x16xf32>,
        %get3A_241 = vector.shape_cast %get3A_240 : vector<1x1x16xf32> to vector<16xf32>
        %get3A_242 = arith.constant 0 : i32
        %get3A_243 = arith.index_cast %get3A_242 : i32 to index
        %get3A_244 = arith.index_cast %add3A_223 : i32 to index
        %get3A_245 = arith.constant 48 : index
        %get3A_246 = tpu.vector_load %arg10[%get3A_243, %get3A_244, %get3A_245] {strides = array<i32>} : memref<2x128x64xf32, #tpu.memory_space<vmem>>, vector<1x1x16xf32>,
        %get3A_247 = vector.shape_cast %get3A_246 : vector<1x1x16xf32> to vector<16xf32>
        %add3A_248 = arith.addf %get3A_229, %get3A_235 : vector<16xf32>
        %add3A_249 = arith.addf %get3A_241, %get3A_247 : vector<16xf32>
        %add3A_250 = arith.addf %add3A_248, %add3A_249 : vector<16xf32>
        %mul3A_251 = arith.mulf %get3A_229, %get3A_229 : vector<16xf32>
        %mul3A_252 = arith.mulf %get3A_235, %get3A_235 : vector<16xf32>
        %add3A_253 = arith.addf %mul3A_251, %mul3A_252 : vector<16xf32>
        %mul3A_254 = arith.mulf %get3A_241, %get3A_241 : vector<16xf32>
        %mul3A_255 = arith.mulf %get3A_247, %get3A_247 : vector<16xf32>
        %add3A_256 = arith.addf %mul3A_254, %mul3A_255 : vector<16xf32>
        %add3A_257 = arith.addf %add3A_253, %add3A_256 : vector<16xf32>
        %lt3A_258 = arith.constant 0 : i32
        %lt3A_259 = vector.broadcast %lt3A_258 : i32 to vector<16xi32>
        %lt3A_260 = arith.cmpi slt, %and3A_30, %lt3A_259 : vector<16xi32>
        %add3A_261 = arith.constant 16 : i32
        %add3A_262 = vector.broadcast %add3A_261 : i32 to vector<16xi32>
        %add3A_263 = arith.addi %and3A_30, %add3A_262 : vector<16xi32>
        %select_n3A = arith.select %lt3A_260, %add3A_263, %and3A_30 : vector<16xi1>, vector<16xi32>
        %broadcast_in_dim3A = vector.shape_cast %select_n3A : vector<16xi32> to vector<16x1xi32>
        %gather3A = vector.shape_cast %broadcast_in_dim3A : vector<16x1xi32> to vector<16xi32>
        %gather3A_264 = tpu.dynamic_gather %add3A_250[%gather3A] in [0] : vector<16xf32>, vector<16xi32> -> vector<16xf32>
        %add3A_265 = arith.addf %add3A_250, %gather3A_264 : vector<16xf32>
        %lt3A_266 = arith.constant 0 : i32
        %lt3A_267 = vector.broadcast %lt3A_266 : i32 to vector<16xi32>
        %lt3A_268 = arith.cmpi slt, %and3A_30, %lt3A_267 : vector<16xi32>
        %add3A_269 = arith.constant 16 : i32
        %add3A_270 = vector.broadcast %add3A_269 : i32 to vector<16xi32>
        %add3A_271 = arith.addi %and3A_30, %add3A_270 : vector<16xi32>
        %select_n3A_272 = arith.select %lt3A_268, %add3A_271, %and3A_30 : vector<16xi1>, vector<16xi32>
        %broadcast_in_dim3A_273 = vector.shape_cast %select_n3A_272 : vector<16xi32> to vector<16x1xi32>
        %gather3A_274 = vector.shape_cast %broadcast_in_dim3A_273 : vector<16x1xi32> to vector<16xi32>
        %gather3A_275 = tpu.dynamic_gather %add3A_257[%gather3A_274] in [0] : vector<16xf32>, vector<16xi32> -> vector<16xf32>
        %add3A_276 = arith.addf %add3A_257, %gather3A_275 : vector<16xf32>
        %lt3A_277 = arith.constant 0 : i32
        %lt3A_278 = vector.broadcast %lt3A_277 : i32 to vector<16xi32>
        %lt3A_279 = arith.cmpi slt, %and3A_36, %lt3A_278 : vector<16xi32>
        %add3A_280 = arith.constant 16 : i32
        %add3A_281 = vector.broadcast %add3A_280 : i32 to vector<16xi32>
        %add3A_282 = arith.addi %and3A_36, %add3A_281 : vector<16xi32>
        %select_n3A_283 = arith.select %lt3A_279, %add3A_282, %and3A_36 : vector<16xi1>, vector<16xi32>
        %broadcast_in_dim3A_284 = vector.shape_cast %select_n3A_283 : vector<16xi32> to vector<16x1xi32>
        %gather3A_285 = vector.shape_cast %broadcast_in_dim3A_284 : vector<16x1xi32> to vector<16xi32>
        %gather3A_286 = tpu.dynamic_gather %add3A_265[%gather3A_285] in [0] : vector<16xf32>, vector<16xi32> -> vector<16xf32>
        %add3A_287 = arith.addf %add3A_265, %gather3A_286 : vector<16xf32>
        %lt3A_288 = arith.constant 0 : i32
        %lt3A_289 = vector.broadcast %lt3A_288 : i32 to vector<16xi32>
        %lt3A_290 = arith.cmpi slt, %and3A_36, %lt3A_289 : vector<16xi32>
        %add3A_291 = arith.constant 16 : i32
        %add3A_292 = vector.broadcast %add3A_291 : i32 to vector<16xi32>
        %add3A_293 = arith.addi %and3A_36, %add3A_292 : vector<16xi32>
        %select_n3A_294 = arith.select %lt3A_290, %add3A_293, %and3A_36 : vector<16xi1>, vector<16xi32>
        %broadcast_in_dim3A_295 = vector.shape_cast %select_n3A_294 : vector<16xi32> to vector<16x1xi32>
        %gather3A_296 = vector.shape_cast %broadcast_in_dim3A_295 : vector<16x1xi32> to vector<16xi32>
        %gather3A_297 = tpu.dynamic_gather %add3A_276[%gather3A_296] in [0] : vector<16xf32>, vector<16xi32> -> vector<16xf32>
        %add3A_298 = arith.addf %add3A_276, %gather3A_297 : vector<16xf32>
        %lt3A_299 = arith.constant 0 : i32
        %lt3A_300 = vector.broadcast %lt3A_299 : i32 to vector<16xi32>
        %lt3A_301 = arith.cmpi slt, %and3A_42, %lt3A_300 : vector<16xi32>
        %add3A_302 = arith.constant 16 : i32
        %add3A_303 = vector.broadcast %add3A_302 : i32 to vector<16xi32>
        %add3A_304 = arith.addi %and3A_42, %add3A_303 : vector<16xi32>
        %select_n3A_305 = arith.select %lt3A_301, %add3A_304, %and3A_42 : vector<16xi1>, vector<16xi32>
        %broadcast_in_dim3A_306 = vector.shape_cast %select_n3A_305 : vector<16xi32> to vector<16x1xi32>
        %gather3A_307 = vector.shape_cast %broadcast_in_dim3A_306 : vector<16x1xi32> to vector<16xi32>
        %gather3A_308 = tpu.dynamic_gather %add3A_287[%gather3A_307] in [0] : vector<16xf32>, vector<16xi32> -> vector<16xf32>
        %add3A_309 = arith.addf %add3A_287, %gather3A_308 : vector<16xf32>
        %lt3A_310 = arith.constant 0 : i32
        %lt3A_311 = vector.broadcast %lt3A_310 : i32 to vector<16xi32>
        %lt3A_312 = arith.cmpi slt, %and3A_42, %lt3A_311 : vector<16xi32>
        %add3A_313 = arith.constant 16 : i32
        %add3A_314 = vector.broadcast %add3A_313 : i32 to vector<16xi32>
        %add3A_315 = arith.addi %and3A_42, %add3A_314 : vector<16xi32>
        %select_n3A_316 = arith.select %lt3A_312, %add3A_315, %and3A_42 : vector<16xi1>, vector<16xi32>
        %broadcast_in_dim3A_317 = vector.shape_cast %select_n3A_316 : vector<16xi32> to vector<16x1xi32>
        %gather3A_318 = vector.shape_cast %broadcast_in_dim3A_317 : vector<16x1xi32> to vector<16xi32>
        %gather3A_319 = tpu.dynamic_gather %add3A_298[%gather3A_318] in [0] : vector<16xf32>, vector<16xi32> -> vector<16xf32>
        %add3A_320 = arith.addf %add3A_298, %gather3A_319 : vector<16xf32>
        %lt3A_321 = arith.constant 0 : i32
        %lt3A_322 = vector.broadcast %lt3A_321 : i32 to vector<16xi32>
        %lt3A_323 = arith.cmpi slt, %and3A_48, %lt3A_322 : vector<16xi32>
        %add3A_324 = arith.constant 16 : i32
        %add3A_325 = vector.broadcast %add3A_324 : i32 to vector<16xi32>
        %add3A_326 = arith.addi %and3A_48, %add3A_325 : vector<16xi32>
        %select_n3A_327 = arith.select %lt3A_323, %add3A_326, %and3A_48 : vector<16xi1>, vector<16xi32>
        %broadcast_in_dim3A_328 = vector.shape_cast %select_n3A_327 : vector<16xi32> to vector<16x1xi32>
        %gather3A_329 = vector.shape_cast %broadcast_in_dim3A_328 : vector<16x1xi32> to vector<16xi32>
        %gather3A_330 = tpu.dynamic_gather %add3A_309[%gather3A_329] in [0] : vector<16xf32>, vector<16xi32> -> vector<16xf32>
        %add3A_331 = arith.addf %add3A_309, %gather3A_330 : vector<16xf32>
        %lt3A_332 = arith.constant 0 : i32
        %lt3A_333 = vector.broadcast %lt3A_332 : i32 to vector<16xi32>
        %lt3A_334 = arith.cmpi slt, %and3A_48, %lt3A_333 : vector<16xi32>
        %add3A_335 = arith.constant 16 : i32
        %add3A_336 = vector.broadcast %add3A_335 : i32 to vector<16xi32>
        %add3A_337 = arith.addi %and3A_48, %add3A_336 : vector<16xi32>
        %select_n3A_338 = arith.select %lt3A_334, %add3A_337, %and3A_48 : vector<16xi1>, vector<16xi32>
        %broadcast_in_dim3A_339 = vector.shape_cast %select_n3A_338 : vector<16xi32> to vector<16x1xi32>
        %gather3A_340 = vector.shape_cast %broadcast_in_dim3A_339 : vector<16x1xi32> to vector<16xi32>
        %gather3A_341 = tpu.dynamic_gather %add3A_320[%gather3A_340] in [0] : vector<16xf32>, vector<16xi32> -> vector<16xf32>
        %add3A_342 = arith.addf %add3A_320, %gather3A_341 : vector<16xf32>
        %mul3A_343 = arith.constant 1.562500e-02 : f32
        %mul3A_344 = vector.broadcast %mul3A_343 : f32 to vector<16xf32>
        %mul3A_345 = arith.mulf %add3A_331, %mul3A_344 : vector<16xf32>
        %mul3A_346 = arith.constant 1.562500e-02 : f32
        %mul3A_347 = vector.broadcast %mul3A_346 : f32 to vector<16xf32>
        %mul3A_348 = arith.mulf %add3A_342, %mul3A_347 : vector<16xf32>
        %mul3A_349 = arith.mulf %mul3A_345, %mul3A_345 : vector<16xf32>
        %sub3A = arith.subf %mul3A_348, %mul3A_349 : vector<16xf32>
        %add3A_350 = arith.constant 9.99999974E-6 : f32
        %add3A_351 = vector.broadcast %add3A_350 : f32 to vector<16xf32>
        %add3A_352 = arith.addf %sub3A, %add3A_351 : vector<16xf32>
        %bitcast_convert_type3A = tpu.bitcast %add3A_352 : vector<16xf32> -> vector<16xi32>
        %shift_right_logical3A = arith.constant 1 : i32
        %shift_right_logical3A_353 = vector.broadcast %shift_right_logical3A : i32 to vector<16xi32>
        %shift_right_logical3A_354 = arith.shrui %bitcast_convert_type3A, %shift_right_logical3A_353 : vector<16xi32>
        %sub3A_355 = arith.constant 1597463007 : i32
        %sub3A_356 = vector.broadcast %sub3A_355 : i32 to vector<16xi32>
        %sub3A_357 = arith.subi %sub3A_356, %shift_right_logical3A_354 : vector<16xi32>
        %bitcast_convert_type3A_358 = tpu.bitcast %sub3A_357 : vector<16xi32> -> vector<16xf32>
        %mul3A_359 = arith.constant 5.000000e-01 : f32
        %mul3A_360 = vector.broadcast %mul3A_359 : f32 to vector<16xf32>
        %mul3A_361 = arith.mulf %mul3A_360, %add3A_352 : vector<16xf32>
        %mul3A_362 = arith.mulf %mul3A_361, %bitcast_convert_type3A_358 : vector<16xf32>
        %mul3A_363 = arith.mulf %mul3A_362, %bitcast_convert_type3A_358 : vector<16xf32>
        %sub3A_364 = arith.constant 1.500000e+00 : f32
        %sub3A_365 = vector.broadcast %sub3A_364 : f32 to vector<16xf32>
        %sub3A_366 = arith.subf %sub3A_365, %mul3A_363 : vector<16xf32>
        %mul3A_367 = arith.mulf %bitcast_convert_type3A_358, %sub3A_366 : vector<16xf32>
        %sub3A_368 = arith.subf %get3A_229, %mul3A_345 : vector<16xf32>
        %mul3A_369 = arith.mulf %sub3A_368, %mul3A_367 : vector<16xf32>
        %mul3A_370 = arith.mulf %mul3A_369, %get3A_4 : vector<16xf32>
        %add3A_371 = arith.addf %mul3A_370, %get3A_16 : vector<16xf32>
        %swap3A = arith.constant 0 : i32
        %swap3A_372 = arith.index_cast %swap3A : i32 to index
        %swap3A_373 = arith.index_cast %add3A_223 : i32 to index
        %swap3A_374 = arith.constant 0 : index
        %swap3A_375 = tpu.vector_load %arg12[%swap3A_372, %swap3A_373, %swap3A_374] {strides = array<i32>} : memref<2x128x64xf32, #tpu.memory_space<vmem>>, vector<1x1x16xf32>,
        %swap3A_376 = vector.shape_cast %swap3A_375 : vector<1x1x16xf32> to vector<16xf32>
        %swap3A_377 = vector.shape_cast %add3A_371 : vector<16xf32> to vector<1x1x16xf32>
        tpu.vector_store %arg12[%swap3A_372, %swap3A_373, %swap3A_374], %swap3A_377 {strides = array<i32>} : memref<2x128x64xf32, #tpu.memory_space<vmem>>, vector<1x1x16xf32>,
        %sub3A_378 = arith.subf %get3A_235, %mul3A_345 : vector<16xf32>
        %mul3A_379 = arith.mulf %sub3A_378, %mul3A_367 : vector<16xf32>
        %mul3A_380 = arith.mulf %mul3A_379, %get3A_7 : vector<16xf32>
        %add3A_381 = arith.addf %mul3A_380, %get3A_19 : vector<16xf32>
        %swap3A_382 = arith.constant 0 : i32
        %swap3A_383 = arith.index_cast %swap3A_382 : i32 to index
        %swap3A_384 = arith.index_cast %add3A_223 : i32 to index
        %swap3A_385 = arith.constant 16 : index
        %swap3A_386 = tpu.vector_load %arg12[%swap3A_383, %swap3A_384, %swap3A_385] {strides = array<i32>} : memref<2x128x64xf32, #tpu.memory_space<vmem>>, vector<1x1x16xf32>,
        %swap3A_387 = vector.shape_cast %swap3A_386 : vector<1x1x16xf32> to vector<16xf32>
        %swap3A_388 = vector.shape_cast %add3A_381 : vector<16xf32> to vector<1x1x16xf32>
        tpu.vector_store %arg12[%swap3A_383, %swap3A_384, %swap3A_385], %swap3A_388 {strides = array<i32>} : memref<2x128x64xf32, #tpu.memory_space<vmem>>, vector<1x1x16xf32>,
        %sub3A_389 = arith.subf %get3A_241, %mul3A_345 : vector<16xf32>
        %mul3A_390 = arith.mulf %sub3A_389, %mul3A_367 : vector<16xf32>
        %mul3A_391 = arith.mulf %mul3A_390, %get3A_10 : vector<16xf32>
        %add3A_392 = arith.addf %mul3A_391, %get3A_22 : vector<16xf32>
        %swap3A_393 = arith.constant 0 : i32
        %swap3A_394 = arith.index_cast %swap3A_393 : i32 to index
        %swap3A_395 = arith.index_cast %add3A_223 : i32 to index
        %swap3A_396 = arith.constant 32 : index
        %swap3A_397 = tpu.vector_load %arg12[%swap3A_394, %swap3A_395, %swap3A_396] {strides = array<i32>} : memref<2x128x64xf32, #tpu.memory_space<vmem>>, vector<1x1x16xf32>,
        %swap3A_398 = vector.shape_cast %swap3A_397 : vector<1x1x16xf32> to vector<16xf32>
        %swap3A_399 = vector.shape_cast %add3A_392 : vector<16xf32> to vector<1x1x16xf32>
        tpu.vector_store %arg12[%swap3A_394, %swap3A_395, %swap3A_396], %swap3A_399 {strides = array<i32>} : memref<2x128x64xf32, #tpu.memory_space<vmem>>, vector<1x1x16xf32>,
        %sub3A_400 = arith.subf %get3A_247, %mul3A_345 : vector<16xf32>
        %mul3A_401 = arith.mulf %sub3A_400, %mul3A_367 : vector<16xf32>
        %mul3A_402 = arith.mulf %mul3A_401, %get3A_13 : vector<16xf32>
        %add3A_403 = arith.addf %mul3A_402, %get3A_25 : vector<16xf32>
        %swap3A_404 = arith.constant 0 : i32
        %swap3A_405 = arith.index_cast %swap3A_404 : i32 to index
        %swap3A_406 = arith.index_cast %add3A_223 : i32 to index
        %swap3A_407 = arith.constant 48 : index
        %swap3A_408 = tpu.vector_load %arg12[%swap3A_405, %swap3A_406, %swap3A_407] {strides = array<i32>} : memref<2x128x64xf32, #tpu.memory_space<vmem>>, vector<1x1x16xf32>,
        %swap3A_409 = vector.shape_cast %swap3A_408 : vector<1x1x16xf32> to vector<16xf32>
        %swap3A_410 = vector.shape_cast %add3A_403 : vector<16xf32> to vector<1x1x16xf32>
        tpu.vector_store %arg12[%swap3A_405, %swap3A_406, %swap3A_407], %swap3A_410 {strides = array<i32>} : memref<2x128x64xf32, #tpu.memory_space<vmem>>, vector<1x1x16xf32>,
        %mul3A_411 = arith.constant 4 : i32
        %mul3A_412 = arith.muli %scan3A_219, %mul3A_411 : i32
        %add3A_413 = arith.constant 1 : i32
        %add3A_414 = arith.addi %mul3A_412, %add3A_413 : i32
        %get3A_415 = arith.constant 0 : i32
        %get3A_416 = arith.index_cast %get3A_415 : i32 to index
        %get3A_417 = arith.index_cast %add3A_414 : i32 to index
        %get3A_418 = arith.constant 0 : index
        %get3A_419 = tpu.vector_load %arg10[%get3A_416, %get3A_417, %get3A_418] {strides = array<i32>} : memref<2x128x64xf32, #tpu.memory_space<vmem>>, vector<1x1x16xf32>,
        %get3A_420 = vector.shape_cast %get3A_419 : vector<1x1x16xf32> to vector<16xf32>
        %get3A_421 = arith.constant 0 : i32
        %get3A_422 = arith.index_cast %get3A_421 : i32 to index
        %get3A_423 = arith.index_cast %add3A_414 : i32 to index
        %get3A_424 = arith.constant 16 : index
        %get3A_425 = tpu.vector_load %arg10[%get3A_422, %get3A_423, %get3A_424] {strides = array<i32>} : memref<2x128x64xf32, #tpu.memory_space<vmem>>, vector<1x1x16xf32>,
        %get3A_426 = vector.shape_cast %get3A_425 : vector<1x1x16xf32> to vector<16xf32>
        %get3A_427 = arith.constant 0 : i32
        %get3A_428 = arith.index_cast %get3A_427 : i32 to index
        %get3A_429 = arith.index_cast %add3A_414 : i32 to index
        %get3A_430 = arith.constant 32 : index
        %get3A_431 = tpu.vector_load %arg10[%get3A_428, %get3A_429, %get3A_430] {strides = array<i32>} : memref<2x128x64xf32, #tpu.memory_space<vmem>>, vector<1x1x16xf32>,
        %get3A_432 = vector.shape_cast %get3A_431 : vector<1x1x16xf32> to vector<16xf32>
        %get3A_433 = arith.constant 0 : i32
        %get3A_434 = arith.index_cast %get3A_433 : i32 to index
        %get3A_435 = arith.index_cast %add3A_414 : i32 to index
        %get3A_436 = arith.constant 48 : index
        %get3A_437 = tpu.vector_load %arg10[%get3A_434, %get3A_435, %get3A_436] {strides = array<i32>} : memref<2x128x64xf32, #tpu.memory_space<vmem>>, vector<1x1x16xf32>,
        %get3A_438 = vector.shape_cast %get3A_437 : vector<1x1x16xf32> to vector<16xf32>
        %add3A_439 = arith.addf %get3A_420, %get3A_426 : vector<16xf32>
        %add3A_440 = arith.addf %get3A_432, %get3A_438 : vector<16xf32>
        %add3A_441 = arith.addf %add3A_439, %add3A_440 : vector<16xf32>
        %mul3A_442 = arith.mulf %get3A_420, %get3A_420 : vector<16xf32>
        %mul3A_443 = arith.mulf %get3A_426, %get3A_426 : vector<16xf32>
        %add3A_444 = arith.addf %mul3A_442, %mul3A_443 : vector<16xf32>
        %mul3A_445 = arith.mulf %get3A_432, %get3A_432 : vector<16xf32>
        %mul3A_446 = arith.mulf %get3A_438, %get3A_438 : vector<16xf32>
        %add3A_447 = arith.addf %mul3A_445, %mul3A_446 : vector<16xf32>
        %add3A_448 = arith.addf %add3A_444, %add3A_447 : vector<16xf32>
        %lt3A_449 = arith.constant 0 : i32
        %lt3A_450 = vector.broadcast %lt3A_449 : i32 to vector<16xi32>
        %lt3A_451 = arith.cmpi slt, %and3A_30, %lt3A_450 : vector<16xi32>
        %add3A_452 = arith.constant 16 : i32
        %add3A_453 = vector.broadcast %add3A_452 : i32 to vector<16xi32>
        %add3A_454 = arith.addi %and3A_30, %add3A_453 : vector<16xi32>
        %select_n3A_455 = arith.select %lt3A_451, %add3A_454, %and3A_30 : vector<16xi1>, vector<16xi32>
        %broadcast_in_dim3A_456 = vector.shape_cast %select_n3A_455 : vector<16xi32> to vector<16x1xi32>
        %gather3A_457 = vector.shape_cast %broadcast_in_dim3A_456 : vector<16x1xi32> to vector<16xi32>
        %gather3A_458 = tpu.dynamic_gather %add3A_441[%gather3A_457] in [0] : vector<16xf32>, vector<16xi32> -> vector<16xf32>
        %add3A_459 = arith.addf %add3A_441, %gather3A_458 : vector<16xf32>
        %lt3A_460 = arith.constant 0 : i32
        %lt3A_461 = vector.broadcast %lt3A_460 : i32 to vector<16xi32>
        %lt3A_462 = arith.cmpi slt, %and3A_30, %lt3A_461 : vector<16xi32>
        %add3A_463 = arith.constant 16 : i32
        %add3A_464 = vector.broadcast %add3A_463 : i32 to vector<16xi32>
        %add3A_465 = arith.addi %and3A_30, %add3A_464 : vector<16xi32>
        %select_n3A_466 = arith.select %lt3A_462, %add3A_465, %and3A_30 : vector<16xi1>, vector<16xi32>
        %broadcast_in_dim3A_467 = vector.shape_cast %select_n3A_466 : vector<16xi32> to vector<16x1xi32>
        %gather3A_468 = vector.shape_cast %broadcast_in_dim3A_467 : vector<16x1xi32> to vector<16xi32>
        %gather3A_469 = tpu.dynamic_gather %add3A_448[%gather3A_468] in [0] : vector<16xf32>, vector<16xi32> -> vector<16xf32>
        %add3A_470 = arith.addf %add3A_448, %gather3A_469 : vector<16xf32>
        %lt3A_471 = arith.constant 0 : i32
        %lt3A_472 = vector.broadcast %lt3A_471 : i32 to vector<16xi32>
        %lt3A_473 = arith.cmpi slt, %and3A_36, %lt3A_472 : vector<16xi32>
        %add3A_474 = arith.constant 16 : i32
        %add3A_475 = vector.broadcast %add3A_474 : i32 to vector<16xi32>
        %add3A_476 = arith.addi %and3A_36, %add3A_475 : vector<16xi32>
        %select_n3A_477 = arith.select %lt3A_473, %add3A_476, %and3A_36 : vector<16xi1>, vector<16xi32>
        %broadcast_in_dim3A_478 = vector.shape_cast %select_n3A_477 : vector<16xi32> to vector<16x1xi32>
        %gather3A_479 = vector.shape_cast %broadcast_in_dim3A_478 : vector<16x1xi32> to vector<16xi32>
        %gather3A_480 = tpu.dynamic_gather %add3A_459[%gather3A_479] in [0] : vector<16xf32>, vector<16xi32> -> vector<16xf32>
        %add3A_481 = arith.addf %add3A_459, %gather3A_480 : vector<16xf32>
        %lt3A_482 = arith.constant 0 : i32
        %lt3A_483 = vector.broadcast %lt3A_482 : i32 to vector<16xi32>
        %lt3A_484 = arith.cmpi slt, %and3A_36, %lt3A_483 : vector<16xi32>
        %add3A_485 = arith.constant 16 : i32
        %add3A_486 = vector.broadcast %add3A_485 : i32 to vector<16xi32>
        %add3A_487 = arith.addi %and3A_36, %add3A_486 : vector<16xi32>
        %select_n3A_488 = arith.select %lt3A_484, %add3A_487, %and3A_36 : vector<16xi1>, vector<16xi32>
        %broadcast_in_dim3A_489 = vector.shape_cast %select_n3A_488 : vector<16xi32> to vector<16x1xi32>
        %gather3A_490 = vector.shape_cast %broadcast_in_dim3A_489 : vector<16x1xi32> to vector<16xi32>
        %gather3A_491 = tpu.dynamic_gather %add3A_470[%gather3A_490] in [0] : vector<16xf32>, vector<16xi32> -> vector<16xf32>
        %add3A_492 = arith.addf %add3A_470, %gather3A_491 : vector<16xf32>
        %lt3A_493 = arith.constant 0 : i32
        %lt3A_494 = vector.broadcast %lt3A_493 : i32 to vector<16xi32>
        %lt3A_495 = arith.cmpi slt, %and3A_42, %lt3A_494 : vector<16xi32>
        %add3A_496 = arith.constant 16 : i32
        %add3A_497 = vector.broadcast %add3A_496 : i32 to vector<16xi32>
        %add3A_498 = arith.addi %and3A_42, %add3A_497 : vector<16xi32>
        %select_n3A_499 = arith.select %lt3A_495, %add3A_498, %and3A_42 : vector<16xi1>, vector<16xi32>
        %broadcast_in_dim3A_500 = vector.shape_cast %select_n3A_499 : vector<16xi32> to vector<16x1xi32>
        %gather3A_501 = vector.shape_cast %broadcast_in_dim3A_500 : vector<16x1xi32> to vector<16xi32>
        %gather3A_502 = tpu.dynamic_gather %add3A_481[%gather3A_501] in [0] : vector<16xf32>, vector<16xi32> -> vector<16xf32>
        %add3A_503 = arith.addf %add3A_481, %gather3A_502 : vector<16xf32>
        %lt3A_504 = arith.constant 0 : i32
        %lt3A_505 = vector.broadcast %lt3A_504 : i32 to vector<16xi32>
        %lt3A_506 = arith.cmpi slt, %and3A_42, %lt3A_505 : vector<16xi32>
        %add3A_507 = arith.constant 16 : i32
        %add3A_508 = vector.broadcast %add3A_507 : i32 to vector<16xi32>
        %add3A_509 = arith.addi %and3A_42, %add3A_508 : vector<16xi32>
        %select_n3A_510 = arith.select %lt3A_506, %add3A_509, %and3A_42 : vector<16xi1>, vector<16xi32>
        %broadcast_in_dim3A_511 = vector.shape_cast %select_n3A_510 : vector<16xi32> to vector<16x1xi32>
        %gather3A_512 = vector.shape_cast %broadcast_in_dim3A_511 : vector<16x1xi32> to vector<16xi32>
        %gather3A_513 = tpu.dynamic_gather %add3A_492[%gather3A_512] in [0] : vector<16xf32>, vector<16xi32> -> vector<16xf32>
        %add3A_514 = arith.addf %add3A_492, %gather3A_513 : vector<16xf32>
        %lt3A_515 = arith.constant 0 : i32
        %lt3A_516 = vector.broadcast %lt3A_515 : i32 to vector<16xi32>
        %lt3A_517 = arith.cmpi slt, %and3A_48, %lt3A_516 : vector<16xi32>
        %add3A_518 = arith.constant 16 : i32
        %add3A_519 = vector.broadcast %add3A_518 : i32 to vector<16xi32>
        %add3A_520 = arith.addi %and3A_48, %add3A_519 : vector<16xi32>
        %select_n3A_521 = arith.select %lt3A_517, %add3A_520, %and3A_48 : vector<16xi1>, vector<16xi32>
        %broadcast_in_dim3A_522 = vector.shape_cast %select_n3A_521 : vector<16xi32> to vector<16x1xi32>
        %gather3A_523 = vector.shape_cast %broadcast_in_dim3A_522 : vector<16x1xi32> to vector<16xi32>
        %gather3A_524 = tpu.dynamic_gather %add3A_503[%gather3A_523] in [0] : vector<16xf32>, vector<16xi32> -> vector<16xf32>
        %add3A_525 = arith.addf %add3A_503, %gather3A_524 : vector<16xf32>
        %lt3A_526 = arith.constant 0 : i32
        %lt3A_527 = vector.broadcast %lt3A_526 : i32 to vector<16xi32>
        %lt3A_528 = arith.cmpi slt, %and3A_48, %lt3A_527 : vector<16xi32>
        %add3A_529 = arith.constant 16 : i32
        %add3A_530 = vector.broadcast %add3A_529 : i32 to vector<16xi32>
        %add3A_531 = arith.addi %and3A_48, %add3A_530 : vector<16xi32>
        %select_n3A_532 = arith.select %lt3A_528, %add3A_531, %and3A_48 : vector<16xi1>, vector<16xi32>
        %broadcast_in_dim3A_533 = vector.shape_cast %select_n3A_532 : vector<16xi32> to vector<16x1xi32>
        %gather3A_534 = vector.shape_cast %broadcast_in_dim3A_533 : vector<16x1xi32> to vector<16xi32>
        %gather3A_535 = tpu.dynamic_gather %add3A_514[%gather3A_534] in [0] : vector<16xf32>, vector<16xi32> -> vector<16xf32>
        %add3A_536 = arith.addf %add3A_514, %gather3A_535 : vector<16xf32>
        %mul3A_537 = arith.constant 1.562500e-02 : f32
        %mul3A_538 = vector.broadcast %mul3A_537 : f32 to vector<16xf32>
        %mul3A_539 = arith.mulf %add3A_525, %mul3A_538 : vector<16xf32>
        %mul3A_540 = arith.constant 1.562500e-02 : f32
        %mul3A_541 = vector.broadcast %mul3A_540 : f32 to vector<16xf32>
        %mul3A_542 = arith.mulf %add3A_536, %mul3A_541 : vector<16xf32>
        %mul3A_543 = arith.mulf %mul3A_539, %mul3A_539 : vector<16xf32>
        %sub3A_544 = arith.subf %mul3A_542, %mul3A_543 : vector<16xf32>
        %add3A_545 = arith.constant 9.99999974E-6 : f32
        %add3A_546 = vector.broadcast %add3A_545 : f32 to vector<16xf32>
        %add3A_547 = arith.addf %sub3A_544, %add3A_546 : vector<16xf32>
        %bitcast_convert_type3A_548 = tpu.bitcast %add3A_547 : vector<16xf32> -> vector<16xi32>
        %shift_right_logical3A_549 = arith.constant 1 : i32
        %shift_right_logical3A_550 = vector.broadcast %shift_right_logical3A_549 : i32 to vector<16xi32>
        %shift_right_logical3A_551 = arith.shrui %bitcast_convert_type3A_548, %shift_right_logical3A_550 : vector<16xi32>
        %sub3A_552 = arith.constant 1597463007 : i32
        %sub3A_553 = vector.broadcast %sub3A_552 : i32 to vector<16xi32>
        %sub3A_554 = arith.subi %sub3A_553, %shift_right_logical3A_551 : vector<16xi32>
        %bitcast_convert_type3A_555 = tpu.bitcast %sub3A_554 : vector<16xi32> -> vector<16xf32>
        %mul3A_556 = arith.constant 5.000000e-01 : f32
        %mul3A_557 = vector.broadcast %mul3A_556 : f32 to vector<16xf32>
        %mul3A_558 = arith.mulf %mul3A_557, %add3A_547 : vector<16xf32>
        %mul3A_559 = arith.mulf %mul3A_558, %bitcast_convert_type3A_555 : vector<16xf32>
        %mul3A_560 = arith.mulf %mul3A_559, %bitcast_convert_type3A_555 : vector<16xf32>
        %sub3A_561 = arith.constant 1.500000e+00 : f32
        %sub3A_562 = vector.broadcast %sub3A_561 : f32 to vector<16xf32>
        %sub3A_563 = arith.subf %sub3A_562, %mul3A_560 : vector<16xf32>
        %mul3A_564 = arith.mulf %bitcast_convert_type3A_555, %sub3A_563 : vector<16xf32>
        %sub3A_565 = arith.subf %get3A_420, %mul3A_539 : vector<16xf32>
        %mul3A_566 = arith.mulf %sub3A_565, %mul3A_564 : vector<16xf32>
        %mul3A_567 = arith.mulf %mul3A_566, %get3A_4 : vector<16xf32>
        %add3A_568 = arith.addf %mul3A_567, %get3A_16 : vector<16xf32>
        %swap3A_569 = arith.constant 0 : i32
        %swap3A_570 = arith.index_cast %swap3A_569 : i32 to index
        %swap3A_571 = arith.index_cast %add3A_414 : i32 to index
        %swap3A_572 = arith.constant 0 : index
        %swap3A_573 = tpu.vector_load %arg12[%swap3A_570, %swap3A_571, %swap3A_572] {strides = array<i32>} : memref<2x128x64xf32, #tpu.memory_space<vmem>>, vector<1x1x16xf32>,
        %swap3A_574 = vector.shape_cast %swap3A_573 : vector<1x1x16xf32> to vector<16xf32>
        %swap3A_575 = vector.shape_cast %add3A_568 : vector<16xf32> to vector<1x1x16xf32>
        tpu.vector_store %arg12[%swap3A_570, %swap3A_571, %swap3A_572], %swap3A_575 {strides = array<i32>} : memref<2x128x64xf32, #tpu.memory_space<vmem>>, vector<1x1x16xf32>,
        %sub3A_576 = arith.subf %get3A_426, %mul3A_539 : vector<16xf32>
        %mul3A_577 = arith.mulf %sub3A_576, %mul3A_564 : vector<16xf32>
        %mul3A_578 = arith.mulf %mul3A_577, %get3A_7 : vector<16xf32>
        %add3A_579 = arith.addf %mul3A_578, %get3A_19 : vector<16xf32>
        %swap3A_580 = arith.constant 0 : i32
        %swap3A_581 = arith.index_cast %swap3A_580 : i32 to index
        %swap3A_582 = arith.index_cast %add3A_414 : i32 to index
        %swap3A_583 = arith.constant 16 : index
        %swap3A_584 = tpu.vector_load %arg12[%swap3A_581, %swap3A_582, %swap3A_583] {strides = array<i32>} : memref<2x128x64xf32, #tpu.memory_space<vmem>>, vector<1x1x16xf32>,
        %swap3A_585 = vector.shape_cast %swap3A_584 : vector<1x1x16xf32> to vector<16xf32>
        %swap3A_586 = vector.shape_cast %add3A_579 : vector<16xf32> to vector<1x1x16xf32>
        tpu.vector_store %arg12[%swap3A_581, %swap3A_582, %swap3A_583], %swap3A_586 {strides = array<i32>} : memref<2x128x64xf32, #tpu.memory_space<vmem>>, vector<1x1x16xf32>,
        %sub3A_587 = arith.subf %get3A_432, %mul3A_539 : vector<16xf32>
        %mul3A_588 = arith.mulf %sub3A_587, %mul3A_564 : vector<16xf32>
        %mul3A_589 = arith.mulf %mul3A_588, %get3A_10 : vector<16xf32>
        %add3A_590 = arith.addf %mul3A_589, %get3A_22 : vector<16xf32>
        %swap3A_591 = arith.constant 0 : i32
        %swap3A_592 = arith.index_cast %swap3A_591 : i32 to index
        %swap3A_593 = arith.index_cast %add3A_414 : i32 to index
        %swap3A_594 = arith.constant 32 : index
        %swap3A_595 = tpu.vector_load %arg12[%swap3A_592, %swap3A_593, %swap3A_594] {strides = array<i32>} : memref<2x128x64xf32, #tpu.memory_space<vmem>>, vector<1x1x16xf32>,
        %swap3A_596 = vector.shape_cast %swap3A_595 : vector<1x1x16xf32> to vector<16xf32>
        %swap3A_597 = vector.shape_cast %add3A_590 : vector<16xf32> to vector<1x1x16xf32>
        tpu.vector_store %arg12[%swap3A_592, %swap3A_593, %swap3A_594], %swap3A_597 {strides = array<i32>} : memref<2x128x64xf32, #tpu.memory_space<vmem>>, vector<1x1x16xf32>,
        %sub3A_598 = arith.subf %get3A_438, %mul3A_539 : vector<16xf32>
        %mul3A_599 = arith.mulf %sub3A_598, %mul3A_564 : vector<16xf32>
        %mul3A_600 = arith.mulf %mul3A_599, %get3A_13 : vector<16xf32>
        %add3A_601 = arith.addf %mul3A_600, %get3A_25 : vector<16xf32>
        %swap3A_602 = arith.constant 0 : i32
        %swap3A_603 = arith.index_cast %swap3A_602 : i32 to index
        %swap3A_604 = arith.index_cast %add3A_414 : i32 to index
        %swap3A_605 = arith.constant 48 : index
        %swap3A_606 = tpu.vector_load %arg12[%swap3A_603, %swap3A_604, %swap3A_605] {strides = array<i32>} : memref<2x128x64xf32, #tpu.memory_space<vmem>>, vector<1x1x16xf32>,
        %swap3A_607 = vector.shape_cast %swap3A_606 : vector<1x1x16xf32> to vector<16xf32>
        %swap3A_608 = vector.shape_cast %add3A_601 : vector<16xf32> to vector<1x1x16xf32>
        tpu.vector_store %arg12[%swap3A_603, %swap3A_604, %swap3A_605], %swap3A_608 {strides = array<i32>} : memref<2x128x64xf32, #tpu.memory_space<vmem>>, vector<1x1x16xf32>,
        %mul3A_609 = arith.constant 4 : i32
        %mul3A_610 = arith.muli %scan3A_219, %mul3A_609 : i32
        %add3A_611 = arith.constant 2 : i32
        %add3A_612 = arith.addi %mul3A_610, %add3A_611 : i32
        %get3A_613 = arith.constant 0 : i32
        %get3A_614 = arith.index_cast %get3A_613 : i32 to index
        %get3A_615 = arith.index_cast %add3A_612 : i32 to index
        %get3A_616 = arith.constant 0 : index
        %get3A_617 = tpu.vector_load %arg10[%get3A_614, %get3A_615, %get3A_616] {strides = array<i32>} : memref<2x128x64xf32, #tpu.memory_space<vmem>>, vector<1x1x16xf32>,
        %get3A_618 = vector.shape_cast %get3A_617 : vector<1x1x16xf32> to vector<16xf32>
        %get3A_619 = arith.constant 0 : i32
        %get3A_620 = arith.index_cast %get3A_619 : i32 to index
        %get3A_621 = arith.index_cast %add3A_612 : i32 to index
        %get3A_622 = arith.constant 16 : index
        %get3A_623 = tpu.vector_load %arg10[%get3A_620, %get3A_621, %get3A_622] {strides = array<i32>} : memref<2x128x64xf32, #tpu.memory_space<vmem>>, vector<1x1x16xf32>,
        %get3A_624 = vector.shape_cast %get3A_623 : vector<1x1x16xf32> to vector<16xf32>
        %get3A_625 = arith.constant 0 : i32
        %get3A_626 = arith.index_cast %get3A_625 : i32 to index
        %get3A_627 = arith.index_cast %add3A_612 : i32 to index
        %get3A_628 = arith.constant 32 : index
        %get3A_629 = tpu.vector_load %arg10[%get3A_626, %get3A_627, %get3A_628] {strides = array<i32>} : memref<2x128x64xf32, #tpu.memory_space<vmem>>, vector<1x1x16xf32>,
        %get3A_630 = vector.shape_cast %get3A_629 : vector<1x1x16xf32> to vector<16xf32>
        %get3A_631 = arith.constant 0 : i32
        %get3A_632 = arith.index_cast %get3A_631 : i32 to index
        %get3A_633 = arith.index_cast %add3A_612 : i32 to index
        %get3A_634 = arith.constant 48 : index
        %get3A_635 = tpu.vector_load %arg10[%get3A_632, %get3A_633, %get3A_634] {strides = array<i32>} : memref<2x128x64xf32, #tpu.memory_space<vmem>>, vector<1x1x16xf32>,
        %get3A_636 = vector.shape_cast %get3A_635 : vector<1x1x16xf32> to vector<16xf32>
        %add3A_637 = arith.addf %get3A_618, %get3A_624 : vector<16xf32>
        %add3A_638 = arith.addf %get3A_630, %get3A_636 : vector<16xf32>
        %add3A_639 = arith.addf %add3A_637, %add3A_638 : vector<16xf32>
        %mul3A_640 = arith.mulf %get3A_618, %get3A_618 : vector<16xf32>
        %mul3A_641 = arith.mulf %get3A_624, %get3A_624 : vector<16xf32>
        %add3A_642 = arith.addf %mul3A_640, %mul3A_641 : vector<16xf32>
        %mul3A_643 = arith.mulf %get3A_630, %get3A_630 : vector<16xf32>
        %mul3A_644 = arith.mulf %get3A_636, %get3A_636 : vector<16xf32>
        %add3A_645 = arith.addf %mul3A_643, %mul3A_644 : vector<16xf32>
        %add3A_646 = arith.addf %add3A_642, %add3A_645 : vector<16xf32>
        %lt3A_647 = arith.constant 0 : i32
        %lt3A_648 = vector.broadcast %lt3A_647 : i32 to vector<16xi32>
        %lt3A_649 = arith.cmpi slt, %and3A_30, %lt3A_648 : vector<16xi32>
        %add3A_650 = arith.constant 16 : i32
        %add3A_651 = vector.broadcast %add3A_650 : i32 to vector<16xi32>
        %add3A_652 = arith.addi %and3A_30, %add3A_651 : vector<16xi32>
        %select_n3A_653 = arith.select %lt3A_649, %add3A_652, %and3A_30 : vector<16xi1>, vector<16xi32>
        %broadcast_in_dim3A_654 = vector.shape_cast %select_n3A_653 : vector<16xi32> to vector<16x1xi32>
        %gather3A_655 = vector.shape_cast %broadcast_in_dim3A_654 : vector<16x1xi32> to vector<16xi32>
        %gather3A_656 = tpu.dynamic_gather %add3A_639[%gather3A_655] in [0] : vector<16xf32>, vector<16xi32> -> vector<16xf32>
        %add3A_657 = arith.addf %add3A_639, %gather3A_656 : vector<16xf32>
        %lt3A_658 = arith.constant 0 : i32
        %lt3A_659 = vector.broadcast %lt3A_658 : i32 to vector<16xi32>
        %lt3A_660 = arith.cmpi slt, %and3A_30, %lt3A_659 : vector<16xi32>
        %add3A_661 = arith.constant 16 : i32
        %add3A_662 = vector.broadcast %add3A_661 : i32 to vector<16xi32>
        %add3A_663 = arith.addi %and3A_30, %add3A_662 : vector<16xi32>
        %select_n3A_664 = arith.select %lt3A_660, %add3A_663, %and3A_30 : vector<16xi1>, vector<16xi32>
        %broadcast_in_dim3A_665 = vector.shape_cast %select_n3A_664 : vector<16xi32> to vector<16x1xi32>
        %gather3A_666 = vector.shape_cast %broadcast_in_dim3A_665 : vector<16x1xi32> to vector<16xi32>
        %gather3A_667 = tpu.dynamic_gather %add3A_646[%gather3A_666] in [0] : vector<16xf32>, vector<16xi32> -> vector<16xf32>
        %add3A_668 = arith.addf %add3A_646, %gather3A_667 : vector<16xf32>
        %lt3A_669 = arith.constant 0 : i32
        %lt3A_670 = vector.broadcast %lt3A_669 : i32 to vector<16xi32>
        %lt3A_671 = arith.cmpi slt, %and3A_36, %lt3A_670 : vector<16xi32>
        %add3A_672 = arith.constant 16 : i32
        %add3A_673 = vector.broadcast %add3A_672 : i32 to vector<16xi32>
        %add3A_674 = arith.addi %and3A_36, %add3A_673 : vector<16xi32>
        %select_n3A_675 = arith.select %lt3A_671, %add3A_674, %and3A_36 : vector<16xi1>, vector<16xi32>
        %broadcast_in_dim3A_676 = vector.shape_cast %select_n3A_675 : vector<16xi32> to vector<16x1xi32>
        %gather3A_677 = vector.shape_cast %broadcast_in_dim3A_676 : vector<16x1xi32> to vector<16xi32>
        %gather3A_678 = tpu.dynamic_gather %add3A_657[%gather3A_677] in [0] : vector<16xf32>, vector<16xi32> -> vector<16xf32>
        %add3A_679 = arith.addf %add3A_657, %gather3A_678 : vector<16xf32>
        %lt3A_680 = arith.constant 0 : i32
        %lt3A_681 = vector.broadcast %lt3A_680 : i32 to vector<16xi32>
        %lt3A_682 = arith.cmpi slt, %and3A_36, %lt3A_681 : vector<16xi32>
        %add3A_683 = arith.constant 16 : i32
        %add3A_684 = vector.broadcast %add3A_683 : i32 to vector<16xi32>
        %add3A_685 = arith.addi %and3A_36, %add3A_684 : vector<16xi32>
        %select_n3A_686 = arith.select %lt3A_682, %add3A_685, %and3A_36 : vector<16xi1>, vector<16xi32>
        %broadcast_in_dim3A_687 = vector.shape_cast %select_n3A_686 : vector<16xi32> to vector<16x1xi32>
        %gather3A_688 = vector.shape_cast %broadcast_in_dim3A_687 : vector<16x1xi32> to vector<16xi32>
        %gather3A_689 = tpu.dynamic_gather %add3A_668[%gather3A_688] in [0] : vector<16xf32>, vector<16xi32> -> vector<16xf32>
        %add3A_690 = arith.addf %add3A_668, %gather3A_689 : vector<16xf32>
        %lt3A_691 = arith.constant 0 : i32
        %lt3A_692 = vector.broadcast %lt3A_691 : i32 to vector<16xi32>
        %lt3A_693 = arith.cmpi slt, %and3A_42, %lt3A_692 : vector<16xi32>
        %add3A_694 = arith.constant 16 : i32
        %add3A_695 = vector.broadcast %add3A_694 : i32 to vector<16xi32>
        %add3A_696 = arith.addi %and3A_42, %add3A_695 : vector<16xi32>
        %select_n3A_697 = arith.select %lt3A_693, %add3A_696, %and3A_42 : vector<16xi1>, vector<16xi32>
        %broadcast_in_dim3A_698 = vector.shape_cast %select_n3A_697 : vector<16xi32> to vector<16x1xi32>
        %gather3A_699 = vector.shape_cast %broadcast_in_dim3A_698 : vector<16x1xi32> to vector<16xi32>
        %gather3A_700 = tpu.dynamic_gather %add3A_679[%gather3A_699] in [0] : vector<16xf32>, vector<16xi32> -> vector<16xf32>
        %add3A_701 = arith.addf %add3A_679, %gather3A_700 : vector<16xf32>
        %lt3A_702 = arith.constant 0 : i32
        %lt3A_703 = vector.broadcast %lt3A_702 : i32 to vector<16xi32>
        %lt3A_704 = arith.cmpi slt, %and3A_42, %lt3A_703 : vector<16xi32>
        %add3A_705 = arith.constant 16 : i32
        %add3A_706 = vector.broadcast %add3A_705 : i32 to vector<16xi32>
        %add3A_707 = arith.addi %and3A_42, %add3A_706 : vector<16xi32>
        %select_n3A_708 = arith.select %lt3A_704, %add3A_707, %and3A_42 : vector<16xi1>, vector<16xi32>
        %broadcast_in_dim3A_709 = vector.shape_cast %select_n3A_708 : vector<16xi32> to vector<16x1xi32>
        %gather3A_710 = vector.shape_cast %broadcast_in_dim3A_709 : vector<16x1xi32> to vector<16xi32>
        %gather3A_711 = tpu.dynamic_gather %add3A_690[%gather3A_710] in [0] : vector<16xf32>, vector<16xi32> -> vector<16xf32>
        %add3A_712 = arith.addf %add3A_690, %gather3A_711 : vector<16xf32>
        %lt3A_713 = arith.constant 0 : i32
        %lt3A_714 = vector.broadcast %lt3A_713 : i32 to vector<16xi32>
        %lt3A_715 = arith.cmpi slt, %and3A_48, %lt3A_714 : vector<16xi32>
        %add3A_716 = arith.constant 16 : i32
        %add3A_717 = vector.broadcast %add3A_716 : i32 to vector<16xi32>
        %add3A_718 = arith.addi %and3A_48, %add3A_717 : vector<16xi32>
        %select_n3A_719 = arith.select %lt3A_715, %add3A_718, %and3A_48 : vector<16xi1>, vector<16xi32>
        %broadcast_in_dim3A_720 = vector.shape_cast %select_n3A_719 : vector<16xi32> to vector<16x1xi32>
        %gather3A_721 = vector.shape_cast %broadcast_in_dim3A_720 : vector<16x1xi32> to vector<16xi32>
        %gather3A_722 = tpu.dynamic_gather %add3A_701[%gather3A_721] in [0] : vector<16xf32>, vector<16xi32> -> vector<16xf32>
        %add3A_723 = arith.addf %add3A_701, %gather3A_722 : vector<16xf32>
        %lt3A_724 = arith.constant 0 : i32
        %lt3A_725 = vector.broadcast %lt3A_724 : i32 to vector<16xi32>
        %lt3A_726 = arith.cmpi slt, %and3A_48, %lt3A_725 : vector<16xi32>
        %add3A_727 = arith.constant 16 : i32
        %add3A_728 = vector.broadcast %add3A_727 : i32 to vector<16xi32>
        %add3A_729 = arith.addi %and3A_48, %add3A_728 : vector<16xi32>
        %select_n3A_730 = arith.select %lt3A_726, %add3A_729, %and3A_48 : vector<16xi1>, vector<16xi32>
        %broadcast_in_dim3A_731 = vector.shape_cast %select_n3A_730 : vector<16xi32> to vector<16x1xi32>
        %gather3A_732 = vector.shape_cast %broadcast_in_dim3A_731 : vector<16x1xi32> to vector<16xi32>
        %gather3A_733 = tpu.dynamic_gather %add3A_712[%gather3A_732] in [0] : vector<16xf32>, vector<16xi32> -> vector<16xf32>
        %add3A_734 = arith.addf %add3A_712, %gather3A_733 : vector<16xf32>
        %mul3A_735 = arith.constant 1.562500e-02 : f32
        %mul3A_736 = vector.broadcast %mul3A_735 : f32 to vector<16xf32>
        %mul3A_737 = arith.mulf %add3A_723, %mul3A_736 : vector<16xf32>
        %mul3A_738 = arith.constant 1.562500e-02 : f32
        %mul3A_739 = vector.broadcast %mul3A_738 : f32 to vector<16xf32>
        %mul3A_740 = arith.mulf %add3A_734, %mul3A_739 : vector<16xf32>
        %mul3A_741 = arith.mulf %mul3A_737, %mul3A_737 : vector<16xf32>
        %sub3A_742 = arith.subf %mul3A_740, %mul3A_741 : vector<16xf32>
        %add3A_743 = arith.constant 9.99999974E-6 : f32
        %add3A_744 = vector.broadcast %add3A_743 : f32 to vector<16xf32>
        %add3A_745 = arith.addf %sub3A_742, %add3A_744 : vector<16xf32>
        %bitcast_convert_type3A_746 = tpu.bitcast %add3A_745 : vector<16xf32> -> vector<16xi32>
        %shift_right_logical3A_747 = arith.constant 1 : i32
        %shift_right_logical3A_748 = vector.broadcast %shift_right_logical3A_747 : i32 to vector<16xi32>
        %shift_right_logical3A_749 = arith.shrui %bitcast_convert_type3A_746, %shift_right_logical3A_748 : vector<16xi32>
        %sub3A_750 = arith.constant 1597463007 : i32
        %sub3A_751 = vector.broadcast %sub3A_750 : i32 to vector<16xi32>
        %sub3A_752 = arith.subi %sub3A_751, %shift_right_logical3A_749 : vector<16xi32>
        %bitcast_convert_type3A_753 = tpu.bitcast %sub3A_752 : vector<16xi32> -> vector<16xf32>
        %mul3A_754 = arith.constant 5.000000e-01 : f32
        %mul3A_755 = vector.broadcast %mul3A_754 : f32 to vector<16xf32>
        %mul3A_756 = arith.mulf %mul3A_755, %add3A_745 : vector<16xf32>
        %mul3A_757 = arith.mulf %mul3A_756, %bitcast_convert_type3A_753 : vector<16xf32>
        %mul3A_758 = arith.mulf %mul3A_757, %bitcast_convert_type3A_753 : vector<16xf32>
        %sub3A_759 = arith.constant 1.500000e+00 : f32
        %sub3A_760 = vector.broadcast %sub3A_759 : f32 to vector<16xf32>
        %sub3A_761 = arith.subf %sub3A_760, %mul3A_758 : vector<16xf32>
        %mul3A_762 = arith.mulf %bitcast_convert_type3A_753, %sub3A_761 : vector<16xf32>
        %sub3A_763 = arith.subf %get3A_618, %mul3A_737 : vector<16xf32>
        %mul3A_764 = arith.mulf %sub3A_763, %mul3A_762 : vector<16xf32>
        %mul3A_765 = arith.mulf %mul3A_764, %get3A_4 : vector<16xf32>
        %add3A_766 = arith.addf %mul3A_765, %get3A_16 : vector<16xf32>
        %swap3A_767 = arith.constant 0 : i32
        %swap3A_768 = arith.index_cast %swap3A_767 : i32 to index
        %swap3A_769 = arith.index_cast %add3A_612 : i32 to index
        %swap3A_770 = arith.constant 0 : index
        %swap3A_771 = tpu.vector_load %arg12[%swap3A_768, %swap3A_769, %swap3A_770] {strides = array<i32>} : memref<2x128x64xf32, #tpu.memory_space<vmem>>, vector<1x1x16xf32>,
        %swap3A_772 = vector.shape_cast %swap3A_771 : vector<1x1x16xf32> to vector<16xf32>
        %swap3A_773 = vector.shape_cast %add3A_766 : vector<16xf32> to vector<1x1x16xf32>
        tpu.vector_store %arg12[%swap3A_768, %swap3A_769, %swap3A_770], %swap3A_773 {strides = array<i32>} : memref<2x128x64xf32, #tpu.memory_space<vmem>>, vector<1x1x16xf32>,
        %sub3A_774 = arith.subf %get3A_624, %mul3A_737 : vector<16xf32>
        %mul3A_775 = arith.mulf %sub3A_774, %mul3A_762 : vector<16xf32>
        %mul3A_776 = arith.mulf %mul3A_775, %get3A_7 : vector<16xf32>
        %add3A_777 = arith.addf %mul3A_776, %get3A_19 : vector<16xf32>
        %swap3A_778 = arith.constant 0 : i32
        %swap3A_779 = arith.index_cast %swap3A_778 : i32 to index
        %swap3A_780 = arith.index_cast %add3A_612 : i32 to index
        %swap3A_781 = arith.constant 16 : index
        %swap3A_782 = tpu.vector_load %arg12[%swap3A_779, %swap3A_780, %swap3A_781] {strides = array<i32>} : memref<2x128x64xf32, #tpu.memory_space<vmem>>, vector<1x1x16xf32>,
        %swap3A_783 = vector.shape_cast %swap3A_782 : vector<1x1x16xf32> to vector<16xf32>
        %swap3A_784 = vector.shape_cast %add3A_777 : vector<16xf32> to vector<1x1x16xf32>
        tpu.vector_store %arg12[%swap3A_779, %swap3A_780, %swap3A_781], %swap3A_784 {strides = array<i32>} : memref<2x128x64xf32, #tpu.memory_space<vmem>>, vector<1x1x16xf32>,
        %sub3A_785 = arith.subf %get3A_630, %mul3A_737 : vector<16xf32>
        %mul3A_786 = arith.mulf %sub3A_785, %mul3A_762 : vector<16xf32>
        %mul3A_787 = arith.mulf %mul3A_786, %get3A_10 : vector<16xf32>
        %add3A_788 = arith.addf %mul3A_787, %get3A_22 : vector<16xf32>
        %swap3A_789 = arith.constant 0 : i32
        %swap3A_790 = arith.index_cast %swap3A_789 : i32 to index
        %swap3A_791 = arith.index_cast %add3A_612 : i32 to index
        %swap3A_792 = arith.constant 32 : index
        %swap3A_793 = tpu.vector_load %arg12[%swap3A_790, %swap3A_791, %swap3A_792] {strides = array<i32>} : memref<2x128x64xf32, #tpu.memory_space<vmem>>, vector<1x1x16xf32>,
        %swap3A_794 = vector.shape_cast %swap3A_793 : vector<1x1x16xf32> to vector<16xf32>
        %swap3A_795 = vector.shape_cast %add3A_788 : vector<16xf32> to vector<1x1x16xf32>
        tpu.vector_store %arg12[%swap3A_790, %swap3A_791, %swap3A_792], %swap3A_795 {strides = array<i32>} : memref<2x128x64xf32, #tpu.memory_space<vmem>>, vector<1x1x16xf32>,
        %sub3A_796 = arith.subf %get3A_636, %mul3A_737 : vector<16xf32>
        %mul3A_797 = arith.mulf %sub3A_796, %mul3A_762 : vector<16xf32>
        %mul3A_798 = arith.mulf %mul3A_797, %get3A_13 : vector<16xf32>
        %add3A_799 = arith.addf %mul3A_798, %get3A_25 : vector<16xf32>
        %swap3A_800 = arith.constant 0 : i32
        %swap3A_801 = arith.index_cast %swap3A_800 : i32 to index
        %swap3A_802 = arith.index_cast %add3A_612 : i32 to index
        %swap3A_803 = arith.constant 48 : index
        %swap3A_804 = tpu.vector_load %arg12[%swap3A_801, %swap3A_802, %swap3A_803] {strides = array<i32>} : memref<2x128x64xf32, #tpu.memory_space<vmem>>, vector<1x1x16xf32>,
        %swap3A_805 = vector.shape_cast %swap3A_804 : vector<1x1x16xf32> to vector<16xf32>
        %swap3A_806 = vector.shape_cast %add3A_799 : vector<16xf32> to vector<1x1x16xf32>
        tpu.vector_store %arg12[%swap3A_801, %swap3A_802, %swap3A_803], %swap3A_806 {strides = array<i32>} : memref<2x128x64xf32, #tpu.memory_space<vmem>>, vector<1x1x16xf32>,
        %mul3A_807 = arith.constant 4 : i32
        %mul3A_808 = arith.muli %scan3A_219, %mul3A_807 : i32
        %add3A_809 = arith.constant 3 : i32
        %add3A_810 = arith.addi %mul3A_808, %add3A_809 : i32
        %get3A_811 = arith.constant 0 : i32
        %get3A_812 = arith.index_cast %get3A_811 : i32 to index
        %get3A_813 = arith.index_cast %add3A_810 : i32 to index
        %get3A_814 = arith.constant 0 : index
        %get3A_815 = tpu.vector_load %arg10[%get3A_812, %get3A_813, %get3A_814] {strides = array<i32>} : memref<2x128x64xf32, #tpu.memory_space<vmem>>, vector<1x1x16xf32>,
        %get3A_816 = vector.shape_cast %get3A_815 : vector<1x1x16xf32> to vector<16xf32>
        %get3A_817 = arith.constant 0 : i32
        %get3A_818 = arith.index_cast %get3A_817 : i32 to index
        %get3A_819 = arith.index_cast %add3A_810 : i32 to index
        %get3A_820 = arith.constant 16 : index
        %get3A_821 = tpu.vector_load %arg10[%get3A_818, %get3A_819, %get3A_820] {strides = array<i32>} : memref<2x128x64xf32, #tpu.memory_space<vmem>>, vector<1x1x16xf32>,
        %get3A_822 = vector.shape_cast %get3A_821 : vector<1x1x16xf32> to vector<16xf32>
        %get3A_823 = arith.constant 0 : i32
        %get3A_824 = arith.index_cast %get3A_823 : i32 to index
        %get3A_825 = arith.index_cast %add3A_810 : i32 to index
        %get3A_826 = arith.constant 32 : index
        %get3A_827 = tpu.vector_load %arg10[%get3A_824, %get3A_825, %get3A_826] {strides = array<i32>} : memref<2x128x64xf32, #tpu.memory_space<vmem>>, vector<1x1x16xf32>,
        %get3A_828 = vector.shape_cast %get3A_827 : vector<1x1x16xf32> to vector<16xf32>
        %get3A_829 = arith.constant 0 : i32
        %get3A_830 = arith.index_cast %get3A_829 : i32 to index
        %get3A_831 = arith.index_cast %add3A_810 : i32 to index
        %get3A_832 = arith.constant 48 : index
        %get3A_833 = tpu.vector_load %arg10[%get3A_830, %get3A_831, %get3A_832] {strides = array<i32>} : memref<2x128x64xf32, #tpu.memory_space<vmem>>, vector<1x1x16xf32>,
        %get3A_834 = vector.shape_cast %get3A_833 : vector<1x1x16xf32> to vector<16xf32>
        %add3A_835 = arith.addf %get3A_816, %get3A_822 : vector<16xf32>
        %add3A_836 = arith.addf %get3A_828, %get3A_834 : vector<16xf32>
        %add3A_837 = arith.addf %add3A_835, %add3A_836 : vector<16xf32>
        %mul3A_838 = arith.mulf %get3A_816, %get3A_816 : vector<16xf32>
        %mul3A_839 = arith.mulf %get3A_822, %get3A_822 : vector<16xf32>
        %add3A_840 = arith.addf %mul3A_838, %mul3A_839 : vector<16xf32>
        %mul3A_841 = arith.mulf %get3A_828, %get3A_828 : vector<16xf32>
        %mul3A_842 = arith.mulf %get3A_834, %get3A_834 : vector<16xf32>
        %add3A_843 = arith.addf %mul3A_841, %mul3A_842 : vector<16xf32>
        %add3A_844 = arith.addf %add3A_840, %add3A_843 : vector<16xf32>
        %lt3A_845 = arith.constant 0 : i32
        %lt3A_846 = vector.broadcast %lt3A_845 : i32 to vector<16xi32>
        %lt3A_847 = arith.cmpi slt, %and3A_30, %lt3A_846 : vector<16xi32>
        %add3A_848 = arith.constant 16 : i32
        %add3A_849 = vector.broadcast %add3A_848 : i32 to vector<16xi32>
        %add3A_850 = arith.addi %and3A_30, %add3A_849 : vector<16xi32>
        %select_n3A_851 = arith.select %lt3A_847, %add3A_850, %and3A_30 : vector<16xi1>, vector<16xi32>
        %broadcast_in_dim3A_852 = vector.shape_cast %select_n3A_851 : vector<16xi32> to vector<16x1xi32>
        %gather3A_853 = vector.shape_cast %broadcast_in_dim3A_852 : vector<16x1xi32> to vector<16xi32>
        %gather3A_854 = tpu.dynamic_gather %add3A_837[%gather3A_853] in [0] : vector<16xf32>, vector<16xi32> -> vector<16xf32>
        %add3A_855 = arith.addf %add3A_837, %gather3A_854 : vector<16xf32>
        %lt3A_856 = arith.constant 0 : i32
        %lt3A_857 = vector.broadcast %lt3A_856 : i32 to vector<16xi32>
        %lt3A_858 = arith.cmpi slt, %and3A_30, %lt3A_857 : vector<16xi32>
        %add3A_859 = arith.constant 16 : i32
        %add3A_860 = vector.broadcast %add3A_859 : i32 to vector<16xi32>
        %add3A_861 = arith.addi %and3A_30, %add3A_860 : vector<16xi32>
        %select_n3A_862 = arith.select %lt3A_858, %add3A_861, %and3A_30 : vector<16xi1>, vector<16xi32>
        %broadcast_in_dim3A_863 = vector.shape_cast %select_n3A_862 : vector<16xi32> to vector<16x1xi32>
        %gather3A_864 = vector.shape_cast %broadcast_in_dim3A_863 : vector<16x1xi32> to vector<16xi32>
        %gather3A_865 = tpu.dynamic_gather %add3A_844[%gather3A_864] in [0] : vector<16xf32>, vector<16xi32> -> vector<16xf32>
        %add3A_866 = arith.addf %add3A_844, %gather3A_865 : vector<16xf32>
        %lt3A_867 = arith.constant 0 : i32
        %lt3A_868 = vector.broadcast %lt3A_867 : i32 to vector<16xi32>
        %lt3A_869 = arith.cmpi slt, %and3A_36, %lt3A_868 : vector<16xi32>
        %add3A_870 = arith.constant 16 : i32
        %add3A_871 = vector.broadcast %add3A_870 : i32 to vector<16xi32>
        %add3A_872 = arith.addi %and3A_36, %add3A_871 : vector<16xi32>
        %select_n3A_873 = arith.select %lt3A_869, %add3A_872, %and3A_36 : vector<16xi1>, vector<16xi32>
        %broadcast_in_dim3A_874 = vector.shape_cast %select_n3A_873 : vector<16xi32> to vector<16x1xi32>
        %gather3A_875 = vector.shape_cast %broadcast_in_dim3A_874 : vector<16x1xi32> to vector<16xi32>
        %gather3A_876 = tpu.dynamic_gather %add3A_855[%gather3A_875] in [0] : vector<16xf32>, vector<16xi32> -> vector<16xf32>
        %add3A_877 = arith.addf %add3A_855, %gather3A_876 : vector<16xf32>
        %lt3A_878 = arith.constant 0 : i32
        %lt3A_879 = vector.broadcast %lt3A_878 : i32 to vector<16xi32>
        %lt3A_880 = arith.cmpi slt, %and3A_36, %lt3A_879 : vector<16xi32>
        %add3A_881 = arith.constant 16 : i32
        %add3A_882 = vector.broadcast %add3A_881 : i32 to vector<16xi32>
        %add3A_883 = arith.addi %and3A_36, %add3A_882 : vector<16xi32>
        %select_n3A_884 = arith.select %lt3A_880, %add3A_883, %and3A_36 : vector<16xi1>, vector<16xi32>
        %broadcast_in_dim3A_885 = vector.shape_cast %select_n3A_884 : vector<16xi32> to vector<16x1xi32>
        %gather3A_886 = vector.shape_cast %broadcast_in_dim3A_885 : vector<16x1xi32> to vector<16xi32>
        %gather3A_887 = tpu.dynamic_gather %add3A_866[%gather3A_886] in [0] : vector<16xf32>, vector<16xi32> -> vector<16xf32>
        %add3A_888 = arith.addf %add3A_866, %gather3A_887 : vector<16xf32>
        %lt3A_889 = arith.constant 0 : i32
        %lt3A_890 = vector.broadcast %lt3A_889 : i32 to vector<16xi32>
        %lt3A_891 = arith.cmpi slt, %and3A_42, %lt3A_890 : vector<16xi32>
        %add3A_892 = arith.constant 16 : i32
        %add3A_893 = vector.broadcast %add3A_892 : i32 to vector<16xi32>
        %add3A_894 = arith.addi %and3A_42, %add3A_893 : vector<16xi32>
        %select_n3A_895 = arith.select %lt3A_891, %add3A_894, %and3A_42 : vector<16xi1>, vector<16xi32>
        %broadcast_in_dim3A_896 = vector.shape_cast %select_n3A_895 : vector<16xi32> to vector<16x1xi32>
        %gather3A_897 = vector.shape_cast %broadcast_in_dim3A_896 : vector<16x1xi32> to vector<16xi32>
        %gather3A_898 = tpu.dynamic_gather %add3A_877[%gather3A_897] in [0] : vector<16xf32>, vector<16xi32> -> vector<16xf32>
        %add3A_899 = arith.addf %add3A_877, %gather3A_898 : vector<16xf32>
        %lt3A_900 = arith.constant 0 : i32
        %lt3A_901 = vector.broadcast %lt3A_900 : i32 to vector<16xi32>
        %lt3A_902 = arith.cmpi slt, %and3A_42, %lt3A_901 : vector<16xi32>
        %add3A_903 = arith.constant 16 : i32
        %add3A_904 = vector.broadcast %add3A_903 : i32 to vector<16xi32>
        %add3A_905 = arith.addi %and3A_42, %add3A_904 : vector<16xi32>
        %select_n3A_906 = arith.select %lt3A_902, %add3A_905, %and3A_42 : vector<16xi1>, vector<16xi32>
        %broadcast_in_dim3A_907 = vector.shape_cast %select_n3A_906 : vector<16xi32> to vector<16x1xi32>
        %gather3A_908 = vector.shape_cast %broadcast_in_dim3A_907 : vector<16x1xi32> to vector<16xi32>
        %gather3A_909 = tpu.dynamic_gather %add3A_888[%gather3A_908] in [0] : vector<16xf32>, vector<16xi32> -> vector<16xf32>
        %add3A_910 = arith.addf %add3A_888, %gather3A_909 : vector<16xf32>
        %lt3A_911 = arith.constant 0 : i32
        %lt3A_912 = vector.broadcast %lt3A_911 : i32 to vector<16xi32>
        %lt3A_913 = arith.cmpi slt, %and3A_48, %lt3A_912 : vector<16xi32>
        %add3A_914 = arith.constant 16 : i32
        %add3A_915 = vector.broadcast %add3A_914 : i32 to vector<16xi32>
        %add3A_916 = arith.addi %and3A_48, %add3A_915 : vector<16xi32>
        %select_n3A_917 = arith.select %lt3A_913, %add3A_916, %and3A_48 : vector<16xi1>, vector<16xi32>
        %broadcast_in_dim3A_918 = vector.shape_cast %select_n3A_917 : vector<16xi32> to vector<16x1xi32>
        %gather3A_919 = vector.shape_cast %broadcast_in_dim3A_918 : vector<16x1xi32> to vector<16xi32>
        %gather3A_920 = tpu.dynamic_gather %add3A_899[%gather3A_919] in [0] : vector<16xf32>, vector<16xi32> -> vector<16xf32>
        %add3A_921 = arith.addf %add3A_899, %gather3A_920 : vector<16xf32>
        %lt3A_922 = arith.constant 0 : i32
        %lt3A_923 = vector.broadcast %lt3A_922 : i32 to vector<16xi32>
        %lt3A_924 = arith.cmpi slt, %and3A_48, %lt3A_923 : vector<16xi32>
        %add3A_925 = arith.constant 16 : i32
        %add3A_926 = vector.broadcast %add3A_925 : i32 to vector<16xi32>
        %add3A_927 = arith.addi %and3A_48, %add3A_926 : vector<16xi32>
        %select_n3A_928 = arith.select %lt3A_924, %add3A_927, %and3A_48 : vector<16xi1>, vector<16xi32>
        %broadcast_in_dim3A_929 = vector.shape_cast %select_n3A_928 : vector<16xi32> to vector<16x1xi32>
        %gather3A_930 = vector.shape_cast %broadcast_in_dim3A_929 : vector<16x1xi32> to vector<16xi32>
        %gather3A_931 = tpu.dynamic_gather %add3A_910[%gather3A_930] in [0] : vector<16xf32>, vector<16xi32> -> vector<16xf32>
        %add3A_932 = arith.addf %add3A_910, %gather3A_931 : vector<16xf32>
        %mul3A_933 = arith.constant 1.562500e-02 : f32
        %mul3A_934 = vector.broadcast %mul3A_933 : f32 to vector<16xf32>
        %mul3A_935 = arith.mulf %add3A_921, %mul3A_934 : vector<16xf32>
        %mul3A_936 = arith.constant 1.562500e-02 : f32
        %mul3A_937 = vector.broadcast %mul3A_936 : f32 to vector<16xf32>
        %mul3A_938 = arith.mulf %add3A_932, %mul3A_937 : vector<16xf32>
        %mul3A_939 = arith.mulf %mul3A_935, %mul3A_935 : vector<16xf32>
        %sub3A_940 = arith.subf %mul3A_938, %mul3A_939 : vector<16xf32>
        %add3A_941 = arith.constant 9.99999974E-6 : f32
        %add3A_942 = vector.broadcast %add3A_941 : f32 to vector<16xf32>
        %add3A_943 = arith.addf %sub3A_940, %add3A_942 : vector<16xf32>
        %bitcast_convert_type3A_944 = tpu.bitcast %add3A_943 : vector<16xf32> -> vector<16xi32>
        %shift_right_logical3A_945 = arith.constant 1 : i32
        %shift_right_logical3A_946 = vector.broadcast %shift_right_logical3A_945 : i32 to vector<16xi32>
        %shift_right_logical3A_947 = arith.shrui %bitcast_convert_type3A_944, %shift_right_logical3A_946 : vector<16xi32>
        %sub3A_948 = arith.constant 1597463007 : i32
        %sub3A_949 = vector.broadcast %sub3A_948 : i32 to vector<16xi32>
        %sub3A_950 = arith.subi %sub3A_949, %shift_right_logical3A_947 : vector<16xi32>
        %bitcast_convert_type3A_951 = tpu.bitcast %sub3A_950 : vector<16xi32> -> vector<16xf32>
        %mul3A_952 = arith.constant 5.000000e-01 : f32
        %mul3A_953 = vector.broadcast %mul3A_952 : f32 to vector<16xf32>
        %mul3A_954 = arith.mulf %mul3A_953, %add3A_943 : vector<16xf32>
        %mul3A_955 = arith.mulf %mul3A_954, %bitcast_convert_type3A_951 : vector<16xf32>
        %mul3A_956 = arith.mulf %mul3A_955, %bitcast_convert_type3A_951 : vector<16xf32>
        %sub3A_957 = arith.constant 1.500000e+00 : f32
        %sub3A_958 = vector.broadcast %sub3A_957 : f32 to vector<16xf32>
        %sub3A_959 = arith.subf %sub3A_958, %mul3A_956 : vector<16xf32>
        %mul3A_960 = arith.mulf %bitcast_convert_type3A_951, %sub3A_959 : vector<16xf32>
        %sub3A_961 = arith.subf %get3A_816, %mul3A_935 : vector<16xf32>
        %mul3A_962 = arith.mulf %sub3A_961, %mul3A_960 : vector<16xf32>
        %mul3A_963 = arith.mulf %mul3A_962, %get3A_4 : vector<16xf32>
        %add3A_964 = arith.addf %mul3A_963, %get3A_16 : vector<16xf32>
        %swap3A_965 = arith.constant 0 : i32
        %swap3A_966 = arith.index_cast %swap3A_965 : i32 to index
        %swap3A_967 = arith.index_cast %add3A_810 : i32 to index
        %swap3A_968 = arith.constant 0 : index
        %swap3A_969 = tpu.vector_load %arg12[%swap3A_966, %swap3A_967, %swap3A_968] {strides = array<i32>} : memref<2x128x64xf32, #tpu.memory_space<vmem>>, vector<1x1x16xf32>,
        %swap3A_970 = vector.shape_cast %swap3A_969 : vector<1x1x16xf32> to vector<16xf32>
        %swap3A_971 = vector.shape_cast %add3A_964 : vector<16xf32> to vector<1x1x16xf32>
        tpu.vector_store %arg12[%swap3A_966, %swap3A_967, %swap3A_968], %swap3A_971 {strides = array<i32>} : memref<2x128x64xf32, #tpu.memory_space<vmem>>, vector<1x1x16xf32>,
        %sub3A_972 = arith.subf %get3A_822, %mul3A_935 : vector<16xf32>
        %mul3A_973 = arith.mulf %sub3A_972, %mul3A_960 : vector<16xf32>
        %mul3A_974 = arith.mulf %mul3A_973, %get3A_7 : vector<16xf32>
        %add3A_975 = arith.addf %mul3A_974, %get3A_19 : vector<16xf32>
        %swap3A_976 = arith.constant 0 : i32
        %swap3A_977 = arith.index_cast %swap3A_976 : i32 to index
        %swap3A_978 = arith.index_cast %add3A_810 : i32 to index
        %swap3A_979 = arith.constant 16 : index
        %swap3A_980 = tpu.vector_load %arg12[%swap3A_977, %swap3A_978, %swap3A_979] {strides = array<i32>} : memref<2x128x64xf32, #tpu.memory_space<vmem>>, vector<1x1x16xf32>,
        %swap3A_981 = vector.shape_cast %swap3A_980 : vector<1x1x16xf32> to vector<16xf32>
        %swap3A_982 = vector.shape_cast %add3A_975 : vector<16xf32> to vector<1x1x16xf32>
        tpu.vector_store %arg12[%swap3A_977, %swap3A_978, %swap3A_979], %swap3A_982 {strides = array<i32>} : memref<2x128x64xf32, #tpu.memory_space<vmem>>, vector<1x1x16xf32>,
        %sub3A_983 = arith.subf %get3A_828, %mul3A_935 : vector<16xf32>
        %mul3A_984 = arith.mulf %sub3A_983, %mul3A_960 : vector<16xf32>
        %mul3A_985 = arith.mulf %mul3A_984, %get3A_10 : vector<16xf32>
        %add3A_986 = arith.addf %mul3A_985, %get3A_22 : vector<16xf32>
        %swap3A_987 = arith.constant 0 : i32
        %swap3A_988 = arith.index_cast %swap3A_987 : i32 to index
        %swap3A_989 = arith.index_cast %add3A_810 : i32 to index
        %swap3A_990 = arith.constant 32 : index
        %swap3A_991 = tpu.vector_load %arg12[%swap3A_988, %swap3A_989, %swap3A_990] {strides = array<i32>} : memref<2x128x64xf32, #tpu.memory_space<vmem>>, vector<1x1x16xf32>,
        %swap3A_992 = vector.shape_cast %swap3A_991 : vector<1x1x16xf32> to vector<16xf32>
        %swap3A_993 = vector.shape_cast %add3A_986 : vector<16xf32> to vector<1x1x16xf32>
        tpu.vector_store %arg12[%swap3A_988, %swap3A_989, %swap3A_990], %swap3A_993 {strides = array<i32>} : memref<2x128x64xf32, #tpu.memory_space<vmem>>, vector<1x1x16xf32>,
        %sub3A_994 = arith.subf %get3A_834, %mul3A_935 : vector<16xf32>
        %mul3A_995 = arith.mulf %sub3A_994, %mul3A_960 : vector<16xf32>
        %mul3A_996 = arith.mulf %mul3A_995, %get3A_13 : vector<16xf32>
        %add3A_997 = arith.addf %mul3A_996, %get3A_25 : vector<16xf32>
        %swap3A_998 = arith.constant 0 : i32
        %swap3A_999 = arith.index_cast %swap3A_998 : i32 to index
        %swap3A_1000 = arith.index_cast %add3A_810 : i32 to index
        %swap3A_1001 = arith.constant 48 : index
        %swap3A_1002 = tpu.vector_load %arg12[%swap3A_999, %swap3A_1000, %swap3A_1001] {strides = array<i32>} : memref<2x128x64xf32, #tpu.memory_space<vmem>>, vector<1x1x16xf32>,
        %swap3A_1003 = vector.shape_cast %swap3A_1002 : vector<1x1x16xf32> to vector<16xf32>
        %swap3A_1004 = vector.shape_cast %add3A_997 : vector<16xf32> to vector<1x1x16xf32>
        tpu.vector_store %arg12[%swap3A_999, %swap3A_1000, %swap3A_1001], %swap3A_1004 {strides = array<i32>} : memref<2x128x64xf32, #tpu.memory_space<vmem>>, vector<1x1x16xf32>,
      }
      %scan3A_206 = arith.constant 32 : i32
      %scan3A_207 = arith.constant 0 : i32
      %scan3A_208 = arith.constant 0 : i32
      %scan3A_209 = arith.constant 32 : i32
      %scan3A_210 = arith.addi %scan3A_208, %scan3A_209 : i32
      %scan3A_211 = arith.constant 1 : i32
      scf.for %scan3A_219 = %scan3A_208 to %scan3A_210 step %scan3A_211  : i32 {
        %mul3A_220 = arith.constant 4 : i32
        %mul3A_221 = arith.muli %scan3A_219, %mul3A_220 : i32
        %add3A_222 = arith.constant 0 : i32
        %add3A_223 = arith.addi %mul3A_221, %add3A_222 : i32
        %get3A_224 = arith.constant 1 : i32
        %get3A_225 = arith.index_cast %get3A_224 : i32 to index
        %get3A_226 = arith.index_cast %add3A_223 : i32 to index
        %get3A_227 = arith.constant 0 : index
        %get3A_228 = tpu.vector_load %arg10[%get3A_225, %get3A_226, %get3A_227] {strides = array<i32>} : memref<2x128x64xf32, #tpu.memory_space<vmem>>, vector<1x1x16xf32>,
        %get3A_229 = vector.shape_cast %get3A_228 : vector<1x1x16xf32> to vector<16xf32>
        %get3A_230 = arith.constant 1 : i32
        %get3A_231 = arith.index_cast %get3A_230 : i32 to index
        %get3A_232 = arith.index_cast %add3A_223 : i32 to index
        %get3A_233 = arith.constant 16 : index
        %get3A_234 = tpu.vector_load %arg10[%get3A_231, %get3A_232, %get3A_233] {strides = array<i32>} : memref<2x128x64xf32, #tpu.memory_space<vmem>>, vector<1x1x16xf32>,
        %get3A_235 = vector.shape_cast %get3A_234 : vector<1x1x16xf32> to vector<16xf32>
        %get3A_236 = arith.constant 1 : i32
        %get3A_237 = arith.index_cast %get3A_236 : i32 to index
        %get3A_238 = arith.index_cast %add3A_223 : i32 to index
        %get3A_239 = arith.constant 32 : index
        %get3A_240 = tpu.vector_load %arg10[%get3A_237, %get3A_238, %get3A_239] {strides = array<i32>} : memref<2x128x64xf32, #tpu.memory_space<vmem>>, vector<1x1x16xf32>,
        %get3A_241 = vector.shape_cast %get3A_240 : vector<1x1x16xf32> to vector<16xf32>
        %get3A_242 = arith.constant 1 : i32
        %get3A_243 = arith.index_cast %get3A_242 : i32 to index
        %get3A_244 = arith.index_cast %add3A_223 : i32 to index
        %get3A_245 = arith.constant 48 : index
        %get3A_246 = tpu.vector_load %arg10[%get3A_243, %get3A_244, %get3A_245] {strides = array<i32>} : memref<2x128x64xf32, #tpu.memory_space<vmem>>, vector<1x1x16xf32>,
        %get3A_247 = vector.shape_cast %get3A_246 : vector<1x1x16xf32> to vector<16xf32>
        %add3A_248 = arith.addf %get3A_229, %get3A_235 : vector<16xf32>
        %add3A_249 = arith.addf %get3A_241, %get3A_247 : vector<16xf32>
        %add3A_250 = arith.addf %add3A_248, %add3A_249 : vector<16xf32>
        %mul3A_251 = arith.mulf %get3A_229, %get3A_229 : vector<16xf32>
        %mul3A_252 = arith.mulf %get3A_235, %get3A_235 : vector<16xf32>
        %add3A_253 = arith.addf %mul3A_251, %mul3A_252 : vector<16xf32>
        %mul3A_254 = arith.mulf %get3A_241, %get3A_241 : vector<16xf32>
        %mul3A_255 = arith.mulf %get3A_247, %get3A_247 : vector<16xf32>
        %add3A_256 = arith.addf %mul3A_254, %mul3A_255 : vector<16xf32>
        %add3A_257 = arith.addf %add3A_253, %add3A_256 : vector<16xf32>
        %lt3A_258 = arith.constant 0 : i32
        %lt3A_259 = vector.broadcast %lt3A_258 : i32 to vector<16xi32>
        %lt3A_260 = arith.cmpi slt, %and3A_30, %lt3A_259 : vector<16xi32>
        %add3A_261 = arith.constant 16 : i32
        %add3A_262 = vector.broadcast %add3A_261 : i32 to vector<16xi32>
        %add3A_263 = arith.addi %and3A_30, %add3A_262 : vector<16xi32>
        %select_n3A = arith.select %lt3A_260, %add3A_263, %and3A_30 : vector<16xi1>, vector<16xi32>
        %broadcast_in_dim3A = vector.shape_cast %select_n3A : vector<16xi32> to vector<16x1xi32>
        %gather3A = vector.shape_cast %broadcast_in_dim3A : vector<16x1xi32> to vector<16xi32>
        %gather3A_264 = tpu.dynamic_gather %add3A_250[%gather3A] in [0] : vector<16xf32>, vector<16xi32> -> vector<16xf32>
        %add3A_265 = arith.addf %add3A_250, %gather3A_264 : vector<16xf32>
        %lt3A_266 = arith.constant 0 : i32
        %lt3A_267 = vector.broadcast %lt3A_266 : i32 to vector<16xi32>
        %lt3A_268 = arith.cmpi slt, %and3A_30, %lt3A_267 : vector<16xi32>
        %add3A_269 = arith.constant 16 : i32
        %add3A_270 = vector.broadcast %add3A_269 : i32 to vector<16xi32>
        %add3A_271 = arith.addi %and3A_30, %add3A_270 : vector<16xi32>
        %select_n3A_272 = arith.select %lt3A_268, %add3A_271, %and3A_30 : vector<16xi1>, vector<16xi32>
        %broadcast_in_dim3A_273 = vector.shape_cast %select_n3A_272 : vector<16xi32> to vector<16x1xi32>
        %gather3A_274 = vector.shape_cast %broadcast_in_dim3A_273 : vector<16x1xi32> to vector<16xi32>
        %gather3A_275 = tpu.dynamic_gather %add3A_257[%gather3A_274] in [0] : vector<16xf32>, vector<16xi32> -> vector<16xf32>
        %add3A_276 = arith.addf %add3A_257, %gather3A_275 : vector<16xf32>
        %lt3A_277 = arith.constant 0 : i32
        %lt3A_278 = vector.broadcast %lt3A_277 : i32 to vector<16xi32>
        %lt3A_279 = arith.cmpi slt, %and3A_36, %lt3A_278 : vector<16xi32>
        %add3A_280 = arith.constant 16 : i32
        %add3A_281 = vector.broadcast %add3A_280 : i32 to vector<16xi32>
        %add3A_282 = arith.addi %and3A_36, %add3A_281 : vector<16xi32>
        %select_n3A_283 = arith.select %lt3A_279, %add3A_282, %and3A_36 : vector<16xi1>, vector<16xi32>
        %broadcast_in_dim3A_284 = vector.shape_cast %select_n3A_283 : vector<16xi32> to vector<16x1xi32>
        %gather3A_285 = vector.shape_cast %broadcast_in_dim3A_284 : vector<16x1xi32> to vector<16xi32>
        %gather3A_286 = tpu.dynamic_gather %add3A_265[%gather3A_285] in [0] : vector<16xf32>, vector<16xi32> -> vector<16xf32>
        %add3A_287 = arith.addf %add3A_265, %gather3A_286 : vector<16xf32>
        %lt3A_288 = arith.constant 0 : i32
        %lt3A_289 = vector.broadcast %lt3A_288 : i32 to vector<16xi32>
        %lt3A_290 = arith.cmpi slt, %and3A_36, %lt3A_289 : vector<16xi32>
        %add3A_291 = arith.constant 16 : i32
        %add3A_292 = vector.broadcast %add3A_291 : i32 to vector<16xi32>
        %add3A_293 = arith.addi %and3A_36, %add3A_292 : vector<16xi32>
        %select_n3A_294 = arith.select %lt3A_290, %add3A_293, %and3A_36 : vector<16xi1>, vector<16xi32>
        %broadcast_in_dim3A_295 = vector.shape_cast %select_n3A_294 : vector<16xi32> to vector<16x1xi32>
        %gather3A_296 = vector.shape_cast %broadcast_in_dim3A_295 : vector<16x1xi32> to vector<16xi32>
        %gather3A_297 = tpu.dynamic_gather %add3A_276[%gather3A_296] in [0] : vector<16xf32>, vector<16xi32> -> vector<16xf32>
        %add3A_298 = arith.addf %add3A_276, %gather3A_297 : vector<16xf32>
        %lt3A_299 = arith.constant 0 : i32
        %lt3A_300 = vector.broadcast %lt3A_299 : i32 to vector<16xi32>
        %lt3A_301 = arith.cmpi slt, %and3A_42, %lt3A_300 : vector<16xi32>
        %add3A_302 = arith.constant 16 : i32
        %add3A_303 = vector.broadcast %add3A_302 : i32 to vector<16xi32>
        %add3A_304 = arith.addi %and3A_42, %add3A_303 : vector<16xi32>
        %select_n3A_305 = arith.select %lt3A_301, %add3A_304, %and3A_42 : vector<16xi1>, vector<16xi32>
        %broadcast_in_dim3A_306 = vector.shape_cast %select_n3A_305 : vector<16xi32> to vector<16x1xi32>
        %gather3A_307 = vector.shape_cast %broadcast_in_dim3A_306 : vector<16x1xi32> to vector<16xi32>
        %gather3A_308 = tpu.dynamic_gather %add3A_287[%gather3A_307] in [0] : vector<16xf32>, vector<16xi32> -> vector<16xf32>
        %add3A_309 = arith.addf %add3A_287, %gather3A_308 : vector<16xf32>
        %lt3A_310 = arith.constant 0 : i32
        %lt3A_311 = vector.broadcast %lt3A_310 : i32 to vector<16xi32>
        %lt3A_312 = arith.cmpi slt, %and3A_42, %lt3A_311 : vector<16xi32>
        %add3A_313 = arith.constant 16 : i32
        %add3A_314 = vector.broadcast %add3A_313 : i32 to vector<16xi32>
        %add3A_315 = arith.addi %and3A_42, %add3A_314 : vector<16xi32>
        %select_n3A_316 = arith.select %lt3A_312, %add3A_315, %and3A_42 : vector<16xi1>, vector<16xi32>
        %broadcast_in_dim3A_317 = vector.shape_cast %select_n3A_316 : vector<16xi32> to vector<16x1xi32>
        %gather3A_318 = vector.shape_cast %broadcast_in_dim3A_317 : vector<16x1xi32> to vector<16xi32>
        %gather3A_319 = tpu.dynamic_gather %add3A_298[%gather3A_318] in [0] : vector<16xf32>, vector<16xi32> -> vector<16xf32>
        %add3A_320 = arith.addf %add3A_298, %gather3A_319 : vector<16xf32>
        %lt3A_321 = arith.constant 0 : i32
        %lt3A_322 = vector.broadcast %lt3A_321 : i32 to vector<16xi32>
        %lt3A_323 = arith.cmpi slt, %and3A_48, %lt3A_322 : vector<16xi32>
        %add3A_324 = arith.constant 16 : i32
        %add3A_325 = vector.broadcast %add3A_324 : i32 to vector<16xi32>
        %add3A_326 = arith.addi %and3A_48, %add3A_325 : vector<16xi32>
        %select_n3A_327 = arith.select %lt3A_323, %add3A_326, %and3A_48 : vector<16xi1>, vector<16xi32>
        %broadcast_in_dim3A_328 = vector.shape_cast %select_n3A_327 : vector<16xi32> to vector<16x1xi32>
        %gather3A_329 = vector.shape_cast %broadcast_in_dim3A_328 : vector<16x1xi32> to vector<16xi32>
        %gather3A_330 = tpu.dynamic_gather %add3A_309[%gather3A_329] in [0] : vector<16xf32>, vector<16xi32> -> vector<16xf32>
        %add3A_331 = arith.addf %add3A_309, %gather3A_330 : vector<16xf32>
        %lt3A_332 = arith.constant 0 : i32
        %lt3A_333 = vector.broadcast %lt3A_332 : i32 to vector<16xi32>
        %lt3A_334 = arith.cmpi slt, %and3A_48, %lt3A_333 : vector<16xi32>
        %add3A_335 = arith.constant 16 : i32
        %add3A_336 = vector.broadcast %add3A_335 : i32 to vector<16xi32>
        %add3A_337 = arith.addi %and3A_48, %add3A_336 : vector<16xi32>
        %select_n3A_338 = arith.select %lt3A_334, %add3A_337, %and3A_48 : vector<16xi1>, vector<16xi32>
        %broadcast_in_dim3A_339 = vector.shape_cast %select_n3A_338 : vector<16xi32> to vector<16x1xi32>
        %gather3A_340 = vector.shape_cast %broadcast_in_dim3A_339 : vector<16x1xi32> to vector<16xi32>
        %gather3A_341 = tpu.dynamic_gather %add3A_320[%gather3A_340] in [0] : vector<16xf32>, vector<16xi32> -> vector<16xf32>
        %add3A_342 = arith.addf %add3A_320, %gather3A_341 : vector<16xf32>
        %mul3A_343 = arith.constant 1.562500e-02 : f32
        %mul3A_344 = vector.broadcast %mul3A_343 : f32 to vector<16xf32>
        %mul3A_345 = arith.mulf %add3A_331, %mul3A_344 : vector<16xf32>
        %mul3A_346 = arith.constant 1.562500e-02 : f32
        %mul3A_347 = vector.broadcast %mul3A_346 : f32 to vector<16xf32>
        %mul3A_348 = arith.mulf %add3A_342, %mul3A_347 : vector<16xf32>
        %mul3A_349 = arith.mulf %mul3A_345, %mul3A_345 : vector<16xf32>
        %sub3A = arith.subf %mul3A_348, %mul3A_349 : vector<16xf32>
        %add3A_350 = arith.constant 9.99999974E-6 : f32
        %add3A_351 = vector.broadcast %add3A_350 : f32 to vector<16xf32>
        %add3A_352 = arith.addf %sub3A, %add3A_351 : vector<16xf32>
        %bitcast_convert_type3A = tpu.bitcast %add3A_352 : vector<16xf32> -> vector<16xi32>
        %shift_right_logical3A = arith.constant 1 : i32
        %shift_right_logical3A_353 = vector.broadcast %shift_right_logical3A : i32 to vector<16xi32>
        %shift_right_logical3A_354 = arith.shrui %bitcast_convert_type3A, %shift_right_logical3A_353 : vector<16xi32>
        %sub3A_355 = arith.constant 1597463007 : i32
        %sub3A_356 = vector.broadcast %sub3A_355 : i32 to vector<16xi32>
        %sub3A_357 = arith.subi %sub3A_356, %shift_right_logical3A_354 : vector<16xi32>
        %bitcast_convert_type3A_358 = tpu.bitcast %sub3A_357 : vector<16xi32> -> vector<16xf32>
        %mul3A_359 = arith.constant 5.000000e-01 : f32
        %mul3A_360 = vector.broadcast %mul3A_359 : f32 to vector<16xf32>
        %mul3A_361 = arith.mulf %mul3A_360, %add3A_352 : vector<16xf32>
        %mul3A_362 = arith.mulf %mul3A_361, %bitcast_convert_type3A_358 : vector<16xf32>
        %mul3A_363 = arith.mulf %mul3A_362, %bitcast_convert_type3A_358 : vector<16xf32>
        %sub3A_364 = arith.constant 1.500000e+00 : f32
        %sub3A_365 = vector.broadcast %sub3A_364 : f32 to vector<16xf32>
        %sub3A_366 = arith.subf %sub3A_365, %mul3A_363 : vector<16xf32>
        %mul3A_367 = arith.mulf %bitcast_convert_type3A_358, %sub3A_366 : vector<16xf32>
        %sub3A_368 = arith.subf %get3A_229, %mul3A_345 : vector<16xf32>
        %mul3A_369 = arith.mulf %sub3A_368, %mul3A_367 : vector<16xf32>
        %mul3A_370 = arith.mulf %mul3A_369, %get3A_4 : vector<16xf32>
        %add3A_371 = arith.addf %mul3A_370, %get3A_16 : vector<16xf32>
        %swap3A = arith.constant 1 : i32
        %swap3A_372 = arith.index_cast %swap3A : i32 to index
        %swap3A_373 = arith.index_cast %add3A_223 : i32 to index
        %swap3A_374 = arith.constant 0 : index
        %swap3A_375 = tpu.vector_load %arg12[%swap3A_372, %swap3A_373, %swap3A_374] {strides = array<i32>} : memref<2x128x64xf32, #tpu.memory_space<vmem>>, vector<1x1x16xf32>,
        %swap3A_376 = vector.shape_cast %swap3A_375 : vector<1x1x16xf32> to vector<16xf32>
        %swap3A_377 = vector.shape_cast %add3A_371 : vector<16xf32> to vector<1x1x16xf32>
        tpu.vector_store %arg12[%swap3A_372, %swap3A_373, %swap3A_374], %swap3A_377 {strides = array<i32>} : memref<2x128x64xf32, #tpu.memory_space<vmem>>, vector<1x1x16xf32>,
        %sub3A_378 = arith.subf %get3A_235, %mul3A_345 : vector<16xf32>
        %mul3A_379 = arith.mulf %sub3A_378, %mul3A_367 : vector<16xf32>
        %mul3A_380 = arith.mulf %mul3A_379, %get3A_7 : vector<16xf32>
        %add3A_381 = arith.addf %mul3A_380, %get3A_19 : vector<16xf32>
        %swap3A_382 = arith.constant 1 : i32
        %swap3A_383 = arith.index_cast %swap3A_382 : i32 to index
        %swap3A_384 = arith.index_cast %add3A_223 : i32 to index
        %swap3A_385 = arith.constant 16 : index
        %swap3A_386 = tpu.vector_load %arg12[%swap3A_383, %swap3A_384, %swap3A_385] {strides = array<i32>} : memref<2x128x64xf32, #tpu.memory_space<vmem>>, vector<1x1x16xf32>,
        %swap3A_387 = vector.shape_cast %swap3A_386 : vector<1x1x16xf32> to vector<16xf32>
        %swap3A_388 = vector.shape_cast %add3A_381 : vector<16xf32> to vector<1x1x16xf32>
        tpu.vector_store %arg12[%swap3A_383, %swap3A_384, %swap3A_385], %swap3A_388 {strides = array<i32>} : memref<2x128x64xf32, #tpu.memory_space<vmem>>, vector<1x1x16xf32>,
        %sub3A_389 = arith.subf %get3A_241, %mul3A_345 : vector<16xf32>
        %mul3A_390 = arith.mulf %sub3A_389, %mul3A_367 : vector<16xf32>
        %mul3A_391 = arith.mulf %mul3A_390, %get3A_10 : vector<16xf32>
        %add3A_392 = arith.addf %mul3A_391, %get3A_22 : vector<16xf32>
        %swap3A_393 = arith.constant 1 : i32
        %swap3A_394 = arith.index_cast %swap3A_393 : i32 to index
        %swap3A_395 = arith.index_cast %add3A_223 : i32 to index
        %swap3A_396 = arith.constant 32 : index
        %swap3A_397 = tpu.vector_load %arg12[%swap3A_394, %swap3A_395, %swap3A_396] {strides = array<i32>} : memref<2x128x64xf32, #tpu.memory_space<vmem>>, vector<1x1x16xf32>,
        %swap3A_398 = vector.shape_cast %swap3A_397 : vector<1x1x16xf32> to vector<16xf32>
        %swap3A_399 = vector.shape_cast %add3A_392 : vector<16xf32> to vector<1x1x16xf32>
        tpu.vector_store %arg12[%swap3A_394, %swap3A_395, %swap3A_396], %swap3A_399 {strides = array<i32>} : memref<2x128x64xf32, #tpu.memory_space<vmem>>, vector<1x1x16xf32>,
        %sub3A_400 = arith.subf %get3A_247, %mul3A_345 : vector<16xf32>
        %mul3A_401 = arith.mulf %sub3A_400, %mul3A_367 : vector<16xf32>
        %mul3A_402 = arith.mulf %mul3A_401, %get3A_13 : vector<16xf32>
        %add3A_403 = arith.addf %mul3A_402, %get3A_25 : vector<16xf32>
        %swap3A_404 = arith.constant 1 : i32
        %swap3A_405 = arith.index_cast %swap3A_404 : i32 to index
        %swap3A_406 = arith.index_cast %add3A_223 : i32 to index
        %swap3A_407 = arith.constant 48 : index
        %swap3A_408 = tpu.vector_load %arg12[%swap3A_405, %swap3A_406, %swap3A_407] {strides = array<i32>} : memref<2x128x64xf32, #tpu.memory_space<vmem>>, vector<1x1x16xf32>,
        %swap3A_409 = vector.shape_cast %swap3A_408 : vector<1x1x16xf32> to vector<16xf32>
        %swap3A_410 = vector.shape_cast %add3A_403 : vector<16xf32> to vector<1x1x16xf32>
        tpu.vector_store %arg12[%swap3A_405, %swap3A_406, %swap3A_407], %swap3A_410 {strides = array<i32>} : memref<2x128x64xf32, #tpu.memory_space<vmem>>, vector<1x1x16xf32>,
        %mul3A_411 = arith.constant 4 : i32
        %mul3A_412 = arith.muli %scan3A_219, %mul3A_411 : i32
        %add3A_413 = arith.constant 1 : i32
        %add3A_414 = arith.addi %mul3A_412, %add3A_413 : i32
        %get3A_415 = arith.constant 1 : i32
        %get3A_416 = arith.index_cast %get3A_415 : i32 to index
        %get3A_417 = arith.index_cast %add3A_414 : i32 to index
        %get3A_418 = arith.constant 0 : index
        %get3A_419 = tpu.vector_load %arg10[%get3A_416, %get3A_417, %get3A_418] {strides = array<i32>} : memref<2x128x64xf32, #tpu.memory_space<vmem>>, vector<1x1x16xf32>,
        %get3A_420 = vector.shape_cast %get3A_419 : vector<1x1x16xf32> to vector<16xf32>
        %get3A_421 = arith.constant 1 : i32
        %get3A_422 = arith.index_cast %get3A_421 : i32 to index
        %get3A_423 = arith.index_cast %add3A_414 : i32 to index
        %get3A_424 = arith.constant 16 : index
        %get3A_425 = tpu.vector_load %arg10[%get3A_422, %get3A_423, %get3A_424] {strides = array<i32>} : memref<2x128x64xf32, #tpu.memory_space<vmem>>, vector<1x1x16xf32>,
        %get3A_426 = vector.shape_cast %get3A_425 : vector<1x1x16xf32> to vector<16xf32>
        %get3A_427 = arith.constant 1 : i32
        %get3A_428 = arith.index_cast %get3A_427 : i32 to index
        %get3A_429 = arith.index_cast %add3A_414 : i32 to index
        %get3A_430 = arith.constant 32 : index
        %get3A_431 = tpu.vector_load %arg10[%get3A_428, %get3A_429, %get3A_430] {strides = array<i32>} : memref<2x128x64xf32, #tpu.memory_space<vmem>>, vector<1x1x16xf32>,
        %get3A_432 = vector.shape_cast %get3A_431 : vector<1x1x16xf32> to vector<16xf32>
        %get3A_433 = arith.constant 1 : i32
        %get3A_434 = arith.index_cast %get3A_433 : i32 to index
        %get3A_435 = arith.index_cast %add3A_414 : i32 to index
        %get3A_436 = arith.constant 48 : index
        %get3A_437 = tpu.vector_load %arg10[%get3A_434, %get3A_435, %get3A_436] {strides = array<i32>} : memref<2x128x64xf32, #tpu.memory_space<vmem>>, vector<1x1x16xf32>,
        %get3A_438 = vector.shape_cast %get3A_437 : vector<1x1x16xf32> to vector<16xf32>
        %add3A_439 = arith.addf %get3A_420, %get3A_426 : vector<16xf32>
        %add3A_440 = arith.addf %get3A_432, %get3A_438 : vector<16xf32>
        %add3A_441 = arith.addf %add3A_439, %add3A_440 : vector<16xf32>
        %mul3A_442 = arith.mulf %get3A_420, %get3A_420 : vector<16xf32>
        %mul3A_443 = arith.mulf %get3A_426, %get3A_426 : vector<16xf32>
        %add3A_444 = arith.addf %mul3A_442, %mul3A_443 : vector<16xf32>
        %mul3A_445 = arith.mulf %get3A_432, %get3A_432 : vector<16xf32>
        %mul3A_446 = arith.mulf %get3A_438, %get3A_438 : vector<16xf32>
        %add3A_447 = arith.addf %mul3A_445, %mul3A_446 : vector<16xf32>
        %add3A_448 = arith.addf %add3A_444, %add3A_447 : vector<16xf32>
        %lt3A_449 = arith.constant 0 : i32
        %lt3A_450 = vector.broadcast %lt3A_449 : i32 to vector<16xi32>
        %lt3A_451 = arith.cmpi slt, %and3A_30, %lt3A_450 : vector<16xi32>
        %add3A_452 = arith.constant 16 : i32
        %add3A_453 = vector.broadcast %add3A_452 : i32 to vector<16xi32>
        %add3A_454 = arith.addi %and3A_30, %add3A_453 : vector<16xi32>
        %select_n3A_455 = arith.select %lt3A_451, %add3A_454, %and3A_30 : vector<16xi1>, vector<16xi32>
        %broadcast_in_dim3A_456 = vector.shape_cast %select_n3A_455 : vector<16xi32> to vector<16x1xi32>
        %gather3A_457 = vector.shape_cast %broadcast_in_dim3A_456 : vector<16x1xi32> to vector<16xi32>
        %gather3A_458 = tpu.dynamic_gather %add3A_441[%gather3A_457] in [0] : vector<16xf32>, vector<16xi32> -> vector<16xf32>
        %add3A_459 = arith.addf %add3A_441, %gather3A_458 : vector<16xf32>
        %lt3A_460 = arith.constant 0 : i32
        %lt3A_461 = vector.broadcast %lt3A_460 : i32 to vector<16xi32>
        %lt3A_462 = arith.cmpi slt, %and3A_30, %lt3A_461 : vector<16xi32>
        %add3A_463 = arith.constant 16 : i32
        %add3A_464 = vector.broadcast %add3A_463 : i32 to vector<16xi32>
        %add3A_465 = arith.addi %and3A_30, %add3A_464 : vector<16xi32>
        %select_n3A_466 = arith.select %lt3A_462, %add3A_465, %and3A_30 : vector<16xi1>, vector<16xi32>
        %broadcast_in_dim3A_467 = vector.shape_cast %select_n3A_466 : vector<16xi32> to vector<16x1xi32>
        %gather3A_468 = vector.shape_cast %broadcast_in_dim3A_467 : vector<16x1xi32> to vector<16xi32>
        %gather3A_469 = tpu.dynamic_gather %add3A_448[%gather3A_468] in [0] : vector<16xf32>, vector<16xi32> -> vector<16xf32>
        %add3A_470 = arith.addf %add3A_448, %gather3A_469 : vector<16xf32>
        %lt3A_471 = arith.constant 0 : i32
        %lt3A_472 = vector.broadcast %lt3A_471 : i32 to vector<16xi32>
        %lt3A_473 = arith.cmpi slt, %and3A_36, %lt3A_472 : vector<16xi32>
        %add3A_474 = arith.constant 16 : i32
        %add3A_475 = vector.broadcast %add3A_474 : i32 to vector<16xi32>
        %add3A_476 = arith.addi %and3A_36, %add3A_475 : vector<16xi32>
        %select_n3A_477 = arith.select %lt3A_473, %add3A_476, %and3A_36 : vector<16xi1>, vector<16xi32>
        %broadcast_in_dim3A_478 = vector.shape_cast %select_n3A_477 : vector<16xi32> to vector<16x1xi32>
        %gather3A_479 = vector.shape_cast %broadcast_in_dim3A_478 : vector<16x1xi32> to vector<16xi32>
        %gather3A_480 = tpu.dynamic_gather %add3A_459[%gather3A_479] in [0] : vector<16xf32>, vector<16xi32> -> vector<16xf32>
        %add3A_481 = arith.addf %add3A_459, %gather3A_480 : vector<16xf32>
        %lt3A_482 = arith.constant 0 : i32
        %lt3A_483 = vector.broadcast %lt3A_482 : i32 to vector<16xi32>
        %lt3A_484 = arith.cmpi slt, %and3A_36, %lt3A_483 : vector<16xi32>
        %add3A_485 = arith.constant 16 : i32
        %add3A_486 = vector.broadcast %add3A_485 : i32 to vector<16xi32>
        %add3A_487 = arith.addi %and3A_36, %add3A_486 : vector<16xi32>
        %select_n3A_488 = arith.select %lt3A_484, %add3A_487, %and3A_36 : vector<16xi1>, vector<16xi32>
        %broadcast_in_dim3A_489 = vector.shape_cast %select_n3A_488 : vector<16xi32> to vector<16x1xi32>
        %gather3A_490 = vector.shape_cast %broadcast_in_dim3A_489 : vector<16x1xi32> to vector<16xi32>
        %gather3A_491 = tpu.dynamic_gather %add3A_470[%gather3A_490] in [0] : vector<16xf32>, vector<16xi32> -> vector<16xf32>
        %add3A_492 = arith.addf %add3A_470, %gather3A_491 : vector<16xf32>
        %lt3A_493 = arith.constant 0 : i32
        %lt3A_494 = vector.broadcast %lt3A_493 : i32 to vector<16xi32>
        %lt3A_495 = arith.cmpi slt, %and3A_42, %lt3A_494 : vector<16xi32>
        %add3A_496 = arith.constant 16 : i32
        %add3A_497 = vector.broadcast %add3A_496 : i32 to vector<16xi32>
        %add3A_498 = arith.addi %and3A_42, %add3A_497 : vector<16xi32>
        %select_n3A_499 = arith.select %lt3A_495, %add3A_498, %and3A_42 : vector<16xi1>, vector<16xi32>
        %broadcast_in_dim3A_500 = vector.shape_cast %select_n3A_499 : vector<16xi32> to vector<16x1xi32>
        %gather3A_501 = vector.shape_cast %broadcast_in_dim3A_500 : vector<16x1xi32> to vector<16xi32>
        %gather3A_502 = tpu.dynamic_gather %add3A_481[%gather3A_501] in [0] : vector<16xf32>, vector<16xi32> -> vector<16xf32>
        %add3A_503 = arith.addf %add3A_481, %gather3A_502 : vector<16xf32>
        %lt3A_504 = arith.constant 0 : i32
        %lt3A_505 = vector.broadcast %lt3A_504 : i32 to vector<16xi32>
        %lt3A_506 = arith.cmpi slt, %and3A_42, %lt3A_505 : vector<16xi32>
        %add3A_507 = arith.constant 16 : i32
        %add3A_508 = vector.broadcast %add3A_507 : i32 to vector<16xi32>
        %add3A_509 = arith.addi %and3A_42, %add3A_508 : vector<16xi32>
        %select_n3A_510 = arith.select %lt3A_506, %add3A_509, %and3A_42 : vector<16xi1>, vector<16xi32>
        %broadcast_in_dim3A_511 = vector.shape_cast %select_n3A_510 : vector<16xi32> to vector<16x1xi32>
        %gather3A_512 = vector.shape_cast %broadcast_in_dim3A_511 : vector<16x1xi32> to vector<16xi32>
        %gather3A_513 = tpu.dynamic_gather %add3A_492[%gather3A_512] in [0] : vector<16xf32>, vector<16xi32> -> vector<16xf32>
        %add3A_514 = arith.addf %add3A_492, %gather3A_513 : vector<16xf32>
        %lt3A_515 = arith.constant 0 : i32
        %lt3A_516 = vector.broadcast %lt3A_515 : i32 to vector<16xi32>
        %lt3A_517 = arith.cmpi slt, %and3A_48, %lt3A_516 : vector<16xi32>
        %add3A_518 = arith.constant 16 : i32
        %add3A_519 = vector.broadcast %add3A_518 : i32 to vector<16xi32>
        %add3A_520 = arith.addi %and3A_48, %add3A_519 : vector<16xi32>
        %select_n3A_521 = arith.select %lt3A_517, %add3A_520, %and3A_48 : vector<16xi1>, vector<16xi32>
        %broadcast_in_dim3A_522 = vector.shape_cast %select_n3A_521 : vector<16xi32> to vector<16x1xi32>
        %gather3A_523 = vector.shape_cast %broadcast_in_dim3A_522 : vector<16x1xi32> to vector<16xi32>
        %gather3A_524 = tpu.dynamic_gather %add3A_503[%gather3A_523] in [0] : vector<16xf32>, vector<16xi32> -> vector<16xf32>
        %add3A_525 = arith.addf %add3A_503, %gather3A_524 : vector<16xf32>
        %lt3A_526 = arith.constant 0 : i32
        %lt3A_527 = vector.broadcast %lt3A_526 : i32 to vector<16xi32>
        %lt3A_528 = arith.cmpi slt, %and3A_48, %lt3A_527 : vector<16xi32>
        %add3A_529 = arith.constant 16 : i32
        %add3A_530 = vector.broadcast %add3A_529 : i32 to vector<16xi32>
        %add3A_531 = arith.addi %and3A_48, %add3A_530 : vector<16xi32>
        %select_n3A_532 = arith.select %lt3A_528, %add3A_531, %and3A_48 : vector<16xi1>, vector<16xi32>
        %broadcast_in_dim3A_533 = vector.shape_cast %select_n3A_532 : vector<16xi32> to vector<16x1xi32>
        %gather3A_534 = vector.shape_cast %broadcast_in_dim3A_533 : vector<16x1xi32> to vector<16xi32>
        %gather3A_535 = tpu.dynamic_gather %add3A_514[%gather3A_534] in [0] : vector<16xf32>, vector<16xi32> -> vector<16xf32>
        %add3A_536 = arith.addf %add3A_514, %gather3A_535 : vector<16xf32>
        %mul3A_537 = arith.constant 1.562500e-02 : f32
        %mul3A_538 = vector.broadcast %mul3A_537 : f32 to vector<16xf32>
        %mul3A_539 = arith.mulf %add3A_525, %mul3A_538 : vector<16xf32>
        %mul3A_540 = arith.constant 1.562500e-02 : f32
        %mul3A_541 = vector.broadcast %mul3A_540 : f32 to vector<16xf32>
        %mul3A_542 = arith.mulf %add3A_536, %mul3A_541 : vector<16xf32>
        %mul3A_543 = arith.mulf %mul3A_539, %mul3A_539 : vector<16xf32>
        %sub3A_544 = arith.subf %mul3A_542, %mul3A_543 : vector<16xf32>
        %add3A_545 = arith.constant 9.99999974E-6 : f32
        %add3A_546 = vector.broadcast %add3A_545 : f32 to vector<16xf32>
        %add3A_547 = arith.addf %sub3A_544, %add3A_546 : vector<16xf32>
        %bitcast_convert_type3A_548 = tpu.bitcast %add3A_547 : vector<16xf32> -> vector<16xi32>
        %shift_right_logical3A_549 = arith.constant 1 : i32
        %shift_right_logical3A_550 = vector.broadcast %shift_right_logical3A_549 : i32 to vector<16xi32>
        %shift_right_logical3A_551 = arith.shrui %bitcast_convert_type3A_548, %shift_right_logical3A_550 : vector<16xi32>
        %sub3A_552 = arith.constant 1597463007 : i32
        %sub3A_553 = vector.broadcast %sub3A_552 : i32 to vector<16xi32>
        %sub3A_554 = arith.subi %sub3A_553, %shift_right_logical3A_551 : vector<16xi32>
        %bitcast_convert_type3A_555 = tpu.bitcast %sub3A_554 : vector<16xi32> -> vector<16xf32>
        %mul3A_556 = arith.constant 5.000000e-01 : f32
        %mul3A_557 = vector.broadcast %mul3A_556 : f32 to vector<16xf32>
        %mul3A_558 = arith.mulf %mul3A_557, %add3A_547 : vector<16xf32>
        %mul3A_559 = arith.mulf %mul3A_558, %bitcast_convert_type3A_555 : vector<16xf32>
        %mul3A_560 = arith.mulf %mul3A_559, %bitcast_convert_type3A_555 : vector<16xf32>
        %sub3A_561 = arith.constant 1.500000e+00 : f32
        %sub3A_562 = vector.broadcast %sub3A_561 : f32 to vector<16xf32>
        %sub3A_563 = arith.subf %sub3A_562, %mul3A_560 : vector<16xf32>
        %mul3A_564 = arith.mulf %bitcast_convert_type3A_555, %sub3A_563 : vector<16xf32>
        %sub3A_565 = arith.subf %get3A_420, %mul3A_539 : vector<16xf32>
        %mul3A_566 = arith.mulf %sub3A_565, %mul3A_564 : vector<16xf32>
        %mul3A_567 = arith.mulf %mul3A_566, %get3A_4 : vector<16xf32>
        %add3A_568 = arith.addf %mul3A_567, %get3A_16 : vector<16xf32>
        %swap3A_569 = arith.constant 1 : i32
        %swap3A_570 = arith.index_cast %swap3A_569 : i32 to index
        %swap3A_571 = arith.index_cast %add3A_414 : i32 to index
        %swap3A_572 = arith.constant 0 : index
        %swap3A_573 = tpu.vector_load %arg12[%swap3A_570, %swap3A_571, %swap3A_572] {strides = array<i32>} : memref<2x128x64xf32, #tpu.memory_space<vmem>>, vector<1x1x16xf32>,
        %swap3A_574 = vector.shape_cast %swap3A_573 : vector<1x1x16xf32> to vector<16xf32>
        %swap3A_575 = vector.shape_cast %add3A_568 : vector<16xf32> to vector<1x1x16xf32>
        tpu.vector_store %arg12[%swap3A_570, %swap3A_571, %swap3A_572], %swap3A_575 {strides = array<i32>} : memref<2x128x64xf32, #tpu.memory_space<vmem>>, vector<1x1x16xf32>,
        %sub3A_576 = arith.subf %get3A_426, %mul3A_539 : vector<16xf32>
        %mul3A_577 = arith.mulf %sub3A_576, %mul3A_564 : vector<16xf32>
        %mul3A_578 = arith.mulf %mul3A_577, %get3A_7 : vector<16xf32>
        %add3A_579 = arith.addf %mul3A_578, %get3A_19 : vector<16xf32>
        %swap3A_580 = arith.constant 1 : i32
        %swap3A_581 = arith.index_cast %swap3A_580 : i32 to index
        %swap3A_582 = arith.index_cast %add3A_414 : i32 to index
        %swap3A_583 = arith.constant 16 : index
        %swap3A_584 = tpu.vector_load %arg12[%swap3A_581, %swap3A_582, %swap3A_583] {strides = array<i32>} : memref<2x128x64xf32, #tpu.memory_space<vmem>>, vector<1x1x16xf32>,
        %swap3A_585 = vector.shape_cast %swap3A_584 : vector<1x1x16xf32> to vector<16xf32>
        %swap3A_586 = vector.shape_cast %add3A_579 : vector<16xf32> to vector<1x1x16xf32>
        tpu.vector_store %arg12[%swap3A_581, %swap3A_582, %swap3A_583], %swap3A_586 {strides = array<i32>} : memref<2x128x64xf32, #tpu.memory_space<vmem>>, vector<1x1x16xf32>,
        %sub3A_587 = arith.subf %get3A_432, %mul3A_539 : vector<16xf32>
        %mul3A_588 = arith.mulf %sub3A_587, %mul3A_564 : vector<16xf32>
        %mul3A_589 = arith.mulf %mul3A_588, %get3A_10 : vector<16xf32>
        %add3A_590 = arith.addf %mul3A_589, %get3A_22 : vector<16xf32>
        %swap3A_591 = arith.constant 1 : i32
        %swap3A_592 = arith.index_cast %swap3A_591 : i32 to index
        %swap3A_593 = arith.index_cast %add3A_414 : i32 to index
        %swap3A_594 = arith.constant 32 : index
        %swap3A_595 = tpu.vector_load %arg12[%swap3A_592, %swap3A_593, %swap3A_594] {strides = array<i32>} : memref<2x128x64xf32, #tpu.memory_space<vmem>>, vector<1x1x16xf32>,
        %swap3A_596 = vector.shape_cast %swap3A_595 : vector<1x1x16xf32> to vector<16xf32>
        %swap3A_597 = vector.shape_cast %add3A_590 : vector<16xf32> to vector<1x1x16xf32>
        tpu.vector_store %arg12[%swap3A_592, %swap3A_593, %swap3A_594], %swap3A_597 {strides = array<i32>} : memref<2x128x64xf32, #tpu.memory_space<vmem>>, vector<1x1x16xf32>,
        %sub3A_598 = arith.subf %get3A_438, %mul3A_539 : vector<16xf32>
        %mul3A_599 = arith.mulf %sub3A_598, %mul3A_564 : vector<16xf32>
        %mul3A_600 = arith.mulf %mul3A_599, %get3A_13 : vector<16xf32>
        %add3A_601 = arith.addf %mul3A_600, %get3A_25 : vector<16xf32>
        %swap3A_602 = arith.constant 1 : i32
        %swap3A_603 = arith.index_cast %swap3A_602 : i32 to index
        %swap3A_604 = arith.index_cast %add3A_414 : i32 to index
        %swap3A_605 = arith.constant 48 : index
        %swap3A_606 = tpu.vector_load %arg12[%swap3A_603, %swap3A_604, %swap3A_605] {strides = array<i32>} : memref<2x128x64xf32, #tpu.memory_space<vmem>>, vector<1x1x16xf32>,
        %swap3A_607 = vector.shape_cast %swap3A_606 : vector<1x1x16xf32> to vector<16xf32>
        %swap3A_608 = vector.shape_cast %add3A_601 : vector<16xf32> to vector<1x1x16xf32>
        tpu.vector_store %arg12[%swap3A_603, %swap3A_604, %swap3A_605], %swap3A_608 {strides = array<i32>} : memref<2x128x64xf32, #tpu.memory_space<vmem>>, vector<1x1x16xf32>,
        %mul3A_609 = arith.constant 4 : i32
        %mul3A_610 = arith.muli %scan3A_219, %mul3A_609 : i32
        %add3A_611 = arith.constant 2 : i32
        %add3A_612 = arith.addi %mul3A_610, %add3A_611 : i32
        %get3A_613 = arith.constant 1 : i32
        %get3A_614 = arith.index_cast %get3A_613 : i32 to index
        %get3A_615 = arith.index_cast %add3A_612 : i32 to index
        %get3A_616 = arith.constant 0 : index
        %get3A_617 = tpu.vector_load %arg10[%get3A_614, %get3A_615, %get3A_616] {strides = array<i32>} : memref<2x128x64xf32, #tpu.memory_space<vmem>>, vector<1x1x16xf32>,
        %get3A_618 = vector.shape_cast %get3A_617 : vector<1x1x16xf32> to vector<16xf32>
        %get3A_619 = arith.constant 1 : i32
        %get3A_620 = arith.index_cast %get3A_619 : i32 to index
        %get3A_621 = arith.index_cast %add3A_612 : i32 to index
        %get3A_622 = arith.constant 16 : index
        %get3A_623 = tpu.vector_load %arg10[%get3A_620, %get3A_621, %get3A_622] {strides = array<i32>} : memref<2x128x64xf32, #tpu.memory_space<vmem>>, vector<1x1x16xf32>,
        %get3A_624 = vector.shape_cast %get3A_623 : vector<1x1x16xf32> to vector<16xf32>
        %get3A_625 = arith.constant 1 : i32
        %get3A_626 = arith.index_cast %get3A_625 : i32 to index
        %get3A_627 = arith.index_cast %add3A_612 : i32 to index
        %get3A_628 = arith.constant 32 : index
        %get3A_629 = tpu.vector_load %arg10[%get3A_626, %get3A_627, %get3A_628] {strides = array<i32>} : memref<2x128x64xf32, #tpu.memory_space<vmem>>, vector<1x1x16xf32>,
        %get3A_630 = vector.shape_cast %get3A_629 : vector<1x1x16xf32> to vector<16xf32>
        %get3A_631 = arith.constant 1 : i32
        %get3A_632 = arith.index_cast %get3A_631 : i32 to index
        %get3A_633 = arith.index_cast %add3A_612 : i32 to index
        %get3A_634 = arith.constant 48 : index
        %get3A_635 = tpu.vector_load %arg10[%get3A_632, %get3A_633, %get3A_634] {strides = array<i32>} : memref<2x128x64xf32, #tpu.memory_space<vmem>>, vector<1x1x16xf32>,
        %get3A_636 = vector.shape_cast %get3A_635 : vector<1x1x16xf32> to vector<16xf32>
        %add3A_637 = arith.addf %get3A_618, %get3A_624 : vector<16xf32>
        %add3A_638 = arith.addf %get3A_630, %get3A_636 : vector<16xf32>
        %add3A_639 = arith.addf %add3A_637, %add3A_638 : vector<16xf32>
        %mul3A_640 = arith.mulf %get3A_618, %get3A_618 : vector<16xf32>
        %mul3A_641 = arith.mulf %get3A_624, %get3A_624 : vector<16xf32>
        %add3A_642 = arith.addf %mul3A_640, %mul3A_641 : vector<16xf32>
        %mul3A_643 = arith.mulf %get3A_630, %get3A_630 : vector<16xf32>
        %mul3A_644 = arith.mulf %get3A_636, %get3A_636 : vector<16xf32>
        %add3A_645 = arith.addf %mul3A_643, %mul3A_644 : vector<16xf32>
        %add3A_646 = arith.addf %add3A_642, %add3A_645 : vector<16xf32>
        %lt3A_647 = arith.constant 0 : i32
        %lt3A_648 = vector.broadcast %lt3A_647 : i32 to vector<16xi32>
        %lt3A_649 = arith.cmpi slt, %and3A_30, %lt3A_648 : vector<16xi32>
        %add3A_650 = arith.constant 16 : i32
        %add3A_651 = vector.broadcast %add3A_650 : i32 to vector<16xi32>
        %add3A_652 = arith.addi %and3A_30, %add3A_651 : vector<16xi32>
        %select_n3A_653 = arith.select %lt3A_649, %add3A_652, %and3A_30 : vector<16xi1>, vector<16xi32>
        %broadcast_in_dim3A_654 = vector.shape_cast %select_n3A_653 : vector<16xi32> to vector<16x1xi32>
        %gather3A_655 = vector.shape_cast %broadcast_in_dim3A_654 : vector<16x1xi32> to vector<16xi32>
        %gather3A_656 = tpu.dynamic_gather %add3A_639[%gather3A_655] in [0] : vector<16xf32>, vector<16xi32> -> vector<16xf32>
        %add3A_657 = arith.addf %add3A_639, %gather3A_656 : vector<16xf32>
        %lt3A_658 = arith.constant 0 : i32
        %lt3A_659 = vector.broadcast %lt3A_658 : i32 to vector<16xi32>
        %lt3A_660 = arith.cmpi slt, %and3A_30, %lt3A_659 : vector<16xi32>
        %add3A_661 = arith.constant 16 : i32
        %add3A_662 = vector.broadcast %add3A_661 : i32 to vector<16xi32>
        %add3A_663 = arith.addi %and3A_30, %add3A_662 : vector<16xi32>
        %select_n3A_664 = arith.select %lt3A_660, %add3A_663, %and3A_30 : vector<16xi1>, vector<16xi32>
        %broadcast_in_dim3A_665 = vector.shape_cast %select_n3A_664 : vector<16xi32> to vector<16x1xi32>
        %gather3A_666 = vector.shape_cast %broadcast_in_dim3A_665 : vector<16x1xi32> to vector<16xi32>
        %gather3A_667 = tpu.dynamic_gather %add3A_646[%gather3A_666] in [0] : vector<16xf32>, vector<16xi32> -> vector<16xf32>
        %add3A_668 = arith.addf %add3A_646, %gather3A_667 : vector<16xf32>
        %lt3A_669 = arith.constant 0 : i32
        %lt3A_670 = vector.broadcast %lt3A_669 : i32 to vector<16xi32>
        %lt3A_671 = arith.cmpi slt, %and3A_36, %lt3A_670 : vector<16xi32>
        %add3A_672 = arith.constant 16 : i32
        %add3A_673 = vector.broadcast %add3A_672 : i32 to vector<16xi32>
        %add3A_674 = arith.addi %and3A_36, %add3A_673 : vector<16xi32>
        %select_n3A_675 = arith.select %lt3A_671, %add3A_674, %and3A_36 : vector<16xi1>, vector<16xi32>
        %broadcast_in_dim3A_676 = vector.shape_cast %select_n3A_675 : vector<16xi32> to vector<16x1xi32>
        %gather3A_677 = vector.shape_cast %broadcast_in_dim3A_676 : vector<16x1xi32> to vector<16xi32>
        %gather3A_678 = tpu.dynamic_gather %add3A_657[%gather3A_677] in [0] : vector<16xf32>, vector<16xi32> -> vector<16xf32>
        %add3A_679 = arith.addf %add3A_657, %gather3A_678 : vector<16xf32>
        %lt3A_680 = arith.constant 0 : i32
        %lt3A_681 = vector.broadcast %lt3A_680 : i32 to vector<16xi32>
        %lt3A_682 = arith.cmpi slt, %and3A_36, %lt3A_681 : vector<16xi32>
        %add3A_683 = arith.constant 16 : i32
        %add3A_684 = vector.broadcast %add3A_683 : i32 to vector<16xi32>
        %add3A_685 = arith.addi %and3A_36, %add3A_684 : vector<16xi32>
        %select_n3A_686 = arith.select %lt3A_682, %add3A_685, %and3A_36 : vector<16xi1>, vector<16xi32>
        %broadcast_in_dim3A_687 = vector.shape_cast %select_n3A_686 : vector<16xi32> to vector<16x1xi32>
        %gather3A_688 = vector.shape_cast %broadcast_in_dim3A_687 : vector<16x1xi32> to vector<16xi32>
        %gather3A_689 = tpu.dynamic_gather %add3A_668[%gather3A_688] in [0] : vector<16xf32>, vector<16xi32> -> vector<16xf32>
        %add3A_690 = arith.addf %add3A_668, %gather3A_689 : vector<16xf32>
        %lt3A_691 = arith.constant 0 : i32
        %lt3A_692 = vector.broadcast %lt3A_691 : i32 to vector<16xi32>
        %lt3A_693 = arith.cmpi slt, %and3A_42, %lt3A_692 : vector<16xi32>
        %add3A_694 = arith.constant 16 : i32
        %add3A_695 = vector.broadcast %add3A_694 : i32 to vector<16xi32>
        %add3A_696 = arith.addi %and3A_42, %add3A_695 : vector<16xi32>
        %select_n3A_697 = arith.select %lt3A_693, %add3A_696, %and3A_42 : vector<16xi1>, vector<16xi32>
        %broadcast_in_dim3A_698 = vector.shape_cast %select_n3A_697 : vector<16xi32> to vector<16x1xi32>
        %gather3A_699 = vector.shape_cast %broadcast_in_dim3A_698 : vector<16x1xi32> to vector<16xi32>
        %gather3A_700 = tpu.dynamic_gather %add3A_679[%gather3A_699] in [0] : vector<16xf32>, vector<16xi32> -> vector<16xf32>
        %add3A_701 = arith.addf %add3A_679, %gather3A_700 : vector<16xf32>
        %lt3A_702 = arith.constant 0 : i32
        %lt3A_703 = vector.broadcast %lt3A_702 : i32 to vector<16xi32>
        %lt3A_704 = arith.cmpi slt, %and3A_42, %lt3A_703 : vector<16xi32>
        %add3A_705 = arith.constant 16 : i32
        %add3A_706 = vector.broadcast %add3A_705 : i32 to vector<16xi32>
        %add3A_707 = arith.addi %and3A_42, %add3A_706 : vector<16xi32>
        %select_n3A_708 = arith.select %lt3A_704, %add3A_707, %and3A_42 : vector<16xi1>, vector<16xi32>
        %broadcast_in_dim3A_709 = vector.shape_cast %select_n3A_708 : vector<16xi32> to vector<16x1xi32>
        %gather3A_710 = vector.shape_cast %broadcast_in_dim3A_709 : vector<16x1xi32> to vector<16xi32>
        %gather3A_711 = tpu.dynamic_gather %add3A_690[%gather3A_710] in [0] : vector<16xf32>, vector<16xi32> -> vector<16xf32>
        %add3A_712 = arith.addf %add3A_690, %gather3A_711 : vector<16xf32>
        %lt3A_713 = arith.constant 0 : i32
        %lt3A_714 = vector.broadcast %lt3A_713 : i32 to vector<16xi32>
        %lt3A_715 = arith.cmpi slt, %and3A_48, %lt3A_714 : vector<16xi32>
        %add3A_716 = arith.constant 16 : i32
        %add3A_717 = vector.broadcast %add3A_716 : i32 to vector<16xi32>
        %add3A_718 = arith.addi %and3A_48, %add3A_717 : vector<16xi32>
        %select_n3A_719 = arith.select %lt3A_715, %add3A_718, %and3A_48 : vector<16xi1>, vector<16xi32>
        %broadcast_in_dim3A_720 = vector.shape_cast %select_n3A_719 : vector<16xi32> to vector<16x1xi32>
        %gather3A_721 = vector.shape_cast %broadcast_in_dim3A_720 : vector<16x1xi32> to vector<16xi32>
        %gather3A_722 = tpu.dynamic_gather %add3A_701[%gather3A_721] in [0] : vector<16xf32>, vector<16xi32> -> vector<16xf32>
        %add3A_723 = arith.addf %add3A_701, %gather3A_722 : vector<16xf32>
        %lt3A_724 = arith.constant 0 : i32
        %lt3A_725 = vector.broadcast %lt3A_724 : i32 to vector<16xi32>
        %lt3A_726 = arith.cmpi slt, %and3A_48, %lt3A_725 : vector<16xi32>
        %add3A_727 = arith.constant 16 : i32
        %add3A_728 = vector.broadcast %add3A_727 : i32 to vector<16xi32>
        %add3A_729 = arith.addi %and3A_48, %add3A_728 : vector<16xi32>
        %select_n3A_730 = arith.select %lt3A_726, %add3A_729, %and3A_48 : vector<16xi1>, vector<16xi32>
        %broadcast_in_dim3A_731 = vector.shape_cast %select_n3A_730 : vector<16xi32> to vector<16x1xi32>
        %gather3A_732 = vector.shape_cast %broadcast_in_dim3A_731 : vector<16x1xi32> to vector<16xi32>
        %gather3A_733 = tpu.dynamic_gather %add3A_712[%gather3A_732] in [0] : vector<16xf32>, vector<16xi32> -> vector<16xf32>
        %add3A_734 = arith.addf %add3A_712, %gather3A_733 : vector<16xf32>
        %mul3A_735 = arith.constant 1.562500e-02 : f32
        %mul3A_736 = vector.broadcast %mul3A_735 : f32 to vector<16xf32>
        %mul3A_737 = arith.mulf %add3A_723, %mul3A_736 : vector<16xf32>
        %mul3A_738 = arith.constant 1.562500e-02 : f32
        %mul3A_739 = vector.broadcast %mul3A_738 : f32 to vector<16xf32>
        %mul3A_740 = arith.mulf %add3A_734, %mul3A_739 : vector<16xf32>
        %mul3A_741 = arith.mulf %mul3A_737, %mul3A_737 : vector<16xf32>
        %sub3A_742 = arith.subf %mul3A_740, %mul3A_741 : vector<16xf32>
        %add3A_743 = arith.constant 9.99999974E-6 : f32
        %add3A_744 = vector.broadcast %add3A_743 : f32 to vector<16xf32>
        %add3A_745 = arith.addf %sub3A_742, %add3A_744 : vector<16xf32>
        %bitcast_convert_type3A_746 = tpu.bitcast %add3A_745 : vector<16xf32> -> vector<16xi32>
        %shift_right_logical3A_747 = arith.constant 1 : i32
        %shift_right_logical3A_748 = vector.broadcast %shift_right_logical3A_747 : i32 to vector<16xi32>
        %shift_right_logical3A_749 = arith.shrui %bitcast_convert_type3A_746, %shift_right_logical3A_748 : vector<16xi32>
        %sub3A_750 = arith.constant 1597463007 : i32
        %sub3A_751 = vector.broadcast %sub3A_750 : i32 to vector<16xi32>
        %sub3A_752 = arith.subi %sub3A_751, %shift_right_logical3A_749 : vector<16xi32>
        %bitcast_convert_type3A_753 = tpu.bitcast %sub3A_752 : vector<16xi32> -> vector<16xf32>
        %mul3A_754 = arith.constant 5.000000e-01 : f32
        %mul3A_755 = vector.broadcast %mul3A_754 : f32 to vector<16xf32>
        %mul3A_756 = arith.mulf %mul3A_755, %add3A_745 : vector<16xf32>
        %mul3A_757 = arith.mulf %mul3A_756, %bitcast_convert_type3A_753 : vector<16xf32>
        %mul3A_758 = arith.mulf %mul3A_757, %bitcast_convert_type3A_753 : vector<16xf32>
        %sub3A_759 = arith.constant 1.500000e+00 : f32
        %sub3A_760 = vector.broadcast %sub3A_759 : f32 to vector<16xf32>
        %sub3A_761 = arith.subf %sub3A_760, %mul3A_758 : vector<16xf32>
        %mul3A_762 = arith.mulf %bitcast_convert_type3A_753, %sub3A_761 : vector<16xf32>
        %sub3A_763 = arith.subf %get3A_618, %mul3A_737 : vector<16xf32>
        %mul3A_764 = arith.mulf %sub3A_763, %mul3A_762 : vector<16xf32>
        %mul3A_765 = arith.mulf %mul3A_764, %get3A_4 : vector<16xf32>
        %add3A_766 = arith.addf %mul3A_765, %get3A_16 : vector<16xf32>
        %swap3A_767 = arith.constant 1 : i32
        %swap3A_768 = arith.index_cast %swap3A_767 : i32 to index
        %swap3A_769 = arith.index_cast %add3A_612 : i32 to index
        %swap3A_770 = arith.constant 0 : index
        %swap3A_771 = tpu.vector_load %arg12[%swap3A_768, %swap3A_769, %swap3A_770] {strides = array<i32>} : memref<2x128x64xf32, #tpu.memory_space<vmem>>, vector<1x1x16xf32>,
        %swap3A_772 = vector.shape_cast %swap3A_771 : vector<1x1x16xf32> to vector<16xf32>
        %swap3A_773 = vector.shape_cast %add3A_766 : vector<16xf32> to vector<1x1x16xf32>
        tpu.vector_store %arg12[%swap3A_768, %swap3A_769, %swap3A_770], %swap3A_773 {strides = array<i32>} : memref<2x128x64xf32, #tpu.memory_space<vmem>>, vector<1x1x16xf32>,
        %sub3A_774 = arith.subf %get3A_624, %mul3A_737 : vector<16xf32>
        %mul3A_775 = arith.mulf %sub3A_774, %mul3A_762 : vector<16xf32>
        %mul3A_776 = arith.mulf %mul3A_775, %get3A_7 : vector<16xf32>
        %add3A_777 = arith.addf %mul3A_776, %get3A_19 : vector<16xf32>
        %swap3A_778 = arith.constant 1 : i32
        %swap3A_779 = arith.index_cast %swap3A_778 : i32 to index
        %swap3A_780 = arith.index_cast %add3A_612 : i32 to index
        %swap3A_781 = arith.constant 16 : index
        %swap3A_782 = tpu.vector_load %arg12[%swap3A_779, %swap3A_780, %swap3A_781] {strides = array<i32>} : memref<2x128x64xf32, #tpu.memory_space<vmem>>, vector<1x1x16xf32>,
        %swap3A_783 = vector.shape_cast %swap3A_782 : vector<1x1x16xf32> to vector<16xf32>
        %swap3A_784 = vector.shape_cast %add3A_777 : vector<16xf32> to vector<1x1x16xf32>
        tpu.vector_store %arg12[%swap3A_779, %swap3A_780, %swap3A_781], %swap3A_784 {strides = array<i32>} : memref<2x128x64xf32, #tpu.memory_space<vmem>>, vector<1x1x16xf32>,
        %sub3A_785 = arith.subf %get3A_630, %mul3A_737 : vector<16xf32>
        %mul3A_786 = arith.mulf %sub3A_785, %mul3A_762 : vector<16xf32>
        %mul3A_787 = arith.mulf %mul3A_786, %get3A_10 : vector<16xf32>
        %add3A_788 = arith.addf %mul3A_787, %get3A_22 : vector<16xf32>
        %swap3A_789 = arith.constant 1 : i32
        %swap3A_790 = arith.index_cast %swap3A_789 : i32 to index
        %swap3A_791 = arith.index_cast %add3A_612 : i32 to index
        %swap3A_792 = arith.constant 32 : index
        %swap3A_793 = tpu.vector_load %arg12[%swap3A_790, %swap3A_791, %swap3A_792] {strides = array<i32>} : memref<2x128x64xf32, #tpu.memory_space<vmem>>, vector<1x1x16xf32>,
        %swap3A_794 = vector.shape_cast %swap3A_793 : vector<1x1x16xf32> to vector<16xf32>
        %swap3A_795 = vector.shape_cast %add3A_788 : vector<16xf32> to vector<1x1x16xf32>
        tpu.vector_store %arg12[%swap3A_790, %swap3A_791, %swap3A_792], %swap3A_795 {strides = array<i32>} : memref<2x128x64xf32, #tpu.memory_space<vmem>>, vector<1x1x16xf32>,
        %sub3A_796 = arith.subf %get3A_636, %mul3A_737 : vector<16xf32>
        %mul3A_797 = arith.mulf %sub3A_796, %mul3A_762 : vector<16xf32>
        %mul3A_798 = arith.mulf %mul3A_797, %get3A_13 : vector<16xf32>
        %add3A_799 = arith.addf %mul3A_798, %get3A_25 : vector<16xf32>
        %swap3A_800 = arith.constant 1 : i32
        %swap3A_801 = arith.index_cast %swap3A_800 : i32 to index
        %swap3A_802 = arith.index_cast %add3A_612 : i32 to index
        %swap3A_803 = arith.constant 48 : index
        %swap3A_804 = tpu.vector_load %arg12[%swap3A_801, %swap3A_802, %swap3A_803] {strides = array<i32>} : memref<2x128x64xf32, #tpu.memory_space<vmem>>, vector<1x1x16xf32>,
        %swap3A_805 = vector.shape_cast %swap3A_804 : vector<1x1x16xf32> to vector<16xf32>
        %swap3A_806 = vector.shape_cast %add3A_799 : vector<16xf32> to vector<1x1x16xf32>
        tpu.vector_store %arg12[%swap3A_801, %swap3A_802, %swap3A_803], %swap3A_806 {strides = array<i32>} : memref<2x128x64xf32, #tpu.memory_space<vmem>>, vector<1x1x16xf32>,
        %mul3A_807 = arith.constant 4 : i32
        %mul3A_808 = arith.muli %scan3A_219, %mul3A_807 : i32
        %add3A_809 = arith.constant 3 : i32
        %add3A_810 = arith.addi %mul3A_808, %add3A_809 : i32
        %get3A_811 = arith.constant 1 : i32
        %get3A_812 = arith.index_cast %get3A_811 : i32 to index
        %get3A_813 = arith.index_cast %add3A_810 : i32 to index
        %get3A_814 = arith.constant 0 : index
        %get3A_815 = tpu.vector_load %arg10[%get3A_812, %get3A_813, %get3A_814] {strides = array<i32>} : memref<2x128x64xf32, #tpu.memory_space<vmem>>, vector<1x1x16xf32>,
        %get3A_816 = vector.shape_cast %get3A_815 : vector<1x1x16xf32> to vector<16xf32>
        %get3A_817 = arith.constant 1 : i32
        %get3A_818 = arith.index_cast %get3A_817 : i32 to index
        %get3A_819 = arith.index_cast %add3A_810 : i32 to index
        %get3A_820 = arith.constant 16 : index
        %get3A_821 = tpu.vector_load %arg10[%get3A_818, %get3A_819, %get3A_820] {strides = array<i32>} : memref<2x128x64xf32, #tpu.memory_space<vmem>>, vector<1x1x16xf32>,
        %get3A_822 = vector.shape_cast %get3A_821 : vector<1x1x16xf32> to vector<16xf32>
        %get3A_823 = arith.constant 1 : i32
        %get3A_824 = arith.index_cast %get3A_823 : i32 to index
        %get3A_825 = arith.index_cast %add3A_810 : i32 to index
        %get3A_826 = arith.constant 32 : index
        %get3A_827 = tpu.vector_load %arg10[%get3A_824, %get3A_825, %get3A_826] {strides = array<i32>} : memref<2x128x64xf32, #tpu.memory_space<vmem>>, vector<1x1x16xf32>,
        %get3A_828 = vector.shape_cast %get3A_827 : vector<1x1x16xf32> to vector<16xf32>
        %get3A_829 = arith.constant 1 : i32
        %get3A_830 = arith.index_cast %get3A_829 : i32 to index
        %get3A_831 = arith.index_cast %add3A_810 : i32 to index
        %get3A_832 = arith.constant 48 : index
        %get3A_833 = tpu.vector_load %arg10[%get3A_830, %get3A_831, %get3A_832] {strides = array<i32>} : memref<2x128x64xf32, #tpu.memory_space<vmem>>, vector<1x1x16xf32>,
        %get3A_834 = vector.shape_cast %get3A_833 : vector<1x1x16xf32> to vector<16xf32>
        %add3A_835 = arith.addf %get3A_816, %get3A_822 : vector<16xf32>
        %add3A_836 = arith.addf %get3A_828, %get3A_834 : vector<16xf32>
        %add3A_837 = arith.addf %add3A_835, %add3A_836 : vector<16xf32>
        %mul3A_838 = arith.mulf %get3A_816, %get3A_816 : vector<16xf32>
        %mul3A_839 = arith.mulf %get3A_822, %get3A_822 : vector<16xf32>
        %add3A_840 = arith.addf %mul3A_838, %mul3A_839 : vector<16xf32>
        %mul3A_841 = arith.mulf %get3A_828, %get3A_828 : vector<16xf32>
        %mul3A_842 = arith.mulf %get3A_834, %get3A_834 : vector<16xf32>
        %add3A_843 = arith.addf %mul3A_841, %mul3A_842 : vector<16xf32>
        %add3A_844 = arith.addf %add3A_840, %add3A_843 : vector<16xf32>
        %lt3A_845 = arith.constant 0 : i32
        %lt3A_846 = vector.broadcast %lt3A_845 : i32 to vector<16xi32>
        %lt3A_847 = arith.cmpi slt, %and3A_30, %lt3A_846 : vector<16xi32>
        %add3A_848 = arith.constant 16 : i32
        %add3A_849 = vector.broadcast %add3A_848 : i32 to vector<16xi32>
        %add3A_850 = arith.addi %and3A_30, %add3A_849 : vector<16xi32>
        %select_n3A_851 = arith.select %lt3A_847, %add3A_850, %and3A_30 : vector<16xi1>, vector<16xi32>
        %broadcast_in_dim3A_852 = vector.shape_cast %select_n3A_851 : vector<16xi32> to vector<16x1xi32>
        %gather3A_853 = vector.shape_cast %broadcast_in_dim3A_852 : vector<16x1xi32> to vector<16xi32>
        %gather3A_854 = tpu.dynamic_gather %add3A_837[%gather3A_853] in [0] : vector<16xf32>, vector<16xi32> -> vector<16xf32>
        %add3A_855 = arith.addf %add3A_837, %gather3A_854 : vector<16xf32>
        %lt3A_856 = arith.constant 0 : i32
        %lt3A_857 = vector.broadcast %lt3A_856 : i32 to vector<16xi32>
        %lt3A_858 = arith.cmpi slt, %and3A_30, %lt3A_857 : vector<16xi32>
        %add3A_859 = arith.constant 16 : i32
        %add3A_860 = vector.broadcast %add3A_859 : i32 to vector<16xi32>
        %add3A_861 = arith.addi %and3A_30, %add3A_860 : vector<16xi32>
        %select_n3A_862 = arith.select %lt3A_858, %add3A_861, %and3A_30 : vector<16xi1>, vector<16xi32>
        %broadcast_in_dim3A_863 = vector.shape_cast %select_n3A_862 : vector<16xi32> to vector<16x1xi32>
        %gather3A_864 = vector.shape_cast %broadcast_in_dim3A_863 : vector<16x1xi32> to vector<16xi32>
        %gather3A_865 = tpu.dynamic_gather %add3A_844[%gather3A_864] in [0] : vector<16xf32>, vector<16xi32> -> vector<16xf32>
        %add3A_866 = arith.addf %add3A_844, %gather3A_865 : vector<16xf32>
        %lt3A_867 = arith.constant 0 : i32
        %lt3A_868 = vector.broadcast %lt3A_867 : i32 to vector<16xi32>
        %lt3A_869 = arith.cmpi slt, %and3A_36, %lt3A_868 : vector<16xi32>
        %add3A_870 = arith.constant 16 : i32
        %add3A_871 = vector.broadcast %add3A_870 : i32 to vector<16xi32>
        %add3A_872 = arith.addi %and3A_36, %add3A_871 : vector<16xi32>
        %select_n3A_873 = arith.select %lt3A_869, %add3A_872, %and3A_36 : vector<16xi1>, vector<16xi32>
        %broadcast_in_dim3A_874 = vector.shape_cast %select_n3A_873 : vector<16xi32> to vector<16x1xi32>
        %gather3A_875 = vector.shape_cast %broadcast_in_dim3A_874 : vector<16x1xi32> to vector<16xi32>
        %gather3A_876 = tpu.dynamic_gather %add3A_855[%gather3A_875] in [0] : vector<16xf32>, vector<16xi32> -> vector<16xf32>
        %add3A_877 = arith.addf %add3A_855, %gather3A_876 : vector<16xf32>
        %lt3A_878 = arith.constant 0 : i32
        %lt3A_879 = vector.broadcast %lt3A_878 : i32 to vector<16xi32>
        %lt3A_880 = arith.cmpi slt, %and3A_36, %lt3A_879 : vector<16xi32>
        %add3A_881 = arith.constant 16 : i32
        %add3A_882 = vector.broadcast %add3A_881 : i32 to vector<16xi32>
        %add3A_883 = arith.addi %and3A_36, %add3A_882 : vector<16xi32>
        %select_n3A_884 = arith.select %lt3A_880, %add3A_883, %and3A_36 : vector<16xi1>, vector<16xi32>
        %broadcast_in_dim3A_885 = vector.shape_cast %select_n3A_884 : vector<16xi32> to vector<16x1xi32>
        %gather3A_886 = vector.shape_cast %broadcast_in_dim3A_885 : vector<16x1xi32> to vector<16xi32>
        %gather3A_887 = tpu.dynamic_gather %add3A_866[%gather3A_886] in [0] : vector<16xf32>, vector<16xi32> -> vector<16xf32>
        %add3A_888 = arith.addf %add3A_866, %gather3A_887 : vector<16xf32>
        %lt3A_889 = arith.constant 0 : i32
        %lt3A_890 = vector.broadcast %lt3A_889 : i32 to vector<16xi32>
        %lt3A_891 = arith.cmpi slt, %and3A_42, %lt3A_890 : vector<16xi32>
        %add3A_892 = arith.constant 16 : i32
        %add3A_893 = vector.broadcast %add3A_892 : i32 to vector<16xi32>
        %add3A_894 = arith.addi %and3A_42, %add3A_893 : vector<16xi32>
        %select_n3A_895 = arith.select %lt3A_891, %add3A_894, %and3A_42 : vector<16xi1>, vector<16xi32>
        %broadcast_in_dim3A_896 = vector.shape_cast %select_n3A_895 : vector<16xi32> to vector<16x1xi32>
        %gather3A_897 = vector.shape_cast %broadcast_in_dim3A_896 : vector<16x1xi32> to vector<16xi32>
        %gather3A_898 = tpu.dynamic_gather %add3A_877[%gather3A_897] in [0] : vector<16xf32>, vector<16xi32> -> vector<16xf32>
        %add3A_899 = arith.addf %add3A_877, %gather3A_898 : vector<16xf32>
        %lt3A_900 = arith.constant 0 : i32
        %lt3A_901 = vector.broadcast %lt3A_900 : i32 to vector<16xi32>
        %lt3A_902 = arith.cmpi slt, %and3A_42, %lt3A_901 : vector<16xi32>
        %add3A_903 = arith.constant 16 : i32
        %add3A_904 = vector.broadcast %add3A_903 : i32 to vector<16xi32>
        %add3A_905 = arith.addi %and3A_42, %add3A_904 : vector<16xi32>
        %select_n3A_906 = arith.select %lt3A_902, %add3A_905, %and3A_42 : vector<16xi1>, vector<16xi32>
        %broadcast_in_dim3A_907 = vector.shape_cast %select_n3A_906 : vector<16xi32> to vector<16x1xi32>
        %gather3A_908 = vector.shape_cast %broadcast_in_dim3A_907 : vector<16x1xi32> to vector<16xi32>
        %gather3A_909 = tpu.dynamic_gather %add3A_888[%gather3A_908] in [0] : vector<16xf32>, vector<16xi32> -> vector<16xf32>
        %add3A_910 = arith.addf %add3A_888, %gather3A_909 : vector<16xf32>
        %lt3A_911 = arith.constant 0 : i32
        %lt3A_912 = vector.broadcast %lt3A_911 : i32 to vector<16xi32>
        %lt3A_913 = arith.cmpi slt, %and3A_48, %lt3A_912 : vector<16xi32>
        %add3A_914 = arith.constant 16 : i32
        %add3A_915 = vector.broadcast %add3A_914 : i32 to vector<16xi32>
        %add3A_916 = arith.addi %and3A_48, %add3A_915 : vector<16xi32>
        %select_n3A_917 = arith.select %lt3A_913, %add3A_916, %and3A_48 : vector<16xi1>, vector<16xi32>
        %broadcast_in_dim3A_918 = vector.shape_cast %select_n3A_917 : vector<16xi32> to vector<16x1xi32>
        %gather3A_919 = vector.shape_cast %broadcast_in_dim3A_918 : vector<16x1xi32> to vector<16xi32>
        %gather3A_920 = tpu.dynamic_gather %add3A_899[%gather3A_919] in [0] : vector<16xf32>, vector<16xi32> -> vector<16xf32>
        %add3A_921 = arith.addf %add3A_899, %gather3A_920 : vector<16xf32>
        %lt3A_922 = arith.constant 0 : i32
        %lt3A_923 = vector.broadcast %lt3A_922 : i32 to vector<16xi32>
        %lt3A_924 = arith.cmpi slt, %and3A_48, %lt3A_923 : vector<16xi32>
        %add3A_925 = arith.constant 16 : i32
        %add3A_926 = vector.broadcast %add3A_925 : i32 to vector<16xi32>
        %add3A_927 = arith.addi %and3A_48, %add3A_926 : vector<16xi32>
        %select_n3A_928 = arith.select %lt3A_924, %add3A_927, %and3A_48 : vector<16xi1>, vector<16xi32>
        %broadcast_in_dim3A_929 = vector.shape_cast %select_n3A_928 : vector<16xi32> to vector<16x1xi32>
        %gather3A_930 = vector.shape_cast %broadcast_in_dim3A_929 : vector<16x1xi32> to vector<16xi32>
        %gather3A_931 = tpu.dynamic_gather %add3A_910[%gather3A_930] in [0] : vector<16xf32>, vector<16xi32> -> vector<16xf32>
        %add3A_932 = arith.addf %add3A_910, %gather3A_931 : vector<16xf32>
        %mul3A_933 = arith.constant 1.562500e-02 : f32
        %mul3A_934 = vector.broadcast %mul3A_933 : f32 to vector<16xf32>
        %mul3A_935 = arith.mulf %add3A_921, %mul3A_934 : vector<16xf32>
        %mul3A_936 = arith.constant 1.562500e-02 : f32
        %mul3A_937 = vector.broadcast %mul3A_936 : f32 to vector<16xf32>
        %mul3A_938 = arith.mulf %add3A_932, %mul3A_937 : vector<16xf32>
        %mul3A_939 = arith.mulf %mul3A_935, %mul3A_935 : vector<16xf32>
        %sub3A_940 = arith.subf %mul3A_938, %mul3A_939 : vector<16xf32>
        %add3A_941 = arith.constant 9.99999974E-6 : f32
        %add3A_942 = vector.broadcast %add3A_941 : f32 to vector<16xf32>
        %add3A_943 = arith.addf %sub3A_940, %add3A_942 : vector<16xf32>
        %bitcast_convert_type3A_944 = tpu.bitcast %add3A_943 : vector<16xf32> -> vector<16xi32>
        %shift_right_logical3A_945 = arith.constant 1 : i32
        %shift_right_logical3A_946 = vector.broadcast %shift_right_logical3A_945 : i32 to vector<16xi32>
        %shift_right_logical3A_947 = arith.shrui %bitcast_convert_type3A_944, %shift_right_logical3A_946 : vector<16xi32>
        %sub3A_948 = arith.constant 1597463007 : i32
        %sub3A_949 = vector.broadcast %sub3A_948 : i32 to vector<16xi32>
        %sub3A_950 = arith.subi %sub3A_949, %shift_right_logical3A_947 : vector<16xi32>
        %bitcast_convert_type3A_951 = tpu.bitcast %sub3A_950 : vector<16xi32> -> vector<16xf32>
        %mul3A_952 = arith.constant 5.000000e-01 : f32
        %mul3A_953 = vector.broadcast %mul3A_952 : f32 to vector<16xf32>
        %mul3A_954 = arith.mulf %mul3A_953, %add3A_943 : vector<16xf32>
        %mul3A_955 = arith.mulf %mul3A_954, %bitcast_convert_type3A_951 : vector<16xf32>
        %mul3A_956 = arith.mulf %mul3A_955, %bitcast_convert_type3A_951 : vector<16xf32>
        %sub3A_957 = arith.constant 1.500000e+00 : f32
        %sub3A_958 = vector.broadcast %sub3A_957 : f32 to vector<16xf32>
        %sub3A_959 = arith.subf %sub3A_958, %mul3A_956 : vector<16xf32>
        %mul3A_960 = arith.mulf %bitcast_convert_type3A_951, %sub3A_959 : vector<16xf32>
        %sub3A_961 = arith.subf %get3A_816, %mul3A_935 : vector<16xf32>
        %mul3A_962 = arith.mulf %sub3A_961, %mul3A_960 : vector<16xf32>
        %mul3A_963 = arith.mulf %mul3A_962, %get3A_4 : vector<16xf32>
        %add3A_964 = arith.addf %mul3A_963, %get3A_16 : vector<16xf32>
        %swap3A_965 = arith.constant 1 : i32
        %swap3A_966 = arith.index_cast %swap3A_965 : i32 to index
        %swap3A_967 = arith.index_cast %add3A_810 : i32 to index
        %swap3A_968 = arith.constant 0 : index
        %swap3A_969 = tpu.vector_load %arg12[%swap3A_966, %swap3A_967, %swap3A_968] {strides = array<i32>} : memref<2x128x64xf32, #tpu.memory_space<vmem>>, vector<1x1x16xf32>,
        %swap3A_970 = vector.shape_cast %swap3A_969 : vector<1x1x16xf32> to vector<16xf32>
        %swap3A_971 = vector.shape_cast %add3A_964 : vector<16xf32> to vector<1x1x16xf32>
        tpu.vector_store %arg12[%swap3A_966, %swap3A_967, %swap3A_968], %swap3A_971 {strides = array<i32>} : memref<2x128x64xf32, #tpu.memory_space<vmem>>, vector<1x1x16xf32>,
        %sub3A_972 = arith.subf %get3A_822, %mul3A_935 : vector<16xf32>
        %mul3A_973 = arith.mulf %sub3A_972, %mul3A_960 : vector<16xf32>
        %mul3A_974 = arith.mulf %mul3A_973, %get3A_7 : vector<16xf32>
        %add3A_975 = arith.addf %mul3A_974, %get3A_19 : vector<16xf32>
        %swap3A_976 = arith.constant 1 : i32
        %swap3A_977 = arith.index_cast %swap3A_976 : i32 to index
        %swap3A_978 = arith.index_cast %add3A_810 : i32 to index
        %swap3A_979 = arith.constant 16 : index
        %swap3A_980 = tpu.vector_load %arg12[%swap3A_977, %swap3A_978, %swap3A_979] {strides = array<i32>} : memref<2x128x64xf32, #tpu.memory_space<vmem>>, vector<1x1x16xf32>,
        %swap3A_981 = vector.shape_cast %swap3A_980 : vector<1x1x16xf32> to vector<16xf32>
        %swap3A_982 = vector.shape_cast %add3A_975 : vector<16xf32> to vector<1x1x16xf32>
        tpu.vector_store %arg12[%swap3A_977, %swap3A_978, %swap3A_979], %swap3A_982 {strides = array<i32>} : memref<2x128x64xf32, #tpu.memory_space<vmem>>, vector<1x1x16xf32>,
        %sub3A_983 = arith.subf %get3A_828, %mul3A_935 : vector<16xf32>
        %mul3A_984 = arith.mulf %sub3A_983, %mul3A_960 : vector<16xf32>
        %mul3A_985 = arith.mulf %mul3A_984, %get3A_10 : vector<16xf32>
        %add3A_986 = arith.addf %mul3A_985, %get3A_22 : vector<16xf32>
        %swap3A_987 = arith.constant 1 : i32
        %swap3A_988 = arith.index_cast %swap3A_987 : i32 to index
        %swap3A_989 = arith.index_cast %add3A_810 : i32 to index
        %swap3A_990 = arith.constant 32 : index
        %swap3A_991 = tpu.vector_load %arg12[%swap3A_988, %swap3A_989, %swap3A_990] {strides = array<i32>} : memref<2x128x64xf32, #tpu.memory_space<vmem>>, vector<1x1x16xf32>,
        %swap3A_992 = vector.shape_cast %swap3A_991 : vector<1x1x16xf32> to vector<16xf32>
        %swap3A_993 = vector.shape_cast %add3A_986 : vector<16xf32> to vector<1x1x16xf32>
        tpu.vector_store %arg12[%swap3A_988, %swap3A_989, %swap3A_990], %swap3A_993 {strides = array<i32>} : memref<2x128x64xf32, #tpu.memory_space<vmem>>, vector<1x1x16xf32>,
        %sub3A_994 = arith.subf %get3A_834, %mul3A_935 : vector<16xf32>
        %mul3A_995 = arith.mulf %sub3A_994, %mul3A_960 : vector<16xf32>
        %mul3A_996 = arith.mulf %mul3A_995, %get3A_13 : vector<16xf32>
        %add3A_997 = arith.addf %mul3A_996, %get3A_25 : vector<16xf32>
        %swap3A_998 = arith.constant 1 : i32
        %swap3A_999 = arith.index_cast %swap3A_998 : i32 to index
        %swap3A_1000 = arith.index_cast %add3A_810 : i32 to index
        %swap3A_1001 = arith.constant 48 : index
        %swap3A_1002 = tpu.vector_load %arg12[%swap3A_999, %swap3A_1000, %swap3A_1001] {strides = array<i32>} : memref<2x128x64xf32, #tpu.memory_space<vmem>>, vector<1x1x16xf32>,
        %swap3A_1003 = vector.shape_cast %swap3A_1002 : vector<1x1x16xf32> to vector<16xf32>
        %swap3A_1004 = vector.shape_cast %add3A_997 : vector<16xf32> to vector<1x1x16xf32>
        tpu.vector_store %arg12[%swap3A_999, %swap3A_1000, %swap3A_1001], %swap3A_1004 {strides = array<i32>} : memref<2x128x64xf32, #tpu.memory_space<vmem>>, vector<1x1x16xf32>,
      }
      %scan3A_212 = arith.constant 32 : i32
      %dma_start3A_213 = arith.constant 0 : i32
      %dma_start3A_214 = arith.constant 0 : i32
      %dma_start3A_215 = tpu.memref_slice %arg6[%add3A_99, %dma_start3A_213, %dma_start3A_214] : memref<6400x128x64xf32, #tpu.memory_space<hbm>> -> memref<2x128x64xf32, #tpu.memory_space<hbm>>
      %dma_start3A_216 = arith.constant 0 : i32
      %dma_start3A_217 = arith.constant 0 : i32
      %dma_start3A_218 = tpu.memref_slice %arg6[%add3A_99, %dma_start3A_216, %dma_start3A_217] : memref<6400x128x64xf32, #tpu.memory_space<hbm>> -> memref<2x128x64xf32, #tpu.memory_space<hbm>>
      tpu.enqueue_dma source(%arg12 : memref<2x128x64xf32, #tpu.memory_space<vmem>>) target(%dma_start3A_218 : memref<2x128x64xf32, #tpu.memory_space<hbm>>) target_semaphore(%arg18 : memref<!tpu.dma_semaphore, #tpu.memory_space<semaphore_mem>>)
    }
    %scan3A_76 = arith.constant 50 : i32
    %dma_wait3A = arith.constant 0 : i32
    %dma_wait3A_77 = arith.constant 0 : i32
    %dma_wait3A_78 = arith.constant 0 : i32
    %dma_wait3A_79 = tpu.memref_slice %arg6[%dma_wait3A, %dma_wait3A_77, %dma_wait3A_78] : memref<6400x128x64xf32, #tpu.memory_space<hbm>> -> memref<2x128x64xf32, #tpu.memory_space<hbm>>
    %dma_wait3A_80 = arith.constant 0 : i32
    %dma_wait3A_81 = arith.constant 0 : i32
    %dma_wait3A_82 = arith.constant 0 : i32
    %dma_wait3A_83 = tpu.memref_slice %arg6[%dma_wait3A_80, %dma_wait3A_81, %dma_wait3A_82] : memref<6400x128x64xf32, #tpu.memory_space<hbm>> -> memref<2x128x64xf32, #tpu.memory_space<hbm>>
    tpu.wait_dma2 semaphore(%arg17 : memref<!tpu.dma_semaphore, #tpu.memory_space<semaphore_mem>>) src(%arg11 : memref<2x128x64xf32, #tpu.memory_space<vmem>>) dst(%dma_wait3A_83 : memref<2x128x64xf32, #tpu.memory_space<hbm>>)
    %dma_wait3A_84 = arith.constant 0 : i32
    %dma_wait3A_85 = arith.constant 0 : i32
    %dma_wait3A_86 = arith.constant 0 : i32
    %dma_wait3A_87 = tpu.memref_slice %arg6[%dma_wait3A_84, %dma_wait3A_85, %dma_wait3A_86] : memref<6400x128x64xf32, #tpu.memory_space<hbm>> -> memref<2x128x64xf32, #tpu.memory_space<hbm>>
    %dma_wait3A_88 = arith.constant 0 : i32
    %dma_wait3A_89 = arith.constant 0 : i32
    %dma_wait3A_90 = arith.constant 0 : i32
    %dma_wait3A_91 = tpu.memref_slice %arg6[%dma_wait3A_88, %dma_wait3A_89, %dma_wait3A_90] : memref<6400x128x64xf32, #tpu.memory_space<hbm>> -> memref<2x128x64xf32, #tpu.memory_space<hbm>>
    tpu.wait_dma2 semaphore(%arg18 : memref<!tpu.dma_semaphore, #tpu.memory_space<semaphore_mem>>) src(%arg12 : memref<2x128x64xf32, #tpu.memory_space<vmem>>) dst(%dma_wait3A_91 : memref<2x128x64xf32, #tpu.memory_space<hbm>>)
    return
  }
}

</mosaic_0001>

<sc_bundles>
// kernel: kernel.3.cloned.1.call-start
scs
__scs_entry_jumppad:
0x0: {  	(pc) =	sbr.rel $0x88, $3  }
0x1: {  	(tag) =	ssettag $0x0;
	lr =	simm.s32 $0x1  }
0x2: {  	[smem:$0x3F9D] =	sst lr;
	_ =	strace $0xD0000000  }
0x3: {  	_ = 	snop  }
0x4: {  	_ = 	snop  }
0x5: {  	_ = 	snop  }
0x6: {  	_ = 	snop  }
0x7: {  	_ = 	snop  }
__scs_overlays_trampoline_lowered:
0x8: {  	[smem:$0x3FAC] =	sst s0  }
0x9: {  	[smem:$0x3FAD] =	sst s1  }
0xa: {  	[smem:$0x3FAE] =	sst s2  }
0xb: {  	[smem:$0x3FAF] =	sst s3  }
0xc: {  	[smem:$0x3FB0] =	sst s4  }
0xd: {  	[smem:$0x3FB1] =	sst s5  }
0xe: {  	[smem:$0x3FB2] =	sst s6  }
0xf: {  	[smem:$0x3FB3] =	sst s7  }
0x10: {  	[smem:$0x3FB4] =	sst s8  }
0x11: {  	[smem:$0x3FB5] =	sst s9;
	s0 =	simm.s32 @!p0 $0x0  }
0x12: {  	s1 =	sld [smem:$0x3F9B];
	s0 =	simm.s32 @p0 $0x1  }
0x13: {  	[smem:$0x3FB6] =	sst s0;
	s0 =	simm.s32 @!p1 $0x0  }
0x14: {  	s2 =	sld [smem:$0x3F9A];
	s0 =	simm.s32 @p1 $0x1  }
0x15: {  	[smem:$0x3FB7] =	sst s0;
	s0 =	simm.s32 @!p2 $0x0  }
0x16: {  	s3 =	sld [smem:$0x3FDB];
	s0 =	simm.s32 @p2 $0x1  }
0x17: {  	s4 =	simm.s32 $0x1BF5;
	[smem:$0x3FB9] =	sst s0  }
0x18: {  	s0 =	sld [smem:$0x3F9C];
	_ =	swait.ge [sflag:s4], $0x0  }
0x19: {  	s7 =	sld [smem:$0x3F9D]  }
0x1a: {  	s8 =	sadd.s32 $0xFFFFE003, lr  }
0x1b: {  	s9 =	sadd.s32 $0xFFFFFEF7, lr;
	s5 =	simm.s32 $0xFFFFFFFF;
	p2 =	slt.u32 s8, $0xFFFFF086  }
0x1c: {  	p1 =	slt.u32 s9, $0xF7A;
	s5 =	simm.s32 @!p2 $0x0  }
0x1d: {  	s5 =	simm.s32 @p1 $0x1;
	p0 =	seq.s32 s7, s2  }
0x1e: {  	s7 =	smul.u32 @!p0 $0xF7A, s2;
	p2 =	seq.s32 @!p0 s5, $0x0  }
0x1f: {  	s9 =	smul.u32 $0xF7A, s1;
	s8 =	simm.s32 @!p0 $0x1BF5;
	p2 =	por !p2, p0  }
0x20: {  	[sflag:s8] =	ssyncset.s32 @!p0 $0xFFFFF086;
	s6 =	sadd.s32 @!p0 s3, s7;
	s7 =	simm.s32 @!p0 $0x108  }
0x21: {  	s3 =	sadd.s32 s3, s9;
	s6 =	sadd.s32 @!p0 $0x88, s6;
	s7 =	simm.s32 @p2 $0x1082  }
0x22: {  	[simem:s7], [sflag:s8] =	dma.local @!p0 [hbm:s6], $0xF7A  }
0x23: {  	s9 =	sor.u32 $0xD0000000, s2;
	s6 =	simm.s32 $0x108;
	_ =	swait.ge @!p0 [sflag:s8], $0x0  }
0x24: {  	s3 =	sadd.s32 $0x88, s3;
	s6 =	simm.s32 @!p1 $0x1082;
	[sflag:s4] =	ssyncset.s32 $0xFFFFF086  }
0x25: {  	[simem:s6], [sflag:s4] =	dma.local [hbm:s3], $0xF7A  }
0x26: {  	[smem:$0x3F9D] =	sst s1;
	(tag) =	ssettag s2;
	_ =	strace s9  }
0x27: {  	s1 =	sld [smem:$0x3FAD]  }
0x28: {  	s2 =	sld [smem:$0x3FAE]  }
0x29: {  	s4 =	sld [smem:$0x3FB0]  }
0x2a: {  	p0 =	seq.s32 s5, $0x0;
	s5 =	sld [smem:$0x3FB1]  }
0x2b: {  	s6 =	sld [smem:$0x3FB2]  }
0x2c: {  	s7 =	sld [smem:$0x3FB3]  }
0x2d: {  	s3 =	simm.s32 $0x108;
	s8 =	sld [smem:$0x3FB4]  }
0x2e: {  	s3 =	simm.s32 @!p0 $0x1082;
	s9 =	sld [smem:$0x3FB5]  }
0x2f: {  	lr =	sadd.s32 s0, s3;
	s0 =	sld [smem:$0x3FAC]  }
0x30: {  	s3 =	sld [smem:$0x3FAF]  }
0x31: {  	[smem:$0x3FB8] =	sst s10  }
0x32: {  	s10 =	sld [smem:$0x3FB6];
	_ =	sdelay $0x3  }
0x33: {  	p0 =	seq.s32 s10, $0x1;
	s10 =	sld [smem:$0x3FB8];
	_ =	sdelay $0x3  }
0x34: {  	[smem:$0x3FB8] =	sst s10  }
0x35: {  	s10 =	sld [smem:$0x3FB7];
	_ =	sdelay $0x3  }
0x36: {  	p1 =	seq.s32 s10, $0x1;
	s10 =	sld [smem:$0x3FB8];
	_ =	sdelay $0x3  }
0x37: {  	[smem:$0x3FB8] =	sst s10  }
0x38: {  	s10 =	sld [smem:$0x3FB9]  }
0x39: {  	_ = 	snop;
	(pc) =	sbr.ind lr, $3  }
0x3a: {  	_ = 	snop  }
0x3b: {  	_ = 	snop  }
0x3c: {  	p2 =	seq.s32 s10, $0x1;
	s10 =	sld [smem:$0x3FB8]  }
0x3d: {  	_ =	shalt  }
0x3e: {  	_ =	shalt  }
0x3f: {  	_ =	shalt  }
0x40: {  	_ =	shalt  }
0x41: {  	_ =	shalt  }
0x42: {  	_ =	shalt  }
0x43: {  	_ =	shalt  }
0x44: {  	_ =	shalt  }
0x45: {  	_ =	shalt  }
0x46: {  	_ =	shalt  }
0x47: {  	_ =	shalt  }
0x48: {  	_ =	shalt  }
0x49: {  	_ =	shalt  }
0x4a: {  	_ =	shalt  }
0x4b: {  	_ =	shalt  }
0x4c: {  	_ =	shalt  }
0x4d: {  	_ =	shalt  }
0x4e: {  	_ =	shalt  }
0x4f: {  	_ =	shalt  }
0x50: {  	_ =	shalt  }
0x51: {  	_ =	shalt  }
0x52: {  	_ =	shalt  }
0x53: {  	_ =	shalt  }
0x54: {  	_ =	shalt  }
0x55: {  	_ =	shalt  }
0x56: {  	_ =	shalt  }
0x57: {  	_ =	shalt  }
0x58: {  	_ =	shalt  }
0x59: {  	_ =	shalt  }
0x5a: {  	_ =	shalt  }
0x5b: {  	_ =	shalt  }
0x5c: {  	_ =	shalt  }
0x5d: {  	_ =	shalt  }
0x5e: {  	_ =	shalt  }
0x5f: {  	_ =	shalt  }
0x60: {  	_ =	shalt  }
0x61: {  	_ =	shalt  }
0x62: {  	_ =	shalt  }
0x63: {  	_ =	shalt  }
0x64: {  	_ =	shalt  }
0x65: {  	_ =	shalt  }
0x66: {  	_ =	shalt  }
0x67: {  	_ =	shalt  }
0x68: {  	_ =	shalt  }
0x69: {  	_ =	shalt  }
0x6a: {  	_ =	shalt  }
0x6b: {  	_ =	shalt  }
0x6c: {  	_ =	shalt  }
0x6d: {  	_ =	shalt  }
0x6e: {  	_ =	shalt  }
0x6f: {  	_ =	shalt  }
0x70: {  	_ =	shalt  }
0x71: {  	_ =	shalt  }
0x72: {  	_ =	shalt  }
0x73: {  	_ =	shalt  }
0x74: {  	_ =	shalt  }
0x75: {  	_ =	shalt  }
0x76: {  	_ =	shalt  }
0x77: {  	_ =	shalt  }
0x78: {  	_ =	shalt  }
0x79: {  	_ =	shalt  }
0x7a: {  	_ =	shalt  }
0x7b: {  	_ =	shalt  }
0x7c: {  	_ =	shalt  }
0x7d: {  	_ =	shalt  }
0x7e: {  	_ =	shalt  }
0x7f: {  	_ =	shalt  }
0x80: {  	_ =	shalt  }
0x81: {  	_ =	shalt  }
0x82: {  	_ =	shalt  }
0x83: {  	_ =	shalt  }
0x84: {  	_ =	shalt  }
0x85: {  	_ =	shalt  }
0x86: {  	_ =	shalt  }
0x87: {  	_ =	shalt  }
.Lfunc_end0:
.L_simem_size_0:
called_computation.1_lowered:
.L_overlay_start_0:
0x88: {  	s2 =	sld [smem:$0x3FD9]  }
0x89: {  	s3 =	sld [smem:$0x3FFE];
	_ =	sdelay $0x1  }
0x8a: {  	s1 =	srdreg.scid  }
0x8b: {  	s0 =	sand.u32 $0x1, s1  }
0x8c: {  	s17 =	sshll.u32 s0, $0xA;
	s2 =	sadd.s32 s3, s2  }
0x8d: {  	s2 =	sadd.s32 s2, s17  }
0x8e: {  	[smem:$0x3FC4] =	sst s2  }
0x8f: {  	_ = 	snop  }
0x90: {  	s2 =	sld [smem:$0x3FC7]  }
0x91: {  	s18 =	sld [smem:$0x3FC6]  }
0x92: {  	s4 =	sld [smem:$0x3FD0];
	(tm) =	ssettm $0x1  }
0x93: {  	s5 =	sld [smem:$0x3FFB];
	_ =	sdelay $0x3  }
0x94: {  	_ =	strace s5  }
0x95: {  	s5 =	sld [smem:$0x3FFC];
	_ =	sdelay $0x3  }
0x96: {  	_ =	strace s5  }
0x97: {  	s5 =	sld [smem:$0x3FFD];
	_ =	sdelay $0x3  }
0x98: {  	_ =	strace s5  }
0x99: {  	_ =	strace $0x8FFFFFFF  }
0x9a: {  	s19 =	sld [smem:$0x3FDB];
	_ =	sdelay $0x1  }
0x9b: {  	s6 =	simm.s32 $_scs_section_size  }
0x9c: {  	s7 =	simm.s32 $_size__tile_overlayer_lowered;
	s8 =	simm.s32 $_tile_overlayer_lowered  }
0x9d: {  	s22 =	simm.s32 $0x1BFF;
	s21 =	sshll.u32 s8, $0x1;
	s5 =	sadd.s32 s6, s19  }
0x9e: {  	s9 =	simm.s32 $0x0;
	s20 =	sshll.u32 s7, $0x1;
	s7 =	sadd.s32 s21, s5  }
0x9f: {  	[timem:s9], [sflag:s22] =	dma.local [hbm:s7], s20  }
0xa0: {  	_ =	swait.ge [sflag:s22], s20  }
0xa1: {  	s6 =	ssub.s32 $0x0, s20;
	[sflag:s22] =	ssyncset.done $0x0  }
0xa2: {  	[sflag:s22] =	ssyncadd.s32 s6;
	_ =	sdelay $0x1  }
0xa3: {  	s23 =	simm.s32 $0x1B8B  }
0xa4: {  	_ =	swait.ge [sflag:s23], $0x1  }
0xa5: {  	[sflag:s23] =	ssyncset.done $0x0  }
0xa6: {  	s25 =	simm.s32 $0x1B8E;
	s24 =	sld [smem:$0x3FFE];
	[sflag:s23] =	ssyncadd.s32 $0xFFFFFFFF  }
0xa7: {  	s26 =	simm.s32 $execute0_lowered;
	[smem:$0x3FD2] =	sst s25  }
0xa8: {  	s7 =	sshll.u32 s26, $0x1;
	_ =	strace $0x80000046;
	[dreg:$0x1] =	wrdreg $0xFFFFFFFF  }
0xa9: {  	s28 =	simm.s32 $_size_execute0_lowered;
	s5 =	sadd.s32 s5, s7;
	[dreg:$0x0] =	wrdreg $0x0  }
0xaa: {  	s7 =	sshll.u32 s28, $0x1;
	[dreg:$0x2] =	wrdreg s5  }
0xab: {  	[dreg:$0x3] =	wrdreg s7  }
0xac: {  	[dreg:$0x4] =	wrdreg $0xC0  }
0xad: {  	_ =	task [dreg:s9], $0x5FFFF  }
0xae: {  	[dreg:$0x1] =	wrdreg $0xFFFFFFFF  }
0xaf: {  	[dreg:$0x0] =	wrdreg $0x60  }
0xb0: {  	[dreg:$0x2] =	wrdreg s24  }
0xb1: {  	[dreg:$0x3] =	wrdreg s2  }
0xb2: {  	[dreg:$0x4] =	wrdreg s18  }
0xb3: {  	[dreg:$0x5] =	wrdreg s4  }
0xb4: {  	[dreg:$0x6] =	wrdreg $0x9  }
0xb5: {  	_ =	task.clear_ibuf [dreg:s9], $0x7FFFF;
	_ =	strace $0x90000046  }
0xb6: {  	s29 =	simm.s32 $0x9;
	_ =	strace $0x80000048  }
0xb7: {  	_ =	swait.ge [sflag:s29], $0x1  }
0xb8: {  	[sflag:s29] =	ssyncadd.s32 $0xFFFFFFFF  }
0xb9: {  	_ =	strace $0x90000048  }
0xba: {  	_ =	sfence  }
0xbb: {  	s30 =	sld [smem:$0x0];
	_ =	sdelay $0x2  }
0xbc: {  	s31 =	sshll.u32 s1, $0xD;
	s1 =	sshrl.u32 s1, $0x2  }
0xbd: {  	s3 =	sand.u32 $0x4000, s31;
	s1 =	sadd.s32 s1, s30  }
0xbe: {  	s0 =	sor.u32 s3, s0;
	s1 =	sshll.u32 s1, $0x11  }
0xbf: {  	s0 =	sor.u32 s1, s0  }
0xc0: {  	s0 =	sadd.s32 $0x8F2B, s0  }
0xc1: {  	[sflag:s0] =	ssyncadd.remote.s32 $0x1  }
0xc2: {  	_ =	sfence.sel $0xFFFF  }
0xc3: {  	[dreg:$0x0] =	wrdreg $0xFFFFFFFF;
	(pc) =	sbr.abs _section_cstart, $3  }
0xc4: {  	[dreg:$0x1] =	wrdreg $0xFFFFFFFF  }
0xc5: {  	_ =	task.clear_ibuf [dreg:s9], $0x2FFFF;
	_ =	strace $0x9FFFFFFF  }
0xc6: {  	(tm) =	ssettm $0x7FFFFFFF  }
0xc7: {  	_ =	shalt  }
tec
execute0_lowered:
.L_overlay_start_1:
0x0: {  	(tag) =	ssettag $0x1  }
0x1: {  	s0 =	rddreg [dreg:$0x0];
	v0 =	vimm.s32 $0xFEDCBA98;
	v1 =	vimm.s32 $0x76543210  }
0x2: {  	s3 =	rddreg [dreg:$0x3];
	s4 =	simm.s32 $0x0;
	s1 =	srdreg.scid;
	v2 =	vimm.s32 $0x3210FEDC;
	v3 =	vimm.s32 $0xBA987654;
	v4 =	vimm.s32 $0x10FEDCBA  }
0x3: {  	s2 =	stileid.u32;
	v5 =	vimm.s32 $0x98765432;
	v6 =	vimm.s32 $0xFEDCBA9;
	v7 =	vimm.s32 $0x87654321;
	s13 =	simm.s32 $0x5;
	s15 =	simm.s32 $0x80  }
0x4: {  	s17 =	simm.s32 $0x2200;
	s18 =	simm.s32 $0x100;
	s19 =	simm.s32 $0x4200;
	v0 =	vunpack.c.l.s4.s8 v0;
	v1 =	vunpack.c.l.s4.s8 v1;
	v2 =	vunpack.c.l.s4.s8 v2  }
0x5: {  	s20 =	simm.s32 $0x180;
	s21 =	simm.s32 $0x6200;
	s22 =	simm.s32 $0x1;
	v3 =	vunpack.c.l.s4.s8 v3;
	v4 =	vunpack.c.l.s4.s8 v4;
	v5 =	vunpack.c.l.s4.s8 v5  }
0x6: {  	s23 =	simm.s32 $0x8200;
	s24 =	simm.s32 $0x2;
	s25 =	simm.s32 $0xC200;
	v6 =	vunpack.c.l.s4.s8 v6;
	v7 =	vunpack.c.l.s4.s8 v7;
	v0 =	vunpack.c.0.s8.s32 v0  }
0x7: {  	s26 =	simm.s32 $0x3;
	s28 =	simm.s32 $0x4;
	s29 =	simm.s32 $0x0;
	v2 =	vunpack.c.0.s8.s32 v2;
	v3 =	vunpack.c.0.s8.s32 v3;
	v4 =	vunpack.c.0.s8.s32 v4  }
0x8: {  	[smem:$0x7FF] =	sst s4;
	s1 =	sand.u32 $0x1, s1;
	s2 =	sshll.u32 s2, $0x1;
	v5 =	vunpack.c.0.s8.s32 v5;
	v6 =	vunpack.c.0.s8.s32 v6;
	v7 =	vunpack.c.0.s8.s32 v7  }
0x9: {  	s6 =	sadd.s32 $0xA00, s0;
	s5 =	ssub.s32 $0x2, s1;
	s1 =	sor.u32 s1, s2;
	v1 =	vunpack.c.0.s8.s32 v1;
	v2 =	vcombine.low v3, v2  }
0xa: {  	s7 =	sadd.s32 $0xF42E00, s0;
	s31 =	sshrl.u32 s5, $0x1;
	s9 =	smul.u32 $0xC80, s1;
	v3 =	vcombine.low v5, v4;
	v4 =	vcombine.low v7, v6;
	v0 =	vand.u32 $0xF, v0  }
0xb: {  	s10 =	sadd.s32 $0xA40, s0;
	_ =	strace $0x80000047;
	s2 =	ssub.s32 s5, s31;
	v0 =	vcombine.low v0, v1  }
0xc: {  	s8 =	smul.u32 $0xC8, s1;
	s9 =	sadd.s32 s6, s9;
	s11 =	smax.u32 s2, $0x1;
	v1 =	vand.u32 $0xF, v2;
	v2 =	vand.u32 $0xF, v3;
	v3 =	vand.u32 $0xF, v4  }
.LBB2_1:
0xd: {  	s0 =	rddreg [dreg:$0x1];
	s1 =	simm.s32 $0x10200  }
0xe: {  	[tilespmem:s1], [sflag:$0x5] =	stream.linear.gather [hbm4b:s0+s4], $0x40, $0x38;
	[tilespmem:$0x10280] =	vst v63  }
0xf: {  	_ =	swait.ge [sflag:s13], $0x40  }
0x10: {  	[sflag:s13] =	ssyncset.done $0x0  }
0x11: {  	[sflag:s13] =	ssyncadd.s32 $0xFFFFFFC0  }
0x12: {  	s16 =	simm.s32 $0x10240;
	s14 =	rddreg [dreg:$0x2]  }
0x13: {  	[tilespmem:s16], [sflag:$0x5] =	stream.linear.gather [hbm4b:s14+s4], $0x40, $0x38;
	[tilespmem:$0x10280] =	vst v63  }
0x14: {  	_ =	swait.ge [sflag:s13], $0x40  }
0x15: {  	[sflag:s13] =	ssyncset.done $0x0  }
0x16: {  	[sflag:s13] =	ssyncadd.s32 $0xFFFFFFC0  }
0x17: {  	v4 =	vld [tilespmem:$0x10200]  }
0x18: {  	v5 =	vld [tilespmem:$0x10210]  }
0x19: {  	v6 =	vld [tilespmem:$0x10220]  }
0x1a: {  	v7 =	vld [tilespmem:$0x10230]  }
0x1b: {  	v8 =	vld [tilespmem:$0x10240]  }
0x1c: {  	v9 =	vld [tilespmem:$0x10250]  }
0x1d: {  	v10 =	vld [tilespmem:$0x10260]  }
0x1e: {  	v11 =	vld [tilespmem:$0x10270];
	[tilespmem:s4], [sflag:$0x5] =	stream.linear.gather [hbm4b:s9+s4], $0x100, $0x38  }
0x1f: {  	_ =	swait.ge [sflag:s13], $0x100  }
0x20: {  	[sflag:s13] =	ssyncset.done $0x0  }
0x21: {  	s31 =	simm.s32 $0x200;
	[sflag:s13] =	ssyncadd.s32 $0xFFFFFF00  }
0x22: {  	[tilespmem:s31], [sflag:$0x1] =	stream.indirect.gather [hbm4b:s7+s15], $0x40, s4, s15, $0xb8;
	[tilespmem:$0x10280] =	vst v63  }
0x23: {  	s30 =	simm.s32 $0x0  }
0x24: {  	[tilespmem:s17], [sflag:$0x1] =	stream.indirect.gather [hbm4b:s7+s15], $0x40, s15, s15, $0xb8;
	[tilespmem:$0x10280] =	vst v63  }
.LBB2_2:
0x25: {  	s0 =	sshll.u32 s30, $0x2  }
0x26: {  	s0 =	sadd.s32 s8, s0  }
0x27: {  	s31 =	sor.u32 $0x2, s0  }
0x28: {  	s1 =	sshll.u32 s31, $0x4  }
0x29: {  	s1 =	sand.u32 $0x1FFFFFE0, s1  }
0x2a: {  	s1 =	sadd.s32 s6, s1  }
0x2b: {  	[tilespmem:s18], [sflag:$0x5] =	stream.linear.gather [hbm4b:s1+s4], $0x100, $0x38;
	[tilespmem:$0x10280] =	vst v63  }
0x2c: {  	_ =	swait.ge [sflag:s13], $0x100  }
0x2d: {  	[sflag:s13] =	ssyncset.done $0x0  }
0x2e: {  	[sflag:s13] =	ssyncadd.s32 $0xFFFFFF00  }
0x2f: {  	[tilespmem:s19], [sflag:$0x2] =	stream.indirect.gather [hbm4b:s7+s15], $0x40, s18, s15, $0xb8;
	[tilespmem:$0x10280] =	vst v63  }
0x30: {  	_ = 	snop  }
0x31: {  	[tilespmem:s21], [sflag:$0x2] =	stream.indirect.gather [hbm4b:s7+s15], $0x40, s20, s15, $0xb8;
	[tilespmem:$0x10280] =	vst v63  }
0x32: {  	_ =	swait.ge [sflag:s22], $0x2000  }
0x33: {  	[sflag:s22] =	ssyncset.done $0x0  }
0x34: {  	[sflag:s22] =	ssyncadd.s32 $0xFFFFE000  }
0x35: {  	_ =	swait.ge [sflag:s22], $0x2000  }
0x36: {  	p0 =	seq.s32 s30, $0x0;
	[sflag:s22] =	ssyncset.done $0x0  }
0x37: {  	s1 =	simm.s32 @!p0 $0x3;
	[sflag:s22] =	ssyncadd.s32 $0xFFFFE000  }
0x38: {  	_ =	swait.ge @!p0 [sflag:s1], $0x4000  }
0x39: {  	[sflag:s1] =	ssyncset.done @!p0 $0x0  }
0x3a: {  	s5 =	simm.s32 $0x0;
	[sflag:s1] =	ssyncadd.s32 @!p0 $0xFFFFC000  }
0x3b: {  	v14 =	vld [tilespmem:s5+$0x2C0]  }
0x3c: {  	v13 =	vld [tilespmem:s5+$0x2D0]  }
0x3d: {  	v12 =	vld [tilespmem:s5+$0x2E0]  }
0x3e: {  	v27 =	vld [tilespmem:s5+$0x2F0]  }
0x3f: {  	v26 =	vld [tilespmem:s5+$0x200]  }
0x40: {  	v25 =	vld [tilespmem:s5+$0x210]  }
0x41: {  	v18 =	vld [tilespmem:s5+$0x220]  }
0x42: {  	v16 =	vld [tilespmem:s5+$0x240]  }
0x43: {  	v19 =	vld [tilespmem:s5+$0x250]  }
0x44: {  	v15 =	vld [tilespmem:s5+$0x230]  }
0x45: {  	v20 =	vmul.f32 v14, v14;
	v21 =	vmul.f32 v13, v13  }
0x46: {  	v22 =	vadd.f32 v13, v14;
	v23 =	vmul.f32 v12, v12;
	v24 =	vmul.f32 v27, v27  }
0x47: {  	v28 =	vadd.f32 v27, v12;
	v29 =	vadd.f32 v25, v26;
	v30 =	vmul.f32 v26, v26  }
0x48: {  	v17 =	vld [tilespmem:s5+$0x260];
	v32 =	vmul.f32 v25, v25;
	v33 =	vmul.f32 v18, v18;
	v37 =	vadd.f32 v19, v16  }
0x49: {  	v34 =	vmul.f32 v15, v15;
	v31 =	vadd.f32 v21, v20;
	v23 =	vadd.f32 v24, v23;
	v20 =	vld [tilespmem:s5+$0x270]  }
0x4a: {  	v28 =	vadd.f32 v28, v22;
	v24 =	vadd.f32 v15, v18;
	v21 =	vld [tilespmem:s5+$0x280]  }
0x4b: {  	v35 =	vmul.f32 v16, v16;
	v22 =	vld [tilespmem:s5+$0x290];
	v30 =	vadd.f32 v32, v30;
	v33 =	vadd.f32 v34, v33  }
0x4c: {  	v38 =	vmul.f32 v19, v19;
	v31 =	vadd.f32 v23, v31;
	v36 =	vperm.xlane v28, v0  }
0x4d: {  	v40 =	vmul.f32 v17, v17;
	v29 =	vadd.f32 v24, v29;
	v23 =	vld [tilespmem:s5+$0x2A0];
	v30 =	vadd.f32 v33, v30  }
0x4e: {  	v35 =	vadd.f32 v38, v35;
	v24 =	vld [tilespmem:s5+$0x2B0];
	v39 =	vperm.xlane v31, v0;
	v28 =	vadd.f32 v28, v36  }
0x4f: {  	v62 =	vperm.xlane v29, v0;
	v48 =	vperm.xlane v30, v0;
	v53 =	vadd.f32 v20, v17  }
0x50: {  	v54 =	vmul.f32 v20, v20;
	v55 =	vmul.f32 v21, v21;
	v56 =	vadd.f32 v22, v21  }
0x51: {  	v42 =	vmul.f32 v22, v22;
	v31 =	vadd.f32 v31, v39;
	v41 =	vperm.xlane v28, v1  }
0x52: {  	v29 =	vadd.f32 v29, v62;
	v30 =	vadd.f32 v30, v48;
	v44 =	vmul.f32 v23, v23  }
0x53: {  	v32 =	vadd.f32 v53, v37;
	v57 =	vadd.f32 v24, v23;
	v58 =	vmul.f32 v24, v24  }
0x54: {  	v36 =	vadd.f32 v54, v40;
	v60 =	vadd.f32 v42, v55;
	v43 =	vperm.xlane v31, v1  }
0x55: {  	v28 =	vadd.f32 v41, v28;
	v51 =	vperm.xlane v29, v1;
	v34 =	vadd.f32 v57, v56  }
0x56: {  	v63 =	vperm.xlane v32, v0;
	v45 =	vadd.f32 v58, v44;
	v35 =	vadd.f32 v36, v35  }
0x57: {  	v56 =	vperm.xlane v30, v1;
	v31 =	vadd.f32 v43, v31;
	v59 =	vperm.xlane v28, v2  }
0x58: {  	v29 =	vadd.f32 v51, v29;
	v37 =	vadd.f32 v45, v60;
	v47 =	vperm.xlane v34, v0  }
0x59: {  	v32 =	vadd.f32 v32, v63;
	v49 =	vperm.xlane v35, v0;
	v30 =	vadd.f32 v56, v30  }
0x5a: {  	v61 =	vperm.xlane v31, v2;
	v28 =	vadd.f32 v59, v28;
	v59 =	vperm.xlane v29, v2  }
0x5b: {  	v34 =	vadd.f32 v34, v47;
	v50 =	vperm.xlane v37, v0;
	v33 =	vadd.f32 v35, v49  }
0x5c: {  	v54 =	vperm.xlane v32, v1;
	v63 =	vperm.xlane v30, v2;
	v31 =	vadd.f32 v61, v31  }
0x5d: {  	v46 =	vperm.xlane v28, v3;
	v29 =	vadd.f32 v59, v29;
	v52 =	vadd.f32 v37, v50  }
0x5e: {  	v55 =	vperm.xlane v34, v1;
	v57 =	vperm.xlane v33, v1;
	v32 =	vadd.f32 v54, v32  }
0x5f: {  	v30 =	vadd.f32 v63, v30;
	v39 =	vperm.xlane v31, v3;
	v28 =	vadd.f32 v46, v28  }
0x60: {  	v47 =	vperm.xlane v29, v3;
	v34 =	vadd.f32 v55, v34;
	v58 =	vperm.xlane v52, v1  }
0x61: {  	v33 =	vadd.f32 v57, v33;
	v60 =	vperm.xlane v32, v2;
	v49 =	vperm.xlane v30, v3  }
0x62: {  	v31 =	vadd.f32 v39, v31;
	v28 =	vmul.f32 $1.562500000e-02, v28;
	v29 =	vadd.f32 v47, v29  }
0x63: {  	v35 =	vadd.f32 v58, v52;
	v61 =	vperm.xlane v34, v2;
	v32 =	vadd.f32 v60, v32  }
0x64: {  	v45 =	vperm.xlane v33, v2;
	v30 =	vadd.f32 v49, v30;
	v31 =	vmul.f32 $1.562500000e-02, v31  }
0x65: {  	v53 =	vmul.f32 v28, v28;
	v27 =	vsub.f32 v27, v28;
	v14 =	vsub.f32 v14, v28  }
0x66: {  	v29 =	vmul.f32 $1.562500000e-02, v29;
	v13 =	vsub.f32 v13, v28;
	v34 =	vadd.f32 v61, v34  }
0x67: {  	v46 =	vperm.xlane v35, v2;
	v33 =	vadd.f32 v45, v33;
	v48 =	vperm.xlane v32, v3  }
0x68: {  	v30 =	vmul.f32 $1.562500000e-02, v30;
	v31 =	vsub.f32 v31, v53;
	v26 =	vsub.f32 v26, v29  }
0x69: {  	v53 =	vmul.f32 v29, v29;
	v25 =	vsub.f32 v25, v29;
	v35 =	vadd.f32 v46, v35  }
0x6a: {  	v50 =	vperm.xlane v34, v3;
	v32 =	vadd.f32 v48, v32;
	v51 =	vperm.xlane v33, v3  }
0x6b: {  	v31 =	vadd.f32 $9.999999740e-06, v31;
	v30 =	vsub.f32 v30, v53  }
0x6c: {  	v52 =	vperm.xlane v35, v3;
	v34 =	vadd.f32 v50, v34;
	v33 =	vadd.f32 v51, v33  }
0x6d: {  	v32 =	vmul.f32 $1.562500000e-02, v32;
	v62 =	vshrl.u32 v31, $0x1;
	v31 =	vmul.f32 $5.000000000e-01, v31  }
0x6e: {  	v30 =	vadd.f32 $9.999999740e-06, v30;
	v44 =	vsub.s32 $0x5F3759DF, v62;
	v34 =	vmul.f32 $1.562500000e-02, v34  }
0x6f: {  	v35 =	vadd.f32 v52, v35;
	v33 =	vmul.f32 $1.562500000e-02, v33;
	v54 =	vmul.f32 v32, v32  }
0x70: {  	v31 =	vmul.f32 v44, v31;
	v56 =	vshrl.u32 v30, $0x1;
	v30 =	vmul.f32 $5.000000000e-01, v30  }
0x71: {  	v35 =	vmul.f32 $1.562500000e-02, v35;
	v55 =	vmul.f32 v34, v34;
	v33 =	vsub.f32 v33, v54  }
0x72: {  	v18 =	vsub.f32 v18, v29;
	v36 =	vsub.s32 $0x5F3759DF, v56;
	v31 =	vmul.f32 v44, v31  }
0x73: {  	v30 =	vmul.f32 v36, v30;
	v35 =	vsub.f32 v35, v55;
	v33 =	vadd.f32 $9.999999740e-06, v33  }
0x74: {  	v15 =	vsub.f32 v15, v29;
	v31 =	vsub.f32 $1.500000000e+00, v31  }
0x75: {  	v29 =	vmul.f32 v36, v30;
	v35 =	vadd.f32 $9.999999740e-06, v35;
	v57 =	vshrl.u32 v33, $0x1  }
0x76: {  	v33 =	vmul.f32 $5.000000000e-01, v33;
	v31 =	vmul.f32 v44, v31;
	v37 =	vsub.s32 $0x5F3759DF, v57  }
0x77: {  	v29 =	vsub.f32 $1.500000000e+00, v29;
	v58 =	vshrl.u32 v35, $0x1;
	v35 =	vmul.f32 $5.000000000e-01, v35  }
0x78: {  	v33 =	vmul.f32 v37, v33;
	v27 =	vmul.f32 v31, v27;
	v38 =	vsub.s32 $0x5F3759DF, v58  }
0x79: {  	v16 =	vsub.f32 v16, v32;
	v29 =	vmul.f32 v36, v29;
	v35 =	vmul.f32 v38, v35  }
0x7a: {  	v19 =	vsub.f32 v19, v32;
	v30 =	vmul.f32 v37, v33;
	v27 =	vmul.f32 v27, v7  }
0x7b: {  	v17 =	vsub.f32 v17, v32;
	v26 =	vmul.f32 v29, v26;
	v59 =	vmul.f32 v38, v35  }
0x7c: {  	v61 =	vmul.f32 v29, v25;
	v18 =	vmul.f32 v29, v18;
	v30 =	vsub.f32 $1.500000000e+00, v30  }
0x7d: {  	v15 =	vmul.f32 v29, v15;
	v27 =	vadd.f32 v27, v11;
	v33 =	vsub.f32 $1.500000000e+00, v59  }
0x7e: {  	v20 =	vsub.f32 v20, v32;
	v18 =	vmul.f32 v18, v6;
	v30 =	vmul.f32 v37, v30  }
0x7f: {  	v21 =	vsub.f32 v21, v34;
	[tilespmem:s5+$0x82F0] =	vst v27;
	v27 =	vmul.f32 v31, v14;
	v60 =	vmul.f32 v38, v33  }
0x80: {  	v22 =	vsub.f32 v22, v34;
	v16 =	vmul.f32 v30, v16;
	v62 =	vmul.f32 v30, v19  }
0x81: {  	v25 =	vsub.f32 v23, v34;
	v63 =	vmul.f32 v30, v17;
	v29 =	vmul.f32 v30, v20  }
0x82: {  	v24 =	vsub.f32 v24, v34;
	v19 =	vmul.f32 v26, v4;
	v30 =	vmul.f32 v60, v21  }
0x83: {  	s1 =	simm.s32 $0x100;
	v17 =	vsub.f32 v12, v28;
	v23 =	vmul.f32 v60, v22;
	v20 =	vmul.f32 v60, v25  }
0x84: {  	v12 =	vld [tilespmem:s1+$0x2C0];
	v28 =	vmul.f32 v60, v24;
	v25 =	vmul.f32 v31, v13  }
0x85: {  	v14 =	vld [tilespmem:s1+$0x2E0];
	v26 =	vmul.f32 v31, v17;
	v22 =	vmul.f32 v61, v5  }
0x86: {  	v13 =	vld [tilespmem:s1+$0x2D0];
	v21 =	vadd.f32 v19, v8;
	v19 =	vmul.f32 v15, v7;
	v17 =	vmul.f32 v16, v4  }
0x87: {  	s14 =	simm.s32 $0x800;
	s2 =	simm.s32 $0x100;
	s12 =	simm.s32 $0x0;
	v16 =	vld [tilespmem:s1+$0x2F0];
	v36 =	vmul.f32 v62, v5;
	v15 =	vmul.f32 v63, v6;
	v32 =	vadd.f32 v22, v9  }
.LBB2_3:
0x88: {  	p1 =	sne.s32 s14, $0x7C00;
	v31 =	vld [tilespmem:s2+$0x200];
	[tilespmem:s12+$0x8200] =	vst v21;
	v18 =	vadd.f32 v18, v10;
	v24 =	vmul.f32 v29, v7;
	v22 =	vmul.f32 v30, v4  }
0x89: {  	v29 =	vadd.f32 v19, v11;
	v23 =	vmul.f32 v23, v5;
	v20 =	vmul.f32 v20, v6;
	v33 =	vld [tilespmem:s2+$0x210];
	[tilespmem:s12+$0x8210] =	vst v32  }
0x8a: {  	v30 =	vadd.f32 v17, v8;
	v21 =	vmul.f32 v28, v7;
	v19 =	vmul.f32 v27, v4;
	v35 =	vld [tilespmem:s2+$0x220];
	[tilespmem:s12+$0x8220] =	vst v18  }
0x8b: {  	v17 =	vmul.f32 v26, v6;
	v27 =	vadd.f32 v13, v12;
	v18 =	vmul.f32 v25, v5;
	v32 =	vld [tilespmem:s2+$0x230];
	[tilespmem:s12+$0x8230] =	vst v29  }
0x8c: {  	v34 =	vmul.f32 v12, v12;
	v37 =	vmul.f32 v13, v13;
	v28 =	vld [tilespmem:s2+$0x240];
	v29 =	vadd.f32 v16, v14;
	[tilespmem:s12+$0x8240] =	vst v30  }
0x8d: {  	v36 =	vadd.f32 v36, v9;
	v30 =	vmul.f32 v14, v14;
	v38 =	vmul.f32 v16, v16;
	v25 =	vld [tilespmem:s2+$0x250]  }
0x8e: {  	v40 =	vmul.f32 v31, v31;
	v39 =	vadd.f32 v33, v31;
	v26 =	vld [tilespmem:s2+$0x260];
	v41 =	vadd.f32 v29, v27  }
0x8f: {  	v34 =	vadd.f32 v37, v34;
	v42 =	vmul.f32 v33, v33;
	v37 =	vadd.f32 v38, v30;
	v27 =	vld [tilespmem:s2+$0x270];
	[tilespmem:s12+$0x8250] =	vst v36  }
0x90: {  	v38 =	vmul.f32 v35, v35;
	v36 =	vadd.f32 v32, v35;
	v43 =	vmul.f32 v32, v32;
	v29 =	vld [tilespmem:s2+$0x280]  }
0x91: {  	v37 =	vadd.f32 v37, v34;
	v45 =	vperm.xlane v41, v0;
	v44 =	vmul.f32 v28, v28;
	v30 =	vld [tilespmem:s2+$0x290]  }
0x92: {  	v39 =	vadd.f32 v36, v39;
	v46 =	vadd.f32 v25, v28;
	v47 =	vmul.f32 v25, v25;
	v36 =	vld [tilespmem:s2+$0x2A0]  }
0x93: {  	v41 =	vadd.f32 v41, v45;
	v45 =	vperm.xlane v37, v0;
	v48 =	vmul.f32 v26, v26;
	v34 =	vld [tilespmem:s2+$0x2B0]  }
0x94: {  	v40 =	vadd.f32 v42, v40;
	v42 =	vadd.f32 v27, v26;
	v49 =	vmul.f32 v27, v27  }
0x95: {  	v37 =	vadd.f32 v37, v45;
	v45 =	vperm.xlane v41, v1;
	v50 =	vmul.f32 v29, v29  }
0x96: {  	v38 =	vadd.f32 v43, v38;
	v43 =	vadd.f32 v30, v29;
	v51 =	vmul.f32 v30, v30  }
0x97: {  	v41 =	vadd.f32 v45, v41;
	v45 =	vperm.xlane v37, v1;
	v52 =	vmul.f32 v36, v36  }
0x98: {  	v42 =	vadd.f32 v42, v46;
	v46 =	vadd.f32 v34, v36;
	v53 =	vmul.f32 v34, v34  }
0x99: {  	v44 =	vadd.f32 v47, v44;
	v37 =	vadd.f32 v45, v37;
	v45 =	vperm.xlane v41, v2  }
0x9a: {  	v47 =	vperm.xlane v39, v0;
	v48 =	vadd.f32 v49, v48;
	v43 =	vadd.f32 v46, v43  }
0x9b: {  	v46 =	vadd.f32 v51, v50;
	v41 =	vadd.f32 v45, v41;
	v45 =	vperm.xlane v37, v2  }
0x9c: {  	v38 =	vadd.f32 v38, v40;
	v40 =	vperm.xlane v42, v0;
	v49 =	vadd.f32 v53, v52  }
0x9d: {  	v44 =	vadd.f32 v48, v44;
	v37 =	vadd.f32 v45, v37;
	v45 =	vperm.xlane v41, v3  }
0x9e: {  	v39 =	vadd.f32 v39, v47;
	v46 =	vadd.f32 v49, v46;
	v47 =	vperm.xlane v43, v0  }
0x9f: {  	v48 =	vperm.xlane v38, v0;
	v41 =	vadd.f32 v45, v41;
	v45 =	vperm.xlane v37, v3  }
0xa0: {  	v40 =	vadd.f32 v42, v40;
	v42 =	vperm.xlane v44, v0;
	v43 =	vadd.f32 v43, v47  }
0xa1: {  	v47 =	vperm.xlane v46, v0;
	v45 =	vadd.f32 v45, v37;
	v37 =	vmul.f32 $1.562500000e-02, v41  }
0xa2: {  	v38 =	vadd.f32 v38, v48;
	v42 =	vadd.f32 v44, v42;
	v41 =	vperm.xlane v39, v1  }
0xa3: {  	v44 =	vadd.f32 v46, v47;
	v45 =	vmul.f32 $1.562500000e-02, v45;
	v46 =	vmul.f32 v37, v37  }
0xa4: {  	v47 =	vperm.xlane v43, v1;
	v39 =	vadd.f32 v41, v39;
	v41 =	vperm.xlane v40, v1  }
0xa5: {  	v48 =	vperm.xlane v38, v1;
	v49 =	vperm.xlane v42, v1;
	v45 =	vsub.f32 v45, v46  }
0xa6: {  	v40 =	vadd.f32 v41, v40;
	v41 =	vadd.f32 v47, v43;
	v43 =	vperm.xlane v44, v1  }
0xa7: {  	v38 =	vadd.f32 v48, v38;
	v46 =	vperm.xlane v39, v2;
	v45 =	vadd.f32 $9.999999740e-06, v45  }
0xa8: {  	v42 =	vadd.f32 v49, v42;
	v47 =	vperm.xlane v40, v2;
	v43 =	vadd.f32 v43, v44  }
0xa9: {  	v44 =	vperm.xlane v41, v2;
	v48 =	vshrl.u32 v45, $0x1;
	v45 =	vmul.f32 $5.000000000e-01, v45  }
0xaa: {  	v39 =	vadd.f32 v46, v39;
	v46 =	vperm.xlane v38, v2;
	v48 =	vsub.s32 $0x5F3759DF, v48  }
0xab: {  	v40 =	vadd.f32 v47, v40;
	v47 =	vperm.xlane v42, v2;
	v45 =	vmul.f32 v48, v45  }
0xac: {  	v38 =	vadd.f32 v46, v38;
	v41 =	vadd.f32 v44, v41;
	v44 =	vperm.xlane v43, v2  }
0xad: {  	v46 =	vperm.xlane v39, v3;
	v42 =	vadd.f32 v47, v42;
	v45 =	vmul.f32 v48, v45  }
0xae: {  	v47 =	vperm.xlane v40, v3;
	v43 =	vadd.f32 v44, v43;
	v44 =	vperm.xlane v41, v3  }
0xaf: {  	v39 =	vadd.f32 v46, v39;
	v46 =	vperm.xlane v38, v3;
	v45 =	vsub.f32 $1.500000000e+00, v45  }
0xb0: {  	v40 =	vadd.f32 v47, v40;
	v47 =	vperm.xlane v42, v3;
	v41 =	vadd.f32 v44, v41  }
0xb1: {  	v16 =	vsub.f32 v16, v37;
	v44 =	vperm.xlane v43, v3;
	v45 =	vmul.f32 v48, v45  }
0xb2: {  	v38 =	vadd.f32 v46, v38;
	v39 =	vmul.f32 $1.562500000e-02, v39;
	v42 =	vadd.f32 v47, v42  }
0xb3: {  	v40 =	vmul.f32 $1.562500000e-02, v40;
	v43 =	vadd.f32 v44, v43;
	v16 =	vmul.f32 v45, v16  }
0xb4: {  	v38 =	vmul.f32 $1.562500000e-02, v38;
	v31 =	vsub.f32 v31, v39;
	v41 =	vmul.f32 $1.562500000e-02, v41  }
0xb5: {  	v44 =	vmul.f32 v39, v39;
	v33 =	vsub.f32 v33, v39;
	v16 =	vmul.f32 v16, v7  }
0xb6: {  	v35 =	vsub.f32 v35, v39;
	v42 =	vmul.f32 $1.562500000e-02, v42;
	v46 =	vmul.f32 v40, v40  }
0xb7: {  	v43 =	vmul.f32 $1.562500000e-02, v43;
	v47 =	vmul.f32 v41, v41;
	v16 =	vadd.f32 v16, v11  }
0xb8: {  	v38 =	vsub.f32 v38, v44;
	v42 =	vsub.f32 v42, v46  }
0xb9: {  	v32 =	vsub.f32 v32, v39;
	v39 =	vsub.f32 v43, v47;
	[tilespmem:s2+$0x82F0] =	vst v16  }
0xba: {  	v16 =	vadd.f32 $9.999999740e-06, v38;
	v38 =	vadd.f32 $9.999999740e-06, v42  }
0xbb: {  	v28 =	vsub.f32 v28, v40;
	v39 =	vadd.f32 $9.999999740e-06, v39  }
0xbc: {  	v42 =	vshrl.u32 v16, $0x1;
	v16 =	vmul.f32 $5.000000000e-01, v16;
	v43 =	vshrl.u32 v38, $0x1  }
0xbd: {  	v44 =	vshrl.u32 v39, $0x1;
	v39 =	vmul.f32 $5.000000000e-01, v39;
	v38 =	vmul.f32 $5.000000000e-01, v38  }
0xbe: {  	v44 =	vsub.s32 $0x5F3759DF, v44;
	v42 =	vsub.s32 $0x5F3759DF, v42;
	v43 =	vsub.s32 $0x5F3759DF, v43  }
0xbf: {  	v25 =	vsub.f32 v25, v40;
	v16 =	vmul.f32 v42, v16;
	v38 =	vmul.f32 v43, v38  }
0xc0: {  	v26 =	vsub.f32 v26, v40;
	v27 =	vsub.f32 v27, v40;
	v39 =	vmul.f32 v44, v39  }
0xc1: {  	v40 =	vsub.f32 v29, v41;
	v16 =	vmul.f32 v42, v16;
	v38 =	vmul.f32 v43, v38  }
0xc2: {  	v36 =	vsub.f32 v36, v41;
	v29 =	vmul.f32 v44, v39;
	v39 =	vsub.f32 v30, v41  }
0xc3: {  	v16 =	vsub.f32 $1.500000000e+00, v16;
	v30 =	vsub.f32 $1.500000000e+00, v38  }
0xc4: {  	v34 =	vsub.f32 v34, v41;
	v29 =	vsub.f32 $1.500000000e+00, v29  }
0xc5: {  	v12 =	vsub.f32 v12, v37;
	v16 =	vmul.f32 v42, v16;
	v30 =	vmul.f32 v43, v30  }
0xc6: {  	v13 =	vsub.f32 v13, v37;
	v14 =	vsub.f32 v14, v37;
	v38 =	vmul.f32 v44, v29  }
0xc7: {  	v15 =	vadd.f32 v15, v10;
	v31 =	vmul.f32 v16, v31;
	v33 =	vmul.f32 v16, v33  }
0xc8: {  	v24 =	vadd.f32 v24, v11;
	v35 =	vmul.f32 v16, v35;
	v16 =	vmul.f32 v16, v32  }
0xc9: {  	v32 =	vmul.f32 v30, v28;
	v37 =	vmul.f32 v30, v25;
	[tilespmem:s12+$0x8260] =	vst v15;
	v15 =	vadd.f32 v22, v8  }
0xca: {  	v29 =	vmul.f32 v30, v27;
	v22 =	vmul.f32 v30, v26;
	[tilespmem:s12+$0x8270] =	vst v24;
	v24 =	vadd.f32 v23, v9  }
0xcb: {  	v30 =	vmul.f32 v38, v40;
	v23 =	vmul.f32 v38, v39;
	[tilespmem:s12+$0x8280] =	vst v15;
	v15 =	vadd.f32 v20, v10  }
0xcc: {  	v21 =	vadd.f32 v21, v11;
	v28 =	vmul.f32 v38, v34;
	v20 =	vmul.f32 v38, v36;
	[tilespmem:s12+$0x8290] =	vst v24  }
.Ltmp0:
0xcd: {  	s16 =	sshra.s32 s14, $0x2;
	v27 =	vmul.f32 v45, v12;
	v25 =	vmul.f32 v45, v13;
	[tilespmem:s12+$0x82A0] =	vst v15;
	v15 =	vadd.f32 v19, v8;
	(pc) =	sbr.rel @p1 .LBB2_3-.Ltmp0, $4  }
0xce: {  	v26 =	vmul.f32 v45, v14;
	v24 =	vadd.f32 v18, v9;
	v19 =	vmul.f32 v31, v4;
	v12 =	vld [tilespmem:s16+$0x2C0];
	[tilespmem:s12+$0x82B0] =	vst v21  }
0xcf: {  	v18 =	vmul.f32 v35, v6;
	v31 =	vmul.f32 v33, v5;
	v33 =	vadd.f32 v17, v10;
	v13 =	vld [tilespmem:s16+$0x2D0];
	[tilespmem:s12+$0x82C0] =	vst v15  }
0xd0: {  	v17 =	vmul.f32 v32, v4;
	v21 =	vadd.f32 v19, v8;
	v19 =	vmul.f32 v16, v7;
	v14 =	vld [tilespmem:s16+$0x2E0];
	[tilespmem:s12+$0x82D0] =	vst v24  }
0xd1: {  	s14 =	sadd.s32 $0x400, s14;
	v36 =	vmul.f32 v37, v5;
	v32 =	vadd.f32 v31, v9;
	v15 =	vmul.f32 v22, v6;
	v16 =	vld [tilespmem:s16+$0x2F0];
	[tilespmem:s12+$0x82E0] =	vst v33;
	s12 =	smov.u32 s2;
	s2 =	smov.u32 s16  }
0xd2: {  	v34 =	vld [tilespmem:s2+$0x200];
	[tilespmem:s12+$0x8200] =	vst v21;
	v21 =	vadd.f32 v17, v8;
	v17 =	vmul.f32 v30, v4  }
0xd3: {  	v18 =	vadd.f32 v18, v10;
	v23 =	vmul.f32 v23, v5;
	v20 =	vmul.f32 v20, v6  }
0xd4: {  	v19 =	vadd.f32 v19, v11;
	v28 =	vmul.f32 v28, v7;
	v27 =	vmul.f32 v27, v4;
	v33 =	vld [tilespmem:s2+$0x210];
	[tilespmem:s12+$0x8210] =	vst v32  }
0xd5: {  	v25 =	vmul.f32 v25, v5;
	v31 =	vmul.f32 v12, v12;
	v35 =	vld [tilespmem:s2+$0x220];
	[tilespmem:s12+$0x8220] =	vst v18  }
0xd6: {  	v36 =	vadd.f32 v36, v9;
	v15 =	vadd.f32 v15, v10;
	v18 =	vmul.f32 v29, v7;
	v22 =	vld [tilespmem:s2+$0x230];
	[tilespmem:s12+$0x8230] =	vst v19  }
0xd7: {  	v29 =	vadd.f32 v13, v12;
	v55 =	vmul.f32 v13, v13;
	v24 =	vld [tilespmem:s2+$0x240];
	[tilespmem:s12+$0x8240] =	vst v21;
	v30 =	vadd.f32 v16, v14  }
0xd8: {  	v37 =	vmul.f32 v14, v14;
	v38 =	vmul.f32 v16, v16;
	v18 =	vadd.f32 v18, v11;
	v19 =	vld [tilespmem:s2+$0x250]  }
0xd9: {  	v21 =	vld [tilespmem:s2+$0x260];
	v40 =	vmul.f32 v34, v34;
	v39 =	vadd.f32 v33, v34;
	v41 =	vadd.f32 v30, v29  }
0xda: {  	v29 =	vld [tilespmem:s2+$0x270];
	v42 =	vmul.f32 v33, v33;
	v30 =	vadd.f32 v55, v31;
	v37 =	vadd.f32 v38, v37;
	[tilespmem:s12+$0x8250] =	vst v36  }
0xdb: {  	v57 =	vmul.f32 v35, v35;
	v31 =	vld [tilespmem:s2+$0x280];
	v56 =	vadd.f32 v22, v35;
	v43 =	vmul.f32 v22, v22  }
0xdc: {  	v32 =	vld [tilespmem:s2+$0x290];
	v37 =	vadd.f32 v37, v30;
	v45 =	vperm.xlane v41, v0;
	v40 =	vadd.f32 v42, v40  }
0xdd: {  	v36 =	vld [tilespmem:s2+$0x2A0];
	v44 =	vmul.f32 v24, v24;
	v39 =	vadd.f32 v56, v39;
	v46 =	vadd.f32 v19, v24  }
0xde: {  	v30 =	vld [tilespmem:s2+$0x2B0];
	v47 =	vmul.f32 v19, v19;
	v41 =	vadd.f32 v41, v45;
	v58 =	vperm.xlane v37, v0  }
0xdf: {  	v48 =	vmul.f32 v21, v21;
	v38 =	vadd.f32 v43, v57;
	v59 =	vadd.f32 v29, v21  }
0xe0: {  	v49 =	vmul.f32 v29, v29;
	v50 =	vmul.f32 v31, v31;
	v37 =	vadd.f32 v37, v58  }
0xe1: {  	v60 =	vperm.xlane v41, v1;
	v61 =	vadd.f32 v32, v31;
	v51 =	vmul.f32 v32, v32  }
0xe2: {  	v52 =	vmul.f32 v36, v36;
	v44 =	vadd.f32 v47, v44;
	v38 =	vadd.f32 v38, v40  }
0xe3: {  	v56 =	vperm.xlane v39, v0;
	v42 =	vadd.f32 v59, v46;
	v63 =	vadd.f32 v30, v36  }
0xe4: {  	v53 =	vmul.f32 v30, v30;
	v48 =	vadd.f32 v49, v48;
	v41 =	vadd.f32 v60, v41  }
0xe5: {  	v62 =	vperm.xlane v37, v1;
	v57 =	vadd.f32 v51, v50;
	v39 =	vadd.f32 v39, v56  }
0xe6: {  	v43 =	vadd.f32 v63, v61;
	v59 =	vperm.xlane v42, v0;
	v60 =	vadd.f32 v53, v52  }
0xe7: {  	v44 =	vadd.f32 v48, v44;
	v63 =	vperm.xlane v38, v0;
	v37 =	vadd.f32 v62, v37  }
0xe8: {  	v55 =	vperm.xlane v41, v2;
	v46 =	vadd.f32 v60, v57;
	v62 =	vperm.xlane v43, v0  }
0xe9: {  	v40 =	vadd.f32 v42, v59;
	v53 =	vperm.xlane v44, v0;
	v38 =	vadd.f32 v38, v63  }
0xea: {  	v41 =	vadd.f32 v55, v41;
	v58 =	vperm.xlane v37, v2;
	v55 =	vperm.xlane v39, v1  }
0xeb: {  	v43 =	vadd.f32 v43, v62;
	v54 =	vperm.xlane v46, v0;
	v42 =	vadd.f32 v44, v53  }
0xec: {  	v48 =	vperm.xlane v38, v1;
	v37 =	vadd.f32 v58, v37;
	v61 =	vperm.xlane v41, v3  }
0xed: {  	v39 =	vadd.f32 v55, v39;
	v58 =	vperm.xlane v40, v1;
	v56 =	vadd.f32 v46, v54  }
0xee: {  	v59 =	vperm.xlane v43, v1;
	v60 =	vperm.xlane v42, v1;
	v38 =	vadd.f32 v48, v38  }
0xef: {  	v41 =	vadd.f32 v61, v41;
	v52 =	vperm.xlane v37, v3;
	v40 =	vadd.f32 v58, v40  }
0xf0: {  	v62 =	vperm.xlane v39, v2;
	v43 =	vadd.f32 v59, v43;
	v61 =	vperm.xlane v56, v1  }
0xf1: {  	v42 =	vadd.f32 v60, v42;
	v54 =	vperm.xlane v38, v2;
	v37 =	vadd.f32 v52, v37  }
0xf2: {  	v41 =	vmul.f32 $1.562500000e-02, v41;
	v63 =	vperm.xlane v40, v2;
	v39 =	vadd.f32 v62, v39  }
0xf3: {  	v44 =	vadd.f32 v61, v56;
	v52 =	vperm.xlane v43, v2;
	v38 =	vadd.f32 v54, v38  }
0xf4: {  	v55 =	vperm.xlane v42, v2;
	v40 =	vadd.f32 v63, v40;
	v16 =	vsub.f32 v16, v41  }
0xf5: {  	v37 =	vmul.f32 $1.562500000e-02, v37;
	v12 =	vsub.f32 v12, v41;
	v13 =	vsub.f32 v13, v41  }
0xf6: {  	v57 =	vmul.f32 v41, v41;
	v14 =	vsub.f32 v14, v41;
	v43 =	vadd.f32 v52, v43  }
0xf7: {  	v56 =	vperm.xlane v44, v2;
	v42 =	vadd.f32 v55, v42;
	v60 =	vperm.xlane v38, v3  }
0xf8: {  	v37 =	vsub.f32 v37, v57;
	v57 =	vperm.xlane v39, v3;
	v58 =	vperm.xlane v40, v3  }
0xf9: {  	v44 =	vadd.f32 v56, v44;
	v59 =	vperm.xlane v43, v3;
	v38 =	vadd.f32 v60, v38  }
0xfa: {  	v61 =	vperm.xlane v42, v3;
	v37 =	vadd.f32 $9.999999740e-06, v37;
	v39 =	vadd.f32 v57, v39  }
0xfb: {  	v40 =	vadd.f32 v58, v40;
	v43 =	vadd.f32 v59, v43;
	v62 =	vperm.xlane v44, v3  }
0xfc: {  	v38 =	vmul.f32 $1.562500000e-02, v38;
	v53 =	vshrl.u32 v37, $0x1;
	v37 =	vmul.f32 $5.000000000e-01, v37  }
0xfd: {  	v42 =	vadd.f32 v61, v42;
	v39 =	vmul.f32 $1.562500000e-02, v39;
	v40 =	vmul.f32 $1.562500000e-02, v40  }
0xfe: {  	v48 =	vsub.s32 $0x5F3759DF, v53;
	v44 =	vadd.f32 v62, v44;
	v43 =	vmul.f32 $1.562500000e-02, v43  }
0xff: {  	v37 =	vmul.f32 v48, v37;
	v34 =	vsub.f32 v34, v39;
	v33 =	vsub.f32 v33, v39  }
0x100: {  	v63 =	vmul.f32 v39, v39;
	v35 =	vsub.f32 v35, v39;
	v22 =	vsub.f32 v22, v39  }
0x101: {  	v24 =	vsub.f32 v24, v40;
	v19 =	vsub.f32 v19, v40;
	v37 =	vmul.f32 v48, v37  }
0x102: {  	v21 =	vsub.f32 v21, v40;
	v44 =	vmul.f32 $1.562500000e-02, v44;
	v49 =	vmul.f32 v43, v43  }
0x103: {  	v26 =	vmul.f32 v26, v6;
	v38 =	vsub.f32 v38, v63;
	v37 =	vsub.f32 $1.500000000e+00, v37  }
0x104: {  	v42 =	vmul.f32 $1.562500000e-02, v42;
	v29 =	vsub.f32 v29, v40;
	v44 =	vsub.f32 v44, v49  }
0x105: {  	v31 =	vsub.f32 v31, v43;
	v38 =	vadd.f32 $9.999999740e-06, v38;
	v37 =	vmul.f32 v48, v37  }
0x106: {  	v32 =	vsub.f32 v32, v43;
	v51 =	vadd.f32 $9.999999740e-06, v44;
	v48 =	vmul.f32 v40, v40  }
0x107: {  	v52 =	vshrl.u32 v38, $0x1;
	v38 =	vmul.f32 $5.000000000e-01, v38;
	v16 =	vmul.f32 v37, v16  }
0x108: {  	v36 =	vsub.f32 v36, v43;
	v44 =	vsub.s32 $0x5F3759DF, v52;
	v42 =	vsub.f32 v42, v48  }
0x109: {  	v54 =	vshrl.u32 v51, $0x1;
	v38 =	vmul.f32 v44, v38;
	v16 =	vmul.f32 v16, v7  }
0x10a: {  	v30 =	vsub.f32 v30, v43;
	v46 =	vsub.s32 $0x5F3759DF, v54;
	v50 =	vadd.f32 $9.999999740e-06, v42  }
0x10b: {  	v12 =	vmul.f32 v37, v12;
	v38 =	vmul.f32 v44, v38;
	v16 =	vadd.f32 v16, v11  }
0x10c: {  	v13 =	vmul.f32 v37, v13;
	v53 =	vshrl.u32 v50, $0x1;
	v39 =	vmul.f32 $5.000000000e-01, v50  }
0x10d: {  	v14 =	vmul.f32 v37, v14;
	v38 =	vsub.f32 $1.500000000e+00, v38;
	v45 =	vsub.s32 $0x5F3759DF, v53;
	[tilespmem:s2+$0x82F0] =	vst v16  }
0x10e: {  	v42 =	vmul.f32 $5.000000000e-01, v51;
	v39 =	vmul.f32 v45, v39;
	[tilespmem:s12+$0x8260] =	vst v15;
	v15 =	vadd.f32 v17, v8  }
0x10f: {  	v12 =	vmul.f32 v12, v4;
	v17 =	vmul.f32 v44, v38;
	[tilespmem:s12+$0x8270] =	vst v18;
	v18 =	vadd.f32 v23, v9  }
0x110: {  	v55 =	vmul.f32 v46, v42;
	v39 =	vmul.f32 v45, v39;
	[tilespmem:s12+$0x8280] =	vst v15;
	v15 =	vadd.f32 v20, v10  }
0x111: {  	v20 =	vmul.f32 v17, v34;
	[tilespmem:s12+$0x8290] =	vst v18;
	v18 =	vadd.f32 v28, v11;
	v23 =	vmul.f32 v17, v33  }
0x112: {  	v39 =	vsub.f32 $1.500000000e+00, v39;
	[tilespmem:s12+$0x82A0] =	vst v15;
	v15 =	vadd.f32 v27, v8;
	v27 =	vmul.f32 v17, v35  }
0x113: {  	v20 =	vmul.f32 v20, v4;
	[tilespmem:s12+$0x82B0] =	vst v18;
	v18 =	vadd.f32 v25, v9;
	v17 =	vmul.f32 v17, v22  }
0x114: {  	v22 =	vmul.f32 v23, v5;
	v56 =	vmul.f32 v45, v39;
	[tilespmem:s12+$0x82C0] =	vst v15;
	v15 =	vadd.f32 v26, v10  }
0x115: {  	v13 =	vmul.f32 v13, v5;
	v40 =	vmul.f32 v46, v55;
	v20 =	vadd.f32 v20, v8;
	[tilespmem:s12+$0x82D0] =	vst v18  }
0x116: {  	v14 =	vmul.f32 v14, v6;
	v18 =	vmul.f32 v56, v19;
	v19 =	vadd.f32 v22, v9;
	[tilespmem:s12+$0x82E0] =	vst v15  }
0x117: {  	v12 =	vadd.f32 v12, v8;
	v16 =	vsub.f32 $1.500000000e+00, v40;
	v17 =	vmul.f32 v17, v7;
	[tilespmem:s2+$0x8200] =	vst v20  }
0x118: {  	v13 =	vadd.f32 v13, v9;
	v23 =	vmul.f32 v56, v24;
	v24 =	vmul.f32 v27, v6;
	[tilespmem:s2+$0x8210] =	vst v19  }
0x119: {  	v16 =	vmul.f32 v46, v16;
	v22 =	vmul.f32 v56, v29;
	v17 =	vadd.f32 v17, v11;
	[tilespmem:s2+$0x82C0] =	vst v12  }
0x11a: {  	v15 =	vmul.f32 v56, v21;
	v21 =	vmul.f32 v23, v4;
	v20 =	vadd.f32 v24, v10;
	[tilespmem:s2+$0x82D0] =	vst v13  }
0x11b: {  	v18 =	vmul.f32 v18, v5;
	v19 =	vmul.f32 v16, v31;
	v12 =	vadd.f32 v14, v10;
	[tilespmem:s2+$0x8230] =	vst v17  }
0x11c: {  	v22 =	vmul.f32 v22, v7;
	v15 =	vmul.f32 v15, v6;
	[tilespmem:s2+$0x8220] =	vst v20;
	v20 =	vadd.f32 v21, v8  }
0x11d: {  	v21 =	vmul.f32 v16, v32;
	v17 =	vadd.f32 v18, v9;
	v18 =	vmul.f32 v16, v36;
	[tilespmem:s2+$0x82E0] =	vst v12  }
0x11e: {  	v19 =	vmul.f32 v19, v4;
	v16 =	vmul.f32 v16, v30;
	v15 =	vadd.f32 v15, v10;
	[tilespmem:s2+$0x8240] =	vst v20  }
0x11f: {  	v20 =	vmul.f32 v21, v5;
	[tilespmem:s2+$0x8250] =	vst v17;
	v17 =	vadd.f32 v22, v11  }
0x120: {  	v16 =	vmul.f32 v16, v7;
	[tilespmem:s2+$0x8260] =	vst v15;
	v15 =	vadd.f32 v19, v8  }
0x121: {  	v18 =	vmul.f32 v18, v6;
	[tilespmem:s2+$0x8270] =	vst v17;
	v17 =	vadd.f32 v20, v9  }
0x122: {  	v16 =	vadd.f32 v16, v11;
	[tilespmem:s2+$0x8280] =	vst v15  }
0x123: {  	v15 =	vadd.f32 v18, v10;
	[tilespmem:s2+$0x8290] =	vst v17  }
0x124: {  	[tilespmem:s2+$0x82B0] =	vst v16  }
0x125: {  	[tilespmem:s2+$0x82A0] =	vst v15  }
0x126: {  	v14 =	vld [tilespmem:s5+$0x22C0]  }
0x127: {  	v13 =	vld [tilespmem:s5+$0x22D0]  }
0x128: {  	v12 =	vld [tilespmem:s5+$0x22E0]  }
0x129: {  	v27 =	vld [tilespmem:s5+$0x22F0]  }
0x12a: {  	v26 =	vld [tilespmem:s5+$0x2200]  }
0x12b: {  	v25 =	vld [tilespmem:s5+$0x2210]  }
0x12c: {  	v18 =	vld [tilespmem:s5+$0x2220]  }
0x12d: {  	v15 =	vld [tilespmem:s5+$0x2230]  }
0x12e: {  	v16 =	vld [tilespmem:s5+$0x2240];
	v20 =	vmul.f32 v14, v14;
	v21 =	vmul.f32 v13, v13  }
0x12f: {  	v19 =	vld [tilespmem:s5+$0x2250];
	v22 =	vadd.f32 v13, v14;
	v23 =	vmul.f32 v12, v12;
	v24 =	vmul.f32 v27, v27  }
0x130: {  	v17 =	vld [tilespmem:s5+$0x2260];
	v28 =	vadd.f32 v27, v12;
	v29 =	vadd.f32 v25, v26;
	v30 =	vmul.f32 v26, v26  }
0x131: {  	v57 =	vmul.f32 v25, v25;
	v58 =	vmul.f32 v18, v18;
	v31 =	vadd.f32 v21, v20;
	v20 =	vld [tilespmem:s5+$0x2270]  }
0x132: {  	v59 =	vmul.f32 v15, v15;
	v23 =	vadd.f32 v24, v23;
	v28 =	vadd.f32 v28, v22;
	v21 =	vld [tilespmem:s5+$0x2280]  }
0x133: {  	v60 =	vmul.f32 v16, v16;
	v24 =	vadd.f32 v15, v18;
	v22 =	vld [tilespmem:s5+$0x2290];
	v30 =	vadd.f32 v57, v30  }
0x134: {  	v63 =	vmul.f32 v19, v19;
	v33 =	vadd.f32 v59, v58;
	v31 =	vadd.f32 v23, v31;
	v23 =	vld [tilespmem:s5+$0x22A0]  }
0x135: {  	v62 =	vadd.f32 v19, v16;
	v61 =	vperm.xlane v28, v0;
	v29 =	vadd.f32 v24, v29;
	v24 =	vld [tilespmem:s5+$0x22B0]  }
0x136: {  	v48 =	vmul.f32 v17, v17;
	v35 =	vadd.f32 v63, v60;
	v30 =	vadd.f32 v33, v30  }
0x137: {  	v47 =	vperm.xlane v31, v0;
	v28 =	vadd.f32 v28, v61;
	v49 =	vadd.f32 v20, v17  }
0x138: {  	v50 =	vmul.f32 v20, v20;
	v51 =	vmul.f32 v21, v21;
	v53 =	vadd.f32 v22, v21  }
0x139: {  	v54 =	vmul.f32 v22, v22;
	v31 =	vadd.f32 v31, v47;
	v52 =	vperm.xlane v28, v1  }
0x13a: {  	v56 =	vmul.f32 v23, v23;
	v32 =	vadd.f32 v49, v62;
	v57 =	vadd.f32 v24, v23  }
0x13b: {  	v58 =	vmul.f32 v24, v24;
	v36 =	vadd.f32 v50, v48;
	v60 =	vadd.f32 v54, v51  }
0x13c: {  	v62 =	vperm.xlane v29, v0;
	v48 =	vperm.xlane v30, v0;
	v28 =	vadd.f32 v52, v28  }
0x13d: {  	v55 =	vperm.xlane v31, v1;
	v34 =	vadd.f32 v57, v53;
	v45 =	vadd.f32 v58, v56  }
0x13e: {  	v63 =	vperm.xlane v32, v0;
	v35 =	vadd.f32 v36, v35;
	v29 =	vadd.f32 v29, v62  }
0x13f: {  	v30 =	vadd.f32 v30, v48;
	v31 =	vadd.f32 v55, v31;
	v59 =	vperm.xlane v28, v2  }
0x140: {  	v37 =	vadd.f32 v45, v60;
	v47 =	vperm.xlane v34, v0;
	v49 =	vperm.xlane v35, v0  }
0x141: {  	v32 =	vadd.f32 v32, v63;
	v51 =	vperm.xlane v29, v1;
	v56 =	vperm.xlane v30, v1  }
0x142: {  	v61 =	vperm.xlane v31, v2;
	v28 =	vadd.f32 v59, v28;
	v34 =	vadd.f32 v34, v47  }
0x143: {  	v50 =	vperm.xlane v37, v0;
	v33 =	vadd.f32 v35, v49;
	v29 =	vadd.f32 v51, v29  }
0x144: {  	v54 =	vperm.xlane v32, v1;
	v30 =	vadd.f32 v56, v30;
	v31 =	vadd.f32 v61, v31  }
0x145: {  	v46 =	vperm.xlane v28, v3;
	v52 =	vadd.f32 v37, v50;
	v55 =	vperm.xlane v34, v1  }
0x146: {  	v57 =	vperm.xlane v33, v1;
	v32 =	vadd.f32 v54, v32;
	v59 =	vperm.xlane v29, v2  }
0x147: {  	v63 =	vperm.xlane v30, v2;
	v39 =	vperm.xlane v31, v3;
	v28 =	vadd.f32 v46, v28  }
0x148: {  	v34 =	vadd.f32 v55, v34;
	v58 =	vperm.xlane v52, v1;
	v33 =	vadd.f32 v57, v33  }
0x149: {  	v60 =	vperm.xlane v32, v2;
	v29 =	vadd.f32 v59, v29;
	v30 =	vadd.f32 v63, v30  }
0x14a: {  	v31 =	vadd.f32 v39, v31;
	v28 =	vmul.f32 $1.562500000e-02, v28;
	v61 =	vperm.xlane v34, v2  }
0x14b: {  	v35 =	vadd.f32 v58, v52;
	v45 =	vperm.xlane v33, v2;
	v47 =	vperm.xlane v29, v3  }
0x14c: {  	v32 =	vadd.f32 v60, v32;
	v49 =	vperm.xlane v30, v3;
	v31 =	vmul.f32 $1.562500000e-02, v31  }
0x14d: {  	v53 =	vmul.f32 v28, v28;
	v27 =	vsub.f32 v27, v28;
	v14 =	vsub.f32 v14, v28  }
0x14e: {  	v34 =	vadd.f32 v61, v34;
	v46 =	vperm.xlane v35, v2;
	v33 =	vadd.f32 v45, v33  }
0x14f: {  	v48 =	vperm.xlane v32, v3;
	v29 =	vadd.f32 v47, v29;
	v30 =	vadd.f32 v49, v30  }
0x150: {  	v31 =	vsub.f32 v31, v53;
	v35 =	vadd.f32 v46, v35;
	v50 =	vperm.xlane v34, v3  }
0x151: {  	v32 =	vadd.f32 v48, v32;
	v51 =	vperm.xlane v33, v3;
	v29 =	vmul.f32 $1.562500000e-02, v29  }
0x152: {  	v30 =	vmul.f32 $1.562500000e-02, v30;
	v31 =	vadd.f32 $9.999999740e-06, v31;
	v52 =	vperm.xlane v35, v3  }
0x153: {  	v34 =	vadd.f32 v50, v34;
	v33 =	vadd.f32 v51, v33;
	v32 =	vmul.f32 $1.562500000e-02, v32  }
0x154: {  	v53 =	vmul.f32 v29, v29;
	v26 =	vsub.f32 v26, v29;
	v62 =	vshrl.u32 v31, $0x1  }
0x155: {  	v31 =	vmul.f32 $5.000000000e-01, v31;
	v44 =	vsub.s32 $0x5F3759DF, v62;
	v35 =	vadd.f32 v52, v35  }
0x156: {  	v33 =	vmul.f32 $1.562500000e-02, v33;
	v54 =	vmul.f32 v32, v32;
	v30 =	vsub.f32 v30, v53  }
0x157: {  	v25 =	vsub.f32 v25, v29;
	v34 =	vmul.f32 $1.562500000e-02, v34;
	v31 =	vmul.f32 v44, v31  }
0x158: {  	v35 =	vmul.f32 $1.562500000e-02, v35;
	v33 =	vsub.f32 v33, v54;
	v30 =	vadd.f32 $9.999999740e-06, v30  }
0x159: {  	v18 =	vsub.f32 v18, v29;
	v55 =	vmul.f32 v34, v34;
	v31 =	vmul.f32 v44, v31  }
0x15a: {  	v33 =	vadd.f32 $9.999999740e-06, v33;
	v56 =	vshrl.u32 v30, $0x1;
	v30 =	vmul.f32 $5.000000000e-01, v30  }
0x15b: {  	v35 =	vsub.f32 v35, v55;
	v31 =	vsub.f32 $1.500000000e+00, v31;
	v36 =	vsub.s32 $0x5F3759DF, v56  }
0x15c: {  	v57 =	vshrl.u32 v33, $0x1;
	v33 =	vmul.f32 $5.000000000e-01, v33;
	v30 =	vmul.f32 v36, v30  }
0x15d: {  	v35 =	vadd.f32 $9.999999740e-06, v35;
	v31 =	vmul.f32 v44, v31;
	v37 =	vsub.s32 $0x5F3759DF, v57  }
0x15e: {  	v15 =	vsub.f32 v15, v29;
	v33 =	vmul.f32 v37, v33;
	v29 =	vmul.f32 v36, v30  }
0x15f: {  	v58 =	vshrl.u32 v35, $0x1;
	v35 =	vmul.f32 $5.000000000e-01, v35;
	v27 =	vmul.f32 v31, v27  }
0x160: {  	v38 =	vsub.s32 $0x5F3759DF, v58;
	v30 =	vmul.f32 v37, v33;
	v29 =	vsub.f32 $1.500000000e+00, v29  }
0x161: {  	v13 =	vsub.f32 v13, v28;
	v16 =	vsub.f32 v16, v32;
	v35 =	vmul.f32 v38, v35  }
0x162: {  	v27 =	vmul.f32 v27, v7;
	v30 =	vsub.f32 $1.500000000e+00, v30;
	v29 =	vmul.f32 v36, v29  }
0x163: {  	v19 =	vsub.f32 v19, v32;
	v17 =	vsub.f32 v17, v32;
	v59 =	vmul.f32 v38, v35  }
0x164: {  	v27 =	vadd.f32 v27, v11;
	v30 =	vmul.f32 v37, v30;
	v26 =	vmul.f32 v29, v26  }
0x165: {  	v33 =	vsub.f32 $1.500000000e+00, v59;
	v61 =	vmul.f32 v29, v25;
	v18 =	vmul.f32 v29, v18  }
0x166: {  	v20 =	vsub.f32 v20, v32;
	v15 =	vmul.f32 v29, v15;
	[tilespmem:s5+$0xA2F0] =	vst v27;
	v27 =	vmul.f32 v31, v14  }
0x167: {  	v21 =	vsub.f32 v21, v34;
	v60 =	vmul.f32 v38, v33;
	v16 =	vmul.f32 v30, v16  }
0x168: {  	v22 =	vsub.f32 v22, v34;
	v62 =	vmul.f32 v30, v19;
	v63 =	vmul.f32 v30, v17  }
0x169: {  	v25 =	vsub.f32 v23, v34;
	v29 =	vmul.f32 v30, v20;
	v19 =	vmul.f32 v26, v4  }
0x16a: {  	v24 =	vsub.f32 v24, v34;
	v18 =	vmul.f32 v18, v6;
	v30 =	vmul.f32 v60, v21  }
0x16b: {  	v17 =	vsub.f32 v12, v28;
	v23 =	vmul.f32 v60, v22;
	v20 =	vmul.f32 v60, v25  }
0x16c: {  	v12 =	vld [tilespmem:s1+$0x22C0];
	v28 =	vmul.f32 v60, v24;
	v25 =	vmul.f32 v31, v13  }
0x16d: {  	v14 =	vld [tilespmem:s1+$0x22E0];
	v26 =	vmul.f32 v31, v17;
	v22 =	vmul.f32 v61, v5  }
0x16e: {  	v13 =	vld [tilespmem:s1+$0x22D0];
	v21 =	vadd.f32 v19, v8;
	v19 =	vmul.f32 v15, v7;
	v17 =	vmul.f32 v16, v4  }
0x16f: {  	s2 =	simm.s32 $0x800;
	v16 =	vld [tilespmem:s1+$0x22F0];
	v36 =	vmul.f32 v62, v5;
	v15 =	vmul.f32 v63, v6;
	v32 =	vadd.f32 v22, v9  }
.LBB2_5:
0x170: {  	p1 =	sne.s32 s2, $0x7C00;
	v31 =	vld [tilespmem:s1+$0x2200];
	[tilespmem:s5+$0xA200] =	vst v21;
	v18 =	vadd.f32 v18, v10;
	v24 =	vmul.f32 v29, v7;
	v22 =	vmul.f32 v30, v4  }
0x171: {  	v29 =	vadd.f32 v19, v11;
	v23 =	vmul.f32 v23, v5;
	v20 =	vmul.f32 v20, v6;
	v33 =	vld [tilespmem:s1+$0x2210];
	[tilespmem:s5+$0xA210] =	vst v32  }
0x172: {  	v30 =	vadd.f32 v17, v8;
	v21 =	vmul.f32 v28, v7;
	v19 =	vmul.f32 v27, v4;
	v35 =	vld [tilespmem:s1+$0x2220];
	[tilespmem:s5+$0xA220] =	vst v18  }
0x173: {  	v17 =	vmul.f32 v26, v6;
	v27 =	vadd.f32 v13, v12;
	v18 =	vmul.f32 v25, v5;
	v32 =	vld [tilespmem:s1+$0x2230];
	[tilespmem:s5+$0xA230] =	vst v29  }
0x174: {  	v34 =	vmul.f32 v12, v12;
	v37 =	vmul.f32 v13, v13;
	v28 =	vld [tilespmem:s1+$0x2240];
	v29 =	vadd.f32 v16, v14;
	[tilespmem:s5+$0xA240] =	vst v30  }
0x175: {  	v36 =	vadd.f32 v36, v9;
	v30 =	vmul.f32 v14, v14;
	v38 =	vmul.f32 v16, v16;
	v25 =	vld [tilespmem:s1+$0x2250]  }
0x176: {  	v40 =	vmul.f32 v31, v31;
	v39 =	vadd.f32 v33, v31;
	v26 =	vld [tilespmem:s1+$0x2260];
	v41 =	vadd.f32 v29, v27  }
0x177: {  	v34 =	vadd.f32 v37, v34;
	v42 =	vmul.f32 v33, v33;
	v37 =	vadd.f32 v38, v30;
	v27 =	vld [tilespmem:s1+$0x2270];
	[tilespmem:s5+$0xA250] =	vst v36  }
0x178: {  	v38 =	vmul.f32 v35, v35;
	v36 =	vadd.f32 v32, v35;
	v43 =	vmul.f32 v32, v32;
	v29 =	vld [tilespmem:s1+$0x2280]  }
0x179: {  	v37 =	vadd.f32 v37, v34;
	v45 =	vperm.xlane v41, v0;
	v44 =	vmul.f32 v28, v28;
	v30 =	vld [tilespmem:s1+$0x2290]  }
0x17a: {  	v39 =	vadd.f32 v36, v39;
	v46 =	vadd.f32 v25, v28;
	v47 =	vmul.f32 v25, v25;
	v36 =	vld [tilespmem:s1+$0x22A0]  }
0x17b: {  	v41 =	vadd.f32 v41, v45;
	v45 =	vperm.xlane v37, v0;
	v48 =	vmul.f32 v26, v26;
	v34 =	vld [tilespmem:s1+$0x22B0]  }
0x17c: {  	v40 =	vadd.f32 v42, v40;
	v42 =	vadd.f32 v27, v26;
	v49 =	vmul.f32 v27, v27  }
0x17d: {  	v37 =	vadd.f32 v37, v45;
	v45 =	vperm.xlane v41, v1;
	v50 =	vmul.f32 v29, v29  }
0x17e: {  	v38 =	vadd.f32 v43, v38;
	v43 =	vadd.f32 v30, v29;
	v51 =	vmul.f32 v30, v30  }
0x17f: {  	v41 =	vadd.f32 v45, v41;
	v45 =	vperm.xlane v37, v1;
	v52 =	vmul.f32 v36, v36  }
0x180: {  	v42 =	vadd.f32 v42, v46;
	v46 =	vadd.f32 v34, v36;
	v53 =	vmul.f32 v34, v34  }
0x181: {  	v44 =	vadd.f32 v47, v44;
	v37 =	vadd.f32 v45, v37;
	v45 =	vperm.xlane v41, v2  }
0x182: {  	v47 =	vperm.xlane v39, v0;
	v48 =	vadd.f32 v49, v48;
	v43 =	vadd.f32 v46, v43  }
0x183: {  	v46 =	vadd.f32 v51, v50;
	v41 =	vadd.f32 v45, v41;
	v45 =	vperm.xlane v37, v2  }
0x184: {  	v38 =	vadd.f32 v38, v40;
	v40 =	vperm.xlane v42, v0;
	v49 =	vadd.f32 v53, v52  }
0x185: {  	v44 =	vadd.f32 v48, v44;
	v37 =	vadd.f32 v45, v37;
	v45 =	vperm.xlane v41, v3  }
0x186: {  	v39 =	vadd.f32 v39, v47;
	v46 =	vadd.f32 v49, v46;
	v47 =	vperm.xlane v43, v0  }
0x187: {  	v48 =	vperm.xlane v38, v0;
	v41 =	vadd.f32 v45, v41;
	v45 =	vperm.xlane v37, v3  }
0x188: {  	v40 =	vadd.f32 v42, v40;
	v42 =	vperm.xlane v44, v0;
	v43 =	vadd.f32 v43, v47  }
0x189: {  	v47 =	vperm.xlane v46, v0;
	v45 =	vadd.f32 v45, v37;
	v37 =	vmul.f32 $1.562500000e-02, v41  }
0x18a: {  	v38 =	vadd.f32 v38, v48;
	v42 =	vadd.f32 v44, v42;
	v41 =	vperm.xlane v39, v1  }
0x18b: {  	v44 =	vadd.f32 v46, v47;
	v45 =	vmul.f32 $1.562500000e-02, v45;
	v46 =	vmul.f32 v37, v37  }
0x18c: {  	v47 =	vperm.xlane v43, v1;
	v39 =	vadd.f32 v41, v39;
	v41 =	vperm.xlane v40, v1  }
0x18d: {  	v48 =	vperm.xlane v38, v1;
	v49 =	vperm.xlane v42, v1;
	v45 =	vsub.f32 v45, v46  }
0x18e: {  	v40 =	vadd.f32 v41, v40;
	v41 =	vadd.f32 v47, v43;
	v43 =	vperm.xlane v44, v1  }
0x18f: {  	v38 =	vadd.f32 v48, v38;
	v46 =	vperm.xlane v39, v2;
	v45 =	vadd.f32 $9.999999740e-06, v45  }
0x190: {  	v42 =	vadd.f32 v49, v42;
	v47 =	vperm.xlane v40, v2;
	v43 =	vadd.f32 v43, v44  }
0x191: {  	v44 =	vperm.xlane v41, v2;
	v48 =	vshrl.u32 v45, $0x1;
	v45 =	vmul.f32 $5.000000000e-01, v45  }
0x192: {  	v39 =	vadd.f32 v46, v39;
	v46 =	vperm.xlane v38, v2;
	v48 =	vsub.s32 $0x5F3759DF, v48  }
0x193: {  	v40 =	vadd.f32 v47, v40;
	v47 =	vperm.xlane v42, v2;
	v45 =	vmul.f32 v48, v45  }
0x194: {  	v38 =	vadd.f32 v46, v38;
	v41 =	vadd.f32 v44, v41;
	v44 =	vperm.xlane v43, v2  }
0x195: {  	v46 =	vperm.xlane v39, v3;
	v42 =	vadd.f32 v47, v42;
	v45 =	vmul.f32 v48, v45  }
0x196: {  	v47 =	vperm.xlane v40, v3;
	v43 =	vadd.f32 v44, v43;
	v44 =	vperm.xlane v41, v3  }
0x197: {  	v39 =	vadd.f32 v46, v39;
	v46 =	vperm.xlane v38, v3;
	v45 =	vsub.f32 $1.500000000e+00, v45  }
0x198: {  	v40 =	vadd.f32 v47, v40;
	v47 =	vperm.xlane v42, v3;
	v41 =	vadd.f32 v44, v41  }
0x199: {  	v16 =	vsub.f32 v16, v37;
	v44 =	vperm.xlane v43, v3;
	v45 =	vmul.f32 v48, v45  }
0x19a: {  	v38 =	vadd.f32 v46, v38;
	v39 =	vmul.f32 $1.562500000e-02, v39;
	v42 =	vadd.f32 v47, v42  }
0x19b: {  	v40 =	vmul.f32 $1.562500000e-02, v40;
	v43 =	vadd.f32 v44, v43;
	v16 =	vmul.f32 v45, v16  }
0x19c: {  	v38 =	vmul.f32 $1.562500000e-02, v38;
	v31 =	vsub.f32 v31, v39;
	v41 =	vmul.f32 $1.562500000e-02, v41  }
0x19d: {  	v44 =	vmul.f32 v39, v39;
	v33 =	vsub.f32 v33, v39;
	v16 =	vmul.f32 v16, v7  }
0x19e: {  	v35 =	vsub.f32 v35, v39;
	v42 =	vmul.f32 $1.562500000e-02, v42;
	v46 =	vmul.f32 v40, v40  }
0x19f: {  	v43 =	vmul.f32 $1.562500000e-02, v43;
	v47 =	vmul.f32 v41, v41;
	v16 =	vadd.f32 v16, v11  }
0x1a0: {  	v38 =	vsub.f32 v38, v44;
	v42 =	vsub.f32 v42, v46  }
0x1a1: {  	v32 =	vsub.f32 v32, v39;
	v39 =	vsub.f32 v43, v47;
	[tilespmem:s1+$0xA2F0] =	vst v16  }
0x1a2: {  	v16 =	vadd.f32 $9.999999740e-06, v38;
	v38 =	vadd.f32 $9.999999740e-06, v42  }
0x1a3: {  	v28 =	vsub.f32 v28, v40;
	v39 =	vadd.f32 $9.999999740e-06, v39  }
0x1a4: {  	v42 =	vshrl.u32 v16, $0x1;
	v16 =	vmul.f32 $5.000000000e-01, v16;
	v43 =	vshrl.u32 v38, $0x1  }
0x1a5: {  	v44 =	vshrl.u32 v39, $0x1;
	v39 =	vmul.f32 $5.000000000e-01, v39;
	v38 =	vmul.f32 $5.000000000e-01, v38  }
0x1a6: {  	v44 =	vsub.s32 $0x5F3759DF, v44;
	v42 =	vsub.s32 $0x5F3759DF, v42;
	v43 =	vsub.s32 $0x5F3759DF, v43  }
0x1a7: {  	v25 =	vsub.f32 v25, v40;
	v16 =	vmul.f32 v42, v16;
	v38 =	vmul.f32 v43, v38  }
0x1a8: {  	v26 =	vsub.f32 v26, v40;
	v27 =	vsub.f32 v27, v40;
	v39 =	vmul.f32 v44, v39  }
0x1a9: {  	v40 =	vsub.f32 v29, v41;
	v16 =	vmul.f32 v42, v16;
	v38 =	vmul.f32 v43, v38  }
0x1aa: {  	v36 =	vsub.f32 v36, v41;
	v29 =	vmul.f32 v44, v39;
	v39 =	vsub.f32 v30, v41  }
0x1ab: {  	v16 =	vsub.f32 $1.500000000e+00, v16;
	v30 =	vsub.f32 $1.500000000e+00, v38  }
0x1ac: {  	v34 =	vsub.f32 v34, v41;
	v29 =	vsub.f32 $1.500000000e+00, v29  }
0x1ad: {  	v12 =	vsub.f32 v12, v37;
	v16 =	vmul.f32 v42, v16;
	v30 =	vmul.f32 v43, v30  }
0x1ae: {  	v13 =	vsub.f32 v13, v37;
	v14 =	vsub.f32 v14, v37;
	v38 =	vmul.f32 v44, v29  }
0x1af: {  	v15 =	vadd.f32 v15, v10;
	v31 =	vmul.f32 v16, v31;
	v33 =	vmul.f32 v16, v33  }
0x1b0: {  	v24 =	vadd.f32 v24, v11;
	v35 =	vmul.f32 v16, v35;
	v16 =	vmul.f32 v16, v32  }
0x1b1: {  	v32 =	vmul.f32 v30, v28;
	v37 =	vmul.f32 v30, v25;
	[tilespmem:s5+$0xA260] =	vst v15;
	v15 =	vadd.f32 v22, v8  }
0x1b2: {  	v29 =	vmul.f32 v30, v27;
	v22 =	vmul.f32 v30, v26;
	[tilespmem:s5+$0xA270] =	vst v24;
	v24 =	vadd.f32 v23, v9  }
0x1b3: {  	v30 =	vmul.f32 v38, v40;
	v23 =	vmul.f32 v38, v39;
	[tilespmem:s5+$0xA280] =	vst v15;
	v15 =	vadd.f32 v20, v10  }
0x1b4: {  	v21 =	vadd.f32 v21, v11;
	v28 =	vmul.f32 v38, v34;
	v20 =	vmul.f32 v38, v36;
	[tilespmem:s5+$0xA290] =	vst v24  }
.Ltmp1:
0x1b5: {  	s12 =	sshra.s32 s2, $0x2;
	v27 =	vmul.f32 v45, v12;
	v25 =	vmul.f32 v45, v13;
	[tilespmem:s5+$0xA2A0] =	vst v15;
	v15 =	vadd.f32 v19, v8;
	(pc) =	sbr.rel @p1 .LBB2_5-.Ltmp1, $4  }
0x1b6: {  	v26 =	vmul.f32 v45, v14;
	v24 =	vadd.f32 v18, v9;
	v19 =	vmul.f32 v31, v4;
	v12 =	vld [tilespmem:s12+$0x22C0];
	[tilespmem:s5+$0xA2B0] =	vst v21  }
0x1b7: {  	v18 =	vmul.f32 v35, v6;
	v31 =	vmul.f32 v33, v5;
	v33 =	vadd.f32 v17, v10;
	v13 =	vld [tilespmem:s12+$0x22D0];
	[tilespmem:s5+$0xA2C0] =	vst v15  }
0x1b8: {  	v17 =	vmul.f32 v32, v4;
	v21 =	vadd.f32 v19, v8;
	v19 =	vmul.f32 v16, v7;
	v14 =	vld [tilespmem:s12+$0x22E0];
	[tilespmem:s5+$0xA2D0] =	vst v24  }
0x1b9: {  	s2 =	sadd.s32 $0x400, s2;
	v36 =	vmul.f32 v37, v5;
	v32 =	vadd.f32 v31, v9;
	v15 =	vmul.f32 v22, v6;
	v16 =	vld [tilespmem:s12+$0x22F0];
	[tilespmem:s5+$0xA2E0] =	vst v33;
	s5 =	smov.u32 s1;
	s1 =	smov.u32 s12  }
0x1ba: {  	v34 =	vld [tilespmem:s1+$0x2200];
	[tilespmem:s5+$0xA200] =	vst v21;
	v21 =	vadd.f32 v17, v8;
	v17 =	vmul.f32 v30, v4  }
0x1bb: {  	v18 =	vadd.f32 v18, v10;
	v23 =	vmul.f32 v23, v5;
	v20 =	vmul.f32 v20, v6  }
0x1bc: {  	v19 =	vadd.f32 v19, v11;
	v28 =	vmul.f32 v28, v7;
	v27 =	vmul.f32 v27, v4;
	v33 =	vld [tilespmem:s1+$0x2210];
	[tilespmem:s5+$0xA210] =	vst v32  }
0x1bd: {  	v25 =	vmul.f32 v25, v5;
	v31 =	vmul.f32 v12, v12;
	v35 =	vld [tilespmem:s1+$0x2220];
	[tilespmem:s5+$0xA220] =	vst v18  }
0x1be: {  	v36 =	vadd.f32 v36, v9;
	v15 =	vadd.f32 v15, v10;
	v18 =	vmul.f32 v29, v7;
	v22 =	vld [tilespmem:s1+$0x2230];
	[tilespmem:s5+$0xA230] =	vst v19  }
0x1bf: {  	v29 =	vadd.f32 v13, v12;
	v55 =	vmul.f32 v13, v13;
	v24 =	vld [tilespmem:s1+$0x2240];
	[tilespmem:s5+$0xA240] =	vst v21;
	v30 =	vadd.f32 v16, v14  }
0x1c0: {  	v37 =	vmul.f32 v14, v14;
	v38 =	vmul.f32 v16, v16;
	v18 =	vadd.f32 v18, v11;
	v19 =	vld [tilespmem:s1+$0x2250]  }
0x1c1: {  	v21 =	vld [tilespmem:s1+$0x2260];
	v40 =	vmul.f32 v34, v34;
	v39 =	vadd.f32 v33, v34;
	v41 =	vadd.f32 v30, v29  }
0x1c2: {  	v29 =	vld [tilespmem:s1+$0x2270];
	v42 =	vmul.f32 v33, v33;
	v30 =	vadd.f32 v55, v31;
	v37 =	vadd.f32 v38, v37;
	[tilespmem:s5+$0xA250] =	vst v36  }
0x1c3: {  	v57 =	vmul.f32 v35, v35;
	v31 =	vld [tilespmem:s1+$0x2280];
	v56 =	vadd.f32 v22, v35;
	v43 =	vmul.f32 v22, v22  }
0x1c4: {  	v32 =	vld [tilespmem:s1+$0x2290];
	v37 =	vadd.f32 v37, v30;
	v45 =	vperm.xlane v41, v0;
	v40 =	vadd.f32 v42, v40  }
0x1c5: {  	v36 =	vld [tilespmem:s1+$0x22A0];
	v44 =	vmul.f32 v24, v24;
	v39 =	vadd.f32 v56, v39;
	v46 =	vadd.f32 v19, v24  }
0x1c6: {  	v30 =	vld [tilespmem:s1+$0x22B0];
	v47 =	vmul.f32 v19, v19;
	v41 =	vadd.f32 v41, v45;
	v58 =	vperm.xlane v37, v0  }
0x1c7: {  	v48 =	vmul.f32 v21, v21;
	v38 =	vadd.f32 v43, v57;
	v59 =	vadd.f32 v29, v21  }
0x1c8: {  	v49 =	vmul.f32 v29, v29;
	v50 =	vmul.f32 v31, v31;
	v37 =	vadd.f32 v37, v58  }
0x1c9: {  	v60 =	vperm.xlane v41, v1;
	v61 =	vadd.f32 v32, v31;
	v51 =	vmul.f32 v32, v32  }
0x1ca: {  	v52 =	vmul.f32 v36, v36;
	v44 =	vadd.f32 v47, v44;
	v38 =	vadd.f32 v38, v40  }
0x1cb: {  	v56 =	vperm.xlane v39, v0;
	v42 =	vadd.f32 v59, v46;
	v63 =	vadd.f32 v30, v36  }
0x1cc: {  	v53 =	vmul.f32 v30, v30;
	v48 =	vadd.f32 v49, v48;
	v41 =	vadd.f32 v60, v41  }
0x1cd: {  	v62 =	vperm.xlane v37, v1;
	v57 =	vadd.f32 v51, v50;
	v39 =	vadd.f32 v39, v56  }
0x1ce: {  	v43 =	vadd.f32 v63, v61;
	v59 =	vperm.xlane v42, v0;
	v60 =	vadd.f32 v53, v52  }
0x1cf: {  	v44 =	vadd.f32 v48, v44;
	v63 =	vperm.xlane v38, v0;
	v37 =	vadd.f32 v62, v37  }
0x1d0: {  	v55 =	vperm.xlane v41, v2;
	v46 =	vadd.f32 v60, v57;
	v62 =	vperm.xlane v43, v0  }
0x1d1: {  	v40 =	vadd.f32 v42, v59;
	v53 =	vperm.xlane v44, v0;
	v38 =	vadd.f32 v38, v63  }
0x1d2: {  	v41 =	vadd.f32 v55, v41;
	v58 =	vperm.xlane v37, v2;
	v55 =	vperm.xlane v39, v1  }
0x1d3: {  	v43 =	vadd.f32 v43, v62;
	v54 =	vperm.xlane v46, v0;
	v42 =	vadd.f32 v44, v53  }
0x1d4: {  	v48 =	vperm.xlane v38, v1;
	v37 =	vadd.f32 v58, v37;
	v61 =	vperm.xlane v41, v3  }
0x1d5: {  	v39 =	vadd.f32 v55, v39;
	v58 =	vperm.xlane v40, v1;
	v56 =	vadd.f32 v46, v54  }
0x1d6: {  	v59 =	vperm.xlane v43, v1;
	v60 =	vperm.xlane v42, v1;
	v38 =	vadd.f32 v48, v38  }
0x1d7: {  	v41 =	vadd.f32 v61, v41;
	v52 =	vperm.xlane v37, v3;
	v40 =	vadd.f32 v58, v40  }
0x1d8: {  	v62 =	vperm.xlane v39, v2;
	v43 =	vadd.f32 v59, v43;
	v61 =	vperm.xlane v56, v1  }
0x1d9: {  	v42 =	vadd.f32 v60, v42;
	v54 =	vperm.xlane v38, v2;
	v37 =	vadd.f32 v52, v37  }
0x1da: {  	v41 =	vmul.f32 $1.562500000e-02, v41;
	v63 =	vperm.xlane v40, v2;
	v39 =	vadd.f32 v62, v39  }
0x1db: {  	v44 =	vadd.f32 v61, v56;
	v52 =	vperm.xlane v43, v2;
	v38 =	vadd.f32 v54, v38  }
0x1dc: {  	v55 =	vperm.xlane v42, v2;
	v40 =	vadd.f32 v63, v40;
	v16 =	vsub.f32 v16, v41  }
0x1dd: {  	v37 =	vmul.f32 $1.562500000e-02, v37;
	v12 =	vsub.f32 v12, v41;
	v13 =	vsub.f32 v13, v41  }
0x1de: {  	v57 =	vmul.f32 v41, v41;
	v14 =	vsub.f32 v14, v41;
	v43 =	vadd.f32 v52, v43  }
0x1df: {  	v56 =	vperm.xlane v44, v2;
	v42 =	vadd.f32 v55, v42;
	v60 =	vperm.xlane v38, v3  }
0x1e0: {  	v37 =	vsub.f32 v37, v57;
	v57 =	vperm.xlane v39, v3;
	v58 =	vperm.xlane v40, v3  }
0x1e1: {  	v44 =	vadd.f32 v56, v44;
	v59 =	vperm.xlane v43, v3;
	v38 =	vadd.f32 v60, v38  }
0x1e2: {  	v61 =	vperm.xlane v42, v3;
	v37 =	vadd.f32 $9.999999740e-06, v37;
	v39 =	vadd.f32 v57, v39  }
0x1e3: {  	v40 =	vadd.f32 v58, v40;
	v43 =	vadd.f32 v59, v43;
	v62 =	vperm.xlane v44, v3  }
0x1e4: {  	v38 =	vmul.f32 $1.562500000e-02, v38;
	v53 =	vshrl.u32 v37, $0x1;
	v37 =	vmul.f32 $5.000000000e-01, v37  }
0x1e5: {  	v42 =	vadd.f32 v61, v42;
	v39 =	vmul.f32 $1.562500000e-02, v39;
	v40 =	vmul.f32 $1.562500000e-02, v40  }
0x1e6: {  	v48 =	vsub.s32 $0x5F3759DF, v53;
	v44 =	vadd.f32 v62, v44;
	v43 =	vmul.f32 $1.562500000e-02, v43  }
0x1e7: {  	v37 =	vmul.f32 v48, v37;
	v34 =	vsub.f32 v34, v39;
	v33 =	vsub.f32 v33, v39  }
0x1e8: {  	v63 =	vmul.f32 v39, v39;
	v35 =	vsub.f32 v35, v39;
	v22 =	vsub.f32 v22, v39  }
0x1e9: {  	v24 =	vsub.f32 v24, v40;
	v19 =	vsub.f32 v19, v40;
	v37 =	vmul.f32 v48, v37  }
0x1ea: {  	v21 =	vsub.f32 v21, v40;
	v44 =	vmul.f32 $1.562500000e-02, v44;
	v49 =	vmul.f32 v43, v43  }
0x1eb: {  	v26 =	vmul.f32 v26, v6;
	v38 =	vsub.f32 v38, v63;
	v37 =	vsub.f32 $1.500000000e+00, v37  }
0x1ec: {  	v42 =	vmul.f32 $1.562500000e-02, v42;
	v29 =	vsub.f32 v29, v40;
	v44 =	vsub.f32 v44, v49  }
0x1ed: {  	v31 =	vsub.f32 v31, v43;
	v38 =	vadd.f32 $9.999999740e-06, v38;
	v37 =	vmul.f32 v48, v37  }
0x1ee: {  	v32 =	vsub.f32 v32, v43;
	v51 =	vadd.f32 $9.999999740e-06, v44;
	v48 =	vmul.f32 v40, v40  }
0x1ef: {  	v52 =	vshrl.u32 v38, $0x1;
	v38 =	vmul.f32 $5.000000000e-01, v38;
	v16 =	vmul.f32 v37, v16  }
0x1f0: {  	v36 =	vsub.f32 v36, v43;
	v44 =	vsub.s32 $0x5F3759DF, v52;
	v42 =	vsub.f32 v42, v48  }
0x1f1: {  	v54 =	vshrl.u32 v51, $0x1;
	v38 =	vmul.f32 v44, v38;
	v16 =	vmul.f32 v16, v7  }
0x1f2: {  	v30 =	vsub.f32 v30, v43;
	v46 =	vsub.s32 $0x5F3759DF, v54;
	v50 =	vadd.f32 $9.999999740e-06, v42  }
0x1f3: {  	v12 =	vmul.f32 v37, v12;
	v38 =	vmul.f32 v44, v38;
	v16 =	vadd.f32 v16, v11  }
0x1f4: {  	v13 =	vmul.f32 v37, v13;
	v53 =	vshrl.u32 v50, $0x1;
	v39 =	vmul.f32 $5.000000000e-01, v50  }
0x1f5: {  	v14 =	vmul.f32 v37, v14;
	v38 =	vsub.f32 $1.500000000e+00, v38;
	v45 =	vsub.s32 $0x5F3759DF, v53;
	[tilespmem:s1+$0xA2F0] =	vst v16  }
0x1f6: {  	v42 =	vmul.f32 $5.000000000e-01, v51;
	v39 =	vmul.f32 v45, v39;
	[tilespmem:s5+$0xA260] =	vst v15;
	v15 =	vadd.f32 v17, v8  }
0x1f7: {  	v12 =	vmul.f32 v12, v4;
	v17 =	vmul.f32 v44, v38;
	[tilespmem:s5+$0xA270] =	vst v18;
	v18 =	vadd.f32 v23, v9  }
0x1f8: {  	v55 =	vmul.f32 v46, v42;
	v39 =	vmul.f32 v45, v39;
	[tilespmem:s5+$0xA280] =	vst v15;
	v15 =	vadd.f32 v20, v10  }
0x1f9: {  	v20 =	vmul.f32 v17, v34;
	[tilespmem:s5+$0xA290] =	vst v18;
	v18 =	vadd.f32 v28, v11;
	v23 =	vmul.f32 v17, v33  }
0x1fa: {  	v39 =	vsub.f32 $1.500000000e+00, v39;
	[tilespmem:s5+$0xA2A0] =	vst v15;
	v15 =	vadd.f32 v27, v8;
	v27 =	vmul.f32 v17, v35  }
0x1fb: {  	v20 =	vmul.f32 v20, v4;
	[tilespmem:s5+$0xA2B0] =	vst v18;
	v18 =	vadd.f32 v25, v9;
	v17 =	vmul.f32 v17, v22  }
0x1fc: {  	v22 =	vmul.f32 v23, v5;
	v56 =	vmul.f32 v45, v39;
	[tilespmem:s5+$0xA2C0] =	vst v15;
	v15 =	vadd.f32 v26, v10  }
0x1fd: {  	v13 =	vmul.f32 v13, v5;
	v40 =	vmul.f32 v46, v55;
	v20 =	vadd.f32 v20, v8;
	[tilespmem:s5+$0xA2D0] =	vst v18  }
0x1fe: {  	v14 =	vmul.f32 v14, v6;
	v18 =	vmul.f32 v56, v19;
	v19 =	vadd.f32 v22, v9;
	[tilespmem:s5+$0xA2E0] =	vst v15  }
0x1ff: {  	v12 =	vadd.f32 v12, v8;
	v16 =	vsub.f32 $1.500000000e+00, v40;
	v17 =	vmul.f32 v17, v7;
	[tilespmem:s1+$0xA200] =	vst v20  }
0x200: {  	v13 =	vadd.f32 v13, v9;
	v23 =	vmul.f32 v56, v24;
	v24 =	vmul.f32 v27, v6;
	[tilespmem:s1+$0xA210] =	vst v19  }
0x201: {  	v16 =	vmul.f32 v46, v16;
	v22 =	vmul.f32 v56, v29;
	v17 =	vadd.f32 v17, v11;
	[tilespmem:s1+$0xA2C0] =	vst v12  }
0x202: {  	v15 =	vmul.f32 v56, v21;
	v21 =	vmul.f32 v23, v4;
	v20 =	vadd.f32 v24, v10;
	[tilespmem:s1+$0xA2D0] =	vst v13  }
0x203: {  	v18 =	vmul.f32 v18, v5;
	v19 =	vmul.f32 v16, v31;
	v12 =	vadd.f32 v14, v10;
	[tilespmem:s1+$0xA230] =	vst v17  }
0x204: {  	v22 =	vmul.f32 v22, v7;
	v15 =	vmul.f32 v15, v6;
	[tilespmem:s1+$0xA220] =	vst v20;
	v20 =	vadd.f32 v21, v8  }
0x205: {  	v21 =	vmul.f32 v16, v32;
	v17 =	vadd.f32 v18, v9;
	v18 =	vmul.f32 v16, v36;
	[tilespmem:s1+$0xA2E0] =	vst v12  }
0x206: {  	v19 =	vmul.f32 v19, v4;
	v16 =	vmul.f32 v16, v30;
	v15 =	vadd.f32 v15, v10;
	[tilespmem:s1+$0xA240] =	vst v20  }
0x207: {  	v20 =	vmul.f32 v21, v5;
	[tilespmem:s1+$0xA250] =	vst v17;
	v17 =	vadd.f32 v22, v11  }
0x208: {  	v16 =	vmul.f32 v16, v7;
	[tilespmem:s1+$0xA260] =	vst v15;
	v15 =	vadd.f32 v19, v8  }
0x209: {  	v18 =	vmul.f32 v18, v6;
	[tilespmem:s1+$0xA270] =	vst v17;
	v17 =	vadd.f32 v20, v9  }
0x20a: {  	v16 =	vadd.f32 v16, v11;
	[tilespmem:s1+$0xA280] =	vst v15  }
0x20b: {  	v15 =	vadd.f32 v18, v10;
	[tilespmem:s1+$0xA290] =	vst v17  }
0x20c: {  	s2 =	sshll.u32 s0, $0xA;
	p1 =	seq.s32 s30, $0x31;
	[tilespmem:s1+$0xA2B0] =	vst v16  }
0x20d: {  	s16 =	sadd.s32 s3, s2;
	s0 =	sshll.u32 @!p1 s0, $0x4;
	[tilespmem:s1+$0xA2A0] =	vst v15  }
0x20e: {  	[hbm4b:s16+s4] =	stream.linear.scatter [tilespmem:s23], [sflag:$0x3], $0x4000, $0x38;
	[tilespmem:$0x10280] =	vst v63  }
0x20f: {  	s0 =	sadd.s32 @!p1 s0, s10;
	s1 =	simm.s32 @!p1 $0x0  }
0x210: {  	[tilespmem:s1], [sflag:$0x5] =	stream.linear.gather @!p1 [hbm4b:s0+s1], $0x100, $0x38;
	[tilespmem:$0x10280] =	vst v63  }
0x211: {  	s0 =	simm.s32 @!p1 $0x5  }
0x212: {  	_ =	swait.ge @!p1 [sflag:s0], $0x100  }
0x213: {  	[sflag:s0] =	ssyncset.done @!p1 $0x0  }
0x214: {  	s2 =	simm.s32 @!p1 $0x200;
	[sflag:s0] =	ssyncadd.s32 @!p1 $0xFFFFFF00;
	s0 =	simm.s32 @!p1 $0x80  }
0x215: {  	[tilespmem:s2], [sflag:$0x1] =	stream.indirect.gather @!p1 [hbm4b:s7+s0], $0x40, s1, s0, $0xb8;
	[tilespmem:$0x10280] =	vst v63  }
0x216: {  	s1 =	simm.s32 @!p1 $0x2200  }
0x217: {  	[tilespmem:s1], [sflag:$0x1] =	stream.indirect.gather @!p1 [hbm4b:s7+s0], $0x40, s0, s0, $0xb8;
	[tilespmem:$0x10280] =	vst v63  }
0x218: {  	_ =	swait.ge [sflag:s24], $0x2000  }
0x219: {  	[sflag:s24] =	ssyncset.done $0x0  }
0x21a: {  	[sflag:s24] =	ssyncadd.s32 $0xFFFFE000  }
0x21b: {  	_ =	swait.ge [sflag:s24], $0x2000  }
0x21c: {  	[sflag:s24] =	ssyncset.done $0x0  }
0x21d: {  	s0 =	simm.s32 @!p0 $0x4;
	[sflag:s24] =	ssyncadd.s32 $0xFFFFE000  }
0x21e: {  	_ =	swait.ge @!p0 [sflag:s0], $0x4000  }
0x21f: {  	[sflag:s0] =	ssyncset.done @!p0 $0x0  }
0x220: {  	[sflag:s0] =	ssyncadd.s32 @!p0 $0xFFFFC000;
	s0 =	simm.s32 $0x0  }
0x221: {  	v14 =	vld [tilespmem:s0+$0x42C0]  }
0x222: {  	v13 =	vld [tilespmem:s0+$0x42D0]  }
0x223: {  	v12 =	vld [tilespmem:s0+$0x42E0]  }
0x224: {  	v27 =	vld [tilespmem:s0+$0x42F0]  }
0x225: {  	v26 =	vld [tilespmem:s0+$0x4200]  }
0x226: {  	v25 =	vld [tilespmem:s0+$0x4210]  }
0x227: {  	v18 =	vld [tilespmem:s0+$0x4220]  }
0x228: {  	v15 =	vld [tilespmem:s0+$0x4230]  }
0x229: {  	v16 =	vld [tilespmem:s0+$0x4240];
	v20 =	vmul.f32 v14, v14;
	v21 =	vmul.f32 v13, v13  }
0x22a: {  	v19 =	vld [tilespmem:s0+$0x4250];
	v22 =	vadd.f32 v13, v14;
	v23 =	vmul.f32 v12, v12;
	v24 =	vmul.f32 v27, v27  }
0x22b: {  	v17 =	vld [tilespmem:s0+$0x4260];
	v28 =	vadd.f32 v27, v12;
	v29 =	vadd.f32 v25, v26;
	v30 =	vmul.f32 v26, v26  }
0x22c: {  	v57 =	vmul.f32 v25, v25;
	v58 =	vmul.f32 v18, v18;
	v31 =	vadd.f32 v21, v20;
	v20 =	vld [tilespmem:s0+$0x4270]  }
0x22d: {  	v59 =	vmul.f32 v15, v15;
	v23 =	vadd.f32 v24, v23;
	v28 =	vadd.f32 v28, v22;
	v21 =	vld [tilespmem:s0+$0x4280]  }
0x22e: {  	v60 =	vmul.f32 v16, v16;
	v24 =	vadd.f32 v15, v18;
	v22 =	vld [tilespmem:s0+$0x4290];
	v30 =	vadd.f32 v57, v30  }
0x22f: {  	v63 =	vmul.f32 v19, v19;
	v33 =	vadd.f32 v59, v58;
	v31 =	vadd.f32 v23, v31;
	v23 =	vld [tilespmem:s0+$0x42A0]  }
0x230: {  	v62 =	vadd.f32 v19, v16;
	v61 =	vperm.xlane v28, v0;
	v29 =	vadd.f32 v24, v29;
	v24 =	vld [tilespmem:s0+$0x42B0]  }
0x231: {  	v48 =	vmul.f32 v17, v17;
	v35 =	vadd.f32 v63, v60;
	v30 =	vadd.f32 v33, v30  }
0x232: {  	v47 =	vperm.xlane v31, v0;
	v28 =	vadd.f32 v28, v61;
	v49 =	vadd.f32 v20, v17  }
0x233: {  	v50 =	vmul.f32 v20, v20;
	v51 =	vmul.f32 v21, v21;
	v53 =	vadd.f32 v22, v21  }
0x234: {  	v54 =	vmul.f32 v22, v22;
	v31 =	vadd.f32 v31, v47;
	v52 =	vperm.xlane v28, v1  }
0x235: {  	v56 =	vmul.f32 v23, v23;
	v32 =	vadd.f32 v49, v62;
	v57 =	vadd.f32 v24, v23  }
0x236: {  	v58 =	vmul.f32 v24, v24;
	v36 =	vadd.f32 v50, v48;
	v60 =	vadd.f32 v54, v51  }
0x237: {  	v62 =	vperm.xlane v29, v0;
	v48 =	vperm.xlane v30, v0;
	v28 =	vadd.f32 v52, v28  }
0x238: {  	v55 =	vperm.xlane v31, v1;
	v34 =	vadd.f32 v57, v53;
	v45 =	vadd.f32 v58, v56  }
0x239: {  	v63 =	vperm.xlane v32, v0;
	v35 =	vadd.f32 v36, v35;
	v29 =	vadd.f32 v29, v62  }
0x23a: {  	v30 =	vadd.f32 v30, v48;
	v31 =	vadd.f32 v55, v31;
	v59 =	vperm.xlane v28, v2  }
0x23b: {  	v37 =	vadd.f32 v45, v60;
	v47 =	vperm.xlane v34, v0;
	v49 =	vperm.xlane v35, v0  }
0x23c: {  	v32 =	vadd.f32 v32, v63;
	v51 =	vperm.xlane v29, v1;
	v56 =	vperm.xlane v30, v1  }
0x23d: {  	v61 =	vperm.xlane v31, v2;
	v28 =	vadd.f32 v59, v28;
	v34 =	vadd.f32 v34, v47  }
0x23e: {  	v50 =	vperm.xlane v37, v0;
	v33 =	vadd.f32 v35, v49;
	v29 =	vadd.f32 v51, v29  }
0x23f: {  	v54 =	vperm.xlane v32, v1;
	v30 =	vadd.f32 v56, v30;
	v31 =	vadd.f32 v61, v31  }
0x240: {  	v46 =	vperm.xlane v28, v3;
	v52 =	vadd.f32 v37, v50;
	v55 =	vperm.xlane v34, v1  }
0x241: {  	v57 =	vperm.xlane v33, v1;
	v32 =	vadd.f32 v54, v32;
	v59 =	vperm.xlane v29, v2  }
0x242: {  	v63 =	vperm.xlane v30, v2;
	v39 =	vperm.xlane v31, v3;
	v28 =	vadd.f32 v46, v28  }
0x243: {  	v34 =	vadd.f32 v55, v34;
	v58 =	vperm.xlane v52, v1;
	v33 =	vadd.f32 v57, v33  }
0x244: {  	v60 =	vperm.xlane v32, v2;
	v29 =	vadd.f32 v59, v29;
	v30 =	vadd.f32 v63, v30  }
0x245: {  	v31 =	vadd.f32 v39, v31;
	v28 =	vmul.f32 $1.562500000e-02, v28;
	v61 =	vperm.xlane v34, v2  }
0x246: {  	v35 =	vadd.f32 v58, v52;
	v45 =	vperm.xlane v33, v2;
	v47 =	vperm.xlane v29, v3  }
0x247: {  	v32 =	vadd.f32 v60, v32;
	v49 =	vperm.xlane v30, v3;
	v31 =	vmul.f32 $1.562500000e-02, v31  }
0x248: {  	v53 =	vmul.f32 v28, v28;
	v27 =	vsub.f32 v27, v28;
	v14 =	vsub.f32 v14, v28  }
0x249: {  	v34 =	vadd.f32 v61, v34;
	v46 =	vperm.xlane v35, v2;
	v33 =	vadd.f32 v45, v33  }
0x24a: {  	v48 =	vperm.xlane v32, v3;
	v29 =	vadd.f32 v47, v29;
	v30 =	vadd.f32 v49, v30  }
0x24b: {  	v31 =	vsub.f32 v31, v53;
	v35 =	vadd.f32 v46, v35;
	v50 =	vperm.xlane v34, v3  }
0x24c: {  	v32 =	vadd.f32 v48, v32;
	v51 =	vperm.xlane v33, v3;
	v29 =	vmul.f32 $1.562500000e-02, v29  }
0x24d: {  	v30 =	vmul.f32 $1.562500000e-02, v30;
	v31 =	vadd.f32 $9.999999740e-06, v31;
	v52 =	vperm.xlane v35, v3  }
0x24e: {  	v34 =	vadd.f32 v50, v34;
	v33 =	vadd.f32 v51, v33;
	v32 =	vmul.f32 $1.562500000e-02, v32  }
0x24f: {  	v53 =	vmul.f32 v29, v29;
	v26 =	vsub.f32 v26, v29;
	v62 =	vshrl.u32 v31, $0x1  }
0x250: {  	v31 =	vmul.f32 $5.000000000e-01, v31;
	v44 =	vsub.s32 $0x5F3759DF, v62;
	v35 =	vadd.f32 v52, v35  }
0x251: {  	v33 =	vmul.f32 $1.562500000e-02, v33;
	v54 =	vmul.f32 v32, v32;
	v30 =	vsub.f32 v30, v53  }
0x252: {  	v25 =	vsub.f32 v25, v29;
	v34 =	vmul.f32 $1.562500000e-02, v34;
	v31 =	vmul.f32 v44, v31  }
0x253: {  	v35 =	vmul.f32 $1.562500000e-02, v35;
	v33 =	vsub.f32 v33, v54;
	v30 =	vadd.f32 $9.999999740e-06, v30  }
0x254: {  	v18 =	vsub.f32 v18, v29;
	v55 =	vmul.f32 v34, v34;
	v31 =	vmul.f32 v44, v31  }
0x255: {  	v33 =	vadd.f32 $9.999999740e-06, v33;
	v56 =	vshrl.u32 v30, $0x1;
	v30 =	vmul.f32 $5.000000000e-01, v30  }
0x256: {  	v35 =	vsub.f32 v35, v55;
	v31 =	vsub.f32 $1.500000000e+00, v31;
	v36 =	vsub.s32 $0x5F3759DF, v56  }
0x257: {  	v57 =	vshrl.u32 v33, $0x1;
	v33 =	vmul.f32 $5.000000000e-01, v33;
	v30 =	vmul.f32 v36, v30  }
0x258: {  	v35 =	vadd.f32 $9.999999740e-06, v35;
	v31 =	vmul.f32 v44, v31;
	v37 =	vsub.s32 $0x5F3759DF, v57  }
0x259: {  	v15 =	vsub.f32 v15, v29;
	v33 =	vmul.f32 v37, v33;
	v29 =	vmul.f32 v36, v30  }
0x25a: {  	v58 =	vshrl.u32 v35, $0x1;
	v35 =	vmul.f32 $5.000000000e-01, v35;
	v27 =	vmul.f32 v31, v27  }
0x25b: {  	v38 =	vsub.s32 $0x5F3759DF, v58;
	v30 =	vmul.f32 v37, v33;
	v29 =	vsub.f32 $1.500000000e+00, v29  }
0x25c: {  	v13 =	vsub.f32 v13, v28;
	v16 =	vsub.f32 v16, v32;
	v35 =	vmul.f32 v38, v35  }
0x25d: {  	v27 =	vmul.f32 v27, v7;
	v30 =	vsub.f32 $1.500000000e+00, v30;
	v29 =	vmul.f32 v36, v29  }
0x25e: {  	v19 =	vsub.f32 v19, v32;
	v17 =	vsub.f32 v17, v32;
	v59 =	vmul.f32 v38, v35  }
0x25f: {  	v27 =	vadd.f32 v27, v11;
	v30 =	vmul.f32 v37, v30;
	v26 =	vmul.f32 v29, v26  }
0x260: {  	v33 =	vsub.f32 $1.500000000e+00, v59;
	v61 =	vmul.f32 v29, v25;
	v18 =	vmul.f32 v29, v18  }
0x261: {  	v20 =	vsub.f32 v20, v32;
	v15 =	vmul.f32 v29, v15;
	[tilespmem:s0+$0xC2F0] =	vst v27;
	v27 =	vmul.f32 v31, v14  }
0x262: {  	v21 =	vsub.f32 v21, v34;
	v60 =	vmul.f32 v38, v33;
	v16 =	vmul.f32 v30, v16  }
0x263: {  	v22 =	vsub.f32 v22, v34;
	v62 =	vmul.f32 v30, v19;
	v63 =	vmul.f32 v30, v17  }
0x264: {  	v25 =	vsub.f32 v23, v34;
	v29 =	vmul.f32 v30, v20;
	v19 =	vmul.f32 v26, v4  }
0x265: {  	v24 =	vsub.f32 v24, v34;
	v18 =	vmul.f32 v18, v6;
	v30 =	vmul.f32 v60, v21  }
0x266: {  	s5 =	simm.s32 $0x100;
	v17 =	vsub.f32 v12, v28;
	v23 =	vmul.f32 v60, v22;
	v20 =	vmul.f32 v60, v25  }
0x267: {  	v12 =	vld [tilespmem:s5+$0x42C0];
	v28 =	vmul.f32 v60, v24;
	v25 =	vmul.f32 v31, v13  }
0x268: {  	v14 =	vld [tilespmem:s5+$0x42E0];
	v26 =	vmul.f32 v31, v17;
	v22 =	vmul.f32 v61, v5  }
0x269: {  	v13 =	vld [tilespmem:s5+$0x42D0];
	v21 =	vadd.f32 v19, v8;
	v19 =	vmul.f32 v15, v7;
	v17 =	vmul.f32 v16, v4  }
0x26a: {  	s12 =	simm.s32 $0x800;
	s2 =	simm.s32 $0x0;
	s1 =	simm.s32 $0x100;
	v16 =	vld [tilespmem:s5+$0x42F0];
	v36 =	vmul.f32 v62, v5;
	v15 =	vmul.f32 v63, v6;
	v32 =	vadd.f32 v22, v9  }
.LBB2_7:
0x26b: {  	p0 =	sne.s32 s12, $0x7C00;
	v31 =	vld [tilespmem:s1+$0x4200];
	[tilespmem:s2+$0xC200] =	vst v21;
	v18 =	vadd.f32 v18, v10;
	v24 =	vmul.f32 v29, v7;
	v22 =	vmul.f32 v30, v4  }
0x26c: {  	v29 =	vadd.f32 v19, v11;
	v23 =	vmul.f32 v23, v5;
	v20 =	vmul.f32 v20, v6;
	v33 =	vld [tilespmem:s1+$0x4210];
	[tilespmem:s2+$0xC210] =	vst v32  }
0x26d: {  	v30 =	vadd.f32 v17, v8;
	v21 =	vmul.f32 v28, v7;
	v19 =	vmul.f32 v27, v4;
	v35 =	vld [tilespmem:s1+$0x4220];
	[tilespmem:s2+$0xC220] =	vst v18  }
0x26e: {  	v17 =	vmul.f32 v26, v6;
	v27 =	vadd.f32 v13, v12;
	v18 =	vmul.f32 v25, v5;
	v32 =	vld [tilespmem:s1+$0x4230];
	[tilespmem:s2+$0xC230] =	vst v29  }
0x26f: {  	v34 =	vmul.f32 v12, v12;
	v37 =	vmul.f32 v13, v13;
	v28 =	vld [tilespmem:s1+$0x4240];
	v29 =	vadd.f32 v16, v14;
	[tilespmem:s2+$0xC240] =	vst v30  }
0x270: {  	v36 =	vadd.f32 v36, v9;
	v30 =	vmul.f32 v14, v14;
	v38 =	vmul.f32 v16, v16;
	v25 =	vld [tilespmem:s1+$0x4250]  }
0x271: {  	v40 =	vmul.f32 v31, v31;
	v39 =	vadd.f32 v33, v31;
	v26 =	vld [tilespmem:s1+$0x4260];
	v41 =	vadd.f32 v29, v27  }
0x272: {  	v34 =	vadd.f32 v37, v34;
	v42 =	vmul.f32 v33, v33;
	v37 =	vadd.f32 v38, v30;
	v27 =	vld [tilespmem:s1+$0x4270];
	[tilespmem:s2+$0xC250] =	vst v36  }
0x273: {  	v38 =	vmul.f32 v35, v35;
	v36 =	vadd.f32 v32, v35;
	v43 =	vmul.f32 v32, v32;
	v29 =	vld [tilespmem:s1+$0x4280]  }
0x274: {  	v37 =	vadd.f32 v37, v34;
	v45 =	vperm.xlane v41, v0;
	v44 =	vmul.f32 v28, v28;
	v30 =	vld [tilespmem:s1+$0x4290]  }
0x275: {  	v39 =	vadd.f32 v36, v39;
	v46 =	vadd.f32 v25, v28;
	v47 =	vmul.f32 v25, v25;
	v36 =	vld [tilespmem:s1+$0x42A0]  }
0x276: {  	v41 =	vadd.f32 v41, v45;
	v45 =	vperm.xlane v37, v0;
	v48 =	vmul.f32 v26, v26;
	v34 =	vld [tilespmem:s1+$0x42B0]  }
0x277: {  	v40 =	vadd.f32 v42, v40;
	v42 =	vadd.f32 v27, v26;
	v49 =	vmul.f32 v27, v27  }
0x278: {  	v37 =	vadd.f32 v37, v45;
	v45 =	vperm.xlane v41, v1;
	v50 =	vmul.f32 v29, v29  }
0x279: {  	v38 =	vadd.f32 v43, v38;
	v43 =	vadd.f32 v30, v29;
	v51 =	vmul.f32 v30, v30  }
0x27a: {  	v41 =	vadd.f32 v45, v41;
	v45 =	vperm.xlane v37, v1;
	v52 =	vmul.f32 v36, v36  }
0x27b: {  	v42 =	vadd.f32 v42, v46;
	v46 =	vadd.f32 v34, v36;
	v53 =	vmul.f32 v34, v34  }
0x27c: {  	v44 =	vadd.f32 v47, v44;
	v37 =	vadd.f32 v45, v37;
	v45 =	vperm.xlane v41, v2  }
0x27d: {  	v47 =	vperm.xlane v39, v0;
	v48 =	vadd.f32 v49, v48;
	v43 =	vadd.f32 v46, v43  }
0x27e: {  	v46 =	vadd.f32 v51, v50;
	v41 =	vadd.f32 v45, v41;
	v45 =	vperm.xlane v37, v2  }
0x27f: {  	v38 =	vadd.f32 v38, v40;
	v40 =	vperm.xlane v42, v0;
	v49 =	vadd.f32 v53, v52  }
0x280: {  	v44 =	vadd.f32 v48, v44;
	v37 =	vadd.f32 v45, v37;
	v45 =	vperm.xlane v41, v3  }
0x281: {  	v39 =	vadd.f32 v39, v47;
	v46 =	vadd.f32 v49, v46;
	v47 =	vperm.xlane v43, v0  }
0x282: {  	v48 =	vperm.xlane v38, v0;
	v41 =	vadd.f32 v45, v41;
	v45 =	vperm.xlane v37, v3  }
0x283: {  	v40 =	vadd.f32 v42, v40;
	v42 =	vperm.xlane v44, v0;
	v43 =	vadd.f32 v43, v47  }
0x284: {  	v47 =	vperm.xlane v46, v0;
	v45 =	vadd.f32 v45, v37;
	v37 =	vmul.f32 $1.562500000e-02, v41  }
0x285: {  	v38 =	vadd.f32 v38, v48;
	v42 =	vadd.f32 v44, v42;
	v41 =	vperm.xlane v39, v1  }
0x286: {  	v44 =	vadd.f32 v46, v47;
	v45 =	vmul.f32 $1.562500000e-02, v45;
	v46 =	vmul.f32 v37, v37  }
0x287: {  	v47 =	vperm.xlane v43, v1;
	v39 =	vadd.f32 v41, v39;
	v41 =	vperm.xlane v40, v1  }
0x288: {  	v48 =	vperm.xlane v38, v1;
	v49 =	vperm.xlane v42, v1;
	v45 =	vsub.f32 v45, v46  }
0x289: {  	v40 =	vadd.f32 v41, v40;
	v41 =	vadd.f32 v47, v43;
	v43 =	vperm.xlane v44, v1  }
0x28a: {  	v38 =	vadd.f32 v48, v38;
	v46 =	vperm.xlane v39, v2;
	v45 =	vadd.f32 $9.999999740e-06, v45  }
0x28b: {  	v42 =	vadd.f32 v49, v42;
	v47 =	vperm.xlane v40, v2;
	v43 =	vadd.f32 v43, v44  }
0x28c: {  	v44 =	vperm.xlane v41, v2;
	v48 =	vshrl.u32 v45, $0x1;
	v45 =	vmul.f32 $5.000000000e-01, v45  }
0x28d: {  	v39 =	vadd.f32 v46, v39;
	v46 =	vperm.xlane v38, v2;
	v48 =	vsub.s32 $0x5F3759DF, v48  }
0x28e: {  	v40 =	vadd.f32 v47, v40;
	v47 =	vperm.xlane v42, v2;
	v45 =	vmul.f32 v48, v45  }
0x28f: {  	v38 =	vadd.f32 v46, v38;
	v41 =	vadd.f32 v44, v41;
	v44 =	vperm.xlane v43, v2  }
0x290: {  	v46 =	vperm.xlane v39, v3;
	v42 =	vadd.f32 v47, v42;
	v45 =	vmul.f32 v48, v45  }
0x291: {  	v47 =	vperm.xlane v40, v3;
	v43 =	vadd.f32 v44, v43;
	v44 =	vperm.xlane v41, v3  }
0x292: {  	v39 =	vadd.f32 v46, v39;
	v46 =	vperm.xlane v38, v3;
	v45 =	vsub.f32 $1.500000000e+00, v45  }
0x293: {  	v40 =	vadd.f32 v47, v40;
	v47 =	vperm.xlane v42, v3;
	v41 =	vadd.f32 v44, v41  }
0x294: {  	v16 =	vsub.f32 v16, v37;
	v44 =	vperm.xlane v43, v3;
	v45 =	vmul.f32 v48, v45  }
0x295: {  	v38 =	vadd.f32 v46, v38;
	v39 =	vmul.f32 $1.562500000e-02, v39;
	v42 =	vadd.f32 v47, v42  }
0x296: {  	v40 =	vmul.f32 $1.562500000e-02, v40;
	v43 =	vadd.f32 v44, v43;
	v16 =	vmul.f32 v45, v16  }
0x297: {  	v38 =	vmul.f32 $1.562500000e-02, v38;
	v31 =	vsub.f32 v31, v39;
	v41 =	vmul.f32 $1.562500000e-02, v41  }
0x298: {  	v44 =	vmul.f32 v39, v39;
	v33 =	vsub.f32 v33, v39;
	v16 =	vmul.f32 v16, v7  }
0x299: {  	v35 =	vsub.f32 v35, v39;
	v42 =	vmul.f32 $1.562500000e-02, v42;
	v46 =	vmul.f32 v40, v40  }
0x29a: {  	v43 =	vmul.f32 $1.562500000e-02, v43;
	v47 =	vmul.f32 v41, v41;
	v16 =	vadd.f32 v16, v11  }
0x29b: {  	v38 =	vsub.f32 v38, v44;
	v42 =	vsub.f32 v42, v46  }
0x29c: {  	v32 =	vsub.f32 v32, v39;
	v39 =	vsub.f32 v43, v47;
	[tilespmem:s1+$0xC2F0] =	vst v16  }
0x29d: {  	v16 =	vadd.f32 $9.999999740e-06, v38;
	v38 =	vadd.f32 $9.999999740e-06, v42  }
0x29e: {  	v28 =	vsub.f32 v28, v40;
	v39 =	vadd.f32 $9.999999740e-06, v39  }
0x29f: {  	v42 =	vshrl.u32 v16, $0x1;
	v16 =	vmul.f32 $5.000000000e-01, v16;
	v43 =	vshrl.u32 v38, $0x1  }
0x2a0: {  	v44 =	vshrl.u32 v39, $0x1;
	v39 =	vmul.f32 $5.000000000e-01, v39;
	v38 =	vmul.f32 $5.000000000e-01, v38  }
0x2a1: {  	v44 =	vsub.s32 $0x5F3759DF, v44;
	v42 =	vsub.s32 $0x5F3759DF, v42;
	v43 =	vsub.s32 $0x5F3759DF, v43  }
0x2a2: {  	v25 =	vsub.f32 v25, v40;
	v16 =	vmul.f32 v42, v16;
	v38 =	vmul.f32 v43, v38  }
0x2a3: {  	v26 =	vsub.f32 v26, v40;
	v27 =	vsub.f32 v27, v40;
	v39 =	vmul.f32 v44, v39  }
0x2a4: {  	v40 =	vsub.f32 v29, v41;
	v16 =	vmul.f32 v42, v16;
	v38 =	vmul.f32 v43, v38  }
0x2a5: {  	v36 =	vsub.f32 v36, v41;
	v29 =	vmul.f32 v44, v39;
	v39 =	vsub.f32 v30, v41  }
0x2a6: {  	v16 =	vsub.f32 $1.500000000e+00, v16;
	v30 =	vsub.f32 $1.500000000e+00, v38  }
0x2a7: {  	v34 =	vsub.f32 v34, v41;
	v29 =	vsub.f32 $1.500000000e+00, v29  }
0x2a8: {  	v12 =	vsub.f32 v12, v37;
	v16 =	vmul.f32 v42, v16;
	v30 =	vmul.f32 v43, v30  }
0x2a9: {  	v13 =	vsub.f32 v13, v37;
	v14 =	vsub.f32 v14, v37;
	v38 =	vmul.f32 v44, v29  }
0x2aa: {  	v15 =	vadd.f32 v15, v10;
	v31 =	vmul.f32 v16, v31;
	v33 =	vmul.f32 v16, v33  }
0x2ab: {  	v24 =	vadd.f32 v24, v11;
	v35 =	vmul.f32 v16, v35;
	v16 =	vmul.f32 v16, v32  }
0x2ac: {  	v32 =	vmul.f32 v30, v28;
	v37 =	vmul.f32 v30, v25;
	[tilespmem:s2+$0xC260] =	vst v15;
	v15 =	vadd.f32 v22, v8  }
0x2ad: {  	v29 =	vmul.f32 v30, v27;
	v22 =	vmul.f32 v30, v26;
	[tilespmem:s2+$0xC270] =	vst v24;
	v24 =	vadd.f32 v23, v9  }
0x2ae: {  	v30 =	vmul.f32 v38, v40;
	v23 =	vmul.f32 v38, v39;
	[tilespmem:s2+$0xC280] =	vst v15;
	v15 =	vadd.f32 v20, v10  }
0x2af: {  	v21 =	vadd.f32 v21, v11;
	v28 =	vmul.f32 v38, v34;
	v20 =	vmul.f32 v38, v36;
	[tilespmem:s2+$0xC290] =	vst v24  }
.Ltmp2:
0x2b0: {  	s14 =	sshra.s32 s12, $0x2;
	v27 =	vmul.f32 v45, v12;
	v25 =	vmul.f32 v45, v13;
	[tilespmem:s2+$0xC2A0] =	vst v15;
	v15 =	vadd.f32 v19, v8;
	(pc) =	sbr.rel @p0 .LBB2_7-.Ltmp2, $4  }
0x2b1: {  	v26 =	vmul.f32 v45, v14;
	v24 =	vadd.f32 v18, v9;
	v19 =	vmul.f32 v31, v4;
	v12 =	vld [tilespmem:s14+$0x42C0];
	[tilespmem:s2+$0xC2B0] =	vst v21  }
0x2b2: {  	v18 =	vmul.f32 v35, v6;
	v31 =	vmul.f32 v33, v5;
	v33 =	vadd.f32 v17, v10;
	v13 =	vld [tilespmem:s14+$0x42D0];
	[tilespmem:s2+$0xC2C0] =	vst v15  }
0x2b3: {  	v17 =	vmul.f32 v32, v4;
	v21 =	vadd.f32 v19, v8;
	v19 =	vmul.f32 v16, v7;
	v14 =	vld [tilespmem:s14+$0x42E0];
	[tilespmem:s2+$0xC2D0] =	vst v24  }
0x2b4: {  	s12 =	sadd.s32 $0x400, s12;
	v36 =	vmul.f32 v37, v5;
	v32 =	vadd.f32 v31, v9;
	v15 =	vmul.f32 v22, v6;
	v16 =	vld [tilespmem:s14+$0x42F0];
	[tilespmem:s2+$0xC2E0] =	vst v33;
	s2 =	smov.u32 s1;
	s1 =	smov.u32 s14  }
0x2b5: {  	v34 =	vld [tilespmem:s1+$0x4200];
	[tilespmem:s2+$0xC200] =	vst v21;
	v21 =	vadd.f32 v17, v8;
	v17 =	vmul.f32 v30, v4  }
0x2b6: {  	v18 =	vadd.f32 v18, v10;
	v23 =	vmul.f32 v23, v5;
	v20 =	vmul.f32 v20, v6  }
0x2b7: {  	v19 =	vadd.f32 v19, v11;
	v28 =	vmul.f32 v28, v7;
	v27 =	vmul.f32 v27, v4;
	v33 =	vld [tilespmem:s1+$0x4210];
	[tilespmem:s2+$0xC210] =	vst v32  }
0x2b8: {  	v25 =	vmul.f32 v25, v5;
	v31 =	vmul.f32 v12, v12;
	v35 =	vld [tilespmem:s1+$0x4220];
	[tilespmem:s2+$0xC220] =	vst v18  }
0x2b9: {  	v36 =	vadd.f32 v36, v9;
	v15 =	vadd.f32 v15, v10;
	v18 =	vmul.f32 v29, v7;
	v22 =	vld [tilespmem:s1+$0x4230];
	[tilespmem:s2+$0xC230] =	vst v19  }
0x2ba: {  	v29 =	vadd.f32 v13, v12;
	v55 =	vmul.f32 v13, v13;
	v24 =	vld [tilespmem:s1+$0x4240];
	[tilespmem:s2+$0xC240] =	vst v21;
	v30 =	vadd.f32 v16, v14  }
0x2bb: {  	v37 =	vmul.f32 v14, v14;
	v38 =	vmul.f32 v16, v16;
	v18 =	vadd.f32 v18, v11;
	v19 =	vld [tilespmem:s1+$0x4250]  }
0x2bc: {  	v21 =	vld [tilespmem:s1+$0x4260];
	v40 =	vmul.f32 v34, v34;
	v39 =	vadd.f32 v33, v34;
	v41 =	vadd.f32 v30, v29  }
0x2bd: {  	v29 =	vld [tilespmem:s1+$0x4270];
	v42 =	vmul.f32 v33, v33;
	v30 =	vadd.f32 v55, v31;
	v37 =	vadd.f32 v38, v37;
	[tilespmem:s2+$0xC250] =	vst v36  }
0x2be: {  	v57 =	vmul.f32 v35, v35;
	v31 =	vld [tilespmem:s1+$0x4280];
	v56 =	vadd.f32 v22, v35;
	v43 =	vmul.f32 v22, v22  }
0x2bf: {  	v32 =	vld [tilespmem:s1+$0x4290];
	v37 =	vadd.f32 v37, v30;
	v45 =	vperm.xlane v41, v0;
	v40 =	vadd.f32 v42, v40  }
0x2c0: {  	v36 =	vld [tilespmem:s1+$0x42A0];
	v44 =	vmul.f32 v24, v24;
	v39 =	vadd.f32 v56, v39;
	v46 =	vadd.f32 v19, v24  }
0x2c1: {  	v30 =	vld [tilespmem:s1+$0x42B0];
	v47 =	vmul.f32 v19, v19;
	v41 =	vadd.f32 v41, v45;
	v58 =	vperm.xlane v37, v0  }
0x2c2: {  	v48 =	vmul.f32 v21, v21;
	v38 =	vadd.f32 v43, v57;
	v59 =	vadd.f32 v29, v21  }
0x2c3: {  	v49 =	vmul.f32 v29, v29;
	v50 =	vmul.f32 v31, v31;
	v37 =	vadd.f32 v37, v58  }
0x2c4: {  	v60 =	vperm.xlane v41, v1;
	v61 =	vadd.f32 v32, v31;
	v51 =	vmul.f32 v32, v32  }
0x2c5: {  	v52 =	vmul.f32 v36, v36;
	v44 =	vadd.f32 v47, v44;
	v38 =	vadd.f32 v38, v40  }
0x2c6: {  	v56 =	vperm.xlane v39, v0;
	v42 =	vadd.f32 v59, v46;
	v63 =	vadd.f32 v30, v36  }
0x2c7: {  	v53 =	vmul.f32 v30, v30;
	v48 =	vadd.f32 v49, v48;
	v41 =	vadd.f32 v60, v41  }
0x2c8: {  	v62 =	vperm.xlane v37, v1;
	v57 =	vadd.f32 v51, v50;
	v39 =	vadd.f32 v39, v56  }
0x2c9: {  	v43 =	vadd.f32 v63, v61;
	v59 =	vperm.xlane v42, v0;
	v60 =	vadd.f32 v53, v52  }
0x2ca: {  	v44 =	vadd.f32 v48, v44;
	v63 =	vperm.xlane v38, v0;
	v37 =	vadd.f32 v62, v37  }
0x2cb: {  	v55 =	vperm.xlane v41, v2;
	v46 =	vadd.f32 v60, v57;
	v62 =	vperm.xlane v43, v0  }
0x2cc: {  	v40 =	vadd.f32 v42, v59;
	v53 =	vperm.xlane v44, v0;
	v38 =	vadd.f32 v38, v63  }
0x2cd: {  	v41 =	vadd.f32 v55, v41;
	v58 =	vperm.xlane v37, v2;
	v55 =	vperm.xlane v39, v1  }
0x2ce: {  	v43 =	vadd.f32 v43, v62;
	v54 =	vperm.xlane v46, v0;
	v42 =	vadd.f32 v44, v53  }
0x2cf: {  	v48 =	vperm.xlane v38, v1;
	v37 =	vadd.f32 v58, v37;
	v61 =	vperm.xlane v41, v3  }
0x2d0: {  	v39 =	vadd.f32 v55, v39;
	v58 =	vperm.xlane v40, v1;
	v56 =	vadd.f32 v46, v54  }
0x2d1: {  	v59 =	vperm.xlane v43, v1;
	v60 =	vperm.xlane v42, v1;
	v38 =	vadd.f32 v48, v38  }
0x2d2: {  	v41 =	vadd.f32 v61, v41;
	v52 =	vperm.xlane v37, v3;
	v40 =	vadd.f32 v58, v40  }
0x2d3: {  	v62 =	vperm.xlane v39, v2;
	v43 =	vadd.f32 v59, v43;
	v61 =	vperm.xlane v56, v1  }
0x2d4: {  	v42 =	vadd.f32 v60, v42;
	v54 =	vperm.xlane v38, v2;
	v37 =	vadd.f32 v52, v37  }
0x2d5: {  	v41 =	vmul.f32 $1.562500000e-02, v41;
	v63 =	vperm.xlane v40, v2;
	v39 =	vadd.f32 v62, v39  }
0x2d6: {  	v44 =	vadd.f32 v61, v56;
	v52 =	vperm.xlane v43, v2;
	v38 =	vadd.f32 v54, v38  }
0x2d7: {  	v55 =	vperm.xlane v42, v2;
	v40 =	vadd.f32 v63, v40;
	v16 =	vsub.f32 v16, v41  }
0x2d8: {  	v37 =	vmul.f32 $1.562500000e-02, v37;
	v12 =	vsub.f32 v12, v41;
	v13 =	vsub.f32 v13, v41  }
0x2d9: {  	v57 =	vmul.f32 v41, v41;
	v14 =	vsub.f32 v14, v41;
	v43 =	vadd.f32 v52, v43  }
0x2da: {  	v56 =	vperm.xlane v44, v2;
	v42 =	vadd.f32 v55, v42;
	v60 =	vperm.xlane v38, v3  }
0x2db: {  	v37 =	vsub.f32 v37, v57;
	v57 =	vperm.xlane v39, v3;
	v58 =	vperm.xlane v40, v3  }
0x2dc: {  	v44 =	vadd.f32 v56, v44;
	v59 =	vperm.xlane v43, v3;
	v38 =	vadd.f32 v60, v38  }
0x2dd: {  	v61 =	vperm.xlane v42, v3;
	v37 =	vadd.f32 $9.999999740e-06, v37;
	v39 =	vadd.f32 v57, v39  }
0x2de: {  	v40 =	vadd.f32 v58, v40;
	v43 =	vadd.f32 v59, v43;
	v62 =	vperm.xlane v44, v3  }
0x2df: {  	v38 =	vmul.f32 $1.562500000e-02, v38;
	v53 =	vshrl.u32 v37, $0x1;
	v37 =	vmul.f32 $5.000000000e-01, v37  }
0x2e0: {  	v42 =	vadd.f32 v61, v42;
	v39 =	vmul.f32 $1.562500000e-02, v39;
	v40 =	vmul.f32 $1.562500000e-02, v40  }
0x2e1: {  	v48 =	vsub.s32 $0x5F3759DF, v53;
	v44 =	vadd.f32 v62, v44;
	v43 =	vmul.f32 $1.562500000e-02, v43  }
0x2e2: {  	v37 =	vmul.f32 v48, v37;
	v34 =	vsub.f32 v34, v39;
	v33 =	vsub.f32 v33, v39  }
0x2e3: {  	v63 =	vmul.f32 v39, v39;
	v35 =	vsub.f32 v35, v39;
	v22 =	vsub.f32 v22, v39  }
0x2e4: {  	v24 =	vsub.f32 v24, v40;
	v19 =	vsub.f32 v19, v40;
	v37 =	vmul.f32 v48, v37  }
0x2e5: {  	v21 =	vsub.f32 v21, v40;
	v44 =	vmul.f32 $1.562500000e-02, v44;
	v49 =	vmul.f32 v43, v43  }
0x2e6: {  	v26 =	vmul.f32 v26, v6;
	v38 =	vsub.f32 v38, v63;
	v37 =	vsub.f32 $1.500000000e+00, v37  }
0x2e7: {  	v42 =	vmul.f32 $1.562500000e-02, v42;
	v29 =	vsub.f32 v29, v40;
	v44 =	vsub.f32 v44, v49  }
0x2e8: {  	v31 =	vsub.f32 v31, v43;
	v38 =	vadd.f32 $9.999999740e-06, v38;
	v37 =	vmul.f32 v48, v37  }
0x2e9: {  	v32 =	vsub.f32 v32, v43;
	v51 =	vadd.f32 $9.999999740e-06, v44;
	v48 =	vmul.f32 v40, v40  }
0x2ea: {  	v52 =	vshrl.u32 v38, $0x1;
	v38 =	vmul.f32 $5.000000000e-01, v38;
	v16 =	vmul.f32 v37, v16  }
0x2eb: {  	v36 =	vsub.f32 v36, v43;
	v44 =	vsub.s32 $0x5F3759DF, v52;
	v42 =	vsub.f32 v42, v48  }
0x2ec: {  	v54 =	vshrl.u32 v51, $0x1;
	v38 =	vmul.f32 v44, v38;
	v16 =	vmul.f32 v16, v7  }
0x2ed: {  	v30 =	vsub.f32 v30, v43;
	v46 =	vsub.s32 $0x5F3759DF, v54;
	v50 =	vadd.f32 $9.999999740e-06, v42  }
0x2ee: {  	v12 =	vmul.f32 v37, v12;
	v38 =	vmul.f32 v44, v38;
	v16 =	vadd.f32 v16, v11  }
0x2ef: {  	v13 =	vmul.f32 v37, v13;
	v53 =	vshrl.u32 v50, $0x1;
	v39 =	vmul.f32 $5.000000000e-01, v50  }
0x2f0: {  	v14 =	vmul.f32 v37, v14;
	v38 =	vsub.f32 $1.500000000e+00, v38;
	v45 =	vsub.s32 $0x5F3759DF, v53;
	[tilespmem:s1+$0xC2F0] =	vst v16  }
0x2f1: {  	v42 =	vmul.f32 $5.000000000e-01, v51;
	v39 =	vmul.f32 v45, v39;
	[tilespmem:s2+$0xC260] =	vst v15;
	v15 =	vadd.f32 v17, v8  }
0x2f2: {  	v12 =	vmul.f32 v12, v4;
	v17 =	vmul.f32 v44, v38;
	[tilespmem:s2+$0xC270] =	vst v18;
	v18 =	vadd.f32 v23, v9  }
0x2f3: {  	v55 =	vmul.f32 v46, v42;
	v39 =	vmul.f32 v45, v39;
	[tilespmem:s2+$0xC280] =	vst v15;
	v15 =	vadd.f32 v20, v10  }
0x2f4: {  	v20 =	vmul.f32 v17, v34;
	[tilespmem:s2+$0xC290] =	vst v18;
	v18 =	vadd.f32 v28, v11;
	v23 =	vmul.f32 v17, v33  }
0x2f5: {  	v39 =	vsub.f32 $1.500000000e+00, v39;
	[tilespmem:s2+$0xC2A0] =	vst v15;
	v15 =	vadd.f32 v27, v8;
	v27 =	vmul.f32 v17, v35  }
0x2f6: {  	v20 =	vmul.f32 v20, v4;
	[tilespmem:s2+$0xC2B0] =	vst v18;
	v18 =	vadd.f32 v25, v9;
	v17 =	vmul.f32 v17, v22  }
0x2f7: {  	v22 =	vmul.f32 v23, v5;
	v56 =	vmul.f32 v45, v39;
	[tilespmem:s2+$0xC2C0] =	vst v15;
	v15 =	vadd.f32 v26, v10  }
0x2f8: {  	v13 =	vmul.f32 v13, v5;
	v40 =	vmul.f32 v46, v55;
	v20 =	vadd.f32 v20, v8;
	[tilespmem:s2+$0xC2D0] =	vst v18  }
0x2f9: {  	v14 =	vmul.f32 v14, v6;
	v18 =	vmul.f32 v56, v19;
	v19 =	vadd.f32 v22, v9;
	[tilespmem:s2+$0xC2E0] =	vst v15  }
0x2fa: {  	v12 =	vadd.f32 v12, v8;
	v16 =	vsub.f32 $1.500000000e+00, v40;
	v17 =	vmul.f32 v17, v7;
	[tilespmem:s1+$0xC200] =	vst v20  }
0x2fb: {  	v13 =	vadd.f32 v13, v9;
	v23 =	vmul.f32 v56, v24;
	v24 =	vmul.f32 v27, v6;
	[tilespmem:s1+$0xC210] =	vst v19  }
0x2fc: {  	v16 =	vmul.f32 v46, v16;
	v22 =	vmul.f32 v56, v29;
	v17 =	vadd.f32 v17, v11;
	[tilespmem:s1+$0xC2C0] =	vst v12  }
0x2fd: {  	v15 =	vmul.f32 v56, v21;
	v21 =	vmul.f32 v23, v4;
	v20 =	vadd.f32 v24, v10;
	[tilespmem:s1+$0xC2D0] =	vst v13  }
0x2fe: {  	v18 =	vmul.f32 v18, v5;
	v19 =	vmul.f32 v16, v31;
	v12 =	vadd.f32 v14, v10;
	[tilespmem:s1+$0xC230] =	vst v17  }
0x2ff: {  	v22 =	vmul.f32 v22, v7;
	v15 =	vmul.f32 v15, v6;
	[tilespmem:s1+$0xC220] =	vst v20;
	v20 =	vadd.f32 v21, v8  }
0x300: {  	v21 =	vmul.f32 v16, v32;
	v17 =	vadd.f32 v18, v9;
	v18 =	vmul.f32 v16, v36;
	[tilespmem:s1+$0xC2E0] =	vst v12  }
0x301: {  	v19 =	vmul.f32 v19, v4;
	v16 =	vmul.f32 v16, v30;
	v15 =	vadd.f32 v15, v10;
	[tilespmem:s1+$0xC240] =	vst v20  }
0x302: {  	v20 =	vmul.f32 v21, v5;
	[tilespmem:s1+$0xC250] =	vst v17;
	v17 =	vadd.f32 v22, v11  }
0x303: {  	v16 =	vmul.f32 v16, v7;
	[tilespmem:s1+$0xC260] =	vst v15;
	v15 =	vadd.f32 v19, v8  }
0x304: {  	v18 =	vmul.f32 v18, v6;
	[tilespmem:s1+$0xC270] =	vst v17;
	v17 =	vadd.f32 v20, v9  }
0x305: {  	v16 =	vadd.f32 v16, v11;
	[tilespmem:s1+$0xC280] =	vst v15  }
0x306: {  	v15 =	vadd.f32 v18, v10;
	[tilespmem:s1+$0xC290] =	vst v17  }
0x307: {  	[tilespmem:s1+$0xC2B0] =	vst v16  }
0x308: {  	[tilespmem:s1+$0xC2A0] =	vst v15  }
0x309: {  	v14 =	vld [tilespmem:s0+$0x62C0]  }
0x30a: {  	v13 =	vld [tilespmem:s0+$0x62D0]  }
0x30b: {  	v12 =	vld [tilespmem:s0+$0x62E0]  }
0x30c: {  	v27 =	vld [tilespmem:s0+$0x62F0]  }
0x30d: {  	v26 =	vld [tilespmem:s0+$0x6200]  }
0x30e: {  	v25 =	vld [tilespmem:s0+$0x6210]  }
0x30f: {  	v18 =	vld [tilespmem:s0+$0x6220]  }
0x310: {  	v15 =	vld [tilespmem:s0+$0x6230]  }
0x311: {  	v16 =	vld [tilespmem:s0+$0x6240];
	v20 =	vmul.f32 v14, v14;
	v21 =	vmul.f32 v13, v13  }
0x312: {  	v19 =	vld [tilespmem:s0+$0x6250];
	v22 =	vadd.f32 v13, v14;
	v23 =	vmul.f32 v12, v12;
	v24 =	vmul.f32 v27, v27  }
0x313: {  	v17 =	vld [tilespmem:s0+$0x6260];
	v28 =	vadd.f32 v27, v12;
	v29 =	vadd.f32 v25, v26;
	v30 =	vmul.f32 v26, v26  }
0x314: {  	v57 =	vmul.f32 v25, v25;
	v58 =	vmul.f32 v18, v18;
	v31 =	vadd.f32 v21, v20;
	v20 =	vld [tilespmem:s0+$0x6270]  }
0x315: {  	v59 =	vmul.f32 v15, v15;
	v23 =	vadd.f32 v24, v23;
	v28 =	vadd.f32 v28, v22;
	v21 =	vld [tilespmem:s0+$0x6280]  }
0x316: {  	v60 =	vmul.f32 v16, v16;
	v24 =	vadd.f32 v15, v18;
	v22 =	vld [tilespmem:s0+$0x6290];
	v30 =	vadd.f32 v57, v30  }
0x317: {  	v63 =	vmul.f32 v19, v19;
	v33 =	vadd.f32 v59, v58;
	v31 =	vadd.f32 v23, v31;
	v23 =	vld [tilespmem:s0+$0x62A0]  }
0x318: {  	v62 =	vadd.f32 v19, v16;
	v61 =	vperm.xlane v28, v0;
	v29 =	vadd.f32 v24, v29;
	v24 =	vld [tilespmem:s0+$0x62B0]  }
0x319: {  	v48 =	vmul.f32 v17, v17;
	v35 =	vadd.f32 v63, v60;
	v30 =	vadd.f32 v33, v30  }
0x31a: {  	v47 =	vperm.xlane v31, v0;
	v28 =	vadd.f32 v28, v61;
	v49 =	vadd.f32 v20, v17  }
0x31b: {  	v50 =	vmul.f32 v20, v20;
	v51 =	vmul.f32 v21, v21;
	v53 =	vadd.f32 v22, v21  }
0x31c: {  	v54 =	vmul.f32 v22, v22;
	v31 =	vadd.f32 v31, v47;
	v52 =	vperm.xlane v28, v1  }
0x31d: {  	v56 =	vmul.f32 v23, v23;
	v32 =	vadd.f32 v49, v62;
	v57 =	vadd.f32 v24, v23  }
0x31e: {  	v58 =	vmul.f32 v24, v24;
	v36 =	vadd.f32 v50, v48;
	v60 =	vadd.f32 v54, v51  }
0x31f: {  	v62 =	vperm.xlane v29, v0;
	v48 =	vperm.xlane v30, v0;
	v28 =	vadd.f32 v52, v28  }
0x320: {  	v55 =	vperm.xlane v31, v1;
	v34 =	vadd.f32 v57, v53;
	v45 =	vadd.f32 v58, v56  }
0x321: {  	v63 =	vperm.xlane v32, v0;
	v35 =	vadd.f32 v36, v35;
	v29 =	vadd.f32 v29, v62  }
0x322: {  	v30 =	vadd.f32 v30, v48;
	v31 =	vadd.f32 v55, v31;
	v59 =	vperm.xlane v28, v2  }
0x323: {  	v37 =	vadd.f32 v45, v60;
	v47 =	vperm.xlane v34, v0;
	v49 =	vperm.xlane v35, v0  }
0x324: {  	v32 =	vadd.f32 v32, v63;
	v51 =	vperm.xlane v29, v1;
	v56 =	vperm.xlane v30, v1  }
0x325: {  	v61 =	vperm.xlane v31, v2;
	v28 =	vadd.f32 v59, v28;
	v34 =	vadd.f32 v34, v47  }
0x326: {  	v50 =	vperm.xlane v37, v0;
	v33 =	vadd.f32 v35, v49;
	v29 =	vadd.f32 v51, v29  }
0x327: {  	v54 =	vperm.xlane v32, v1;
	v30 =	vadd.f32 v56, v30;
	v31 =	vadd.f32 v61, v31  }
0x328: {  	v46 =	vperm.xlane v28, v3;
	v52 =	vadd.f32 v37, v50;
	v55 =	vperm.xlane v34, v1  }
0x329: {  	v57 =	vperm.xlane v33, v1;
	v32 =	vadd.f32 v54, v32;
	v59 =	vperm.xlane v29, v2  }
0x32a: {  	v63 =	vperm.xlane v30, v2;
	v39 =	vperm.xlane v31, v3;
	v28 =	vadd.f32 v46, v28  }
0x32b: {  	v34 =	vadd.f32 v55, v34;
	v58 =	vperm.xlane v52, v1;
	v33 =	vadd.f32 v57, v33  }
0x32c: {  	v60 =	vperm.xlane v32, v2;
	v29 =	vadd.f32 v59, v29;
	v30 =	vadd.f32 v63, v30  }
0x32d: {  	v31 =	vadd.f32 v39, v31;
	v28 =	vmul.f32 $1.562500000e-02, v28;
	v61 =	vperm.xlane v34, v2  }
0x32e: {  	v35 =	vadd.f32 v58, v52;
	v45 =	vperm.xlane v33, v2;
	v47 =	vperm.xlane v29, v3  }
0x32f: {  	v32 =	vadd.f32 v60, v32;
	v49 =	vperm.xlane v30, v3;
	v31 =	vmul.f32 $1.562500000e-02, v31  }
0x330: {  	v53 =	vmul.f32 v28, v28;
	v27 =	vsub.f32 v27, v28;
	v14 =	vsub.f32 v14, v28  }
0x331: {  	v34 =	vadd.f32 v61, v34;
	v46 =	vperm.xlane v35, v2;
	v33 =	vadd.f32 v45, v33  }
0x332: {  	v48 =	vperm.xlane v32, v3;
	v29 =	vadd.f32 v47, v29;
	v30 =	vadd.f32 v49, v30  }
0x333: {  	v31 =	vsub.f32 v31, v53;
	v35 =	vadd.f32 v46, v35;
	v50 =	vperm.xlane v34, v3  }
0x334: {  	v32 =	vadd.f32 v48, v32;
	v51 =	vperm.xlane v33, v3;
	v29 =	vmul.f32 $1.562500000e-02, v29  }
0x335: {  	v30 =	vmul.f32 $1.562500000e-02, v30;
	v31 =	vadd.f32 $9.999999740e-06, v31;
	v52 =	vperm.xlane v35, v3  }
0x336: {  	v34 =	vadd.f32 v50, v34;
	v33 =	vadd.f32 v51, v33;
	v32 =	vmul.f32 $1.562500000e-02, v32  }
0x337: {  	v53 =	vmul.f32 v29, v29;
	v26 =	vsub.f32 v26, v29;
	v62 =	vshrl.u32 v31, $0x1  }
0x338: {  	v31 =	vmul.f32 $5.000000000e-01, v31;
	v44 =	vsub.s32 $0x5F3759DF, v62;
	v35 =	vadd.f32 v52, v35  }
0x339: {  	v33 =	vmul.f32 $1.562500000e-02, v33;
	v54 =	vmul.f32 v32, v32;
	v30 =	vsub.f32 v30, v53  }
0x33a: {  	v25 =	vsub.f32 v25, v29;
	v34 =	vmul.f32 $1.562500000e-02, v34;
	v31 =	vmul.f32 v44, v31  }
0x33b: {  	v35 =	vmul.f32 $1.562500000e-02, v35;
	v33 =	vsub.f32 v33, v54;
	v30 =	vadd.f32 $9.999999740e-06, v30  }
0x33c: {  	v18 =	vsub.f32 v18, v29;
	v55 =	vmul.f32 v34, v34;
	v31 =	vmul.f32 v44, v31  }
0x33d: {  	v33 =	vadd.f32 $9.999999740e-06, v33;
	v56 =	vshrl.u32 v30, $0x1;
	v30 =	vmul.f32 $5.000000000e-01, v30  }
0x33e: {  	v35 =	vsub.f32 v35, v55;
	v31 =	vsub.f32 $1.500000000e+00, v31;
	v36 =	vsub.s32 $0x5F3759DF, v56  }
0x33f: {  	v57 =	vshrl.u32 v33, $0x1;
	v33 =	vmul.f32 $5.000000000e-01, v33;
	v30 =	vmul.f32 v36, v30  }
0x340: {  	v35 =	vadd.f32 $9.999999740e-06, v35;
	v31 =	vmul.f32 v44, v31;
	v37 =	vsub.s32 $0x5F3759DF, v57  }
0x341: {  	v15 =	vsub.f32 v15, v29;
	v33 =	vmul.f32 v37, v33;
	v29 =	vmul.f32 v36, v30  }
0x342: {  	v58 =	vshrl.u32 v35, $0x1;
	v35 =	vmul.f32 $5.000000000e-01, v35;
	v27 =	vmul.f32 v31, v27  }
0x343: {  	v38 =	vsub.s32 $0x5F3759DF, v58;
	v30 =	vmul.f32 v37, v33;
	v29 =	vsub.f32 $1.500000000e+00, v29  }
0x344: {  	v13 =	vsub.f32 v13, v28;
	v16 =	vsub.f32 v16, v32;
	v35 =	vmul.f32 v38, v35  }
0x345: {  	v27 =	vmul.f32 v27, v7;
	v30 =	vsub.f32 $1.500000000e+00, v30;
	v29 =	vmul.f32 v36, v29  }
0x346: {  	v19 =	vsub.f32 v19, v32;
	v17 =	vsub.f32 v17, v32;
	v59 =	vmul.f32 v38, v35  }
0x347: {  	v27 =	vadd.f32 v27, v11;
	v30 =	vmul.f32 v37, v30;
	v26 =	vmul.f32 v29, v26  }
0x348: {  	v33 =	vsub.f32 $1.500000000e+00, v59;
	v61 =	vmul.f32 v29, v25;
	v18 =	vmul.f32 v29, v18  }
0x349: {  	v20 =	vsub.f32 v20, v32;
	v15 =	vmul.f32 v29, v15;
	[tilespmem:s0+$0xE2F0] =	vst v27;
	v27 =	vmul.f32 v31, v14  }
0x34a: {  	v21 =	vsub.f32 v21, v34;
	v60 =	vmul.f32 v38, v33;
	v16 =	vmul.f32 v30, v16  }
0x34b: {  	v22 =	vsub.f32 v22, v34;
	v62 =	vmul.f32 v30, v19;
	v63 =	vmul.f32 v30, v17  }
0x34c: {  	v25 =	vsub.f32 v23, v34;
	v29 =	vmul.f32 v30, v20;
	v19 =	vmul.f32 v26, v4  }
0x34d: {  	v24 =	vsub.f32 v24, v34;
	v18 =	vmul.f32 v18, v6;
	v30 =	vmul.f32 v60, v21  }
0x34e: {  	v17 =	vsub.f32 v12, v28;
	v23 =	vmul.f32 v60, v22;
	v20 =	vmul.f32 v60, v25  }
0x34f: {  	v12 =	vld [tilespmem:s5+$0x62C0];
	v28 =	vmul.f32 v60, v24;
	v25 =	vmul.f32 v31, v13  }
0x350: {  	v14 =	vld [tilespmem:s5+$0x62E0];
	v26 =	vmul.f32 v31, v17;
	v22 =	vmul.f32 v61, v5  }
0x351: {  	v13 =	vld [tilespmem:s5+$0x62D0];
	v21 =	vadd.f32 v19, v8;
	v19 =	vmul.f32 v15, v7;
	v17 =	vmul.f32 v16, v4  }
0x352: {  	s1 =	simm.s32 $0x800;
	v16 =	vld [tilespmem:s5+$0x62F0];
	v36 =	vmul.f32 v62, v5;
	v15 =	vmul.f32 v63, v6;
	v32 =	vadd.f32 v22, v9  }
.LBB2_9:
0x353: {  	p0 =	sne.s32 s1, $0x7C00;
	v31 =	vld [tilespmem:s5+$0x6200];
	[tilespmem:s0+$0xE200] =	vst v21;
	v18 =	vadd.f32 v18, v10;
	v24 =	vmul.f32 v29, v7;
	v22 =	vmul.f32 v30, v4  }
0x354: {  	v29 =	vadd.f32 v19, v11;
	v23 =	vmul.f32 v23, v5;
	v20 =	vmul.f32 v20, v6;
	v33 =	vld [tilespmem:s5+$0x6210];
	[tilespmem:s0+$0xE210] =	vst v32  }
0x355: {  	v30 =	vadd.f32 v17, v8;
	v21 =	vmul.f32 v28, v7;
	v19 =	vmul.f32 v27, v4;
	v35 =	vld [tilespmem:s5+$0x6220];
	[tilespmem:s0+$0xE220] =	vst v18  }
0x356: {  	v17 =	vmul.f32 v26, v6;
	v27 =	vadd.f32 v13, v12;
	v18 =	vmul.f32 v25, v5;
	v32 =	vld [tilespmem:s5+$0x6230];
	[tilespmem:s0+$0xE230] =	vst v29  }
0x357: {  	v34 =	vmul.f32 v12, v12;
	v37 =	vmul.f32 v13, v13;
	v28 =	vld [tilespmem:s5+$0x6240];
	v29 =	vadd.f32 v16, v14;
	[tilespmem:s0+$0xE240] =	vst v30  }
0x358: {  	v36 =	vadd.f32 v36, v9;
	v30 =	vmul.f32 v14, v14;
	v38 =	vmul.f32 v16, v16;
	v25 =	vld [tilespmem:s5+$0x6250]  }
0x359: {  	v40 =	vmul.f32 v31, v31;
	v39 =	vadd.f32 v33, v31;
	v26 =	vld [tilespmem:s5+$0x6260];
	v41 =	vadd.f32 v29, v27  }
0x35a: {  	v34 =	vadd.f32 v37, v34;
	v42 =	vmul.f32 v33, v33;
	v37 =	vadd.f32 v38, v30;
	v27 =	vld [tilespmem:s5+$0x6270];
	[tilespmem:s0+$0xE250] =	vst v36  }
0x35b: {  	v38 =	vmul.f32 v35, v35;
	v36 =	vadd.f32 v32, v35;
	v43 =	vmul.f32 v32, v32;
	v29 =	vld [tilespmem:s5+$0x6280]  }
0x35c: {  	v37 =	vadd.f32 v37, v34;
	v45 =	vperm.xlane v41, v0;
	v44 =	vmul.f32 v28, v28;
	v30 =	vld [tilespmem:s5+$0x6290]  }
0x35d: {  	v39 =	vadd.f32 v36, v39;
	v46 =	vadd.f32 v25, v28;
	v47 =	vmul.f32 v25, v25;
	v36 =	vld [tilespmem:s5+$0x62A0]  }
0x35e: {  	v41 =	vadd.f32 v41, v45;
	v45 =	vperm.xlane v37, v0;
	v48 =	vmul.f32 v26, v26;
	v34 =	vld [tilespmem:s5+$0x62B0]  }
0x35f: {  	v40 =	vadd.f32 v42, v40;
	v42 =	vadd.f32 v27, v26;
	v49 =	vmul.f32 v27, v27  }
0x360: {  	v37 =	vadd.f32 v37, v45;
	v45 =	vperm.xlane v41, v1;
	v50 =	vmul.f32 v29, v29  }
0x361: {  	v38 =	vadd.f32 v43, v38;
	v43 =	vadd.f32 v30, v29;
	v51 =	vmul.f32 v30, v30  }
0x362: {  	v41 =	vadd.f32 v45, v41;
	v45 =	vperm.xlane v37, v1;
	v52 =	vmul.f32 v36, v36  }
0x363: {  	v42 =	vadd.f32 v42, v46;
	v46 =	vadd.f32 v34, v36;
	v53 =	vmul.f32 v34, v34  }
0x364: {  	v44 =	vadd.f32 v47, v44;
	v37 =	vadd.f32 v45, v37;
	v45 =	vperm.xlane v41, v2  }
0x365: {  	v47 =	vperm.xlane v39, v0;
	v48 =	vadd.f32 v49, v48;
	v43 =	vadd.f32 v46, v43  }
0x366: {  	v46 =	vadd.f32 v51, v50;
	v41 =	vadd.f32 v45, v41;
	v45 =	vperm.xlane v37, v2  }
0x367: {  	v38 =	vadd.f32 v38, v40;
	v40 =	vperm.xlane v42, v0;
	v49 =	vadd.f32 v53, v52  }
0x368: {  	v44 =	vadd.f32 v48, v44;
	v37 =	vadd.f32 v45, v37;
	v45 =	vperm.xlane v41, v3  }
0x369: {  	v39 =	vadd.f32 v39, v47;
	v46 =	vadd.f32 v49, v46;
	v47 =	vperm.xlane v43, v0  }
0x36a: {  	v48 =	vperm.xlane v38, v0;
	v41 =	vadd.f32 v45, v41;
	v45 =	vperm.xlane v37, v3  }
0x36b: {  	v40 =	vadd.f32 v42, v40;
	v42 =	vperm.xlane v44, v0;
	v43 =	vadd.f32 v43, v47  }
0x36c: {  	v47 =	vperm.xlane v46, v0;
	v45 =	vadd.f32 v45, v37;
	v37 =	vmul.f32 $1.562500000e-02, v41  }
0x36d: {  	v38 =	vadd.f32 v38, v48;
	v42 =	vadd.f32 v44, v42;
	v41 =	vperm.xlane v39, v1  }
0x36e: {  	v44 =	vadd.f32 v46, v47;
	v45 =	vmul.f32 $1.562500000e-02, v45;
	v46 =	vmul.f32 v37, v37  }
0x36f: {  	v47 =	vperm.xlane v43, v1;
	v39 =	vadd.f32 v41, v39;
	v41 =	vperm.xlane v40, v1  }
0x370: {  	v48 =	vperm.xlane v38, v1;
	v49 =	vperm.xlane v42, v1;
	v45 =	vsub.f32 v45, v46  }
0x371: {  	v40 =	vadd.f32 v41, v40;
	v41 =	vadd.f32 v47, v43;
	v43 =	vperm.xlane v44, v1  }
0x372: {  	v38 =	vadd.f32 v48, v38;
	v46 =	vperm.xlane v39, v2;
	v45 =	vadd.f32 $9.999999740e-06, v45  }
0x373: {  	v42 =	vadd.f32 v49, v42;
	v47 =	vperm.xlane v40, v2;
	v43 =	vadd.f32 v43, v44  }
0x374: {  	v44 =	vperm.xlane v41, v2;
	v48 =	vshrl.u32 v45, $0x1;
	v45 =	vmul.f32 $5.000000000e-01, v45  }
0x375: {  	v39 =	vadd.f32 v46, v39;
	v46 =	vperm.xlane v38, v2;
	v48 =	vsub.s32 $0x5F3759DF, v48  }
0x376: {  	v40 =	vadd.f32 v47, v40;
	v47 =	vperm.xlane v42, v2;
	v45 =	vmul.f32 v48, v45  }
0x377: {  	v38 =	vadd.f32 v46, v38;
	v41 =	vadd.f32 v44, v41;
	v44 =	vperm.xlane v43, v2  }
0x378: {  	v46 =	vperm.xlane v39, v3;
	v42 =	vadd.f32 v47, v42;
	v45 =	vmul.f32 v48, v45  }
0x379: {  	v47 =	vperm.xlane v40, v3;
	v43 =	vadd.f32 v44, v43;
	v44 =	vperm.xlane v41, v3  }
0x37a: {  	v39 =	vadd.f32 v46, v39;
	v46 =	vperm.xlane v38, v3;
	v45 =	vsub.f32 $1.500000000e+00, v45  }
0x37b: {  	v40 =	vadd.f32 v47, v40;
	v47 =	vperm.xlane v42, v3;
	v41 =	vadd.f32 v44, v41  }
0x37c: {  	v16 =	vsub.f32 v16, v37;
	v44 =	vperm.xlane v43, v3;
	v45 =	vmul.f32 v48, v45  }
0x37d: {  	v38 =	vadd.f32 v46, v38;
	v39 =	vmul.f32 $1.562500000e-02, v39;
	v42 =	vadd.f32 v47, v42  }
0x37e: {  	v40 =	vmul.f32 $1.562500000e-02, v40;
	v43 =	vadd.f32 v44, v43;
	v16 =	vmul.f32 v45, v16  }
0x37f: {  	v38 =	vmul.f32 $1.562500000e-02, v38;
	v31 =	vsub.f32 v31, v39;
	v41 =	vmul.f32 $1.562500000e-02, v41  }
0x380: {  	v44 =	vmul.f32 v39, v39;
	v33 =	vsub.f32 v33, v39;
	v16 =	vmul.f32 v16, v7  }
0x381: {  	v35 =	vsub.f32 v35, v39;
	v42 =	vmul.f32 $1.562500000e-02, v42;
	v46 =	vmul.f32 v40, v40  }
0x382: {  	v43 =	vmul.f32 $1.562500000e-02, v43;
	v47 =	vmul.f32 v41, v41;
	v16 =	vadd.f32 v16, v11  }
0x383: {  	v38 =	vsub.f32 v38, v44;
	v42 =	vsub.f32 v42, v46  }
0x384: {  	v32 =	vsub.f32 v32, v39;
	v39 =	vsub.f32 v43, v47;
	[tilespmem:s5+$0xE2F0] =	vst v16  }
0x385: {  	v16 =	vadd.f32 $9.999999740e-06, v38;
	v38 =	vadd.f32 $9.999999740e-06, v42  }
0x386: {  	v28 =	vsub.f32 v28, v40;
	v39 =	vadd.f32 $9.999999740e-06, v39  }
0x387: {  	v42 =	vshrl.u32 v16, $0x1;
	v16 =	vmul.f32 $5.000000000e-01, v16;
	v43 =	vshrl.u32 v38, $0x1  }
0x388: {  	v44 =	vshrl.u32 v39, $0x1;
	v39 =	vmul.f32 $5.000000000e-01, v39;
	v38 =	vmul.f32 $5.000000000e-01, v38  }
0x389: {  	v44 =	vsub.s32 $0x5F3759DF, v44;
	v42 =	vsub.s32 $0x5F3759DF, v42;
	v43 =	vsub.s32 $0x5F3759DF, v43  }
0x38a: {  	v25 =	vsub.f32 v25, v40;
	v16 =	vmul.f32 v42, v16;
	v38 =	vmul.f32 v43, v38  }
0x38b: {  	v26 =	vsub.f32 v26, v40;
	v27 =	vsub.f32 v27, v40;
	v39 =	vmul.f32 v44, v39  }
0x38c: {  	v40 =	vsub.f32 v29, v41;
	v16 =	vmul.f32 v42, v16;
	v38 =	vmul.f32 v43, v38  }
0x38d: {  	v36 =	vsub.f32 v36, v41;
	v29 =	vmul.f32 v44, v39;
	v39 =	vsub.f32 v30, v41  }
0x38e: {  	v16 =	vsub.f32 $1.500000000e+00, v16;
	v30 =	vsub.f32 $1.500000000e+00, v38  }
0x38f: {  	v34 =	vsub.f32 v34, v41;
	v29 =	vsub.f32 $1.500000000e+00, v29  }
0x390: {  	v12 =	vsub.f32 v12, v37;
	v16 =	vmul.f32 v42, v16;
	v30 =	vmul.f32 v43, v30  }
0x391: {  	v13 =	vsub.f32 v13, v37;
	v14 =	vsub.f32 v14, v37;
	v38 =	vmul.f32 v44, v29  }
0x392: {  	v15 =	vadd.f32 v15, v10;
	v31 =	vmul.f32 v16, v31;
	v33 =	vmul.f32 v16, v33  }
0x393: {  	v24 =	vadd.f32 v24, v11;
	v35 =	vmul.f32 v16, v35;
	v16 =	vmul.f32 v16, v32  }
0x394: {  	v32 =	vmul.f32 v30, v28;
	v37 =	vmul.f32 v30, v25;
	[tilespmem:s0+$0xE260] =	vst v15;
	v15 =	vadd.f32 v22, v8  }
0x395: {  	v29 =	vmul.f32 v30, v27;
	v22 =	vmul.f32 v30, v26;
	[tilespmem:s0+$0xE270] =	vst v24;
	v24 =	vadd.f32 v23, v9  }
0x396: {  	v30 =	vmul.f32 v38, v40;
	v23 =	vmul.f32 v38, v39;
	[tilespmem:s0+$0xE280] =	vst v15;
	v15 =	vadd.f32 v20, v10  }
0x397: {  	v21 =	vadd.f32 v21, v11;
	v28 =	vmul.f32 v38, v34;
	v20 =	vmul.f32 v38, v36;
	[tilespmem:s0+$0xE290] =	vst v24  }
.Ltmp3:
0x398: {  	s2 =	sshra.s32 s1, $0x2;
	v27 =	vmul.f32 v45, v12;
	v25 =	vmul.f32 v45, v13;
	[tilespmem:s0+$0xE2A0] =	vst v15;
	v15 =	vadd.f32 v19, v8;
	(pc) =	sbr.rel @p0 .LBB2_9-.Ltmp3, $4  }
0x399: {  	v26 =	vmul.f32 v45, v14;
	v24 =	vadd.f32 v18, v9;
	v19 =	vmul.f32 v31, v4;
	v12 =	vld [tilespmem:s2+$0x62C0];
	[tilespmem:s0+$0xE2B0] =	vst v21  }
0x39a: {  	v18 =	vmul.f32 v35, v6;
	v31 =	vmul.f32 v33, v5;
	v33 =	vadd.f32 v17, v10;
	v13 =	vld [tilespmem:s2+$0x62D0];
	[tilespmem:s0+$0xE2C0] =	vst v15  }
0x39b: {  	v17 =	vmul.f32 v32, v4;
	v21 =	vadd.f32 v19, v8;
	v19 =	vmul.f32 v16, v7;
	v14 =	vld [tilespmem:s2+$0x62E0];
	[tilespmem:s0+$0xE2D0] =	vst v24  }
0x39c: {  	s1 =	sadd.s32 $0x400, s1;
	v36 =	vmul.f32 v37, v5;
	v32 =	vadd.f32 v31, v9;
	v15 =	vmul.f32 v22, v6;
	v16 =	vld [tilespmem:s2+$0x62F0];
	[tilespmem:s0+$0xE2E0] =	vst v33;
	s0 =	smov.u32 s5;
	s5 =	smov.u32 s2  }
0x39d: {  	v34 =	vld [tilespmem:s5+$0x6200];
	[tilespmem:s0+$0xE200] =	vst v21;
	v18 =	vadd.f32 v18, v10  }
0x39e: {  	v19 =	vadd.f32 v19, v11;
	v33 =	vld [tilespmem:s5+$0x6210];
	[tilespmem:s0+$0xE210] =	vst v32  }
0x39f: {  	v51 =	vadd.f32 v17, v8;
	v17 =	vmul.f32 v30, v4;
	v23 =	vmul.f32 v23, v5;
	v35 =	vld [tilespmem:s5+$0x6220];
	[tilespmem:s0+$0xE220] =	vst v18  }
0x3a0: {  	v20 =	vmul.f32 v20, v6;
	v28 =	vmul.f32 v28, v7;
	v22 =	vld [tilespmem:s5+$0x6230];
	[tilespmem:s0+$0xE230] =	vst v19  }
0x3a1: {  	v27 =	vmul.f32 v27, v4;
	v31 =	vmul.f32 v12, v12;
	v24 =	vld [tilespmem:s5+$0x6240];
	[tilespmem:s0+$0xE240] =	vst v51  }
0x3a2: {  	v36 =	vadd.f32 v36, v9;
	v15 =	vadd.f32 v15, v10;
	v54 =	vmul.f32 v13, v13;
	v19 =	vld [tilespmem:s5+$0x6250]  }
0x3a3: {  	v18 =	vmul.f32 v29, v7;
	v52 =	vadd.f32 v13, v12;
	v37 =	vmul.f32 v14, v14;
	v21 =	vld [tilespmem:s5+$0x6260]  }
0x3a4: {  	v53 =	vadd.f32 v16, v14;
	v38 =	vmul.f32 v16, v16;
	v55 =	vadd.f32 v54, v31;
	v29 =	vld [tilespmem:s5+$0x6270];
	[tilespmem:s0+$0xE250] =	vst v36  }
0x3a5: {  	v25 =	vmul.f32 v25, v5;
	v18 =	vadd.f32 v18, v11;
	v39 =	vadd.f32 v33, v34;
	v31 =	vld [tilespmem:s5+$0x6280]  }
0x3a6: {  	v40 =	vmul.f32 v34, v34;
	v41 =	vadd.f32 v53, v52;
	v37 =	vadd.f32 v38, v37;
	v32 =	vld [tilespmem:s5+$0x6290]  }
0x3a7: {  	v42 =	vmul.f32 v33, v33;
	v36 =	vld [tilespmem:s5+$0x62A0];
	v57 =	vmul.f32 v35, v35;
	v56 =	vadd.f32 v22, v35  }
0x3a8: {  	v30 =	vld [tilespmem:s5+$0x62B0];
	v43 =	vmul.f32 v22, v22;
	v37 =	vadd.f32 v37, v55;
	v45 =	vperm.xlane v41, v0  }
0x3a9: {  	v40 =	vadd.f32 v42, v40;
	v44 =	vmul.f32 v24, v24;
	v39 =	vadd.f32 v56, v39  }
0x3aa: {  	v46 =	vadd.f32 v19, v24;
	v47 =	vmul.f32 v19, v19;
	v48 =	vmul.f32 v21, v21  }
0x3ab: {  	v41 =	vadd.f32 v41, v45;
	v58 =	vperm.xlane v37, v0;
	v59 =	vadd.f32 v29, v21  }
0x3ac: {  	v49 =	vmul.f32 v29, v29;
	v38 =	vadd.f32 v43, v57;
	v50 =	vmul.f32 v31, v31  }
0x3ad: {  	v61 =	vadd.f32 v32, v31;
	v51 =	vmul.f32 v32, v32;
	v63 =	vadd.f32 v30, v36  }
0x3ae: {  	v52 =	vmul.f32 v36, v36;
	v37 =	vadd.f32 v37, v58;
	v42 =	vadd.f32 v59, v46  }
0x3af: {  	v60 =	vperm.xlane v41, v1;
	v44 =	vadd.f32 v47, v44;
	v48 =	vadd.f32 v49, v48  }
0x3b0: {  	v53 =	vmul.f32 v30, v30;
	v38 =	vadd.f32 v38, v40;
	v43 =	vadd.f32 v63, v61  }
0x3b1: {  	v56 =	vperm.xlane v39, v0;
	v57 =	vadd.f32 v51, v50;
	v41 =	vadd.f32 v60, v41  }
0x3b2: {  	v62 =	vperm.xlane v37, v1;
	v59 =	vperm.xlane v42, v0;
	v60 =	vadd.f32 v53, v52  }
0x3b3: {  	v44 =	vadd.f32 v48, v44;
	v39 =	vadd.f32 v39, v56;
	v63 =	vperm.xlane v38, v0  }
0x3b4: {  	v37 =	vadd.f32 v62, v37;
	v55 =	vperm.xlane v41, v2;
	v46 =	vadd.f32 v60, v57  }
0x3b5: {  	v62 =	vperm.xlane v43, v0;
	v40 =	vadd.f32 v42, v59;
	v51 =	vperm.xlane v44, v0  }
0x3b6: {  	v38 =	vadd.f32 v38, v63;
	v53 =	vperm.xlane v39, v1;
	v41 =	vadd.f32 v55, v41  }
0x3b7: {  	v58 =	vperm.xlane v37, v2;
	v43 =	vadd.f32 v43, v62;
	v52 =	vperm.xlane v46, v0  }
0x3b8: {  	v42 =	vadd.f32 v44, v51;
	v39 =	vadd.f32 v53, v39;
	v56 =	vperm.xlane v40, v1  }
0x3b9: {  	v48 =	vperm.xlane v38, v1;
	v37 =	vadd.f32 v58, v37;
	v61 =	vperm.xlane v41, v3  }
0x3ba: {  	v54 =	vadd.f32 v46, v52;
	v57 =	vperm.xlane v43, v1;
	v58 =	vperm.xlane v42, v1  }
0x3bb: {  	v40 =	vadd.f32 v56, v40;
	v38 =	vadd.f32 v48, v38;
	v60 =	vperm.xlane v39, v2  }
0x3bc: {  	v41 =	vadd.f32 v61, v41;
	v50 =	vperm.xlane v37, v3;
	v43 =	vadd.f32 v57, v43  }
0x3bd: {  	v59 =	vperm.xlane v54, v1;
	v42 =	vadd.f32 v58, v42;
	v61 =	vperm.xlane v40, v2  }
0x3be: {  	v39 =	vadd.f32 v60, v39;
	v52 =	vperm.xlane v38, v2;
	v37 =	vadd.f32 v50, v37  }
0x3bf: {  	v41 =	vmul.f32 $1.562500000e-02, v41;
	v44 =	vadd.f32 v59, v54;
	v62 =	vperm.xlane v43, v2  }
0x3c0: {  	v40 =	vadd.f32 v61, v40;
	v53 =	vperm.xlane v42, v2;
	v38 =	vadd.f32 v52, v38  }
0x3c1: {  	v37 =	vmul.f32 $1.562500000e-02, v37;
	v55 =	vmul.f32 v41, v41;
	v43 =	vadd.f32 v62, v43  }
0x3c2: {  	v54 =	vperm.xlane v44, v2;
	v42 =	vadd.f32 v53, v42;
	v56 =	vperm.xlane v40, v3  }
0x3c3: {  	v58 =	vperm.xlane v38, v3;
	v61 =	vsub.f32 v16, v41;
	v12 =	vsub.f32 v12, v41  }
0x3c4: {  	v37 =	vsub.f32 v37, v55;
	v55 =	vperm.xlane v39, v3;
	v44 =	vadd.f32 v54, v44  }
0x3c5: {  	v57 =	vperm.xlane v43, v3;
	v40 =	vadd.f32 v56, v40;
	v38 =	vadd.f32 v58, v38  }
0x3c6: {  	v59 =	vperm.xlane v42, v3;
	v56 =	vadd.f32 v17, v8;
	v37 =	vadd.f32 $9.999999740e-06, v37  }
0x3c7: {  	v26 =	vmul.f32 v26, v6;
	v39 =	vadd.f32 v55, v39;
	v43 =	vadd.f32 v57, v43  }
0x3c8: {  	v60 =	vperm.xlane v44, v3;
	v42 =	vadd.f32 v59, v42;
	v40 =	vmul.f32 $1.562500000e-02, v40  }
0x3c9: {  	v59 =	vadd.f32 v23, v9;
	v63 =	vshrl.u32 v37, $0x1;
	v37 =	vmul.f32 $5.000000000e-01, v37  }
0x3ca: {  	v39 =	vmul.f32 $1.562500000e-02, v39;
	v44 =	vadd.f32 v60, v44;
	v48 =	vsub.s32 $0x5F3759DF, v63  }
0x3cb: {  	v24 =	vsub.f32 v24, v40;
	v19 =	vsub.f32 v19, v40;
	v37 =	vmul.f32 v48, v37  }
0x3cc: {  	v42 =	vmul.f32 $1.562500000e-02, v42;
	v21 =	vsub.f32 v21, v40;
	v29 =	vsub.f32 v29, v40  }
0x3cd: {  	v60 =	vadd.f32 v20, v10;
	v63 =	vmul.f32 v40, v40;
	v37 =	vmul.f32 v48, v37  }
0x3ce: {  	v38 =	vmul.f32 $1.562500000e-02, v38;
	v34 =	vsub.f32 v34, v39;
	v33 =	vsub.f32 v33, v39  }
0x3cf: {  	v43 =	vmul.f32 $1.562500000e-02, v43;
	v42 =	vsub.f32 v42, v63;
	v37 =	vsub.f32 $1.500000000e+00, v37  }
0x3d0: {  	v62 =	vmul.f32 v39, v39;
	v35 =	vsub.f32 v35, v39;
	v22 =	vsub.f32 v22, v39  }
0x3d1: {  	v31 =	vsub.f32 v31, v43;
	v49 =	vadd.f32 $9.999999740e-06, v42;
	v37 =	vmul.f32 v48, v37  }
0x3d2: {  	v44 =	vmul.f32 $1.562500000e-02, v44;
	v32 =	vsub.f32 v32, v43;
	v38 =	vsub.f32 v38, v62  }
0x3d3: {  	v52 =	vshrl.u32 v49, $0x1;
	v39 =	vmul.f32 $5.000000000e-01, v49;
	v16 =	vmul.f32 v37, v61  }
0x3d4: {  	v38 =	vadd.f32 $9.999999740e-06, v38;
	v48 =	vmul.f32 v43, v43;
	v45 =	vsub.s32 $0x5F3759DF, v52  }
0x3d5: {  	v36 =	vsub.f32 v36, v43;
	v39 =	vmul.f32 v45, v39;
	v16 =	vmul.f32 v16, v7  }
0x3d6: {  	v30 =	vsub.f32 v30, v43;
	v51 =	vshrl.u32 v38, $0x1;
	v44 =	vsub.f32 v44, v48  }
0x3d7: {  	v38 =	vmul.f32 $5.000000000e-01, v38;
	v39 =	vmul.f32 v45, v39;
	v16 =	vadd.f32 v16, v11  }
0x3d8: {  	v61 =	vsub.f32 v13, v41;
	v50 =	vadd.f32 $9.999999740e-06, v44;
	v44 =	vsub.s32 $0x5F3759DF, v51  }
0x3d9: {  	v12 =	vmul.f32 v37, v12;
	v38 =	vmul.f32 v44, v38;
	v39 =	vsub.f32 $1.500000000e+00, v39;
	[tilespmem:s5+$0xE2F0] =	vst v16  }
0x3da: {  	v13 =	vmul.f32 v37, v61;
	v53 =	vshrl.u32 v50, $0x1;
	v42 =	vmul.f32 $5.000000000e-01, v50;
	[tilespmem:s0+$0xE260] =	vst v15  }
0x3db: {  	v46 =	vsub.s32 $0x5F3759DF, v53;
	v38 =	vmul.f32 v44, v38;
	v58 =	vmul.f32 v45, v39;
	[tilespmem:s0+$0xE270] =	vst v18  }
0x3dc: {  	v63 =	vadd.f32 v28, v11;
	v12 =	vmul.f32 v12, v4;
	v54 =	vmul.f32 v46, v42;
	[tilespmem:s0+$0xE280] =	vst v56  }
0x3dd: {  	v38 =	vsub.f32 $1.500000000e+00, v38;
	[tilespmem:s0+$0xE290] =	vst v59;
	v45 =	vmul.f32 v58, v24;
	v47 =	vmul.f32 v58, v19  }
0x3de: {  	v42 =	vadd.f32 v25, v9;
	[tilespmem:s0+$0xE2A0] =	vst v60;
	v49 =	vmul.f32 v58, v21;
	v40 =	vmul.f32 v46, v54  }
0x3df: {  	[tilespmem:s0+$0xE2B0] =	vst v63;
	v57 =	vmul.f32 v44, v38;
	v44 =	vadd.f32 v26, v10;
	v50 =	vmul.f32 v45, v4  }
0x3e0: {  	[tilespmem:s0+$0xE2D0] =	vst v42;
	v18 =	vmul.f32 v47, v5;
	v55 =	vsub.f32 $1.500000000e+00, v40;
	v40 =	vadd.f32 v27, v8  }
0x3e1: {  	v13 =	vmul.f32 v13, v5;
	v15 =	vmul.f32 v49, v6;
	[tilespmem:s0+$0xE2E0] =	vst v44;
	v54 =	vadd.f32 v50, v8  }
0x3e2: {  	v12 =	vadd.f32 v12, v8;
	v52 =	vmul.f32 v58, v29;
	v56 =	vadd.f32 v18, v9;
	[tilespmem:s0+$0xE2C0] =	vst v40  }
0x3e3: {  	v62 =	vmul.f32 v57, v34;
	v39 =	vmul.f32 v57, v33;
	v15 =	vadd.f32 v15, v10;
	[tilespmem:s5+$0xE240] =	vst v54  }
0x3e4: {  	v13 =	vadd.f32 v13, v9;
	v17 =	vmul.f32 v57, v22;
	v22 =	vmul.f32 v52, v7;
	[tilespmem:s5+$0xE250] =	vst v56  }
0x3e5: {  	v34 =	vsub.f32 v14, v41;
	v41 =	vmul.f32 v57, v35;
	v20 =	vmul.f32 v62, v4;
	[tilespmem:s5+$0xE260] =	vst v15  }
0x3e6: {  	v16 =	vmul.f32 v46, v55;
	v43 =	vmul.f32 v39, v5;
	v59 =	vadd.f32 v22, v11;
	[tilespmem:s5+$0xE2C0] =	vst v12  }
0x3e7: {  	v46 =	vmul.f32 v41, v6;
	v14 =	vmul.f32 v37, v34;
	[tilespmem:s5+$0xE2D0] =	vst v13;
	v20 =	vadd.f32 v20, v8  }
0x3e8: {  	v17 =	vmul.f32 v17, v7;
	v53 =	vmul.f32 v16, v31;
	v48 =	vadd.f32 v43, v9;
	[tilespmem:s5+$0xE270] =	vst v59  }
0x3e9: {  	v55 =	vmul.f32 v16, v32;
	v51 =	vadd.f32 v46, v10;
	v14 =	vmul.f32 v14, v6;
	[tilespmem:s5+$0xE200] =	vst v20  }
0x3ea: {  	v57 =	vmul.f32 v16, v36;
	v17 =	vadd.f32 v17, v11;
	v19 =	vmul.f32 v53, v4;
	[tilespmem:s5+$0xE210] =	vst v48  }
0x3eb: {  	v16 =	vmul.f32 v16, v30;
	v58 =	vmul.f32 v55, v5;
	[tilespmem:s5+$0xE220] =	vst v51;
	v63 =	vadd.f32 v14, v10  }
0x3ec: {  	s30 =	sadd.s32 $0x1, s30;
	v18 =	vmul.f32 v57, v6;
	[tilespmem:s5+$0xE230] =	vst v17;
	v60 =	vadd.f32 v19, v8  }
0x3ed: {  	p0 =	sne.s32 s30, $0x32;
	v16 =	vmul.f32 v16, v7;
	v61 =	vadd.f32 v58, v9;
	[tilespmem:s5+$0xE2E0] =	vst v63  }
.Ltmp4:
0x3ee: {  	v62 =	vadd.f32 v18, v10;
	[tilespmem:s5+$0xE280] =	vst v60;
	(pc) =	sbr.rel @p0 .LBB2_2-.Ltmp4, $4  }
0x3ef: {  	s31 =	sshll.u32 s31, $0xA;
	v16 =	vadd.f32 v16, v11;
	[tilespmem:s5+$0xE290] =	vst v61  }
0x3f0: {  	s0 =	sand.u32 $0x1FFFF800, s31;
	[tilespmem:s5+$0xE2A0] =	vst v62  }
0x3f1: {  	s0 =	sadd.s32 s3, s0;
	[tilespmem:s5+$0xE2B0] =	vst v16  }
0x3f2: {  	[hbm4b:s0+s4] =	stream.linear.scatter [tilespmem:s25], [sflag:$0x4], $0x4000, $0x38;
	[tilespmem:$0x10280] =	vst v63  }
0x3f3: {  	s29 =	sadd.s32 $0x1, s29  }
0x3f4: {  	_ =	swait.ge [sflag:s26], $0x4000;
	p0 =	sne.s32 s29, s11  }
.Ltmp5:
0x3f5: {  	[sflag:s26] =	ssyncset.done $0x0;
	(pc) =	sbr.rel @p0 .LBB2_1-.Ltmp5, $4  }
0x3f6: {  	[sflag:s26] =	ssyncadd.s32 $0xFFFFC000  }
0x3f7: {  	_ =	swait.ge [sflag:s28], $0x4000  }
0x3f8: {  	[sflag:s28] =	ssyncset.done $0x0  }
0x3f9: {  	[sflag:s28] =	ssyncadd.s32 $0xFFFFC000  }
0x3fa: {  	_ =	sfence.sel $0x180000  }
0x3fb: {  	[bflag:$0x0] =	sbarrier.arrive $0xFFFF  }
0x3fc: {  	_ =	strace $0x90000047  }
0x3fd: {  	s0 =	stileid.u32;
	[bflag:$0x2] =	sbarrier.arrive $0xFFFF  }
0x3fe: {  	p0 =	sne.s32 s0, $0x0;
	s0 =	rddreg [dreg:$0x4]  }
0x3ff: {  	s0 =	sadd.s32 @!p0 $0x100000, s0  }
0x400: {  	[sflag:s0] =	ssyncadd.tile.s32 @!p0 $0x1;
	_ =	shalt  }
.Lfunc_end2:
_tile_overlayer_lowered:
.L_overlay_start_2:
0x401: {  	(tag) =	ssettag $0x2  }
0x402: {  	s0 =	rddreg [dreg:$0x0];
	s2 =	stileid.u32  }
0x403: {  	s1 =	rddreg [dreg:$0x1];
	p0 =	sne.s32 s2, $0x0  }
0x404: {  	s3 =	rddreg [dreg:$0x2];
	[bflag:$0x3] =	sbarrier.arrive $0xFFFF;
	s2 =	simm.s32 @!p0 $0x1C05  }
0x405: {  	[timem:s3], [sflag:s2] =	dma.local @!p0 [hbm:s0], s1  }
0x406: {  	s0 =	simm.s32 @!p0 $0x5  }
0x407: {  	_ =	swait.ge @!p0 [sflag:s0], s1  }
0x408: {  	s1 =	ssub.s32 @!p0 $0x0, s1;
	[sflag:s0] =	ssyncset.done @!p0 $0x0  }
0x409: {  	[sflag:s0] =	ssyncadd.s32 @!p0 s1  }
0x40a: {  	[bflag:$0x3] =	sbarrier.arrive $0xFFFF  }
0x40b: {  	_ =	shalt  }

// kernel: sparse-core-data-format-call.cloned.1.call-start
scs
called_computation_lowered:
.L_overlay_start_0:
0x0: {  	s2 =	sld [smem:$0x3FD9]  }
0x1: {  	s3 =	sld [smem:$0x3FFE];
	_ =	sdelay $0x1  }
0x2: {  	s1 =	srdreg.scid  }
0x3: {  	s0 =	sand.u32 $0x1, s1  }
0x4: {  	s18 =	sshll.u32 s0, $0xA;
	s2 =	sadd.s32 s3, s2  }
0x5: {  	s2 =	sadd.s32 s2, s18  }
0x6: {  	[smem:$0x3FC4] =	sst s2  }
0x7: {  	_ = 	snop  }
0x8: {  	s2 =	sld [smem:$0x3FD0];
	(tm) =	ssettm $0x1  }
0x9: {  	s19 =	sld [smem:$0x3FFB];
	_ =	sdelay $0x3  }
0xa: {  	_ =	strace s19  }
0xb: {  	s3 =	sld [smem:$0x3FFC];
	_ =	sdelay $0x3  }
0xc: {  	_ =	strace s3  }
0xd: {  	s3 =	sld [smem:$0x3FFD];
	_ =	sdelay $0x3  }
0xe: {  	_ =	strace s3  }
0xf: {  	_ =	strace $0x8FFFFFFF  }
0x10: {  	s20 =	sld [smem:$0x3FDB];
	_ =	sdelay $0x1  }
0x11: {  	s4 =	simm.s32 $_scs_section_size  }
0x12: {  	s5 =	simm.s32 $_size__tile_overlayer_lowered;
	s6 =	simm.s32 $_tile_overlayer_lowered  }
0x13: {  	s23 =	simm.s32 $0x1BFF;
	s22 =	sshll.u32 s6, $0x1;
	s3 =	sadd.s32 s4, s20  }
0x14: {  	s7 =	simm.s32 $0x0;
	s21 =	sshll.u32 s5, $0x1;
	s5 =	sadd.s32 s22, s3  }
0x15: {  	[timem:s7], [sflag:s23] =	dma.local [hbm:s5], s21  }
0x16: {  	_ =	swait.ge [sflag:s23], s21  }
0x17: {  	s4 =	ssub.s32 $0x0, s21;
	[sflag:s23] =	ssyncset.done $0x0  }
0x18: {  	[sflag:s23] =	ssyncadd.s32 s4;
	_ =	sdelay $0x1  }
0x19: {  	s24 =	simm.s32 $0x1B8B  }
0x1a: {  	_ =	swait.ge [sflag:s24], $0x1  }
0x1b: {  	[sflag:s24] =	ssyncset.done $0x0  }
0x1c: {  	s26 =	simm.s32 $0x1B8E;
	s25 =	sld [smem:$0x3FFE];
	[sflag:s24] =	ssyncadd.s32 $0xFFFFFFFF  }
0x1d: {  	s27 =	simm.s32 $execute0_lowered;
	[smem:$0x3FD2] =	sst s26  }
0x1e: {  	s5 =	sshll.u32 s27, $0x1;
	_ =	strace $0x80000049;
	[dreg:$0x1] =	wrdreg $0xFFFFFFFF  }
0x1f: {  	s28 =	simm.s32 $_size_execute0_lowered;
	s3 =	sadd.s32 s3, s5;
	[dreg:$0x0] =	wrdreg $0x0  }
0x20: {  	s5 =	sshll.u32 s28, $0x1;
	[dreg:$0x2] =	wrdreg s3  }
0x21: {  	[dreg:$0x3] =	wrdreg s5  }
0x22: {  	[dreg:$0x4] =	wrdreg $0xC0  }
0x23: {  	_ =	task [dreg:s7], $0x5FFFF  }
0x24: {  	[dreg:$0x1] =	wrdreg $0xFFFFFFFF  }
0x25: {  	[dreg:$0x0] =	wrdreg $0x60  }
0x26: {  	[dreg:$0x2] =	wrdreg s25  }
0x27: {  	[dreg:$0x3] =	wrdreg s2  }
0x28: {  	[dreg:$0x4] =	wrdreg $0x9  }
0x29: {  	_ =	task.clear_ibuf [dreg:s7], $0x5FFFF;
	_ =	strace $0x90000049  }
0x2a: {  	s29 =	simm.s32 $0x9;
	_ =	strace $0x8000004B  }
0x2b: {  	_ =	swait.ge [sflag:s29], $0x1  }
0x2c: {  	[sflag:s29] =	ssyncadd.s32 $0xFFFFFFFF  }
0x2d: {  	_ =	strace $0x9000004B  }
0x2e: {  	_ =	sfence  }
0x2f: {  	s30 =	sld [smem:$0x0];
	_ =	sdelay $0x2  }
0x30: {  	s31 =	sshll.u32 s1, $0xD;
	s1 =	sshrl.u32 s1, $0x2  }
0x31: {  	s3 =	sand.u32 $0x4000, s31;
	s1 =	sadd.s32 s1, s30  }
0x32: {  	s0 =	sor.u32 s3, s0;
	s1 =	sshll.u32 s1, $0x11  }
0x33: {  	s0 =	sor.u32 s1, s0  }
0x34: {  	s0 =	sadd.s32 $0x8F2B, s0  }
0x35: {  	[sflag:s0] =	ssyncadd.remote.s32 $0x1  }
0x36: {  	_ =	sfence.sel $0xFFFF  }
0x37: {  	[dreg:$0x0] =	wrdreg $0xFFFFFFFF;
	(pc) =	sbr.abs _section_cstart, $3  }
0x38: {  	[dreg:$0x1] =	wrdreg $0xFFFFFFFF  }
0x39: {  	_ =	task.clear_ibuf [dreg:s7], $0x2FFFF;
	_ =	strace $0x9FFFFFFF  }
0x3a: {  	(tm) =	ssettm $0x7FFFFFFF  }
0x3b: {  	_ =	shalt  }
tec
execute0_lowered:
.L_overlay_start_1:
0x0: {  	(tag) =	ssettag $0x1  }
0x1: {  	s0 =	srdreg.scid  }
0x2: {  	s1 =	sshll.u32 s0, $0x4  }
0x3: {  	s0 =	stileid.u32;
	s1 =	sand.u32 $0x10, s1  }
0x4: {  	s1 =	sor.u32 s0, s1  }
0x5: {  	s6 =	rddreg [dreg:$0x0];
	s4 =	simm.s32 $0x1;
	s2 =	sshll.u32 s1, $0x7  }
0x6: {  	s7 =	simm.s32 $0x2;
	s12 =	simm.s32 $0x0;
	s1 =	ssub.s32 $0x1000, s2  }
0x7: {  	s8 =	simm.s32 $0x8000;
	s13 =	simm.s32 $0x0;
	s3 =	sand.u32 $0xF80, s1  }
0x8: {  	s9 =	simm.s32 $0x0;
	s5 =	sshrl.u32 s1, $0xC;
	p0 =	sne.s32 s3, $0x0  }
.Ltmp0:
0x9: {  	s1 =	rddreg [dreg:$0x2];
	s4 =	simm.s32 @!p0 $0x0;
	(pc) =	sbr.rel .LBB1_1-.Ltmp0, $4  }
0xa: {  	s11 =	simm.s32 $0x0;
	s3 =	rddreg [dreg:$0x1];
	s5 =	sadd.s32 s4, s5  }
0xb: {  	_ =	strace $0x8000004A;
	s4 =	simm.s32 $0x1;
	s5 =	smul.u32 $0xC8, s5  }
0xc: {  	s6 =	sadd.s32 $0xA00, s6;
	s10 =	smov.u32 s2;
	[sflag:s4] =	ssyncpa.u1 $0x0  }
0xd: {  	p0 =	por $0x0, $0x0;
	[sflag:s7] =	ssyncpa.u1 $0x0;
	s7 =	sor.u32 $0x1, s5  }
.LBB1_4:
0xe: {  	s16 =	sshll.u32 s13, $0x3;
	s17 =	sand.u32 $0x78, s13  }
0xf: {  	s30 =	sand.u32 $0x7E00, s13;
	s12 =	sshll.u32 s12, $0xF;
	s16 =	sand.u32 $0xC00, s16  }
0x10: {  	[tilespmem:s15+$0x810 ss:$0x81] =	vst.msk $0xffff, v2;
	s31 =	sand.u32 $0x7, s13;
	s16 =	sor.u32 s17, s16;
	s17 =	sadd.s32 s3, s30  }
0x11: {  	[tilespmem:s15+$0x1020 ss:$0x81] =	vst.msk $0xffff, v0;
	s13 =	sshll.u32 s31, $0x12;
	s12 =	sadd.s32 s12, s17;
	s16 =	sshrl.u32 s16, $0x3  }
0x12: {  	[tilespmem:s15+$0x0 ss:$0x81] =	vst.msk $0xffff, v1;
	s13 =	sor.u32 $0x400, s13;
	s12 =	sadd.s32 s16, s12  }
0x13: {  	[hbm4b:s12+s13] =	stream.strided.scatter [tilespmem:s14], [sflag:$0x2], $0x2000, s8, s13, $0x20;
	[tilespmem:$0x8080] =	vst v63  }
.LBB1_5:
0x14: {  	s14 =	sadd.s32 $0x1, s9  }
0x15: {  	s12 =	sadd.s32 $0x1000, s10;
	s16 =	smov.u32 s10;
	p2 =	sgt.s32 s14, $0xC7  }
0x16: {  	s16 =	smov.u32 @p2 s12  }
0x17: {  	s14 =	simm.s32 @p2 $0x0;
	p2 =	sgt.s32 s16, $0xFFF  }
0x18: {  	s16 =	smov.u32 @p2 s2;
	p2 =	sne.s32 s11, s7  }
.Ltmp1:
0x19: {  	p1 =	slt.u32 s11, $0x2;
	(pc) =	sbr.rel @!p2 .LBB1_6-.Ltmp1, $4  }
0x1a: {  	s15 =	simm.s32 @!p1 $0x2  }
0x1b: {  	s13 =	smov.u32 s10;
	p0 =	por !p0, !p0;
	_ =	swait.ge @!p1 [sflag:s15], $0x2000  }
0x1c: {  	s12 =	smov.u32 s9;
	[sflag:s15] =	ssyncset.done @!p1 $0x0;
	s9 =	smov.u32 s14  }
0x1d: {  	s11 =	sadd.s32 $0x1, s11;
	[sflag:s15] =	ssyncadd.s32 @!p1 $0xFFFFE000;
	s10 =	smov.u32 s16  }
.LBB1_1:
0x1e: {  	p1 =	sge.u32 s11, s5  }
0x1f: {  	s14 =	sand.u32 @!p1 $0x1FFFFFF, s9  }
0x20: {  	s15 =	smulhi.u32 @!p1 $0x147AE15, s14;
	_ =	sdelay $0x1  }
0x21: {  	s15 =	smul.u32 @!p1 $0xC8, s15  }
0x22: {  	s16 =	sxor.u32 @!p1 $0xFFFFFFFF, s11;
	s17 =	smul.u32 @!p1 $0xC80, s10  }
0x23: {  	s31 =	sadd.s32 $0xFFFFFFFF, s11;
	s16 =	sshll.u32 @!p1 s16, $0xD;
	s14 =	ssub.s32 @!p1 s14, s15  }
0x24: {  	s15 =	sand.u32 @!p1 $0x2000, s16;
	s16 =	sadd.s32 @!p1 s6, s17;
	s14 =	sshll.u32 @!p1 s14, $0x4  }
0x25: {  	s17 =	simm.s32 @!p1 $0x6400;
	s14 =	sadd.s32 @!p1 s14, s16;
	s16 =	simm.s32 @!p1 $0x40  }
0x26: {  	[tilespmem:s15], [sflag:$0x1] =	stream.strided.gather @!p1 [hbm4b:s14+s16], $0x2000, s17, s16, $0x38;
	[tilespmem:$0x8080] =	vst v63  }
0x27: {  	p1 =	sge.u32 s31, s5  }
.Ltmp2:
0x28: {  	_ = 	snop;
	(pc) =	sbr.rel @p1 .LBB1_5-.Ltmp2, $1  }
0x29: {  	_ =	sdelay $0x3  }
0x2a: {  	s14 =	simm.s32 $0x1  }
0x2b: {  	_ =	swait.ge [sflag:s4], $0x2000;
	s14 =	simm.s32 @!p0 $0x0  }
0x2c: {  	[sflag:s4] =	ssyncset.done $0x0;
	s15 =	sshll.u32 s14, $0xD  }
0x2d: {  	[sflag:s4] =	ssyncadd.s32 $0xFFFFE000;
	s18 =	sor.u32 $0x20, s15  }
0x2e: {  	s14 =	smul.u32 $0x8100, s14;
	v3 =	vld [tilespmem:s18+$0x10]  }
0x2f: {  	s30 =	sand.u32 $0x1, s11;
	v2 =	vld [tilespmem:s18+$0xFFFFFFF0]  }
0x30: {  	s15 =	smul.u32 $0x8100, s30;
	s14 =	sshrl.u32 s14, $0x2;
	v0 =	vld [tilespmem:s18+$0x0]  }
0x31: {  	v1 =	vld [tilespmem:s18+$0xFFFFFFE0];
	s16 =	sor.u32 $0x4000, s14  }
0x32: {  	s31 =	sshrl.u32 s15, $0x2;
	s15 =	sadd.s32 $0x0, s16  }
0x33: {  	s17 =	simm.s32 $0x4;
	s18 =	sadd.s32 $0x40, s18;
	s14 =	sor.u32 $0x4000, s31;
	[tilespmem:s15+$0x1830 ss:$0x81] =	vst.msk $0xffff, v3  }
.LBB1_3:
0x34: {  	v3 =	vld [tilespmem:s18+$0x10];
	p1 =	sne.s32 s17, $0x1FC;
	[tilespmem:s15+$0x810 ss:$0x81] =	vst.msk $0xffff, v2;
	s19 =	smov.u32 s17;
	s17 =	sadd.s32 $0x4, s17  }
.Ltmp3:
0x35: {  	v2 =	vld [tilespmem:s18+$0xFFFFFFF0];
	[tilespmem:s15+$0x1020 ss:$0x81] =	vst.msk $0xffff, v0;
	(pc) =	sbr.rel @p1 .LBB1_3-.Ltmp3, $4  }
0x36: {  	v0 =	vld [tilespmem:s18+$0x0];
	[tilespmem:s15+$0x0 ss:$0x81] =	vst.msk $0xffff, v1  }
0x37: {  	s15 =	sshra.s32 s19, $0x2;
	v1 =	vld [tilespmem:s18+$0xFFFFFFE0]  }
0x38: {  	s15 =	sadd.s32 s15, s16  }
0x39: {  	s18 =	sadd.s32 $0x40, s18;
	[tilespmem:s15+$0x1830 ss:$0x81] =	vst.msk $0xffff, v3  }
.Ltmp4:
0x3a: {  	_ = 	snop;
	(pc) =	sbr.rel .LBB1_4-.Ltmp4, $1  }
0x3b: {  	_ =	sdelay $0x3  }
.LBB1_6:
0x3c: {  	_ =	sfence.sel $0x180000  }
0x3d: {  	s2 =	simm.s32 $0x1;
	[bflag:$0x0] =	sbarrier.arrive $0xFFFF  }
0x3e: {  	s31 =	simm.s32 $0x2;
	[sflag:s2] =	ssyncpa.u1 $0x1  }
0x3f: {  	[sflag:s31] =	ssyncpa.u1 $0x1  }
0x40: {  	p0 =	sne.s32 s0, $0x0;
	_ =	strace $0x9000004A  }
0x41: {  	s0 =	sadd.s32 @!p0 $0x100000, s1;
	[bflag:$0x2] =	sbarrier.arrive $0xFFFF  }
0x42: {  	[sflag:s0] =	ssyncadd.tile.s32 @!p0 $0x1;
	_ =	shalt  }
.Lfunc_end1:
_tile_overlayer_lowered:
.L_overlay_start_2:
0x43: {  	(tag) =	ssettag $0x2  }
0x44: {  	s0 =	rddreg [dreg:$0x0];
	s2 =	stileid.u32  }
0x45: {  	s1 =	rddreg [dreg:$0x1];
	p0 =	sne.s32 s2, $0x0  }
0x46: {  	s3 =	rddreg [dreg:$0x2];
	[bflag:$0x3] =	sbarrier.arrive $0xFFFF;
	s2 =	simm.s32 @!p0 $0x1C01  }
0x47: {  	[timem:s3], [sflag:s2] =	dma.local @!p0 [hbm:s0], s1  }
0x48: {  	s0 =	simm.s32 @!p0 $0x1  }
0x49: {  	_ =	swait.ge @!p0 [sflag:s0], s1  }
0x4a: {  	s1 =	ssub.s32 @!p0 $0x0, s1;
	[sflag:s0] =	ssyncset.done @!p0 $0x0  }
0x4b: {  	[sflag:s0] =	ssyncadd.s32 @!p0 s1  }
0x4c: {  	[bflag:$0x3] =	sbarrier.arrive $0xFFFF  }
0x4d: {  	_ =	shalt  }

</sc_bundles>
